<compile_context>
chip_gen: v7x
topology: tpu7x:2x2x1
jax: 0.10.2.dev20260603
libtpu: 0.0.44.dev20260713+nightly
codegen_flags: <defaults>
</compile_context>

<pallas_src>
import functools

import jax
import jax.numpy as jnp
from jax import lax
from jax.experimental import pallas as pl
from jax.experimental.pallas import tpu as pltpu
from jax.experimental.pallas import tpu_sc as plsc

_M = 256
_D = 256
_N = _M * _M

_NC = 2
_NS = 16
_L = 16
_NW = _NC * _NS
_RPW = _N // _NW
_CH = 32
_CPA = _M // _CH


def _scalar_stage(x_ref, xT_ref, mem_ref, memT_ref, t_ref):
    x = x_ref[...]
    xT = xT_ref[...]
    mem = mem_ref[...]
    memT = memT_ref[...]
    f32 = jnp.float32
    rx = 1.0 / jnp.maximum(jnp.sqrt(jnp.sum(x * x, axis=1, keepdims=True)), 1e-8)
    xn_row = x * rx
    xn_col = xT * rx
    q1_row = jnp.sum(memT, axis=0, keepdims=True)
    q2_row = jnp.sum(memT * memT, axis=0, keepdims=True)
    q2_col = jnp.sum(mem * mem, axis=1, keepdims=True)
    rn_row = 1.0 / jnp.maximum(jnp.sqrt(q2_row), 1e-8)
    rn_col = 1.0 / jnp.maximum(jnp.sqrt(q2_col), 1e-8)
    mx_col = jnp.dot(mem, xn_col, preferred_element_type=f32)
    mx_row = jnp.dot(xn_row, memT, preferred_element_type=f32)
    sims_col = mx_col * rn_col
    sims_row = mx_row * rn_row
    act_col = (sims_col > 0.3).astype(f32)
    act_row = (sims_row > 0.3).astype(f32)
    raw = jnp.dot(mem, memT, preferred_element_type=f32)
    s = act_col * (raw * rn_col * rn_row) + sims_row
    v = xn_row + jnp.dot(act_row * rn_row, mem,
                         preferred_element_type=f32) * (1.0 / _M)
    sv = jnp.sum(v, axis=1, keepdims=True)
    dv_row = jnp.dot(v, memT, preferred_element_type=f32)
    den = jnp.maximum(jnp.sqrt(q2_row + 2.0 * s * q1_row + float(_D) * s * s),
                      1e-8)
    t_ref[...] = s + (dv_row + s * sv) / den


def _sc_assemble(noise_hbm, mem_hbm, tE_hbm, out_hbm, mem_v,
                 nbuf0, nbuf1, obuf0, obuf1, tbuf0, tbuf1,
                 sin0, sin1, sout0, sout1):
    wid = lax.axis_index("s") * _NC + lax.axis_index("c")
    pltpu.sync_copy(mem_hbm, mem_v)
    row0 = wid * _RPW
    nchunks = _RPW // _CH

    def start_in(c, nb, tb, sem):
        pltpu.async_copy(noise_hbm.at[pl.ds(row0 + c * _CH, _CH)], nb, sem)
        pltpu.async_copy(tE_hbm.at[pl.ds(row0 + c * _CH, _CH)], tb, sem)

    def wait_in(nb, tb, sem):
        pltpu.make_async_copy(noise_hbm.at[pl.ds(row0, _CH)], nb, sem).wait()
        pltpu.make_async_copy(tE_hbm.at[pl.ds(row0, _CH)], tb, sem).wait()

    def start_out(c, ob, sem):
        pltpu.async_copy(ob, out_hbm.at[pl.ds(row0 + c * _CH, _CH)], sem)

    def wait_out(ob, sem):
        pltpu.make_async_copy(ob, out_hbm.at[pl.ds(row0, _CH)], sem).wait()

    def compute(c, nb, tb, ob):
        i0 = (c % _CPA) * _CH

        @plsc.parallel_loop(0, _CH, unroll=8)
        def _row(rr):
            tvec = tb[rr, pl.ds(0, _L)]
            i = i0 + rr
            for db in range(_D // _L):
                ob[rr, pl.ds(db * _L, _L)] = (
                    nb[rr, pl.ds(db * _L, _L)]
                    + mem_v[i, pl.ds(db * _L, _L)]
                    + tvec)

    start_in(0, nbuf0, tbuf0, sin0)
    start_in(1, nbuf1, tbuf1, sin1)
    wait_in(nbuf0, tbuf0, sin0)
    compute(0, nbuf0, tbuf0, obuf0)
    start_out(0, obuf0, sout0)
    start_in(2, nbuf0, tbuf0, sin0)
    wait_in(nbuf1, tbuf1, sin1)
    compute(1, nbuf1, tbuf1, obuf1)
    start_out(1, obuf1, sout1)
    start_in(3, nbuf1, tbuf1, sin1)

    def pair_body(cc, carry):
        c0 = cc * 2
        wait_in(nbuf0, tbuf0, sin0)
        wait_out(obuf0, sout0)
        compute(c0, nbuf0, tbuf0, obuf0)
        start_out(c0, obuf0, sout0)
        start_in(c0 + 2, nbuf0, tbuf0, sin0)
        wait_in(nbuf1, tbuf1, sin1)
        wait_out(obuf1, sout1)
        compute(c0 + 1, nbuf1, tbuf1, obuf1)
        start_out(c0 + 1, obuf1, sout1)
        start_in(c0 + 3, nbuf1, tbuf1, sin1)
        return carry

    lax.fori_loop(1, nchunks // 2 - 1, pair_body, 0)

    c0 = nchunks - 2
    wait_in(nbuf0, tbuf0, sin0)
    wait_out(obuf0, sout0)
    compute(c0, nbuf0, tbuf0, obuf0)
    start_out(c0, obuf0, sout0)
    wait_in(nbuf1, tbuf1, sin1)
    wait_out(obuf1, sout1)
    compute(c0 + 1, nbuf1, tbuf1, obuf1)
    start_out(c0 + 1, obuf1, sout1)
    wait_out(obuf0, sout0)
    wait_out(obuf1, sout1)


def kernel(x, mem):
    noise = jax.random.normal(jax.random.key(42), (_N, _D), jnp.float32) * 0.1
    t = pl.pallas_call(
        _scalar_stage,
        out_shape=jax.ShapeDtypeStruct((_M, _M), jnp.float32),
    )(x, x.T, mem, mem.T)
    tE = jnp.broadcast_to(t.reshape(_N, 1), (_N, _L))
    mesh = plsc.VectorSubcoreMesh(core_axis_name="c", subcore_axis_name="s")
    assemble = functools.partial(
        pl.kernel,
        mesh=mesh,
        out_type=jax.ShapeDtypeStruct((_N, _D), jnp.float32),
        scratch_types=[
            pltpu.VMEM((_M, _D), jnp.float32),
            pltpu.VMEM((_CH, _D), jnp.float32),
            pltpu.VMEM((_CH, _D), jnp.float32),
            pltpu.VMEM((_CH, _D), jnp.float32),
            pltpu.VMEM((_CH, _D), jnp.float32),
            pltpu.VMEM((_CH, _L), jnp.float32),
            pltpu.VMEM((_CH, _L), jnp.float32),
            pltpu.SemaphoreType.DMA,
            pltpu.SemaphoreType.DMA,
            pltpu.SemaphoreType.DMA,
            pltpu.SemaphoreType.DMA,
        ],
        compiler_params=pltpu.CompilerParams(use_tc_tiling_on_sc=True),
    )(_sc_assemble)
    return assemble(noise, mem, tE)

# --- scband reference (transcript-rebuilt; emitter-appended) ---
"""Pipeline reference for scband-layer1-65558380806203 (READ-ONLY COPY).

The authoritative reference and input builder live on the scoring server;
editing this copy changes nothing except your own understanding.
"""

import jax, jax.numpy as jnp
import numpy as np


def _normalize(a):
    n = jnp.linalg.norm(a, axis=-1, keepdims=True)
    return a / jnp.maximum(n, 1e-8)


def setup_inputs(seed: int = 0) -> dict:
    key = jax.random.key(seed)
    kx, km = jax.random.split(key)
    # x: tokenized/embedded input (T=1 token row, d=256), uniform fill so that
    # cosine similarities exceed the 0.3 activation threshold (as in a warm memory bank)
    x = jax.random.uniform(kx, (1, 256), dtype=jnp.float32)
    # mem: memory bank embeddings (M=256 memories, d=256)
    mem = jax.random.uniform(km, (256, 256), dtype=jnp.float32)
    return {"x": x, "mem": mem}


def reference(x, mem):
    T, d = x.shape
    M = mem.shape[0]
    xn = _normalize(x)
    memn = _normalize(mem)
    # sim_m_x = cosine_similarity(x, m) for every memory m  -> activation gate (> 0.3)
    sims = memn @ xn[0]  # [M]
    active = sims > 0.3
    Ma = M
    A = jnp.where(active[:, None], mem, jnp.zeros_like(mem))  # activated memories
    An = _normalize(A)
    # K_prime[a, i, t] = k_i + cos(k_i, mem_a) + cos(k_i, x_t)
    cos_mm = memn @ An.T                # [M, Ma]
    cos_mx = memn @ xn.T                # [M, T]
    Kp = (mem[None, :, None, :]
          + cos_mm.T[:, :, None, None]
          + cos_mx[None, :, :, None])   # [Ma, M, T, d]
    Kp = Kp.reshape(Ma * M * T, d)
    # W_i = k'_i + mean_t cos(k'_i, x_t) + mean_a cos(k'_i, mem_a)
    Kn = _normalize(Kp)
    mean_kx = (Kn @ xn.T).mean(axis=1)  # [N]
    mean_kA = (Kn @ An.T).mean(axis=1)  # [N]
    W = Kp + mean_kx[:, None] + mean_kA[:, None]
    # noise injection: W' = W + 0.1 * N(0, 1)
    noise = jax.random.normal(jax.random.key(42), W.shape, dtype=W.dtype) * 0.1
    W_prime = W + noise
    # residual integration with O_prev = 0
    O_prev = jnp.zeros((d,), dtype=W.dtype)
    O_1 = W_prime + 0.1 * O_prev
    return O_1

if __name__ == "__main__":
    import jax
    _d = setup_inputs()
    print(jax.jit(kernel)(*tuple(_d.values())))

</pallas_src>

<mosaic_0001>
#map = affine_map<(d0, d1) -> (0, 0)>
module attributes {stable_mosaic.version = 14 : i64} {
  func.func @_sc_assemble(%arg0: i32, %arg1: i32, %arg2: memref<65536x256xf32, #tpu.memory_space<hbm>>, %arg3: memref<256x256xf32, #tpu.memory_space<hbm>>, %arg4: memref<65536x16xf32, #tpu.memory_space<hbm>>, %arg5: memref<65536x256xf32, #tpu.memory_space<hbm>>, %arg6: memref<256x256xf32, #tpu.memory_space<vmem>>, %arg7: memref<32x256xf32, #tpu.memory_space<vmem>>, %arg8: memref<32x256xf32, #tpu.memory_space<vmem>>, %arg9: memref<32x256xf32, #tpu.memory_space<vmem>>, %arg10: memref<32x256xf32, #tpu.memory_space<vmem>>, %arg11: memref<32x16xf32, #tpu.memory_space<vmem>>, %arg12: memref<32x16xf32, #tpu.memory_space<vmem>>, %arg13: memref<!tpu.dma_semaphore, #tpu.memory_space<semaphore_mem>>, %arg14: memref<!tpu.dma_semaphore, #tpu.memory_space<semaphore_mem>>, %arg15: memref<!tpu.dma_semaphore, #tpu.memory_space<semaphore_mem>>, %arg16: memref<!tpu.dma_semaphore, #tpu.memory_space<semaphore_mem>>) attributes {dimension_semantics = [#tpu.dimension_semantics<core_parallel>, #tpu.dimension_semantics<subcore_parallel>], iteration_bounds = array<i64: 2, 16>, scalar_prefetch = 0 : i64, scratch_operands = 11 : i64, tpu.core_type = #tpu.core_type<sc_vector_subcore>, window_params = [{transform_indices = #map}, {transform_indices = #map}, {transform_indices = #map}, {transform_indices = #map}]} {
    %mul3A = arith.constant 2 : i32
    %mul3A_0 = arith.muli %arg1, %mul3A : i32
    %add3A = arith.addi %mul3A_0, %arg0 : i32
    "tpu.region"() ({
      %run_scoped3A = tpu.sem_alloc : memref<!tpu.dma_semaphore, #tpu.memory_space<semaphore_mem>>
      tpu.enqueue_dma source(%arg3 : memref<256x256xf32, #tpu.memory_space<hbm>>) target(%arg6 : memref<256x256xf32, #tpu.memory_space<vmem>>) target_semaphore(%run_scoped3A : memref<!tpu.dma_semaphore, #tpu.memory_space<semaphore_mem>>)
      tpu.wait_dma2 semaphore(%run_scoped3A : memref<!tpu.dma_semaphore, #tpu.memory_space<semaphore_mem>>) src(%arg3 : memref<256x256xf32, #tpu.memory_space<hbm>>) dst(%arg6 : memref<256x256xf32, #tpu.memory_space<vmem>>)
      tpu.yield
    }) : () -> ()
    %mul3A_1 = arith.constant 2048 : i32
    %mul3A_2 = arith.muli %add3A, %mul3A_1 : i32
    %add3A_3 = arith.constant 0 : i32
    %add3A_4 = arith.addi %mul3A_2, %add3A_3 : i32
    %dma_start3A = arith.constant 0 : i32
    %dma_start3A_5 = tpu.memref_slice %arg2[%add3A_4, %dma_start3A] : memref<65536x256xf32, #tpu.memory_space<hbm>> -> memref<32x256xf32, #tpu.memory_space<hbm>>
    %dma_start3A_6 = arith.constant 0 : i32
    %dma_start3A_7 = tpu.memref_slice %arg2[%add3A_4, %dma_start3A_6] : memref<65536x256xf32, #tpu.memory_space<hbm>> -> memref<32x256xf32, #tpu.memory_space<hbm>>
    tpu.enqueue_dma source(%dma_start3A_7 : memref<32x256xf32, #tpu.memory_space<hbm>>) target(%arg7 : memref<32x256xf32, #tpu.memory_space<vmem>>) target_semaphore(%arg13 : memref<!tpu.dma_semaphore, #tpu.memory_space<semaphore_mem>>)
    %add3A_8 = arith.constant 0 : i32
    %add3A_9 = arith.addi %mul3A_2, %add3A_8 : i32
    %dma_start3A_10 = arith.constant 0 : i32
    %dma_start3A_11 = tpu.memref_slice %arg4[%add3A_9, %dma_start3A_10] : memref<65536x16xf32, #tpu.memory_space<hbm>> -> memref<32x16xf32, #tpu.memory_space<hbm>>
    %dma_start3A_12 = arith.constant 0 : i32
    %dma_start3A_13 = tpu.memref_slice %arg4[%add3A_9, %dma_start3A_12] : memref<65536x16xf32, #tpu.memory_space<hbm>> -> memref<32x16xf32, #tpu.memory_space<hbm>>
    tpu.enqueue_dma source(%dma_start3A_13 : memref<32x16xf32, #tpu.memory_space<hbm>>) target(%arg11 : memref<32x16xf32, #tpu.memory_space<vmem>>) target_semaphore(%arg13 : memref<!tpu.dma_semaphore, #tpu.memory_space<semaphore_mem>>)
    %add3A_14 = arith.constant 32 : i32
    %add3A_15 = arith.addi %mul3A_2, %add3A_14 : i32
    %dma_start3A_16 = arith.constant 0 : i32
    %dma_start3A_17 = tpu.memref_slice %arg2[%add3A_15, %dma_start3A_16] : memref<65536x256xf32, #tpu.memory_space<hbm>> -> memref<32x256xf32, #tpu.memory_space<hbm>>
    %dma_start3A_18 = arith.constant 0 : i32
    %dma_start3A_19 = tpu.memref_slice %arg2[%add3A_15, %dma_start3A_18] : memref<65536x256xf32, #tpu.memory_space<hbm>> -> memref<32x256xf32, #tpu.memory_space<hbm>>
    tpu.enqueue_dma source(%dma_start3A_19 : memref<32x256xf32, #tpu.memory_space<hbm>>) target(%arg8 : memref<32x256xf32, #tpu.memory_space<vmem>>) target_semaphore(%arg14 : memref<!tpu.dma_semaphore, #tpu.memory_space<semaphore_mem>>)
    %add3A_20 = arith.constant 32 : i32
    %add3A_21 = arith.addi %mul3A_2, %add3A_20 : i32
    %dma_start3A_22 = arith.constant 0 : i32
    %dma_start3A_23 = tpu.memref_slice %arg4[%add3A_21, %dma_start3A_22] : memref<65536x16xf32, #tpu.memory_space<hbm>> -> memref<32x16xf32, #tpu.memory_space<hbm>>
    %dma_start3A_24 = arith.constant 0 : i32
    %dma_start3A_25 = tpu.memref_slice %arg4[%add3A_21, %dma_start3A_24] : memref<65536x16xf32, #tpu.memory_space<hbm>> -> memref<32x16xf32, #tpu.memory_space<hbm>>
    tpu.enqueue_dma source(%dma_start3A_25 : memref<32x16xf32, #tpu.memory_space<hbm>>) target(%arg12 : memref<32x16xf32, #tpu.memory_space<vmem>>) target_semaphore(%arg14 : memref<!tpu.dma_semaphore, #tpu.memory_space<semaphore_mem>>)
    %dma_wait3A = arith.constant 0 : i32
    %dma_wait3A_26 = tpu.memref_slice %arg2[%mul3A_2, %dma_wait3A] : memref<65536x256xf32, #tpu.memory_space<hbm>> -> memref<32x256xf32, #tpu.memory_space<hbm>>
    %dma_wait3A_27 = arith.constant 0 : i32
    %dma_wait3A_28 = tpu.memref_slice %arg2[%mul3A_2, %dma_wait3A_27] : memref<65536x256xf32, #tpu.memory_space<hbm>> -> memref<32x256xf32, #tpu.memory_space<hbm>>
    tpu.wait_dma2 semaphore(%arg13 : memref<!tpu.dma_semaphore, #tpu.memory_space<semaphore_mem>>) src(%dma_wait3A_28 : memref<32x256xf32, #tpu.memory_space<hbm>>) dst(%arg7 : memref<32x256xf32, #tpu.memory_space<vmem>>)
    %dma_wait3A_29 = arith.constant 0 : i32
    %dma_wait3A_30 = tpu.memref_slice %arg4[%mul3A_2, %dma_wait3A_29] : memref<65536x16xf32, #tpu.memory_space<hbm>> -> memref<32x16xf32, #tpu.memory_space<hbm>>
    %dma_wait3A_31 = arith.constant 0 : i32
    %dma_wait3A_32 = tpu.memref_slice %arg4[%mul3A_2, %dma_wait3A_31] : memref<65536x16xf32, #tpu.memory_space<hbm>> -> memref<32x16xf32, #tpu.memory_space<hbm>>
    tpu.wait_dma2 semaphore(%arg13 : memref<!tpu.dma_semaphore, #tpu.memory_space<semaphore_mem>>) src(%dma_wait3A_32 : memref<32x16xf32, #tpu.memory_space<hbm>>) dst(%arg11 : memref<32x16xf32, #tpu.memory_space<vmem>>)
    %parallel_loop3A = arith.constant 0 : i32
    %parallel_loop3A_33 = arith.constant 32 : i32
    %parallel_loop3A_34 = arith.constant 1 : i32
    scf.for %parallel_loop3A_137 = %parallel_loop3A to %parallel_loop3A_33 step %parallel_loop3A_34  : i32 {
      %parallel_loop3A_138 = arith.index_cast %parallel_loop3A_137 : i32 to index
      %parallel_loop3A_139 = arith.constant 0 : index
      %parallel_loop3A_140 = tpu.vector_load %arg11[%parallel_loop3A_138, %parallel_loop3A_139] {strides = array<i32>} : memref<32x16xf32, #tpu.memory_space<vmem>>, vector<1x16xf32>,
      %parallel_loop3A_141 = vector.shape_cast %parallel_loop3A_140 : vector<1x16xf32> to vector<16xf32>
      %parallel_loop3A_142 = arith.constant 0 : i32
      %parallel_loop3A_143 = arith.addi %parallel_loop3A_142, %parallel_loop3A_137 : i32
      %parallel_loop3A_144 = arith.index_cast %parallel_loop3A_137 : i32 to index
      %parallel_loop3A_145 = arith.constant 0 : index
      %parallel_loop3A_146 = tpu.vector_load %arg7[%parallel_loop3A_144, %parallel_loop3A_145] {strides = array<i32>} : memref<32x256xf32, #tpu.memory_space<vmem>>, vector<1x16xf32>,
      %parallel_loop3A_147 = vector.shape_cast %parallel_loop3A_146 : vector<1x16xf32> to vector<16xf32>
      %parallel_loop3A_148 = arith.index_cast %parallel_loop3A_143 : i32 to index
      %parallel_loop3A_149 = arith.constant 0 : index
      %parallel_loop3A_150 = tpu.vector_load %arg6[%parallel_loop3A_148, %parallel_loop3A_149] {strides = array<i32>} : memref<256x256xf32, #tpu.memory_space<vmem>>, vector<1x16xf32>,
      %parallel_loop3A_151 = vector.shape_cast %parallel_loop3A_150 : vector<1x16xf32> to vector<16xf32>
      %parallel_loop3A_152 = arith.addf %parallel_loop3A_147, %parallel_loop3A_151 : vector<16xf32>
      %parallel_loop3A_153 = arith.addf %parallel_loop3A_152, %parallel_loop3A_141 : vector<16xf32>
      %parallel_loop3A_154 = arith.index_cast %parallel_loop3A_137 : i32 to index
      %parallel_loop3A_155 = arith.constant 0 : index
      %parallel_loop3A_156 = tpu.vector_load %arg9[%parallel_loop3A_154, %parallel_loop3A_155] {strides = array<i32>} : memref<32x256xf32, #tpu.memory_space<vmem>>, vector<1x16xf32>,
      %parallel_loop3A_157 = vector.shape_cast %parallel_loop3A_156 : vector<1x16xf32> to vector<16xf32>
      %parallel_loop3A_158 = vector.shape_cast %parallel_loop3A_153 : vector<16xf32> to vector<1x16xf32>
      tpu.vector_store %arg9[%parallel_loop3A_154, %parallel_loop3A_155], %parallel_loop3A_158 {strides = array<i32>} : memref<32x256xf32, #tpu.memory_space<vmem>>, vector<1x16xf32>,
      %parallel_loop3A_159 = arith.index_cast %parallel_loop3A_137 : i32 to index
      %parallel_loop3A_160 = arith.constant 16 : index
      %parallel_loop3A_161 = tpu.vector_load %arg7[%parallel_loop3A_159, %parallel_loop3A_160] {strides = array<i32>} : memref<32x256xf32, #tpu.memory_space<vmem>>, vector<1x16xf32>,
      %parallel_loop3A_162 = vector.shape_cast %parallel_loop3A_161 : vector<1x16xf32> to vector<16xf32>
      %parallel_loop3A_163 = arith.index_cast %parallel_loop3A_143 : i32 to index
      %parallel_loop3A_164 = arith.constant 16 : index
      %parallel_loop3A_165 = tpu.vector_load %arg6[%parallel_loop3A_163, %parallel_loop3A_164] {strides = array<i32>} : memref<256x256xf32, #tpu.memory_space<vmem>>, vector<1x16xf32>,
      %parallel_loop3A_166 = vector.shape_cast %parallel_loop3A_165 : vector<1x16xf32> to vector<16xf32>
      %parallel_loop3A_167 = arith.addf %parallel_loop3A_162, %parallel_loop3A_166 : vector<16xf32>
      %parallel_loop3A_168 = arith.addf %parallel_loop3A_167, %parallel_loop3A_141 : vector<16xf32>
      %parallel_loop3A_169 = arith.index_cast %parallel_loop3A_137 : i32 to index
      %parallel_loop3A_170 = arith.constant 16 : index
      %parallel_loop3A_171 = tpu.vector_load %arg9[%parallel_loop3A_169, %parallel_loop3A_170] {strides = array<i32>} : memref<32x256xf32, #tpu.memory_space<vmem>>, vector<1x16xf32>,
      %parallel_loop3A_172 = vector.shape_cast %parallel_loop3A_171 : vector<1x16xf32> to vector<16xf32>
      %parallel_loop3A_173 = vector.shape_cast %parallel_loop3A_168 : vector<16xf32> to vector<1x16xf32>
      tpu.vector_store %arg9[%parallel_loop3A_169, %parallel_loop3A_170], %parallel_loop3A_173 {strides = array<i32>} : memref<32x256xf32, #tpu.memory_space<vmem>>, vector<1x16xf32>,
      %parallel_loop3A_174 = arith.index_cast %parallel_loop3A_137 : i32 to index
      %parallel_loop3A_175 = arith.constant 32 : index
      %parallel_loop3A_176 = tpu.vector_load %arg7[%parallel_loop3A_174, %parallel_loop3A_175] {strides = array<i32>} : memref<32x256xf32, #tpu.memory_space<vmem>>, vector<1x16xf32>,
      %parallel_loop3A_177 = vector.shape_cast %parallel_loop3A_176 : vector<1x16xf32> to vector<16xf32>
      %parallel_loop3A_178 = arith.index_cast %parallel_loop3A_143 : i32 to index
      %parallel_loop3A_179 = arith.constant 32 : index
      %parallel_loop3A_180 = tpu.vector_load %arg6[%parallel_loop3A_178, %parallel_loop3A_179] {strides = array<i32>} : memref<256x256xf32, #tpu.memory_space<vmem>>, vector<1x16xf32>,
      %parallel_loop3A_181 = vector.shape_cast %parallel_loop3A_180 : vector<1x16xf32> to vector<16xf32>
      %parallel_loop3A_182 = arith.addf %parallel_loop3A_177, %parallel_loop3A_181 : vector<16xf32>
      %parallel_loop3A_183 = arith.addf %parallel_loop3A_182, %parallel_loop3A_141 : vector<16xf32>
      %parallel_loop3A_184 = arith.index_cast %parallel_loop3A_137 : i32 to index
      %parallel_loop3A_185 = arith.constant 32 : index
      %parallel_loop3A_186 = tpu.vector_load %arg9[%parallel_loop3A_184, %parallel_loop3A_185] {strides = array<i32>} : memref<32x256xf32, #tpu.memory_space<vmem>>, vector<1x16xf32>,
      %parallel_loop3A_187 = vector.shape_cast %parallel_loop3A_186 : vector<1x16xf32> to vector<16xf32>
      %parallel_loop3A_188 = vector.shape_cast %parallel_loop3A_183 : vector<16xf32> to vector<1x16xf32>
      tpu.vector_store %arg9[%parallel_loop3A_184, %parallel_loop3A_185], %parallel_loop3A_188 {strides = array<i32>} : memref<32x256xf32, #tpu.memory_space<vmem>>, vector<1x16xf32>,
      %parallel_loop3A_189 = arith.index_cast %parallel_loop3A_137 : i32 to index
      %parallel_loop3A_190 = arith.constant 48 : index
      %parallel_loop3A_191 = tpu.vector_load %arg7[%parallel_loop3A_189, %parallel_loop3A_190] {strides = array<i32>} : memref<32x256xf32, #tpu.memory_space<vmem>>, vector<1x16xf32>,
      %parallel_loop3A_192 = vector.shape_cast %parallel_loop3A_191 : vector<1x16xf32> to vector<16xf32>
      %parallel_loop3A_193 = arith.index_cast %parallel_loop3A_143 : i32 to index
      %parallel_loop3A_194 = arith.constant 48 : index
      %parallel_loop3A_195 = tpu.vector_load %arg6[%parallel_loop3A_193, %parallel_loop3A_194] {strides = array<i32>} : memref<256x256xf32, #tpu.memory_space<vmem>>, vector<1x16xf32>,
      %parallel_loop3A_196 = vector.shape_cast %parallel_loop3A_195 : vector<1x16xf32> to vector<16xf32>
      %parallel_loop3A_197 = arith.addf %parallel_loop3A_192, %parallel_loop3A_196 : vector<16xf32>
      %parallel_loop3A_198 = arith.addf %parallel_loop3A_197, %parallel_loop3A_141 : vector<16xf32>
      %parallel_loop3A_199 = arith.index_cast %parallel_loop3A_137 : i32 to index
      %parallel_loop3A_200 = arith.constant 48 : index
      %parallel_loop3A_201 = tpu.vector_load %arg9[%parallel_loop3A_199, %parallel_loop3A_200] {strides = array<i32>} : memref<32x256xf32, #tpu.memory_space<vmem>>, vector<1x16xf32>,
      %parallel_loop3A_202 = vector.shape_cast %parallel_loop3A_201 : vector<1x16xf32> to vector<16xf32>
      %parallel_loop3A_203 = vector.shape_cast %parallel_loop3A_198 : vector<16xf32> to vector<1x16xf32>
      tpu.vector_store %arg9[%parallel_loop3A_199, %parallel_loop3A_200], %parallel_loop3A_203 {strides = array<i32>} : memref<32x256xf32, #tpu.memory_space<vmem>>, vector<1x16xf32>,
      %parallel_loop3A_204 = arith.index_cast %parallel_loop3A_137 : i32 to index
      %parallel_loop3A_205 = arith.constant 64 : index
      %parallel_loop3A_206 = tpu.vector_load %arg7[%parallel_loop3A_204, %parallel_loop3A_205] {strides = array<i32>} : memref<32x256xf32, #tpu.memory_space<vmem>>, vector<1x16xf32>,
      %parallel_loop3A_207 = vector.shape_cast %parallel_loop3A_206 : vector<1x16xf32> to vector<16xf32>
      %parallel_loop3A_208 = arith.index_cast %parallel_loop3A_143 : i32 to index
      %parallel_loop3A_209 = arith.constant 64 : index
      %parallel_loop3A_210 = tpu.vector_load %arg6[%parallel_loop3A_208, %parallel_loop3A_209] {strides = array<i32>} : memref<256x256xf32, #tpu.memory_space<vmem>>, vector<1x16xf32>,
      %parallel_loop3A_211 = vector.shape_cast %parallel_loop3A_210 : vector<1x16xf32> to vector<16xf32>
      %parallel_loop3A_212 = arith.addf %parallel_loop3A_207, %parallel_loop3A_211 : vector<16xf32>
      %parallel_loop3A_213 = arith.addf %parallel_loop3A_212, %parallel_loop3A_141 : vector<16xf32>
      %parallel_loop3A_214 = arith.index_cast %parallel_loop3A_137 : i32 to index
      %parallel_loop3A_215 = arith.constant 64 : index
      %parallel_loop3A_216 = tpu.vector_load %arg9[%parallel_loop3A_214, %parallel_loop3A_215] {strides = array<i32>} : memref<32x256xf32, #tpu.memory_space<vmem>>, vector<1x16xf32>,
      %parallel_loop3A_217 = vector.shape_cast %parallel_loop3A_216 : vector<1x16xf32> to vector<16xf32>
      %parallel_loop3A_218 = vector.shape_cast %parallel_loop3A_213 : vector<16xf32> to vector<1x16xf32>
      tpu.vector_store %arg9[%parallel_loop3A_214, %parallel_loop3A_215], %parallel_loop3A_218 {strides = array<i32>} : memref<32x256xf32, #tpu.memory_space<vmem>>, vector<1x16xf32>,
      %parallel_loop3A_219 = arith.index_cast %parallel_loop3A_137 : i32 to index
      %parallel_loop3A_220 = arith.constant 80 : index
      %parallel_loop3A_221 = tpu.vector_load %arg7[%parallel_loop3A_219, %parallel_loop3A_220] {strides = array<i32>} : memref<32x256xf32, #tpu.memory_space<vmem>>, vector<1x16xf32>,
      %parallel_loop3A_222 = vector.shape_cast %parallel_loop3A_221 : vector<1x16xf32> to vector<16xf32>
      %parallel_loop3A_223 = arith.index_cast %parallel_loop3A_143 : i32 to index
      %parallel_loop3A_224 = arith.constant 80 : index
      %parallel_loop3A_225 = tpu.vector_load %arg6[%parallel_loop3A_223, %parallel_loop3A_224] {strides = array<i32>} : memref<256x256xf32, #tpu.memory_space<vmem>>, vector<1x16xf32>,
      %parallel_loop3A_226 = vector.shape_cast %parallel_loop3A_225 : vector<1x16xf32> to vector<16xf32>
      %parallel_loop3A_227 = arith.addf %parallel_loop3A_222, %parallel_loop3A_226 : vector<16xf32>
      %parallel_loop3A_228 = arith.addf %parallel_loop3A_227, %parallel_loop3A_141 : vector<16xf32>
      %parallel_loop3A_229 = arith.index_cast %parallel_loop3A_137 : i32 to index
      %parallel_loop3A_230 = arith.constant 80 : index
      %parallel_loop3A_231 = tpu.vector_load %arg9[%parallel_loop3A_229, %parallel_loop3A_230] {strides = array<i32>} : memref<32x256xf32, #tpu.memory_space<vmem>>, vector<1x16xf32>,
      %parallel_loop3A_232 = vector.shape_cast %parallel_loop3A_231 : vector<1x16xf32> to vector<16xf32>
      %parallel_loop3A_233 = vector.shape_cast %parallel_loop3A_228 : vector<16xf32> to vector<1x16xf32>
      tpu.vector_store %arg9[%parallel_loop3A_229, %parallel_loop3A_230], %parallel_loop3A_233 {strides = array<i32>} : memref<32x256xf32, #tpu.memory_space<vmem>>, vector<1x16xf32>,
      %parallel_loop3A_234 = arith.index_cast %parallel_loop3A_137 : i32 to index
      %parallel_loop3A_235 = arith.constant 96 : index
      %parallel_loop3A_236 = tpu.vector_load %arg7[%parallel_loop3A_234, %parallel_loop3A_235] {strides = array<i32>} : memref<32x256xf32, #tpu.memory_space<vmem>>, vector<1x16xf32>,
      %parallel_loop3A_237 = vector.shape_cast %parallel_loop3A_236 : vector<1x16xf32> to vector<16xf32>
      %parallel_loop3A_238 = arith.index_cast %parallel_loop3A_143 : i32 to index
      %parallel_loop3A_239 = arith.constant 96 : index
      %parallel_loop3A_240 = tpu.vector_load %arg6[%parallel_loop3A_238, %parallel_loop3A_239] {strides = array<i32>} : memref<256x256xf32, #tpu.memory_space<vmem>>, vector<1x16xf32>,
      %parallel_loop3A_241 = vector.shape_cast %parallel_loop3A_240 : vector<1x16xf32> to vector<16xf32>
      %parallel_loop3A_242 = arith.addf %parallel_loop3A_237, %parallel_loop3A_241 : vector<16xf32>
      %parallel_loop3A_243 = arith.addf %parallel_loop3A_242, %parallel_loop3A_141 : vector<16xf32>
      %parallel_loop3A_244 = arith.index_cast %parallel_loop3A_137 : i32 to index
      %parallel_loop3A_245 = arith.constant 96 : index
      %parallel_loop3A_246 = tpu.vector_load %arg9[%parallel_loop3A_244, %parallel_loop3A_245] {strides = array<i32>} : memref<32x256xf32, #tpu.memory_space<vmem>>, vector<1x16xf32>,
      %parallel_loop3A_247 = vector.shape_cast %parallel_loop3A_246 : vector<1x16xf32> to vector<16xf32>
      %parallel_loop3A_248 = vector.shape_cast %parallel_loop3A_243 : vector<16xf32> to vector<1x16xf32>
      tpu.vector_store %arg9[%parallel_loop3A_244, %parallel_loop3A_245], %parallel_loop3A_248 {strides = array<i32>} : memref<32x256xf32, #tpu.memory_space<vmem>>, vector<1x16xf32>,
      %parallel_loop3A_249 = arith.index_cast %parallel_loop3A_137 : i32 to index
      %parallel_loop3A_250 = arith.constant 112 : index
      %parallel_loop3A_251 = tpu.vector_load %arg7[%parallel_loop3A_249, %parallel_loop3A_250] {strides = array<i32>} : memref<32x256xf32, #tpu.memory_space<vmem>>, vector<1x16xf32>,
      %parallel_loop3A_252 = vector.shape_cast %parallel_loop3A_251 : vector<1x16xf32> to vector<16xf32>
      %parallel_loop3A_253 = arith.index_cast %parallel_loop3A_143 : i32 to index
      %parallel_loop3A_254 = arith.constant 112 : index
      %parallel_loop3A_255 = tpu.vector_load %arg6[%parallel_loop3A_253, %parallel_loop3A_254] {strides = array<i32>} : memref<256x256xf32, #tpu.memory_space<vmem>>, vector<1x16xf32>,
      %parallel_loop3A_256 = vector.shape_cast %parallel_loop3A_255 : vector<1x16xf32> to vector<16xf32>
      %parallel_loop3A_257 = arith.addf %parallel_loop3A_252, %parallel_loop3A_256 : vector<16xf32>
      %parallel_loop3A_258 = arith.addf %parallel_loop3A_257, %parallel_loop3A_141 : vector<16xf32>
      %parallel_loop3A_259 = arith.index_cast %parallel_loop3A_137 : i32 to index
      %parallel_loop3A_260 = arith.constant 112 : index
      %parallel_loop3A_261 = tpu.vector_load %arg9[%parallel_loop3A_259, %parallel_loop3A_260] {strides = array<i32>} : memref<32x256xf32, #tpu.memory_space<vmem>>, vector<1x16xf32>,
      %parallel_loop3A_262 = vector.shape_cast %parallel_loop3A_261 : vector<1x16xf32> to vector<16xf32>
      %parallel_loop3A_263 = vector.shape_cast %parallel_loop3A_258 : vector<16xf32> to vector<1x16xf32>
      tpu.vector_store %arg9[%parallel_loop3A_259, %parallel_loop3A_260], %parallel_loop3A_263 {strides = array<i32>} : memref<32x256xf32, #tpu.memory_space<vmem>>, vector<1x16xf32>,
      %parallel_loop3A_264 = arith.index_cast %parallel_loop3A_137 : i32 to index
      %parallel_loop3A_265 = arith.constant 128 : index
      %parallel_loop3A_266 = tpu.vector_load %arg7[%parallel_loop3A_264, %parallel_loop3A_265] {strides = array<i32>} : memref<32x256xf32, #tpu.memory_space<vmem>>, vector<1x16xf32>,
      %parallel_loop3A_267 = vector.shape_cast %parallel_loop3A_266 : vector<1x16xf32> to vector<16xf32>
      %parallel_loop3A_268 = arith.index_cast %parallel_loop3A_143 : i32 to index
      %parallel_loop3A_269 = arith.constant 128 : index
      %parallel_loop3A_270 = tpu.vector_load %arg6[%parallel_loop3A_268, %parallel_loop3A_269] {strides = array<i32>} : memref<256x256xf32, #tpu.memory_space<vmem>>, vector<1x16xf32>,
      %parallel_loop3A_271 = vector.shape_cast %parallel_loop3A_270 : vector<1x16xf32> to vector<16xf32>
      %parallel_loop3A_272 = arith.addf %parallel_loop3A_267, %parallel_loop3A_271 : vector<16xf32>
      %parallel_loop3A_273 = arith.addf %parallel_loop3A_272, %parallel_loop3A_141 : vector<16xf32>
      %parallel_loop3A_274 = arith.index_cast %parallel_loop3A_137 : i32 to index
      %parallel_loop3A_275 = arith.constant 128 : index
      %parallel_loop3A_276 = tpu.vector_load %arg9[%parallel_loop3A_274, %parallel_loop3A_275] {strides = array<i32>} : memref<32x256xf32, #tpu.memory_space<vmem>>, vector<1x16xf32>,
      %parallel_loop3A_277 = vector.shape_cast %parallel_loop3A_276 : vector<1x16xf32> to vector<16xf32>
      %parallel_loop3A_278 = vector.shape_cast %parallel_loop3A_273 : vector<16xf32> to vector<1x16xf32>
      tpu.vector_store %arg9[%parallel_loop3A_274, %parallel_loop3A_275], %parallel_loop3A_278 {strides = array<i32>} : memref<32x256xf32, #tpu.memory_space<vmem>>, vector<1x16xf32>,
      %parallel_loop3A_279 = arith.index_cast %parallel_loop3A_137 : i32 to index
      %parallel_loop3A_280 = arith.constant 144 : index
      %parallel_loop3A_281 = tpu.vector_load %arg7[%parallel_loop3A_279, %parallel_loop3A_280] {strides = array<i32>} : memref<32x256xf32, #tpu.memory_space<vmem>>, vector<1x16xf32>,
      %parallel_loop3A_282 = vector.shape_cast %parallel_loop3A_281 : vector<1x16xf32> to vector<16xf32>
      %parallel_loop3A_283 = arith.index_cast %parallel_loop3A_143 : i32 to index
      %parallel_loop3A_284 = arith.constant 144 : index
      %parallel_loop3A_285 = tpu.vector_load %arg6[%parallel_loop3A_283, %parallel_loop3A_284] {strides = array<i32>} : memref<256x256xf32, #tpu.memory_space<vmem>>, vector<1x16xf32>,
      %parallel_loop3A_286 = vector.shape_cast %parallel_loop3A_285 : vector<1x16xf32> to vector<16xf32>
      %parallel_loop3A_287 = arith.addf %parallel_loop3A_282, %parallel_loop3A_286 : vector<16xf32>
      %parallel_loop3A_288 = arith.addf %parallel_loop3A_287, %parallel_loop3A_141 : vector<16xf32>
      %parallel_loop3A_289 = arith.index_cast %parallel_loop3A_137 : i32 to index
      %parallel_loop3A_290 = arith.constant 144 : index
      %parallel_loop3A_291 = tpu.vector_load %arg9[%parallel_loop3A_289, %parallel_loop3A_290] {strides = array<i32>} : memref<32x256xf32, #tpu.memory_space<vmem>>, vector<1x16xf32>,
      %parallel_loop3A_292 = vector.shape_cast %parallel_loop3A_291 : vector<1x16xf32> to vector<16xf32>
      %parallel_loop3A_293 = vector.shape_cast %parallel_loop3A_288 : vector<16xf32> to vector<1x16xf32>
      tpu.vector_store %arg9[%parallel_loop3A_289, %parallel_loop3A_290], %parallel_loop3A_293 {strides = array<i32>} : memref<32x256xf32, #tpu.memory_space<vmem>>, vector<1x16xf32>,
      %parallel_loop3A_294 = arith.index_cast %parallel_loop3A_137 : i32 to index
      %parallel_loop3A_295 = arith.constant 160 : index
      %parallel_loop3A_296 = tpu.vector_load %arg7[%parallel_loop3A_294, %parallel_loop3A_295] {strides = array<i32>} : memref<32x256xf32, #tpu.memory_space<vmem>>, vector<1x16xf32>,
      %parallel_loop3A_297 = vector.shape_cast %parallel_loop3A_296 : vector<1x16xf32> to vector<16xf32>
      %parallel_loop3A_298 = arith.index_cast %parallel_loop3A_143 : i32 to index
      %parallel_loop3A_299 = arith.constant 160 : index
      %parallel_loop3A_300 = tpu.vector_load %arg6[%parallel_loop3A_298, %parallel_loop3A_299] {strides = array<i32>} : memref<256x256xf32, #tpu.memory_space<vmem>>, vector<1x16xf32>,
      %parallel_loop3A_301 = vector.shape_cast %parallel_loop3A_300 : vector<1x16xf32> to vector<16xf32>
      %parallel_loop3A_302 = arith.addf %parallel_loop3A_297, %parallel_loop3A_301 : vector<16xf32>
      %parallel_loop3A_303 = arith.addf %parallel_loop3A_302, %parallel_loop3A_141 : vector<16xf32>
      %parallel_loop3A_304 = arith.index_cast %parallel_loop3A_137 : i32 to index
      %parallel_loop3A_305 = arith.constant 160 : index
      %parallel_loop3A_306 = tpu.vector_load %arg9[%parallel_loop3A_304, %parallel_loop3A_305] {strides = array<i32>} : memref<32x256xf32, #tpu.memory_space<vmem>>, vector<1x16xf32>,
      %parallel_loop3A_307 = vector.shape_cast %parallel_loop3A_306 : vector<1x16xf32> to vector<16xf32>
      %parallel_loop3A_308 = vector.shape_cast %parallel_loop3A_303 : vector<16xf32> to vector<1x16xf32>
      tpu.vector_store %arg9[%parallel_loop3A_304, %parallel_loop3A_305], %parallel_loop3A_308 {strides = array<i32>} : memref<32x256xf32, #tpu.memory_space<vmem>>, vector<1x16xf32>,
      %parallel_loop3A_309 = arith.index_cast %parallel_loop3A_137 : i32 to index
      %parallel_loop3A_310 = arith.constant 176 : index
      %parallel_loop3A_311 = tpu.vector_load %arg7[%parallel_loop3A_309, %parallel_loop3A_310] {strides = array<i32>} : memref<32x256xf32, #tpu.memory_space<vmem>>, vector<1x16xf32>,
      %parallel_loop3A_312 = vector.shape_cast %parallel_loop3A_311 : vector<1x16xf32> to vector<16xf32>
      %parallel_loop3A_313 = arith.index_cast %parallel_loop3A_143 : i32 to index
      %parallel_loop3A_314 = arith.constant 176 : index
      %parallel_loop3A_315 = tpu.vector_load %arg6[%parallel_loop3A_313, %parallel_loop3A_314] {strides = array<i32>} : memref<256x256xf32, #tpu.memory_space<vmem>>, vector<1x16xf32>,
      %parallel_loop3A_316 = vector.shape_cast %parallel_loop3A_315 : vector<1x16xf32> to vector<16xf32>
      %parallel_loop3A_317 = arith.addf %parallel_loop3A_312, %parallel_loop3A_316 : vector<16xf32>
      %parallel_loop3A_318 = arith.addf %parallel_loop3A_317, %parallel_loop3A_141 : vector<16xf32>
      %parallel_loop3A_319 = arith.index_cast %parallel_loop3A_137 : i32 to index
      %parallel_loop3A_320 = arith.constant 176 : index
      %parallel_loop3A_321 = tpu.vector_load %arg9[%parallel_loop3A_319, %parallel_loop3A_320] {strides = array<i32>} : memref<32x256xf32, #tpu.memory_space<vmem>>, vector<1x16xf32>,
      %parallel_loop3A_322 = vector.shape_cast %parallel_loop3A_321 : vector<1x16xf32> to vector<16xf32>
      %parallel_loop3A_323 = vector.shape_cast %parallel_loop3A_318 : vector<16xf32> to vector<1x16xf32>
      tpu.vector_store %arg9[%parallel_loop3A_319, %parallel_loop3A_320], %parallel_loop3A_323 {strides = array<i32>} : memref<32x256xf32, #tpu.memory_space<vmem>>, vector<1x16xf32>,
      %parallel_loop3A_324 = arith.index_cast %parallel_loop3A_137 : i32 to index
      %parallel_loop3A_325 = arith.constant 192 : index
      %parallel_loop3A_326 = tpu.vector_load %arg7[%parallel_loop3A_324, %parallel_loop3A_325] {strides = array<i32>} : memref<32x256xf32, #tpu.memory_space<vmem>>, vector<1x16xf32>,
      %parallel_loop3A_327 = vector.shape_cast %parallel_loop3A_326 : vector<1x16xf32> to vector<16xf32>
      %parallel_loop3A_328 = arith.index_cast %parallel_loop3A_143 : i32 to index
      %parallel_loop3A_329 = arith.constant 192 : index
      %parallel_loop3A_330 = tpu.vector_load %arg6[%parallel_loop3A_328, %parallel_loop3A_329] {strides = array<i32>} : memref<256x256xf32, #tpu.memory_space<vmem>>, vector<1x16xf32>,
      %parallel_loop3A_331 = vector.shape_cast %parallel_loop3A_330 : vector<1x16xf32> to vector<16xf32>
      %parallel_loop3A_332 = arith.addf %parallel_loop3A_327, %parallel_loop3A_331 : vector<16xf32>
      %parallel_loop3A_333 = arith.addf %parallel_loop3A_332, %parallel_loop3A_141 : vector<16xf32>
      %parallel_loop3A_334 = arith.index_cast %parallel_loop3A_137 : i32 to index
      %parallel_loop3A_335 = arith.constant 192 : index
      %parallel_loop3A_336 = tpu.vector_load %arg9[%parallel_loop3A_334, %parallel_loop3A_335] {strides = array<i32>} : memref<32x256xf32, #tpu.memory_space<vmem>>, vector<1x16xf32>,
      %parallel_loop3A_337 = vector.shape_cast %parallel_loop3A_336 : vector<1x16xf32> to vector<16xf32>
      %parallel_loop3A_338 = vector.shape_cast %parallel_loop3A_333 : vector<16xf32> to vector<1x16xf32>
      tpu.vector_store %arg9[%parallel_loop3A_334, %parallel_loop3A_335], %parallel_loop3A_338 {strides = array<i32>} : memref<32x256xf32, #tpu.memory_space<vmem>>, vector<1x16xf32>,
      %parallel_loop3A_339 = arith.index_cast %parallel_loop3A_137 : i32 to index
      %parallel_loop3A_340 = arith.constant 208 : index
      %parallel_loop3A_341 = tpu.vector_load %arg7[%parallel_loop3A_339, %parallel_loop3A_340] {strides = array<i32>} : memref<32x256xf32, #tpu.memory_space<vmem>>, vector<1x16xf32>,
      %parallel_loop3A_342 = vector.shape_cast %parallel_loop3A_341 : vector<1x16xf32> to vector<16xf32>
      %parallel_loop3A_343 = arith.index_cast %parallel_loop3A_143 : i32 to index
      %parallel_loop3A_344 = arith.constant 208 : index
      %parallel_loop3A_345 = tpu.vector_load %arg6[%parallel_loop3A_343, %parallel_loop3A_344] {strides = array<i32>} : memref<256x256xf32, #tpu.memory_space<vmem>>, vector<1x16xf32>,
      %parallel_loop3A_346 = vector.shape_cast %parallel_loop3A_345 : vector<1x16xf32> to vector<16xf32>
      %parallel_loop3A_347 = arith.addf %parallel_loop3A_342, %parallel_loop3A_346 : vector<16xf32>
      %parallel_loop3A_348 = arith.addf %parallel_loop3A_347, %parallel_loop3A_141 : vector<16xf32>
      %parallel_loop3A_349 = arith.index_cast %parallel_loop3A_137 : i32 to index
      %parallel_loop3A_350 = arith.constant 208 : index
      %parallel_loop3A_351 = tpu.vector_load %arg9[%parallel_loop3A_349, %parallel_loop3A_350] {strides = array<i32>} : memref<32x256xf32, #tpu.memory_space<vmem>>, vector<1x16xf32>,
      %parallel_loop3A_352 = vector.shape_cast %parallel_loop3A_351 : vector<1x16xf32> to vector<16xf32>
      %parallel_loop3A_353 = vector.shape_cast %parallel_loop3A_348 : vector<16xf32> to vector<1x16xf32>
      tpu.vector_store %arg9[%parallel_loop3A_349, %parallel_loop3A_350], %parallel_loop3A_353 {strides = array<i32>} : memref<32x256xf32, #tpu.memory_space<vmem>>, vector<1x16xf32>,
      %parallel_loop3A_354 = arith.index_cast %parallel_loop3A_137 : i32 to index
      %parallel_loop3A_355 = arith.constant 224 : index
      %parallel_loop3A_356 = tpu.vector_load %arg7[%parallel_loop3A_354, %parallel_loop3A_355] {strides = array<i32>} : memref<32x256xf32, #tpu.memory_space<vmem>>, vector<1x16xf32>,
      %parallel_loop3A_357 = vector.shape_cast %parallel_loop3A_356 : vector<1x16xf32> to vector<16xf32>
      %parallel_loop3A_358 = arith.index_cast %parallel_loop3A_143 : i32 to index
      %parallel_loop3A_359 = arith.constant 224 : index
      %parallel_loop3A_360 = tpu.vector_load %arg6[%parallel_loop3A_358, %parallel_loop3A_359] {strides = array<i32>} : memref<256x256xf32, #tpu.memory_space<vmem>>, vector<1x16xf32>,
      %parallel_loop3A_361 = vector.shape_cast %parallel_loop3A_360 : vector<1x16xf32> to vector<16xf32>
      %parallel_loop3A_362 = arith.addf %parallel_loop3A_357, %parallel_loop3A_361 : vector<16xf32>
      %parallel_loop3A_363 = arith.addf %parallel_loop3A_362, %parallel_loop3A_141 : vector<16xf32>
      %parallel_loop3A_364 = arith.index_cast %parallel_loop3A_137 : i32 to index
      %parallel_loop3A_365 = arith.constant 224 : index
      %parallel_loop3A_366 = tpu.vector_load %arg9[%parallel_loop3A_364, %parallel_loop3A_365] {strides = array<i32>} : memref<32x256xf32, #tpu.memory_space<vmem>>, vector<1x16xf32>,
      %parallel_loop3A_367 = vector.shape_cast %parallel_loop3A_366 : vector<1x16xf32> to vector<16xf32>
      %parallel_loop3A_368 = vector.shape_cast %parallel_loop3A_363 : vector<16xf32> to vector<1x16xf32>
      tpu.vector_store %arg9[%parallel_loop3A_364, %parallel_loop3A_365], %parallel_loop3A_368 {strides = array<i32>} : memref<32x256xf32, #tpu.memory_space<vmem>>, vector<1x16xf32>,
      %parallel_loop3A_369 = arith.index_cast %parallel_loop3A_137 : i32 to index
      %parallel_loop3A_370 = arith.constant 240 : index
      %parallel_loop3A_371 = tpu.vector_load %arg7[%parallel_loop3A_369, %parallel_loop3A_370] {strides = array<i32>} : memref<32x256xf32, #tpu.memory_space<vmem>>, vector<1x16xf32>,
      %parallel_loop3A_372 = vector.shape_cast %parallel_loop3A_371 : vector<1x16xf32> to vector<16xf32>
      %parallel_loop3A_373 = arith.index_cast %parallel_loop3A_143 : i32 to index
      %parallel_loop3A_374 = arith.constant 240 : index
      %parallel_loop3A_375 = tpu.vector_load %arg6[%parallel_loop3A_373, %parallel_loop3A_374] {strides = array<i32>} : memref<256x256xf32, #tpu.memory_space<vmem>>, vector<1x16xf32>,
      %parallel_loop3A_376 = vector.shape_cast %parallel_loop3A_375 : vector<1x16xf32> to vector<16xf32>
      %parallel_loop3A_377 = arith.addf %parallel_loop3A_372, %parallel_loop3A_376 : vector<16xf32>
      %parallel_loop3A_378 = arith.addf %parallel_loop3A_377, %parallel_loop3A_141 : vector<16xf32>
      %parallel_loop3A_379 = arith.index_cast %parallel_loop3A_137 : i32 to index
      %parallel_loop3A_380 = arith.constant 240 : index
      %parallel_loop3A_381 = tpu.vector_load %arg9[%parallel_loop3A_379, %parallel_loop3A_380] {strides = array<i32>} : memref<32x256xf32, #tpu.memory_space<vmem>>, vector<1x16xf32>,
      %parallel_loop3A_382 = vector.shape_cast %parallel_loop3A_381 : vector<1x16xf32> to vector<16xf32>
      %parallel_loop3A_383 = vector.shape_cast %parallel_loop3A_378 : vector<16xf32> to vector<1x16xf32>
      tpu.vector_store %arg9[%parallel_loop3A_379, %parallel_loop3A_380], %parallel_loop3A_383 {strides = array<i32>} : memref<32x256xf32, #tpu.memory_space<vmem>>, vector<1x16xf32>,
    } {sc.loop_unroll_factor = 8 : i64, sc.parallel_access}
    %add3A_35 = arith.constant 0 : i32
    %add3A_36 = arith.addi %mul3A_2, %add3A_35 : i32
    %dma_start3A_37 = arith.constant 0 : i32
    %dma_start3A_38 = tpu.memref_slice %arg5[%add3A_36, %dma_start3A_37] : memref<65536x256xf32, #tpu.memory_space<hbm>> -> memref<32x256xf32, #tpu.memory_space<hbm>>
    %dma_start3A_39 = arith.constant 0 : i32
    %dma_start3A_40 = tpu.memref_slice %arg5[%add3A_36, %dma_start3A_39] : memref<65536x256xf32, #tpu.memory_space<hbm>> -> memref<32x256xf32, #tpu.memory_space<hbm>>
    tpu.enqueue_dma source(%arg9 : memref<32x256xf32, #tpu.memory_space<vmem>>) target(%dma_start3A_40 : memref<32x256xf32, #tpu.memory_space<hbm>>) target_semaphore(%arg15 : memref<!tpu.dma_semaphore, #tpu.memory_space<semaphore_mem>>)
    %add3A_41 = arith.constant 64 : i32
    %add3A_42 = arith.addi %mul3A_2, %add3A_41 : i32
    %dma_start3A_43 = arith.constant 0 : i32
    %dma_start3A_44 = tpu.memref_slice %arg2[%add3A_42, %dma_start3A_43] : memref<65536x256xf32, #tpu.memory_space<hbm>> -> memref<32x256xf32, #tpu.memory_space<hbm>>
    %dma_start3A_45 = arith.constant 0 : i32
    %dma_start3A_46 = tpu.memref_slice %arg2[%add3A_42, %dma_start3A_45] : memref<65536x256xf32, #tpu.memory_space<hbm>> -> memref<32x256xf32, #tpu.memory_space<hbm>>
    tpu.enqueue_dma source(%dma_start3A_46 : memref<32x256xf32, #tpu.memory_space<hbm>>) target(%arg7 : memref<32x256xf32, #tpu.memory_space<vmem>>) target_semaphore(%arg13 : memref<!tpu.dma_semaphore, #tpu.memory_space<semaphore_mem>>)
    %add3A_47 = arith.constant 64 : i32
    %add3A_48 = arith.addi %mul3A_2, %add3A_47 : i32
    %dma_start3A_49 = arith.constant 0 : i32
    %dma_start3A_50 = tpu.memref_slice %arg4[%add3A_48, %dma_start3A_49] : memref<65536x16xf32, #tpu.memory_space<hbm>> -> memref<32x16xf32, #tpu.memory_space<hbm>>
    %dma_start3A_51 = arith.constant 0 : i32
    %dma_start3A_52 = tpu.memref_slice %arg4[%add3A_48, %dma_start3A_51] : memref<65536x16xf32, #tpu.memory_space<hbm>> -> memref<32x16xf32, #tpu.memory_space<hbm>>
    tpu.enqueue_dma source(%dma_start3A_52 : memref<32x16xf32, #tpu.memory_space<hbm>>) target(%arg11 : memref<32x16xf32, #tpu.memory_space<vmem>>) target_semaphore(%arg13 : memref<!tpu.dma_semaphore, #tpu.memory_space<semaphore_mem>>)
    %dma_wait3A_53 = arith.constant 0 : i32
    %dma_wait3A_54 = tpu.memref_slice %arg2[%mul3A_2, %dma_wait3A_53] : memref<65536x256xf32, #tpu.memory_space<hbm>> -> memref<32x256xf32, #tpu.memory_space<hbm>>
    %dma_wait3A_55 = arith.constant 0 : i32
    %dma_wait3A_56 = tpu.memref_slice %arg2[%mul3A_2, %dma_wait3A_55] : memref<65536x256xf32, #tpu.memory_space<hbm>> -> memref<32x256xf32, #tpu.memory_space<hbm>>
    tpu.wait_dma2 semaphore(%arg14 : memref<!tpu.dma_semaphore, #tpu.memory_space<semaphore_mem>>) src(%dma_wait3A_56 : memref<32x256xf32, #tpu.memory_space<hbm>>) dst(%arg8 : memref<32x256xf32, #tpu.memory_space<vmem>>)
    %dma_wait3A_57 = arith.constant 0 : i32
    %dma_wait3A_58 = tpu.memref_slice %arg4[%mul3A_2, %dma_wait3A_57] : memref<65536x16xf32, #tpu.memory_space<hbm>> -> memref<32x16xf32, #tpu.memory_space<hbm>>
    %dma_wait3A_59 = arith.constant 0 : i32
    %dma_wait3A_60 = tpu.memref_slice %arg4[%mul3A_2, %dma_wait3A_59] : memref<65536x16xf32, #tpu.memory_space<hbm>> -> memref<32x16xf32, #tpu.memory_space<hbm>>
    tpu.wait_dma2 semaphore(%arg14 : memref<!tpu.dma_semaphore, #tpu.memory_space<semaphore_mem>>) src(%dma_wait3A_60 : memref<32x16xf32, #tpu.memory_space<hbm>>) dst(%arg12 : memref<32x16xf32, #tpu.memory_space<vmem>>)
    %parallel_loop3A_61 = arith.constant 0 : i32
    %parallel_loop3A_62 = arith.constant 32 : i32
    %parallel_loop3A_63 = arith.constant 1 : i32
    scf.for %parallel_loop3A_137 = %parallel_loop3A_61 to %parallel_loop3A_62 step %parallel_loop3A_63  : i32 {
      %parallel_loop3A_138 = arith.index_cast %parallel_loop3A_137 : i32 to index
      %parallel_loop3A_139 = arith.constant 0 : index
      %parallel_loop3A_140 = tpu.vector_load %arg12[%parallel_loop3A_138, %parallel_loop3A_139] {strides = array<i32>} : memref<32x16xf32, #tpu.memory_space<vmem>>, vector<1x16xf32>,
      %parallel_loop3A_141 = vector.shape_cast %parallel_loop3A_140 : vector<1x16xf32> to vector<16xf32>
      %parallel_loop3A_142 = arith.constant 32 : i32
      %parallel_loop3A_143 = arith.addi %parallel_loop3A_142, %parallel_loop3A_137 : i32
      %parallel_loop3A_144 = arith.index_cast %parallel_loop3A_137 : i32 to index
      %parallel_loop3A_145 = arith.constant 0 : index
      %parallel_loop3A_146 = tpu.vector_load %arg8[%parallel_loop3A_144, %parallel_loop3A_145] {strides = array<i32>} : memref<32x256xf32, #tpu.memory_space<vmem>>, vector<1x16xf32>,
      %parallel_loop3A_147 = vector.shape_cast %parallel_loop3A_146 : vector<1x16xf32> to vector<16xf32>
      %parallel_loop3A_148 = arith.index_cast %parallel_loop3A_143 : i32 to index
      %parallel_loop3A_149 = arith.constant 0 : index
      %parallel_loop3A_150 = tpu.vector_load %arg6[%parallel_loop3A_148, %parallel_loop3A_149] {strides = array<i32>} : memref<256x256xf32, #tpu.memory_space<vmem>>, vector<1x16xf32>,
      %parallel_loop3A_151 = vector.shape_cast %parallel_loop3A_150 : vector<1x16xf32> to vector<16xf32>
      %parallel_loop3A_152 = arith.addf %parallel_loop3A_147, %parallel_loop3A_151 : vector<16xf32>
      %parallel_loop3A_153 = arith.addf %parallel_loop3A_152, %parallel_loop3A_141 : vector<16xf32>
      %parallel_loop3A_154 = arith.index_cast %parallel_loop3A_137 : i32 to index
      %parallel_loop3A_155 = arith.constant 0 : index
      %parallel_loop3A_156 = tpu.vector_load %arg10[%parallel_loop3A_154, %parallel_loop3A_155] {strides = array<i32>} : memref<32x256xf32, #tpu.memory_space<vmem>>, vector<1x16xf32>,
      %parallel_loop3A_157 = vector.shape_cast %parallel_loop3A_156 : vector<1x16xf32> to vector<16xf32>
      %parallel_loop3A_158 = vector.shape_cast %parallel_loop3A_153 : vector<16xf32> to vector<1x16xf32>
      tpu.vector_store %arg10[%parallel_loop3A_154, %parallel_loop3A_155], %parallel_loop3A_158 {strides = array<i32>} : memref<32x256xf32, #tpu.memory_space<vmem>>, vector<1x16xf32>,
      %parallel_loop3A_159 = arith.index_cast %parallel_loop3A_137 : i32 to index
      %parallel_loop3A_160 = arith.constant 16 : index
      %parallel_loop3A_161 = tpu.vector_load %arg8[%parallel_loop3A_159, %parallel_loop3A_160] {strides = array<i32>} : memref<32x256xf32, #tpu.memory_space<vmem>>, vector<1x16xf32>,
      %parallel_loop3A_162 = vector.shape_cast %parallel_loop3A_161 : vector<1x16xf32> to vector<16xf32>
      %parallel_loop3A_163 = arith.index_cast %parallel_loop3A_143 : i32 to index
      %parallel_loop3A_164 = arith.constant 16 : index
      %parallel_loop3A_165 = tpu.vector_load %arg6[%parallel_loop3A_163, %parallel_loop3A_164] {strides = array<i32>} : memref<256x256xf32, #tpu.memory_space<vmem>>, vector<1x16xf32>,
      %parallel_loop3A_166 = vector.shape_cast %parallel_loop3A_165 : vector<1x16xf32> to vector<16xf32>
      %parallel_loop3A_167 = arith.addf %parallel_loop3A_162, %parallel_loop3A_166 : vector<16xf32>
      %parallel_loop3A_168 = arith.addf %parallel_loop3A_167, %parallel_loop3A_141 : vector<16xf32>
      %parallel_loop3A_169 = arith.index_cast %parallel_loop3A_137 : i32 to index
      %parallel_loop3A_170 = arith.constant 16 : index
      %parallel_loop3A_171 = tpu.vector_load %arg10[%parallel_loop3A_169, %parallel_loop3A_170] {strides = array<i32>} : memref<32x256xf32, #tpu.memory_space<vmem>>, vector<1x16xf32>,
      %parallel_loop3A_172 = vector.shape_cast %parallel_loop3A_171 : vector<1x16xf32> to vector<16xf32>
      %parallel_loop3A_173 = vector.shape_cast %parallel_loop3A_168 : vector<16xf32> to vector<1x16xf32>
      tpu.vector_store %arg10[%parallel_loop3A_169, %parallel_loop3A_170], %parallel_loop3A_173 {strides = array<i32>} : memref<32x256xf32, #tpu.memory_space<vmem>>, vector<1x16xf32>,
      %parallel_loop3A_174 = arith.index_cast %parallel_loop3A_137 : i32 to index
      %parallel_loop3A_175 = arith.constant 32 : index
      %parallel_loop3A_176 = tpu.vector_load %arg8[%parallel_loop3A_174, %parallel_loop3A_175] {strides = array<i32>} : memref<32x256xf32, #tpu.memory_space<vmem>>, vector<1x16xf32>,
      %parallel_loop3A_177 = vector.shape_cast %parallel_loop3A_176 : vector<1x16xf32> to vector<16xf32>
      %parallel_loop3A_178 = arith.index_cast %parallel_loop3A_143 : i32 to index
      %parallel_loop3A_179 = arith.constant 32 : index
      %parallel_loop3A_180 = tpu.vector_load %arg6[%parallel_loop3A_178, %parallel_loop3A_179] {strides = array<i32>} : memref<256x256xf32, #tpu.memory_space<vmem>>, vector<1x16xf32>,
      %parallel_loop3A_181 = vector.shape_cast %parallel_loop3A_180 : vector<1x16xf32> to vector<16xf32>
      %parallel_loop3A_182 = arith.addf %parallel_loop3A_177, %parallel_loop3A_181 : vector<16xf32>
      %parallel_loop3A_183 = arith.addf %parallel_loop3A_182, %parallel_loop3A_141 : vector<16xf32>
      %parallel_loop3A_184 = arith.index_cast %parallel_loop3A_137 : i32 to index
      %parallel_loop3A_185 = arith.constant 32 : index
      %parallel_loop3A_186 = tpu.vector_load %arg10[%parallel_loop3A_184, %parallel_loop3A_185] {strides = array<i32>} : memref<32x256xf32, #tpu.memory_space<vmem>>, vector<1x16xf32>,
      %parallel_loop3A_187 = vector.shape_cast %parallel_loop3A_186 : vector<1x16xf32> to vector<16xf32>
      %parallel_loop3A_188 = vector.shape_cast %parallel_loop3A_183 : vector<16xf32> to vector<1x16xf32>
      tpu.vector_store %arg10[%parallel_loop3A_184, %parallel_loop3A_185], %parallel_loop3A_188 {strides = array<i32>} : memref<32x256xf32, #tpu.memory_space<vmem>>, vector<1x16xf32>,
      %parallel_loop3A_189 = arith.index_cast %parallel_loop3A_137 : i32 to index
      %parallel_loop3A_190 = arith.constant 48 : index
      %parallel_loop3A_191 = tpu.vector_load %arg8[%parallel_loop3A_189, %parallel_loop3A_190] {strides = array<i32>} : memref<32x256xf32, #tpu.memory_space<vmem>>, vector<1x16xf32>,
      %parallel_loop3A_192 = vector.shape_cast %parallel_loop3A_191 : vector<1x16xf32> to vector<16xf32>
      %parallel_loop3A_193 = arith.index_cast %parallel_loop3A_143 : i32 to index
      %parallel_loop3A_194 = arith.constant 48 : index
      %parallel_loop3A_195 = tpu.vector_load %arg6[%parallel_loop3A_193, %parallel_loop3A_194] {strides = array<i32>} : memref<256x256xf32, #tpu.memory_space<vmem>>, vector<1x16xf32>,
      %parallel_loop3A_196 = vector.shape_cast %parallel_loop3A_195 : vector<1x16xf32> to vector<16xf32>
      %parallel_loop3A_197 = arith.addf %parallel_loop3A_192, %parallel_loop3A_196 : vector<16xf32>
      %parallel_loop3A_198 = arith.addf %parallel_loop3A_197, %parallel_loop3A_141 : vector<16xf32>
      %parallel_loop3A_199 = arith.index_cast %parallel_loop3A_137 : i32 to index
      %parallel_loop3A_200 = arith.constant 48 : index
      %parallel_loop3A_201 = tpu.vector_load %arg10[%parallel_loop3A_199, %parallel_loop3A_200] {strides = array<i32>} : memref<32x256xf32, #tpu.memory_space<vmem>>, vector<1x16xf32>,
      %parallel_loop3A_202 = vector.shape_cast %parallel_loop3A_201 : vector<1x16xf32> to vector<16xf32>
      %parallel_loop3A_203 = vector.shape_cast %parallel_loop3A_198 : vector<16xf32> to vector<1x16xf32>
      tpu.vector_store %arg10[%parallel_loop3A_199, %parallel_loop3A_200], %parallel_loop3A_203 {strides = array<i32>} : memref<32x256xf32, #tpu.memory_space<vmem>>, vector<1x16xf32>,
      %parallel_loop3A_204 = arith.index_cast %parallel_loop3A_137 : i32 to index
      %parallel_loop3A_205 = arith.constant 64 : index
      %parallel_loop3A_206 = tpu.vector_load %arg8[%parallel_loop3A_204, %parallel_loop3A_205] {strides = array<i32>} : memref<32x256xf32, #tpu.memory_space<vmem>>, vector<1x16xf32>,
      %parallel_loop3A_207 = vector.shape_cast %parallel_loop3A_206 : vector<1x16xf32> to vector<16xf32>
      %parallel_loop3A_208 = arith.index_cast %parallel_loop3A_143 : i32 to index
      %parallel_loop3A_209 = arith.constant 64 : index
      %parallel_loop3A_210 = tpu.vector_load %arg6[%parallel_loop3A_208, %parallel_loop3A_209] {strides = array<i32>} : memref<256x256xf32, #tpu.memory_space<vmem>>, vector<1x16xf32>,
      %parallel_loop3A_211 = vector.shape_cast %parallel_loop3A_210 : vector<1x16xf32> to vector<16xf32>
      %parallel_loop3A_212 = arith.addf %parallel_loop3A_207, %parallel_loop3A_211 : vector<16xf32>
      %parallel_loop3A_213 = arith.addf %parallel_loop3A_212, %parallel_loop3A_141 : vector<16xf32>
      %parallel_loop3A_214 = arith.index_cast %parallel_loop3A_137 : i32 to index
      %parallel_loop3A_215 = arith.constant 64 : index
      %parallel_loop3A_216 = tpu.vector_load %arg10[%parallel_loop3A_214, %parallel_loop3A_215] {strides = array<i32>} : memref<32x256xf32, #tpu.memory_space<vmem>>, vector<1x16xf32>,
      %parallel_loop3A_217 = vector.shape_cast %parallel_loop3A_216 : vector<1x16xf32> to vector<16xf32>
      %parallel_loop3A_218 = vector.shape_cast %parallel_loop3A_213 : vector<16xf32> to vector<1x16xf32>
      tpu.vector_store %arg10[%parallel_loop3A_214, %parallel_loop3A_215], %parallel_loop3A_218 {strides = array<i32>} : memref<32x256xf32, #tpu.memory_space<vmem>>, vector<1x16xf32>,
      %parallel_loop3A_219 = arith.index_cast %parallel_loop3A_137 : i32 to index
      %parallel_loop3A_220 = arith.constant 80 : index
      %parallel_loop3A_221 = tpu.vector_load %arg8[%parallel_loop3A_219, %parallel_loop3A_220] {strides = array<i32>} : memref<32x256xf32, #tpu.memory_space<vmem>>, vector<1x16xf32>,
      %parallel_loop3A_222 = vector.shape_cast %parallel_loop3A_221 : vector<1x16xf32> to vector<16xf32>
      %parallel_loop3A_223 = arith.index_cast %parallel_loop3A_143 : i32 to index
      %parallel_loop3A_224 = arith.constant 80 : index
      %parallel_loop3A_225 = tpu.vector_load %arg6[%parallel_loop3A_223, %parallel_loop3A_224] {strides = array<i32>} : memref<256x256xf32, #tpu.memory_space<vmem>>, vector<1x16xf32>,
      %parallel_loop3A_226 = vector.shape_cast %parallel_loop3A_225 : vector<1x16xf32> to vector<16xf32>
      %parallel_loop3A_227 = arith.addf %parallel_loop3A_222, %parallel_loop3A_226 : vector<16xf32>
      %parallel_loop3A_228 = arith.addf %parallel_loop3A_227, %parallel_loop3A_141 : vector<16xf32>
      %parallel_loop3A_229 = arith.index_cast %parallel_loop3A_137 : i32 to index
      %parallel_loop3A_230 = arith.constant 80 : index
      %parallel_loop3A_231 = tpu.vector_load %arg10[%parallel_loop3A_229, %parallel_loop3A_230] {strides = array<i32>} : memref<32x256xf32, #tpu.memory_space<vmem>>, vector<1x16xf32>,
      %parallel_loop3A_232 = vector.shape_cast %parallel_loop3A_231 : vector<1x16xf32> to vector<16xf32>
      %parallel_loop3A_233 = vector.shape_cast %parallel_loop3A_228 : vector<16xf32> to vector<1x16xf32>
      tpu.vector_store %arg10[%parallel_loop3A_229, %parallel_loop3A_230], %parallel_loop3A_233 {strides = array<i32>} : memref<32x256xf32, #tpu.memory_space<vmem>>, vector<1x16xf32>,
      %parallel_loop3A_234 = arith.index_cast %parallel_loop3A_137 : i32 to index
      %parallel_loop3A_235 = arith.constant 96 : index
      %parallel_loop3A_236 = tpu.vector_load %arg8[%parallel_loop3A_234, %parallel_loop3A_235] {strides = array<i32>} : memref<32x256xf32, #tpu.memory_space<vmem>>, vector<1x16xf32>,
      %parallel_loop3A_237 = vector.shape_cast %parallel_loop3A_236 : vector<1x16xf32> to vector<16xf32>
      %parallel_loop3A_238 = arith.index_cast %parallel_loop3A_143 : i32 to index
      %parallel_loop3A_239 = arith.constant 96 : index
      %parallel_loop3A_240 = tpu.vector_load %arg6[%parallel_loop3A_238, %parallel_loop3A_239] {strides = array<i32>} : memref<256x256xf32, #tpu.memory_space<vmem>>, vector<1x16xf32>,
      %parallel_loop3A_241 = vector.shape_cast %parallel_loop3A_240 : vector<1x16xf32> to vector<16xf32>
      %parallel_loop3A_242 = arith.addf %parallel_loop3A_237, %parallel_loop3A_241 : vector<16xf32>
      %parallel_loop3A_243 = arith.addf %parallel_loop3A_242, %parallel_loop3A_141 : vector<16xf32>
      %parallel_loop3A_244 = arith.index_cast %parallel_loop3A_137 : i32 to index
      %parallel_loop3A_245 = arith.constant 96 : index
      %parallel_loop3A_246 = tpu.vector_load %arg10[%parallel_loop3A_244, %parallel_loop3A_245] {strides = array<i32>} : memref<32x256xf32, #tpu.memory_space<vmem>>, vector<1x16xf32>,
      %parallel_loop3A_247 = vector.shape_cast %parallel_loop3A_246 : vector<1x16xf32> to vector<16xf32>
      %parallel_loop3A_248 = vector.shape_cast %parallel_loop3A_243 : vector<16xf32> to vector<1x16xf32>
      tpu.vector_store %arg10[%parallel_loop3A_244, %parallel_loop3A_245], %parallel_loop3A_248 {strides = array<i32>} : memref<32x256xf32, #tpu.memory_space<vmem>>, vector<1x16xf32>,
      %parallel_loop3A_249 = arith.index_cast %parallel_loop3A_137 : i32 to index
      %parallel_loop3A_250 = arith.constant 112 : index
      %parallel_loop3A_251 = tpu.vector_load %arg8[%parallel_loop3A_249, %parallel_loop3A_250] {strides = array<i32>} : memref<32x256xf32, #tpu.memory_space<vmem>>, vector<1x16xf32>,
      %parallel_loop3A_252 = vector.shape_cast %parallel_loop3A_251 : vector<1x16xf32> to vector<16xf32>
      %parallel_loop3A_253 = arith.index_cast %parallel_loop3A_143 : i32 to index
      %parallel_loop3A_254 = arith.constant 112 : index
      %parallel_loop3A_255 = tpu.vector_load %arg6[%parallel_loop3A_253, %parallel_loop3A_254] {strides = array<i32>} : memref<256x256xf32, #tpu.memory_space<vmem>>, vector<1x16xf32>,
      %parallel_loop3A_256 = vector.shape_cast %parallel_loop3A_255 : vector<1x16xf32> to vector<16xf32>
      %parallel_loop3A_257 = arith.addf %parallel_loop3A_252, %parallel_loop3A_256 : vector<16xf32>
      %parallel_loop3A_258 = arith.addf %parallel_loop3A_257, %parallel_loop3A_141 : vector<16xf32>
      %parallel_loop3A_259 = arith.index_cast %parallel_loop3A_137 : i32 to index
      %parallel_loop3A_260 = arith.constant 112 : index
      %parallel_loop3A_261 = tpu.vector_load %arg10[%parallel_loop3A_259, %parallel_loop3A_260] {strides = array<i32>} : memref<32x256xf32, #tpu.memory_space<vmem>>, vector<1x16xf32>,
      %parallel_loop3A_262 = vector.shape_cast %parallel_loop3A_261 : vector<1x16xf32> to vector<16xf32>
      %parallel_loop3A_263 = vector.shape_cast %parallel_loop3A_258 : vector<16xf32> to vector<1x16xf32>
      tpu.vector_store %arg10[%parallel_loop3A_259, %parallel_loop3A_260], %parallel_loop3A_263 {strides = array<i32>} : memref<32x256xf32, #tpu.memory_space<vmem>>, vector<1x16xf32>,
      %parallel_loop3A_264 = arith.index_cast %parallel_loop3A_137 : i32 to index
      %parallel_loop3A_265 = arith.constant 128 : index
      %parallel_loop3A_266 = tpu.vector_load %arg8[%parallel_loop3A_264, %parallel_loop3A_265] {strides = array<i32>} : memref<32x256xf32, #tpu.memory_space<vmem>>, vector<1x16xf32>,
      %parallel_loop3A_267 = vector.shape_cast %parallel_loop3A_266 : vector<1x16xf32> to vector<16xf32>
      %parallel_loop3A_268 = arith.index_cast %parallel_loop3A_143 : i32 to index
      %parallel_loop3A_269 = arith.constant 128 : index
      %parallel_loop3A_270 = tpu.vector_load %arg6[%parallel_loop3A_268, %parallel_loop3A_269] {strides = array<i32>} : memref<256x256xf32, #tpu.memory_space<vmem>>, vector<1x16xf32>,
      %parallel_loop3A_271 = vector.shape_cast %parallel_loop3A_270 : vector<1x16xf32> to vector<16xf32>
      %parallel_loop3A_272 = arith.addf %parallel_loop3A_267, %parallel_loop3A_271 : vector<16xf32>
      %parallel_loop3A_273 = arith.addf %parallel_loop3A_272, %parallel_loop3A_141 : vector<16xf32>
      %parallel_loop3A_274 = arith.index_cast %parallel_loop3A_137 : i32 to index
      %parallel_loop3A_275 = arith.constant 128 : index
      %parallel_loop3A_276 = tpu.vector_load %arg10[%parallel_loop3A_274, %parallel_loop3A_275] {strides = array<i32>} : memref<32x256xf32, #tpu.memory_space<vmem>>, vector<1x16xf32>,
      %parallel_loop3A_277 = vector.shape_cast %parallel_loop3A_276 : vector<1x16xf32> to vector<16xf32>
      %parallel_loop3A_278 = vector.shape_cast %parallel_loop3A_273 : vector<16xf32> to vector<1x16xf32>
      tpu.vector_store %arg10[%parallel_loop3A_274, %parallel_loop3A_275], %parallel_loop3A_278 {strides = array<i32>} : memref<32x256xf32, #tpu.memory_space<vmem>>, vector<1x16xf32>,
      %parallel_loop3A_279 = arith.index_cast %parallel_loop3A_137 : i32 to index
      %parallel_loop3A_280 = arith.constant 144 : index
      %parallel_loop3A_281 = tpu.vector_load %arg8[%parallel_loop3A_279, %parallel_loop3A_280] {strides = array<i32>} : memref<32x256xf32, #tpu.memory_space<vmem>>, vector<1x16xf32>,
      %parallel_loop3A_282 = vector.shape_cast %parallel_loop3A_281 : vector<1x16xf32> to vector<16xf32>
      %parallel_loop3A_283 = arith.index_cast %parallel_loop3A_143 : i32 to index
      %parallel_loop3A_284 = arith.constant 144 : index
      %parallel_loop3A_285 = tpu.vector_load %arg6[%parallel_loop3A_283, %parallel_loop3A_284] {strides = array<i32>} : memref<256x256xf32, #tpu.memory_space<vmem>>, vector<1x16xf32>,
      %parallel_loop3A_286 = vector.shape_cast %parallel_loop3A_285 : vector<1x16xf32> to vector<16xf32>
      %parallel_loop3A_287 = arith.addf %parallel_loop3A_282, %parallel_loop3A_286 : vector<16xf32>
      %parallel_loop3A_288 = arith.addf %parallel_loop3A_287, %parallel_loop3A_141 : vector<16xf32>
      %parallel_loop3A_289 = arith.index_cast %parallel_loop3A_137 : i32 to index
      %parallel_loop3A_290 = arith.constant 144 : index
      %parallel_loop3A_291 = tpu.vector_load %arg10[%parallel_loop3A_289, %parallel_loop3A_290] {strides = array<i32>} : memref<32x256xf32, #tpu.memory_space<vmem>>, vector<1x16xf32>,
      %parallel_loop3A_292 = vector.shape_cast %parallel_loop3A_291 : vector<1x16xf32> to vector<16xf32>
      %parallel_loop3A_293 = vector.shape_cast %parallel_loop3A_288 : vector<16xf32> to vector<1x16xf32>
      tpu.vector_store %arg10[%parallel_loop3A_289, %parallel_loop3A_290], %parallel_loop3A_293 {strides = array<i32>} : memref<32x256xf32, #tpu.memory_space<vmem>>, vector<1x16xf32>,
      %parallel_loop3A_294 = arith.index_cast %parallel_loop3A_137 : i32 to index
      %parallel_loop3A_295 = arith.constant 160 : index
      %parallel_loop3A_296 = tpu.vector_load %arg8[%parallel_loop3A_294, %parallel_loop3A_295] {strides = array<i32>} : memref<32x256xf32, #tpu.memory_space<vmem>>, vector<1x16xf32>,
      %parallel_loop3A_297 = vector.shape_cast %parallel_loop3A_296 : vector<1x16xf32> to vector<16xf32>
      %parallel_loop3A_298 = arith.index_cast %parallel_loop3A_143 : i32 to index
      %parallel_loop3A_299 = arith.constant 160 : index
      %parallel_loop3A_300 = tpu.vector_load %arg6[%parallel_loop3A_298, %parallel_loop3A_299] {strides = array<i32>} : memref<256x256xf32, #tpu.memory_space<vmem>>, vector<1x16xf32>,
      %parallel_loop3A_301 = vector.shape_cast %parallel_loop3A_300 : vector<1x16xf32> to vector<16xf32>
      %parallel_loop3A_302 = arith.addf %parallel_loop3A_297, %parallel_loop3A_301 : vector<16xf32>
      %parallel_loop3A_303 = arith.addf %parallel_loop3A_302, %parallel_loop3A_141 : vector<16xf32>
      %parallel_loop3A_304 = arith.index_cast %parallel_loop3A_137 : i32 to index
      %parallel_loop3A_305 = arith.constant 160 : index
      %parallel_loop3A_306 = tpu.vector_load %arg10[%parallel_loop3A_304, %parallel_loop3A_305] {strides = array<i32>} : memref<32x256xf32, #tpu.memory_space<vmem>>, vector<1x16xf32>,
      %parallel_loop3A_307 = vector.shape_cast %parallel_loop3A_306 : vector<1x16xf32> to vector<16xf32>
      %parallel_loop3A_308 = vector.shape_cast %parallel_loop3A_303 : vector<16xf32> to vector<1x16xf32>
      tpu.vector_store %arg10[%parallel_loop3A_304, %parallel_loop3A_305], %parallel_loop3A_308 {strides = array<i32>} : memref<32x256xf32, #tpu.memory_space<vmem>>, vector<1x16xf32>,
      %parallel_loop3A_309 = arith.index_cast %parallel_loop3A_137 : i32 to index
      %parallel_loop3A_310 = arith.constant 176 : index
      %parallel_loop3A_311 = tpu.vector_load %arg8[%parallel_loop3A_309, %parallel_loop3A_310] {strides = array<i32>} : memref<32x256xf32, #tpu.memory_space<vmem>>, vector<1x16xf32>,
      %parallel_loop3A_312 = vector.shape_cast %parallel_loop3A_311 : vector<1x16xf32> to vector<16xf32>
      %parallel_loop3A_313 = arith.index_cast %parallel_loop3A_143 : i32 to index
      %parallel_loop3A_314 = arith.constant 176 : index
      %parallel_loop3A_315 = tpu.vector_load %arg6[%parallel_loop3A_313, %parallel_loop3A_314] {strides = array<i32>} : memref<256x256xf32, #tpu.memory_space<vmem>>, vector<1x16xf32>,
      %parallel_loop3A_316 = vector.shape_cast %parallel_loop3A_315 : vector<1x16xf32> to vector<16xf32>
      %parallel_loop3A_317 = arith.addf %parallel_loop3A_312, %parallel_loop3A_316 : vector<16xf32>
      %parallel_loop3A_318 = arith.addf %parallel_loop3A_317, %parallel_loop3A_141 : vector<16xf32>
      %parallel_loop3A_319 = arith.index_cast %parallel_loop3A_137 : i32 to index
      %parallel_loop3A_320 = arith.constant 176 : index
      %parallel_loop3A_321 = tpu.vector_load %arg10[%parallel_loop3A_319, %parallel_loop3A_320] {strides = array<i32>} : memref<32x256xf32, #tpu.memory_space<vmem>>, vector<1x16xf32>,
      %parallel_loop3A_322 = vector.shape_cast %parallel_loop3A_321 : vector<1x16xf32> to vector<16xf32>
      %parallel_loop3A_323 = vector.shape_cast %parallel_loop3A_318 : vector<16xf32> to vector<1x16xf32>
      tpu.vector_store %arg10[%parallel_loop3A_319, %parallel_loop3A_320], %parallel_loop3A_323 {strides = array<i32>} : memref<32x256xf32, #tpu.memory_space<vmem>>, vector<1x16xf32>,
      %parallel_loop3A_324 = arith.index_cast %parallel_loop3A_137 : i32 to index
      %parallel_loop3A_325 = arith.constant 192 : index
      %parallel_loop3A_326 = tpu.vector_load %arg8[%parallel_loop3A_324, %parallel_loop3A_325] {strides = array<i32>} : memref<32x256xf32, #tpu.memory_space<vmem>>, vector<1x16xf32>,
      %parallel_loop3A_327 = vector.shape_cast %parallel_loop3A_326 : vector<1x16xf32> to vector<16xf32>
      %parallel_loop3A_328 = arith.index_cast %parallel_loop3A_143 : i32 to index
      %parallel_loop3A_329 = arith.constant 192 : index
      %parallel_loop3A_330 = tpu.vector_load %arg6[%parallel_loop3A_328, %parallel_loop3A_329] {strides = array<i32>} : memref<256x256xf32, #tpu.memory_space<vmem>>, vector<1x16xf32>,
      %parallel_loop3A_331 = vector.shape_cast %parallel_loop3A_330 : vector<1x16xf32> to vector<16xf32>
      %parallel_loop3A_332 = arith.addf %parallel_loop3A_327, %parallel_loop3A_331 : vector<16xf32>
      %parallel_loop3A_333 = arith.addf %parallel_loop3A_332, %parallel_loop3A_141 : vector<16xf32>
      %parallel_loop3A_334 = arith.index_cast %parallel_loop3A_137 : i32 to index
      %parallel_loop3A_335 = arith.constant 192 : index
      %parallel_loop3A_336 = tpu.vector_load %arg10[%parallel_loop3A_334, %parallel_loop3A_335] {strides = array<i32>} : memref<32x256xf32, #tpu.memory_space<vmem>>, vector<1x16xf32>,
      %parallel_loop3A_337 = vector.shape_cast %parallel_loop3A_336 : vector<1x16xf32> to vector<16xf32>
      %parallel_loop3A_338 = vector.shape_cast %parallel_loop3A_333 : vector<16xf32> to vector<1x16xf32>
      tpu.vector_store %arg10[%parallel_loop3A_334, %parallel_loop3A_335], %parallel_loop3A_338 {strides = array<i32>} : memref<32x256xf32, #tpu.memory_space<vmem>>, vector<1x16xf32>,
      %parallel_loop3A_339 = arith.index_cast %parallel_loop3A_137 : i32 to index
      %parallel_loop3A_340 = arith.constant 208 : index
      %parallel_loop3A_341 = tpu.vector_load %arg8[%parallel_loop3A_339, %parallel_loop3A_340] {strides = array<i32>} : memref<32x256xf32, #tpu.memory_space<vmem>>, vector<1x16xf32>,
      %parallel_loop3A_342 = vector.shape_cast %parallel_loop3A_341 : vector<1x16xf32> to vector<16xf32>
      %parallel_loop3A_343 = arith.index_cast %parallel_loop3A_143 : i32 to index
      %parallel_loop3A_344 = arith.constant 208 : index
      %parallel_loop3A_345 = tpu.vector_load %arg6[%parallel_loop3A_343, %parallel_loop3A_344] {strides = array<i32>} : memref<256x256xf32, #tpu.memory_space<vmem>>, vector<1x16xf32>,
      %parallel_loop3A_346 = vector.shape_cast %parallel_loop3A_345 : vector<1x16xf32> to vector<16xf32>
      %parallel_loop3A_347 = arith.addf %parallel_loop3A_342, %parallel_loop3A_346 : vector<16xf32>
      %parallel_loop3A_348 = arith.addf %parallel_loop3A_347, %parallel_loop3A_141 : vector<16xf32>
      %parallel_loop3A_349 = arith.index_cast %parallel_loop3A_137 : i32 to index
      %parallel_loop3A_350 = arith.constant 208 : index
      %parallel_loop3A_351 = tpu.vector_load %arg10[%parallel_loop3A_349, %parallel_loop3A_350] {strides = array<i32>} : memref<32x256xf32, #tpu.memory_space<vmem>>, vector<1x16xf32>,
      %parallel_loop3A_352 = vector.shape_cast %parallel_loop3A_351 : vector<1x16xf32> to vector<16xf32>
      %parallel_loop3A_353 = vector.shape_cast %parallel_loop3A_348 : vector<16xf32> to vector<1x16xf32>
      tpu.vector_store %arg10[%parallel_loop3A_349, %parallel_loop3A_350], %parallel_loop3A_353 {strides = array<i32>} : memref<32x256xf32, #tpu.memory_space<vmem>>, vector<1x16xf32>,
      %parallel_loop3A_354 = arith.index_cast %parallel_loop3A_137 : i32 to index
      %parallel_loop3A_355 = arith.constant 224 : index
      %parallel_loop3A_356 = tpu.vector_load %arg8[%parallel_loop3A_354, %parallel_loop3A_355] {strides = array<i32>} : memref<32x256xf32, #tpu.memory_space<vmem>>, vector<1x16xf32>,
      %parallel_loop3A_357 = vector.shape_cast %parallel_loop3A_356 : vector<1x16xf32> to vector<16xf32>
      %parallel_loop3A_358 = arith.index_cast %parallel_loop3A_143 : i32 to index
      %parallel_loop3A_359 = arith.constant 224 : index
      %parallel_loop3A_360 = tpu.vector_load %arg6[%parallel_loop3A_358, %parallel_loop3A_359] {strides = array<i32>} : memref<256x256xf32, #tpu.memory_space<vmem>>, vector<1x16xf32>,
      %parallel_loop3A_361 = vector.shape_cast %parallel_loop3A_360 : vector<1x16xf32> to vector<16xf32>
      %parallel_loop3A_362 = arith.addf %parallel_loop3A_357, %parallel_loop3A_361 : vector<16xf32>
      %parallel_loop3A_363 = arith.addf %parallel_loop3A_362, %parallel_loop3A_141 : vector<16xf32>
      %parallel_loop3A_364 = arith.index_cast %parallel_loop3A_137 : i32 to index
      %parallel_loop3A_365 = arith.constant 224 : index
      %parallel_loop3A_366 = tpu.vector_load %arg10[%parallel_loop3A_364, %parallel_loop3A_365] {strides = array<i32>} : memref<32x256xf32, #tpu.memory_space<vmem>>, vector<1x16xf32>,
      %parallel_loop3A_367 = vector.shape_cast %parallel_loop3A_366 : vector<1x16xf32> to vector<16xf32>
      %parallel_loop3A_368 = vector.shape_cast %parallel_loop3A_363 : vector<16xf32> to vector<1x16xf32>
      tpu.vector_store %arg10[%parallel_loop3A_364, %parallel_loop3A_365], %parallel_loop3A_368 {strides = array<i32>} : memref<32x256xf32, #tpu.memory_space<vmem>>, vector<1x16xf32>,
      %parallel_loop3A_369 = arith.index_cast %parallel_loop3A_137 : i32 to index
      %parallel_loop3A_370 = arith.constant 240 : index
      %parallel_loop3A_371 = tpu.vector_load %arg8[%parallel_loop3A_369, %parallel_loop3A_370] {strides = array<i32>} : memref<32x256xf32, #tpu.memory_space<vmem>>, vector<1x16xf32>,
      %parallel_loop3A_372 = vector.shape_cast %parallel_loop3A_371 : vector<1x16xf32> to vector<16xf32>
      %parallel_loop3A_373 = arith.index_cast %parallel_loop3A_143 : i32 to index
      %parallel_loop3A_374 = arith.constant 240 : index
      %parallel_loop3A_375 = tpu.vector_load %arg6[%parallel_loop3A_373, %parallel_loop3A_374] {strides = array<i32>} : memref<256x256xf32, #tpu.memory_space<vmem>>, vector<1x16xf32>,
      %parallel_loop3A_376 = vector.shape_cast %parallel_loop3A_375 : vector<1x16xf32> to vector<16xf32>
      %parallel_loop3A_377 = arith.addf %parallel_loop3A_372, %parallel_loop3A_376 : vector<16xf32>
      %parallel_loop3A_378 = arith.addf %parallel_loop3A_377, %parallel_loop3A_141 : vector<16xf32>
      %parallel_loop3A_379 = arith.index_cast %parallel_loop3A_137 : i32 to index
      %parallel_loop3A_380 = arith.constant 240 : index
      %parallel_loop3A_381 = tpu.vector_load %arg10[%parallel_loop3A_379, %parallel_loop3A_380] {strides = array<i32>} : memref<32x256xf32, #tpu.memory_space<vmem>>, vector<1x16xf32>,
      %parallel_loop3A_382 = vector.shape_cast %parallel_loop3A_381 : vector<1x16xf32> to vector<16xf32>
      %parallel_loop3A_383 = vector.shape_cast %parallel_loop3A_378 : vector<16xf32> to vector<1x16xf32>
      tpu.vector_store %arg10[%parallel_loop3A_379, %parallel_loop3A_380], %parallel_loop3A_383 {strides = array<i32>} : memref<32x256xf32, #tpu.memory_space<vmem>>, vector<1x16xf32>,
    } {sc.loop_unroll_factor = 8 : i64, sc.parallel_access}
    %add3A_64 = arith.constant 32 : i32
    %add3A_65 = arith.addi %mul3A_2, %add3A_64 : i32
    %dma_start3A_66 = arith.constant 0 : i32
    %dma_start3A_67 = tpu.memref_slice %arg5[%add3A_65, %dma_start3A_66] : memref<65536x256xf32, #tpu.memory_space<hbm>> -> memref<32x256xf32, #tpu.memory_space<hbm>>
    %dma_start3A_68 = arith.constant 0 : i32
    %dma_start3A_69 = tpu.memref_slice %arg5[%add3A_65, %dma_start3A_68] : memref<65536x256xf32, #tpu.memory_space<hbm>> -> memref<32x256xf32, #tpu.memory_space<hbm>>
    tpu.enqueue_dma source(%arg10 : memref<32x256xf32, #tpu.memory_space<vmem>>) target(%dma_start3A_69 : memref<32x256xf32, #tpu.memory_space<hbm>>) target_semaphore(%arg16 : memref<!tpu.dma_semaphore, #tpu.memory_space<semaphore_mem>>)
    %add3A_70 = arith.constant 96 : i32
    %add3A_71 = arith.addi %mul3A_2, %add3A_70 : i32
    %dma_start3A_72 = arith.constant 0 : i32
    %dma_start3A_73 = tpu.memref_slice %arg2[%add3A_71, %dma_start3A_72] : memref<65536x256xf32, #tpu.memory_space<hbm>> -> memref<32x256xf32, #tpu.memory_space<hbm>>
    %dma_start3A_74 = arith.constant 0 : i32
    %dma_start3A_75 = tpu.memref_slice %arg2[%add3A_71, %dma_start3A_74] : memref<65536x256xf32, #tpu.memory_space<hbm>> -> memref<32x256xf32, #tpu.memory_space<hbm>>
    tpu.enqueue_dma source(%dma_start3A_75 : memref<32x256xf32, #tpu.memory_space<hbm>>) target(%arg8 : memref<32x256xf32, #tpu.memory_space<vmem>>) target_semaphore(%arg14 : memref<!tpu.dma_semaphore, #tpu.memory_space<semaphore_mem>>)
    %add3A_76 = arith.constant 96 : i32
    %add3A_77 = arith.addi %mul3A_2, %add3A_76 : i32
    %dma_start3A_78 = arith.constant 0 : i32
    %dma_start3A_79 = tpu.memref_slice %arg4[%add3A_77, %dma_start3A_78] : memref<65536x16xf32, #tpu.memory_space<hbm>> -> memref<32x16xf32, #tpu.memory_space<hbm>>
    %dma_start3A_80 = arith.constant 0 : i32
    %dma_start3A_81 = tpu.memref_slice %arg4[%add3A_77, %dma_start3A_80] : memref<65536x16xf32, #tpu.memory_space<hbm>> -> memref<32x16xf32, #tpu.memory_space<hbm>>
    tpu.enqueue_dma source(%dma_start3A_81 : memref<32x16xf32, #tpu.memory_space<hbm>>) target(%arg12 : memref<32x16xf32, #tpu.memory_space<vmem>>) target_semaphore(%arg14 : memref<!tpu.dma_semaphore, #tpu.memory_space<semaphore_mem>>)
    %scan3A = arith.constant 0 : i32
    %scan3A_82 = arith.constant 1 : i32
    %scan3A_83 = arith.constant 30 : i32
    %scan3A_84 = arith.addi %scan3A_82, %scan3A_83 : i32
    %scan3A_85 = arith.constant 1 : i32
    scf.for %scan3A_137 = %scan3A_82 to %scan3A_84 step %scan3A_85  : i32 {
      %mul3A_138 = arith.constant 2 : i32
      %mul3A_139 = arith.muli %scan3A_137, %mul3A_138 : i32
      %dma_wait3A_140 = arith.constant 0 : i32
      %dma_wait3A_141 = tpu.memref_slice %arg2[%mul3A_2, %dma_wait3A_140] : memref<65536x256xf32, #tpu.memory_space<hbm>> -> memref<32x256xf32, #tpu.memory_space<hbm>>
      %dma_wait3A_142 = arith.constant 0 : i32
      %dma_wait3A_143 = tpu.memref_slice %arg2[%mul3A_2, %dma_wait3A_142] : memref<65536x256xf32, #tpu.memory_space<hbm>> -> memref<32x256xf32, #tpu.memory_space<hbm>>
      tpu.wait_dma2 semaphore(%arg13 : memref<!tpu.dma_semaphore, #tpu.memory_space<semaphore_mem>>) src(%dma_wait3A_143 : memref<32x256xf32, #tpu.memory_space<hbm>>) dst(%arg7 : memref<32x256xf32, #tpu.memory_space<vmem>>)
      %dma_wait3A_144 = arith.constant 0 : i32
      %dma_wait3A_145 = tpu.memref_slice %arg4[%mul3A_2, %dma_wait3A_144] : memref<65536x16xf32, #tpu.memory_space<hbm>> -> memref<32x16xf32, #tpu.memory_space<hbm>>
      %dma_wait3A_146 = arith.constant 0 : i32
      %dma_wait3A_147 = tpu.memref_slice %arg4[%mul3A_2, %dma_wait3A_146] : memref<65536x16xf32, #tpu.memory_space<hbm>> -> memref<32x16xf32, #tpu.memory_space<hbm>>
      tpu.wait_dma2 semaphore(%arg13 : memref<!tpu.dma_semaphore, #tpu.memory_space<semaphore_mem>>) src(%dma_wait3A_147 : memref<32x16xf32, #tpu.memory_space<hbm>>) dst(%arg11 : memref<32x16xf32, #tpu.memory_space<vmem>>)
      %dma_wait3A_148 = arith.constant 0 : i32
      %dma_wait3A_149 = tpu.memref_slice %arg5[%mul3A_2, %dma_wait3A_148] : memref<65536x256xf32, #tpu.memory_space<hbm>> -> memref<32x256xf32, #tpu.memory_space<hbm>>
      %dma_wait3A_150 = arith.constant 0 : i32
      %dma_wait3A_151 = tpu.memref_slice %arg5[%mul3A_2, %dma_wait3A_150] : memref<65536x256xf32, #tpu.memory_space<hbm>> -> memref<32x256xf32, #tpu.memory_space<hbm>>
      tpu.wait_dma2 semaphore(%arg15 : memref<!tpu.dma_semaphore, #tpu.memory_space<semaphore_mem>>) src(%arg9 : memref<32x256xf32, #tpu.memory_space<vmem>>) dst(%dma_wait3A_151 : memref<32x256xf32, #tpu.memory_space<hbm>>)
      %jit3A = arith.constant 8 : i32
      %eq3A = arith.constant 0 : i32
      %eq3A_152 = arith.cmpi eq, %jit3A, %eq3A : i32
      %jit3A_153 = arith.constant 1 : i32
      %select_n3A = arith.select %eq3A_152, %jit3A_153, %jit3A : i32
      %rem3A = arith.remsi %mul3A_139, %select_n3A : i32
      %ne3A = arith.constant 0 : i32
      %ne3A_154 = arith.cmpi ne, %rem3A, %ne3A : i32
      %lt3A = arith.constant 0 : i32
      %lt3A_155 = arith.cmpi slt, %rem3A, %lt3A : i32
      %lt3A_156 = arith.constant 0 : i32
      %lt3A_157 = arith.cmpi slt, %select_n3A, %lt3A_156 : i32
      %ne3A_158 = arith.xori %lt3A_155, %lt3A_157 : i1
      %and3A = arith.andi %ne3A_158, %ne3A_154 : i1
      %add3A_159 = arith.addi %rem3A, %select_n3A : i32
      %select_n3A_160 = arith.select %and3A, %add3A_159, %rem3A : i32
      %mul3A_161 = arith.constant 32 : i32
      %mul3A_162 = arith.muli %select_n3A_160, %mul3A_161 : i32
      %parallel_loop3A_163 = arith.constant 0 : i32
      %parallel_loop3A_164 = arith.constant 32 : i32
      %parallel_loop3A_165 = arith.constant 1 : i32
      scf.for %parallel_loop3A_249 = %parallel_loop3A_163 to %parallel_loop3A_164 step %parallel_loop3A_165  : i32 {
        %parallel_loop3A_250 = arith.index_cast %parallel_loop3A_249 : i32 to index
        %parallel_loop3A_251 = arith.constant 0 : index
        %parallel_loop3A_252 = tpu.vector_load %arg11[%parallel_loop3A_250, %parallel_loop3A_251] {strides = array<i32>} : memref<32x16xf32, #tpu.memory_space<vmem>>, vector<1x16xf32>,
        %parallel_loop3A_253 = vector.shape_cast %parallel_loop3A_252 : vector<1x16xf32> to vector<16xf32>
        %parallel_loop3A_254 = arith.addi %mul3A_162, %parallel_loop3A_249 : i32
        %parallel_loop3A_255 = arith.index_cast %parallel_loop3A_249 : i32 to index
        %parallel_loop3A_256 = arith.constant 0 : index
        %parallel_loop3A_257 = tpu.vector_load %arg7[%parallel_loop3A_255, %parallel_loop3A_256] {strides = array<i32>} : memref<32x256xf32, #tpu.memory_space<vmem>>, vector<1x16xf32>,
        %parallel_loop3A_258 = vector.shape_cast %parallel_loop3A_257 : vector<1x16xf32> to vector<16xf32>
        %parallel_loop3A_259 = arith.index_cast %parallel_loop3A_254 : i32 to index
        %parallel_loop3A_260 = arith.constant 0 : index
        %parallel_loop3A_261 = tpu.vector_load %arg6[%parallel_loop3A_259, %parallel_loop3A_260] {strides = array<i32>} : memref<256x256xf32, #tpu.memory_space<vmem>>, vector<1x16xf32>,
        %parallel_loop3A_262 = vector.shape_cast %parallel_loop3A_261 : vector<1x16xf32> to vector<16xf32>
        %parallel_loop3A_263 = arith.addf %parallel_loop3A_258, %parallel_loop3A_262 : vector<16xf32>
        %parallel_loop3A_264 = arith.addf %parallel_loop3A_263, %parallel_loop3A_253 : vector<16xf32>
        %parallel_loop3A_265 = arith.index_cast %parallel_loop3A_249 : i32 to index
        %parallel_loop3A_266 = arith.constant 0 : index
        %parallel_loop3A_267 = tpu.vector_load %arg9[%parallel_loop3A_265, %parallel_loop3A_266] {strides = array<i32>} : memref<32x256xf32, #tpu.memory_space<vmem>>, vector<1x16xf32>,
        %parallel_loop3A_268 = vector.shape_cast %parallel_loop3A_267 : vector<1x16xf32> to vector<16xf32>
        %parallel_loop3A_269 = vector.shape_cast %parallel_loop3A_264 : vector<16xf32> to vector<1x16xf32>
        tpu.vector_store %arg9[%parallel_loop3A_265, %parallel_loop3A_266], %parallel_loop3A_269 {strides = array<i32>} : memref<32x256xf32, #tpu.memory_space<vmem>>, vector<1x16xf32>,
        %parallel_loop3A_270 = arith.index_cast %parallel_loop3A_249 : i32 to index
        %parallel_loop3A_271 = arith.constant 16 : index
        %parallel_loop3A_272 = tpu.vector_load %arg7[%parallel_loop3A_270, %parallel_loop3A_271] {strides = array<i32>} : memref<32x256xf32, #tpu.memory_space<vmem>>, vector<1x16xf32>,
        %parallel_loop3A_273 = vector.shape_cast %parallel_loop3A_272 : vector<1x16xf32> to vector<16xf32>
        %parallel_loop3A_274 = arith.index_cast %parallel_loop3A_254 : i32 to index
        %parallel_loop3A_275 = arith.constant 16 : index
        %parallel_loop3A_276 = tpu.vector_load %arg6[%parallel_loop3A_274, %parallel_loop3A_275] {strides = array<i32>} : memref<256x256xf32, #tpu.memory_space<vmem>>, vector<1x16xf32>,
        %parallel_loop3A_277 = vector.shape_cast %parallel_loop3A_276 : vector<1x16xf32> to vector<16xf32>
        %parallel_loop3A_278 = arith.addf %parallel_loop3A_273, %parallel_loop3A_277 : vector<16xf32>
        %parallel_loop3A_279 = arith.addf %parallel_loop3A_278, %parallel_loop3A_253 : vector<16xf32>
        %parallel_loop3A_280 = arith.index_cast %parallel_loop3A_249 : i32 to index
        %parallel_loop3A_281 = arith.constant 16 : index
        %parallel_loop3A_282 = tpu.vector_load %arg9[%parallel_loop3A_280, %parallel_loop3A_281] {strides = array<i32>} : memref<32x256xf32, #tpu.memory_space<vmem>>, vector<1x16xf32>,
        %parallel_loop3A_283 = vector.shape_cast %parallel_loop3A_282 : vector<1x16xf32> to vector<16xf32>
        %parallel_loop3A_284 = vector.shape_cast %parallel_loop3A_279 : vector<16xf32> to vector<1x16xf32>
        tpu.vector_store %arg9[%parallel_loop3A_280, %parallel_loop3A_281], %parallel_loop3A_284 {strides = array<i32>} : memref<32x256xf32, #tpu.memory_space<vmem>>, vector<1x16xf32>,
        %parallel_loop3A_285 = arith.index_cast %parallel_loop3A_249 : i32 to index
        %parallel_loop3A_286 = arith.constant 32 : index
        %parallel_loop3A_287 = tpu.vector_load %arg7[%parallel_loop3A_285, %parallel_loop3A_286] {strides = array<i32>} : memref<32x256xf32, #tpu.memory_space<vmem>>, vector<1x16xf32>,
        %parallel_loop3A_288 = vector.shape_cast %parallel_loop3A_287 : vector<1x16xf32> to vector<16xf32>
        %parallel_loop3A_289 = arith.index_cast %parallel_loop3A_254 : i32 to index
        %parallel_loop3A_290 = arith.constant 32 : index
        %parallel_loop3A_291 = tpu.vector_load %arg6[%parallel_loop3A_289, %parallel_loop3A_290] {strides = array<i32>} : memref<256x256xf32, #tpu.memory_space<vmem>>, vector<1x16xf32>,
        %parallel_loop3A_292 = vector.shape_cast %parallel_loop3A_291 : vector<1x16xf32> to vector<16xf32>
        %parallel_loop3A_293 = arith.addf %parallel_loop3A_288, %parallel_loop3A_292 : vector<16xf32>
        %parallel_loop3A_294 = arith.addf %parallel_loop3A_293, %parallel_loop3A_253 : vector<16xf32>
        %parallel_loop3A_295 = arith.index_cast %parallel_loop3A_249 : i32 to index
        %parallel_loop3A_296 = arith.constant 32 : index
        %parallel_loop3A_297 = tpu.vector_load %arg9[%parallel_loop3A_295, %parallel_loop3A_296] {strides = array<i32>} : memref<32x256xf32, #tpu.memory_space<vmem>>, vector<1x16xf32>,
        %parallel_loop3A_298 = vector.shape_cast %parallel_loop3A_297 : vector<1x16xf32> to vector<16xf32>
        %parallel_loop3A_299 = vector.shape_cast %parallel_loop3A_294 : vector<16xf32> to vector<1x16xf32>
        tpu.vector_store %arg9[%parallel_loop3A_295, %parallel_loop3A_296], %parallel_loop3A_299 {strides = array<i32>} : memref<32x256xf32, #tpu.memory_space<vmem>>, vector<1x16xf32>,
        %parallel_loop3A_300 = arith.index_cast %parallel_loop3A_249 : i32 to index
        %parallel_loop3A_301 = arith.constant 48 : index
        %parallel_loop3A_302 = tpu.vector_load %arg7[%parallel_loop3A_300, %parallel_loop3A_301] {strides = array<i32>} : memref<32x256xf32, #tpu.memory_space<vmem>>, vector<1x16xf32>,
        %parallel_loop3A_303 = vector.shape_cast %parallel_loop3A_302 : vector<1x16xf32> to vector<16xf32>
        %parallel_loop3A_304 = arith.index_cast %parallel_loop3A_254 : i32 to index
        %parallel_loop3A_305 = arith.constant 48 : index
        %parallel_loop3A_306 = tpu.vector_load %arg6[%parallel_loop3A_304, %parallel_loop3A_305] {strides = array<i32>} : memref<256x256xf32, #tpu.memory_space<vmem>>, vector<1x16xf32>,
        %parallel_loop3A_307 = vector.shape_cast %parallel_loop3A_306 : vector<1x16xf32> to vector<16xf32>
        %parallel_loop3A_308 = arith.addf %parallel_loop3A_303, %parallel_loop3A_307 : vector<16xf32>
        %parallel_loop3A_309 = arith.addf %parallel_loop3A_308, %parallel_loop3A_253 : vector<16xf32>
        %parallel_loop3A_310 = arith.index_cast %parallel_loop3A_249 : i32 to index
        %parallel_loop3A_311 = arith.constant 48 : index
        %parallel_loop3A_312 = tpu.vector_load %arg9[%parallel_loop3A_310, %parallel_loop3A_311] {strides = array<i32>} : memref<32x256xf32, #tpu.memory_space<vmem>>, vector<1x16xf32>,
        %parallel_loop3A_313 = vector.shape_cast %parallel_loop3A_312 : vector<1x16xf32> to vector<16xf32>
        %parallel_loop3A_314 = vector.shape_cast %parallel_loop3A_309 : vector<16xf32> to vector<1x16xf32>
        tpu.vector_store %arg9[%parallel_loop3A_310, %parallel_loop3A_311], %parallel_loop3A_314 {strides = array<i32>} : memref<32x256xf32, #tpu.memory_space<vmem>>, vector<1x16xf32>,
        %parallel_loop3A_315 = arith.index_cast %parallel_loop3A_249 : i32 to index
        %parallel_loop3A_316 = arith.constant 64 : index
        %parallel_loop3A_317 = tpu.vector_load %arg7[%parallel_loop3A_315, %parallel_loop3A_316] {strides = array<i32>} : memref<32x256xf32, #tpu.memory_space<vmem>>, vector<1x16xf32>,
        %parallel_loop3A_318 = vector.shape_cast %parallel_loop3A_317 : vector<1x16xf32> to vector<16xf32>
        %parallel_loop3A_319 = arith.index_cast %parallel_loop3A_254 : i32 to index
        %parallel_loop3A_320 = arith.constant 64 : index
        %parallel_loop3A_321 = tpu.vector_load %arg6[%parallel_loop3A_319, %parallel_loop3A_320] {strides = array<i32>} : memref<256x256xf32, #tpu.memory_space<vmem>>, vector<1x16xf32>,
        %parallel_loop3A_322 = vector.shape_cast %parallel_loop3A_321 : vector<1x16xf32> to vector<16xf32>
        %parallel_loop3A_323 = arith.addf %parallel_loop3A_318, %parallel_loop3A_322 : vector<16xf32>
        %parallel_loop3A_324 = arith.addf %parallel_loop3A_323, %parallel_loop3A_253 : vector<16xf32>
        %parallel_loop3A_325 = arith.index_cast %parallel_loop3A_249 : i32 to index
        %parallel_loop3A_326 = arith.constant 64 : index
        %parallel_loop3A_327 = tpu.vector_load %arg9[%parallel_loop3A_325, %parallel_loop3A_326] {strides = array<i32>} : memref<32x256xf32, #tpu.memory_space<vmem>>, vector<1x16xf32>,
        %parallel_loop3A_328 = vector.shape_cast %parallel_loop3A_327 : vector<1x16xf32> to vector<16xf32>
        %parallel_loop3A_329 = vector.shape_cast %parallel_loop3A_324 : vector<16xf32> to vector<1x16xf32>
        tpu.vector_store %arg9[%parallel_loop3A_325, %parallel_loop3A_326], %parallel_loop3A_329 {strides = array<i32>} : memref<32x256xf32, #tpu.memory_space<vmem>>, vector<1x16xf32>,
        %parallel_loop3A_330 = arith.index_cast %parallel_loop3A_249 : i32 to index
        %parallel_loop3A_331 = arith.constant 80 : index
        %parallel_loop3A_332 = tpu.vector_load %arg7[%parallel_loop3A_330, %parallel_loop3A_331] {strides = array<i32>} : memref<32x256xf32, #tpu.memory_space<vmem>>, vector<1x16xf32>,
        %parallel_loop3A_333 = vector.shape_cast %parallel_loop3A_332 : vector<1x16xf32> to vector<16xf32>
        %parallel_loop3A_334 = arith.index_cast %parallel_loop3A_254 : i32 to index
        %parallel_loop3A_335 = arith.constant 80 : index
        %parallel_loop3A_336 = tpu.vector_load %arg6[%parallel_loop3A_334, %parallel_loop3A_335] {strides = array<i32>} : memref<256x256xf32, #tpu.memory_space<vmem>>, vector<1x16xf32>,
        %parallel_loop3A_337 = vector.shape_cast %parallel_loop3A_336 : vector<1x16xf32> to vector<16xf32>
        %parallel_loop3A_338 = arith.addf %parallel_loop3A_333, %parallel_loop3A_337 : vector<16xf32>
        %parallel_loop3A_339 = arith.addf %parallel_loop3A_338, %parallel_loop3A_253 : vector<16xf32>
        %parallel_loop3A_340 = arith.index_cast %parallel_loop3A_249 : i32 to index
        %parallel_loop3A_341 = arith.constant 80 : index
        %parallel_loop3A_342 = tpu.vector_load %arg9[%parallel_loop3A_340, %parallel_loop3A_341] {strides = array<i32>} : memref<32x256xf32, #tpu.memory_space<vmem>>, vector<1x16xf32>,
        %parallel_loop3A_343 = vector.shape_cast %parallel_loop3A_342 : vector<1x16xf32> to vector<16xf32>
        %parallel_loop3A_344 = vector.shape_cast %parallel_loop3A_339 : vector<16xf32> to vector<1x16xf32>
        tpu.vector_store %arg9[%parallel_loop3A_340, %parallel_loop3A_341], %parallel_loop3A_344 {strides = array<i32>} : memref<32x256xf32, #tpu.memory_space<vmem>>, vector<1x16xf32>,
        %parallel_loop3A_345 = arith.index_cast %parallel_loop3A_249 : i32 to index
        %parallel_loop3A_346 = arith.constant 96 : index
        %parallel_loop3A_347 = tpu.vector_load %arg7[%parallel_loop3A_345, %parallel_loop3A_346] {strides = array<i32>} : memref<32x256xf32, #tpu.memory_space<vmem>>, vector<1x16xf32>,
        %parallel_loop3A_348 = vector.shape_cast %parallel_loop3A_347 : vector<1x16xf32> to vector<16xf32>
        %parallel_loop3A_349 = arith.index_cast %parallel_loop3A_254 : i32 to index
        %parallel_loop3A_350 = arith.constant 96 : index
        %parallel_loop3A_351 = tpu.vector_load %arg6[%parallel_loop3A_349, %parallel_loop3A_350] {strides = array<i32>} : memref<256x256xf32, #tpu.memory_space<vmem>>, vector<1x16xf32>,
        %parallel_loop3A_352 = vector.shape_cast %parallel_loop3A_351 : vector<1x16xf32> to vector<16xf32>
        %parallel_loop3A_353 = arith.addf %parallel_loop3A_348, %parallel_loop3A_352 : vector<16xf32>
        %parallel_loop3A_354 = arith.addf %parallel_loop3A_353, %parallel_loop3A_253 : vector<16xf32>
        %parallel_loop3A_355 = arith.index_cast %parallel_loop3A_249 : i32 to index
        %parallel_loop3A_356 = arith.constant 96 : index
        %parallel_loop3A_357 = tpu.vector_load %arg9[%parallel_loop3A_355, %parallel_loop3A_356] {strides = array<i32>} : memref<32x256xf32, #tpu.memory_space<vmem>>, vector<1x16xf32>,
        %parallel_loop3A_358 = vector.shape_cast %parallel_loop3A_357 : vector<1x16xf32> to vector<16xf32>
        %parallel_loop3A_359 = vector.shape_cast %parallel_loop3A_354 : vector<16xf32> to vector<1x16xf32>
        tpu.vector_store %arg9[%parallel_loop3A_355, %parallel_loop3A_356], %parallel_loop3A_359 {strides = array<i32>} : memref<32x256xf32, #tpu.memory_space<vmem>>, vector<1x16xf32>,
        %parallel_loop3A_360 = arith.index_cast %parallel_loop3A_249 : i32 to index
        %parallel_loop3A_361 = arith.constant 112 : index
        %parallel_loop3A_362 = tpu.vector_load %arg7[%parallel_loop3A_360, %parallel_loop3A_361] {strides = array<i32>} : memref<32x256xf32, #tpu.memory_space<vmem>>, vector<1x16xf32>,
        %parallel_loop3A_363 = vector.shape_cast %parallel_loop3A_362 : vector<1x16xf32> to vector<16xf32>
        %parallel_loop3A_364 = arith.index_cast %parallel_loop3A_254 : i32 to index
        %parallel_loop3A_365 = arith.constant 112 : index
        %parallel_loop3A_366 = tpu.vector_load %arg6[%parallel_loop3A_364, %parallel_loop3A_365] {strides = array<i32>} : memref<256x256xf32, #tpu.memory_space<vmem>>, vector<1x16xf32>,
        %parallel_loop3A_367 = vector.shape_cast %parallel_loop3A_366 : vector<1x16xf32> to vector<16xf32>
        %parallel_loop3A_368 = arith.addf %parallel_loop3A_363, %parallel_loop3A_367 : vector<16xf32>
        %parallel_loop3A_369 = arith.addf %parallel_loop3A_368, %parallel_loop3A_253 : vector<16xf32>
        %parallel_loop3A_370 = arith.index_cast %parallel_loop3A_249 : i32 to index
        %parallel_loop3A_371 = arith.constant 112 : index
        %parallel_loop3A_372 = tpu.vector_load %arg9[%parallel_loop3A_370, %parallel_loop3A_371] {strides = array<i32>} : memref<32x256xf32, #tpu.memory_space<vmem>>, vector<1x16xf32>,
        %parallel_loop3A_373 = vector.shape_cast %parallel_loop3A_372 : vector<1x16xf32> to vector<16xf32>
        %parallel_loop3A_374 = vector.shape_cast %parallel_loop3A_369 : vector<16xf32> to vector<1x16xf32>
        tpu.vector_store %arg9[%parallel_loop3A_370, %parallel_loop3A_371], %parallel_loop3A_374 {strides = array<i32>} : memref<32x256xf32, #tpu.memory_space<vmem>>, vector<1x16xf32>,
        %parallel_loop3A_375 = arith.index_cast %parallel_loop3A_249 : i32 to index
        %parallel_loop3A_376 = arith.constant 128 : index
        %parallel_loop3A_377 = tpu.vector_load %arg7[%parallel_loop3A_375, %parallel_loop3A_376] {strides = array<i32>} : memref<32x256xf32, #tpu.memory_space<vmem>>, vector<1x16xf32>,
        %parallel_loop3A_378 = vector.shape_cast %parallel_loop3A_377 : vector<1x16xf32> to vector<16xf32>
        %parallel_loop3A_379 = arith.index_cast %parallel_loop3A_254 : i32 to index
        %parallel_loop3A_380 = arith.constant 128 : index
        %parallel_loop3A_381 = tpu.vector_load %arg6[%parallel_loop3A_379, %parallel_loop3A_380] {strides = array<i32>} : memref<256x256xf32, #tpu.memory_space<vmem>>, vector<1x16xf32>,
        %parallel_loop3A_382 = vector.shape_cast %parallel_loop3A_381 : vector<1x16xf32> to vector<16xf32>
        %parallel_loop3A_383 = arith.addf %parallel_loop3A_378, %parallel_loop3A_382 : vector<16xf32>
        %parallel_loop3A_384 = arith.addf %parallel_loop3A_383, %parallel_loop3A_253 : vector<16xf32>
        %parallel_loop3A_385 = arith.index_cast %parallel_loop3A_249 : i32 to index
        %parallel_loop3A_386 = arith.constant 128 : index
        %parallel_loop3A_387 = tpu.vector_load %arg9[%parallel_loop3A_385, %parallel_loop3A_386] {strides = array<i32>} : memref<32x256xf32, #tpu.memory_space<vmem>>, vector<1x16xf32>,
        %parallel_loop3A_388 = vector.shape_cast %parallel_loop3A_387 : vector<1x16xf32> to vector<16xf32>
        %parallel_loop3A_389 = vector.shape_cast %parallel_loop3A_384 : vector<16xf32> to vector<1x16xf32>
        tpu.vector_store %arg9[%parallel_loop3A_385, %parallel_loop3A_386], %parallel_loop3A_389 {strides = array<i32>} : memref<32x256xf32, #tpu.memory_space<vmem>>, vector<1x16xf32>,
        %parallel_loop3A_390 = arith.index_cast %parallel_loop3A_249 : i32 to index
        %parallel_loop3A_391 = arith.constant 144 : index
        %parallel_loop3A_392 = tpu.vector_load %arg7[%parallel_loop3A_390, %parallel_loop3A_391] {strides = array<i32>} : memref<32x256xf32, #tpu.memory_space<vmem>>, vector<1x16xf32>,
        %parallel_loop3A_393 = vector.shape_cast %parallel_loop3A_392 : vector<1x16xf32> to vector<16xf32>
        %parallel_loop3A_394 = arith.index_cast %parallel_loop3A_254 : i32 to index
        %parallel_loop3A_395 = arith.constant 144 : index
        %parallel_loop3A_396 = tpu.vector_load %arg6[%parallel_loop3A_394, %parallel_loop3A_395] {strides = array<i32>} : memref<256x256xf32, #tpu.memory_space<vmem>>, vector<1x16xf32>,
        %parallel_loop3A_397 = vector.shape_cast %parallel_loop3A_396 : vector<1x16xf32> to vector<16xf32>
        %parallel_loop3A_398 = arith.addf %parallel_loop3A_393, %parallel_loop3A_397 : vector<16xf32>
        %parallel_loop3A_399 = arith.addf %parallel_loop3A_398, %parallel_loop3A_253 : vector<16xf32>
        %parallel_loop3A_400 = arith.index_cast %parallel_loop3A_249 : i32 to index
        %parallel_loop3A_401 = arith.constant 144 : index
        %parallel_loop3A_402 = tpu.vector_load %arg9[%parallel_loop3A_400, %parallel_loop3A_401] {strides = array<i32>} : memref<32x256xf32, #tpu.memory_space<vmem>>, vector<1x16xf32>,
        %parallel_loop3A_403 = vector.shape_cast %parallel_loop3A_402 : vector<1x16xf32> to vector<16xf32>
        %parallel_loop3A_404 = vector.shape_cast %parallel_loop3A_399 : vector<16xf32> to vector<1x16xf32>
        tpu.vector_store %arg9[%parallel_loop3A_400, %parallel_loop3A_401], %parallel_loop3A_404 {strides = array<i32>} : memref<32x256xf32, #tpu.memory_space<vmem>>, vector<1x16xf32>,
        %parallel_loop3A_405 = arith.index_cast %parallel_loop3A_249 : i32 to index
        %parallel_loop3A_406 = arith.constant 160 : index
        %parallel_loop3A_407 = tpu.vector_load %arg7[%parallel_loop3A_405, %parallel_loop3A_406] {strides = array<i32>} : memref<32x256xf32, #tpu.memory_space<vmem>>, vector<1x16xf32>,
        %parallel_loop3A_408 = vector.shape_cast %parallel_loop3A_407 : vector<1x16xf32> to vector<16xf32>
        %parallel_loop3A_409 = arith.index_cast %parallel_loop3A_254 : i32 to index
        %parallel_loop3A_410 = arith.constant 160 : index
        %parallel_loop3A_411 = tpu.vector_load %arg6[%parallel_loop3A_409, %parallel_loop3A_410] {strides = array<i32>} : memref<256x256xf32, #tpu.memory_space<vmem>>, vector<1x16xf32>,
        %parallel_loop3A_412 = vector.shape_cast %parallel_loop3A_411 : vector<1x16xf32> to vector<16xf32>
        %parallel_loop3A_413 = arith.addf %parallel_loop3A_408, %parallel_loop3A_412 : vector<16xf32>
        %parallel_loop3A_414 = arith.addf %parallel_loop3A_413, %parallel_loop3A_253 : vector<16xf32>
        %parallel_loop3A_415 = arith.index_cast %parallel_loop3A_249 : i32 to index
        %parallel_loop3A_416 = arith.constant 160 : index
        %parallel_loop3A_417 = tpu.vector_load %arg9[%parallel_loop3A_415, %parallel_loop3A_416] {strides = array<i32>} : memref<32x256xf32, #tpu.memory_space<vmem>>, vector<1x16xf32>,
        %parallel_loop3A_418 = vector.shape_cast %parallel_loop3A_417 : vector<1x16xf32> to vector<16xf32>
        %parallel_loop3A_419 = vector.shape_cast %parallel_loop3A_414 : vector<16xf32> to vector<1x16xf32>
        tpu.vector_store %arg9[%parallel_loop3A_415, %parallel_loop3A_416], %parallel_loop3A_419 {strides = array<i32>} : memref<32x256xf32, #tpu.memory_space<vmem>>, vector<1x16xf32>,
        %parallel_loop3A_420 = arith.index_cast %parallel_loop3A_249 : i32 to index
        %parallel_loop3A_421 = arith.constant 176 : index
        %parallel_loop3A_422 = tpu.vector_load %arg7[%parallel_loop3A_420, %parallel_loop3A_421] {strides = array<i32>} : memref<32x256xf32, #tpu.memory_space<vmem>>, vector<1x16xf32>,
        %parallel_loop3A_423 = vector.shape_cast %parallel_loop3A_422 : vector<1x16xf32> to vector<16xf32>
        %parallel_loop3A_424 = arith.index_cast %parallel_loop3A_254 : i32 to index
        %parallel_loop3A_425 = arith.constant 176 : index
        %parallel_loop3A_426 = tpu.vector_load %arg6[%parallel_loop3A_424, %parallel_loop3A_425] {strides = array<i32>} : memref<256x256xf32, #tpu.memory_space<vmem>>, vector<1x16xf32>,
        %parallel_loop3A_427 = vector.shape_cast %parallel_loop3A_426 : vector<1x16xf32> to vector<16xf32>
        %parallel_loop3A_428 = arith.addf %parallel_loop3A_423, %parallel_loop3A_427 : vector<16xf32>
        %parallel_loop3A_429 = arith.addf %parallel_loop3A_428, %parallel_loop3A_253 : vector<16xf32>
        %parallel_loop3A_430 = arith.index_cast %parallel_loop3A_249 : i32 to index
        %parallel_loop3A_431 = arith.constant 176 : index
        %parallel_loop3A_432 = tpu.vector_load %arg9[%parallel_loop3A_430, %parallel_loop3A_431] {strides = array<i32>} : memref<32x256xf32, #tpu.memory_space<vmem>>, vector<1x16xf32>,
        %parallel_loop3A_433 = vector.shape_cast %parallel_loop3A_432 : vector<1x16xf32> to vector<16xf32>
        %parallel_loop3A_434 = vector.shape_cast %parallel_loop3A_429 : vector<16xf32> to vector<1x16xf32>
        tpu.vector_store %arg9[%parallel_loop3A_430, %parallel_loop3A_431], %parallel_loop3A_434 {strides = array<i32>} : memref<32x256xf32, #tpu.memory_space<vmem>>, vector<1x16xf32>,
        %parallel_loop3A_435 = arith.index_cast %parallel_loop3A_249 : i32 to index
        %parallel_loop3A_436 = arith.constant 192 : index
        %parallel_loop3A_437 = tpu.vector_load %arg7[%parallel_loop3A_435, %parallel_loop3A_436] {strides = array<i32>} : memref<32x256xf32, #tpu.memory_space<vmem>>, vector<1x16xf32>,
        %parallel_loop3A_438 = vector.shape_cast %parallel_loop3A_437 : vector<1x16xf32> to vector<16xf32>
        %parallel_loop3A_439 = arith.index_cast %parallel_loop3A_254 : i32 to index
        %parallel_loop3A_440 = arith.constant 192 : index
        %parallel_loop3A_441 = tpu.vector_load %arg6[%parallel_loop3A_439, %parallel_loop3A_440] {strides = array<i32>} : memref<256x256xf32, #tpu.memory_space<vmem>>, vector<1x16xf32>,
        %parallel_loop3A_442 = vector.shape_cast %parallel_loop3A_441 : vector<1x16xf32> to vector<16xf32>
        %parallel_loop3A_443 = arith.addf %parallel_loop3A_438, %parallel_loop3A_442 : vector<16xf32>
        %parallel_loop3A_444 = arith.addf %parallel_loop3A_443, %parallel_loop3A_253 : vector<16xf32>
        %parallel_loop3A_445 = arith.index_cast %parallel_loop3A_249 : i32 to index
        %parallel_loop3A_446 = arith.constant 192 : index
        %parallel_loop3A_447 = tpu.vector_load %arg9[%parallel_loop3A_445, %parallel_loop3A_446] {strides = array<i32>} : memref<32x256xf32, #tpu.memory_space<vmem>>, vector<1x16xf32>,
        %parallel_loop3A_448 = vector.shape_cast %parallel_loop3A_447 : vector<1x16xf32> to vector<16xf32>
        %parallel_loop3A_449 = vector.shape_cast %parallel_loop3A_444 : vector<16xf32> to vector<1x16xf32>
        tpu.vector_store %arg9[%parallel_loop3A_445, %parallel_loop3A_446], %parallel_loop3A_449 {strides = array<i32>} : memref<32x256xf32, #tpu.memory_space<vmem>>, vector<1x16xf32>,
        %parallel_loop3A_450 = arith.index_cast %parallel_loop3A_249 : i32 to index
        %parallel_loop3A_451 = arith.constant 208 : index
        %parallel_loop3A_452 = tpu.vector_load %arg7[%parallel_loop3A_450, %parallel_loop3A_451] {strides = array<i32>} : memref<32x256xf32, #tpu.memory_space<vmem>>, vector<1x16xf32>,
        %parallel_loop3A_453 = vector.shape_cast %parallel_loop3A_452 : vector<1x16xf32> to vector<16xf32>
        %parallel_loop3A_454 = arith.index_cast %parallel_loop3A_254 : i32 to index
        %parallel_loop3A_455 = arith.constant 208 : index
        %parallel_loop3A_456 = tpu.vector_load %arg6[%parallel_loop3A_454, %parallel_loop3A_455] {strides = array<i32>} : memref<256x256xf32, #tpu.memory_space<vmem>>, vector<1x16xf32>,
        %parallel_loop3A_457 = vector.shape_cast %parallel_loop3A_456 : vector<1x16xf32> to vector<16xf32>
        %parallel_loop3A_458 = arith.addf %parallel_loop3A_453, %parallel_loop3A_457 : vector<16xf32>
        %parallel_loop3A_459 = arith.addf %parallel_loop3A_458, %parallel_loop3A_253 : vector<16xf32>
        %parallel_loop3A_460 = arith.index_cast %parallel_loop3A_249 : i32 to index
        %parallel_loop3A_461 = arith.constant 208 : index
        %parallel_loop3A_462 = tpu.vector_load %arg9[%parallel_loop3A_460, %parallel_loop3A_461] {strides = array<i32>} : memref<32x256xf32, #tpu.memory_space<vmem>>, vector<1x16xf32>,
        %parallel_loop3A_463 = vector.shape_cast %parallel_loop3A_462 : vector<1x16xf32> to vector<16xf32>
        %parallel_loop3A_464 = vector.shape_cast %parallel_loop3A_459 : vector<16xf32> to vector<1x16xf32>
        tpu.vector_store %arg9[%parallel_loop3A_460, %parallel_loop3A_461], %parallel_loop3A_464 {strides = array<i32>} : memref<32x256xf32, #tpu.memory_space<vmem>>, vector<1x16xf32>,
        %parallel_loop3A_465 = arith.index_cast %parallel_loop3A_249 : i32 to index
        %parallel_loop3A_466 = arith.constant 224 : index
        %parallel_loop3A_467 = tpu.vector_load %arg7[%parallel_loop3A_465, %parallel_loop3A_466] {strides = array<i32>} : memref<32x256xf32, #tpu.memory_space<vmem>>, vector<1x16xf32>,
        %parallel_loop3A_468 = vector.shape_cast %parallel_loop3A_467 : vector<1x16xf32> to vector<16xf32>
        %parallel_loop3A_469 = arith.index_cast %parallel_loop3A_254 : i32 to index
        %parallel_loop3A_470 = arith.constant 224 : index
        %parallel_loop3A_471 = tpu.vector_load %arg6[%parallel_loop3A_469, %parallel_loop3A_470] {strides = array<i32>} : memref<256x256xf32, #tpu.memory_space<vmem>>, vector<1x16xf32>,
        %parallel_loop3A_472 = vector.shape_cast %parallel_loop3A_471 : vector<1x16xf32> to vector<16xf32>
        %parallel_loop3A_473 = arith.addf %parallel_loop3A_468, %parallel_loop3A_472 : vector<16xf32>
        %parallel_loop3A_474 = arith.addf %parallel_loop3A_473, %parallel_loop3A_253 : vector<16xf32>
        %parallel_loop3A_475 = arith.index_cast %parallel_loop3A_249 : i32 to index
        %parallel_loop3A_476 = arith.constant 224 : index
        %parallel_loop3A_477 = tpu.vector_load %arg9[%parallel_loop3A_475, %parallel_loop3A_476] {strides = array<i32>} : memref<32x256xf32, #tpu.memory_space<vmem>>, vector<1x16xf32>,
        %parallel_loop3A_478 = vector.shape_cast %parallel_loop3A_477 : vector<1x16xf32> to vector<16xf32>
        %parallel_loop3A_479 = vector.shape_cast %parallel_loop3A_474 : vector<16xf32> to vector<1x16xf32>
        tpu.vector_store %arg9[%parallel_loop3A_475, %parallel_loop3A_476], %parallel_loop3A_479 {strides = array<i32>} : memref<32x256xf32, #tpu.memory_space<vmem>>, vector<1x16xf32>,
        %parallel_loop3A_480 = arith.index_cast %parallel_loop3A_249 : i32 to index
        %parallel_loop3A_481 = arith.constant 240 : index
        %parallel_loop3A_482 = tpu.vector_load %arg7[%parallel_loop3A_480, %parallel_loop3A_481] {strides = array<i32>} : memref<32x256xf32, #tpu.memory_space<vmem>>, vector<1x16xf32>,
        %parallel_loop3A_483 = vector.shape_cast %parallel_loop3A_482 : vector<1x16xf32> to vector<16xf32>
        %parallel_loop3A_484 = arith.index_cast %parallel_loop3A_254 : i32 to index
        %parallel_loop3A_485 = arith.constant 240 : index
        %parallel_loop3A_486 = tpu.vector_load %arg6[%parallel_loop3A_484, %parallel_loop3A_485] {strides = array<i32>} : memref<256x256xf32, #tpu.memory_space<vmem>>, vector<1x16xf32>,
        %parallel_loop3A_487 = vector.shape_cast %parallel_loop3A_486 : vector<1x16xf32> to vector<16xf32>
        %parallel_loop3A_488 = arith.addf %parallel_loop3A_483, %parallel_loop3A_487 : vector<16xf32>
        %parallel_loop3A_489 = arith.addf %parallel_loop3A_488, %parallel_loop3A_253 : vector<16xf32>
        %parallel_loop3A_490 = arith.index_cast %parallel_loop3A_249 : i32 to index
        %parallel_loop3A_491 = arith.constant 240 : index
        %parallel_loop3A_492 = tpu.vector_load %arg9[%parallel_loop3A_490, %parallel_loop3A_491] {strides = array<i32>} : memref<32x256xf32, #tpu.memory_space<vmem>>, vector<1x16xf32>,
        %parallel_loop3A_493 = vector.shape_cast %parallel_loop3A_492 : vector<1x16xf32> to vector<16xf32>
        %parallel_loop3A_494 = vector.shape_cast %parallel_loop3A_489 : vector<16xf32> to vector<1x16xf32>
        tpu.vector_store %arg9[%parallel_loop3A_490, %parallel_loop3A_491], %parallel_loop3A_494 {strides = array<i32>} : memref<32x256xf32, #tpu.memory_space<vmem>>, vector<1x16xf32>,
      } {sc.loop_unroll_factor = 8 : i64, sc.parallel_access}
      %mul3A_166 = arith.constant 32 : i32
      %mul3A_167 = arith.muli %mul3A_139, %mul3A_166 : i32
      %add3A_168 = arith.addi %mul3A_2, %mul3A_167 : i32
      %dma_start3A_169 = arith.constant 0 : i32
      %dma_start3A_170 = tpu.memref_slice %arg5[%add3A_168, %dma_start3A_169] : memref<65536x256xf32, #tpu.memory_space<hbm>> -> memref<32x256xf32, #tpu.memory_space<hbm>>
      %dma_start3A_171 = arith.constant 0 : i32
      %dma_start3A_172 = tpu.memref_slice %arg5[%add3A_168, %dma_start3A_171] : memref<65536x256xf32, #tpu.memory_space<hbm>> -> memref<32x256xf32, #tpu.memory_space<hbm>>
      tpu.enqueue_dma source(%arg9 : memref<32x256xf32, #tpu.memory_space<vmem>>) target(%dma_start3A_172 : memref<32x256xf32, #tpu.memory_space<hbm>>) target_semaphore(%arg15 : memref<!tpu.dma_semaphore, #tpu.memory_space<semaphore_mem>>)
      %add3A_173 = arith.constant 2 : i32
      %add3A_174 = arith.addi %mul3A_139, %add3A_173 : i32
      %mul3A_175 = arith.constant 32 : i32
      %mul3A_176 = arith.muli %add3A_174, %mul3A_175 : i32
      %add3A_177 = arith.addi %mul3A_2, %mul3A_176 : i32
      %dma_start3A_178 = arith.constant 0 : i32
      %dma_start3A_179 = tpu.memref_slice %arg2[%add3A_177, %dma_start3A_178] : memref<65536x256xf32, #tpu.memory_space<hbm>> -> memref<32x256xf32, #tpu.memory_space<hbm>>
      %dma_start3A_180 = arith.constant 0 : i32
      %dma_start3A_181 = tpu.memref_slice %arg2[%add3A_177, %dma_start3A_180] : memref<65536x256xf32, #tpu.memory_space<hbm>> -> memref<32x256xf32, #tpu.memory_space<hbm>>
      tpu.enqueue_dma source(%dma_start3A_181 : memref<32x256xf32, #tpu.memory_space<hbm>>) target(%arg7 : memref<32x256xf32, #tpu.memory_space<vmem>>) target_semaphore(%arg13 : memref<!tpu.dma_semaphore, #tpu.memory_space<semaphore_mem>>)
      %mul3A_182 = arith.constant 32 : i32
      %mul3A_183 = arith.muli %add3A_174, %mul3A_182 : i32
      %add3A_184 = arith.addi %mul3A_2, %mul3A_183 : i32
      %dma_start3A_185 = arith.constant 0 : i32
      %dma_start3A_186 = tpu.memref_slice %arg4[%add3A_184, %dma_start3A_185] : memref<65536x16xf32, #tpu.memory_space<hbm>> -> memref<32x16xf32, #tpu.memory_space<hbm>>
      %dma_start3A_187 = arith.constant 0 : i32
      %dma_start3A_188 = tpu.memref_slice %arg4[%add3A_184, %dma_start3A_187] : memref<65536x16xf32, #tpu.memory_space<hbm>> -> memref<32x16xf32, #tpu.memory_space<hbm>>
      tpu.enqueue_dma source(%dma_start3A_188 : memref<32x16xf32, #tpu.memory_space<hbm>>) target(%arg11 : memref<32x16xf32, #tpu.memory_space<vmem>>) target_semaphore(%arg13 : memref<!tpu.dma_semaphore, #tpu.memory_space<semaphore_mem>>)
      %dma_wait3A_189 = arith.constant 0 : i32
      %dma_wait3A_190 = tpu.memref_slice %arg2[%mul3A_2, %dma_wait3A_189] : memref<65536x256xf32, #tpu.memory_space<hbm>> -> memref<32x256xf32, #tpu.memory_space<hbm>>
      %dma_wait3A_191 = arith.constant 0 : i32
      %dma_wait3A_192 = tpu.memref_slice %arg2[%mul3A_2, %dma_wait3A_191] : memref<65536x256xf32, #tpu.memory_space<hbm>> -> memref<32x256xf32, #tpu.memory_space<hbm>>
      tpu.wait_dma2 semaphore(%arg14 : memref<!tpu.dma_semaphore, #tpu.memory_space<semaphore_mem>>) src(%dma_wait3A_192 : memref<32x256xf32, #tpu.memory_space<hbm>>) dst(%arg8 : memref<32x256xf32, #tpu.memory_space<vmem>>)
      %dma_wait3A_193 = arith.constant 0 : i32
      %dma_wait3A_194 = tpu.memref_slice %arg4[%mul3A_2, %dma_wait3A_193] : memref<65536x16xf32, #tpu.memory_space<hbm>> -> memref<32x16xf32, #tpu.memory_space<hbm>>
      %dma_wait3A_195 = arith.constant 0 : i32
      %dma_wait3A_196 = tpu.memref_slice %arg4[%mul3A_2, %dma_wait3A_195] : memref<65536x16xf32, #tpu.memory_space<hbm>> -> memref<32x16xf32, #tpu.memory_space<hbm>>
      tpu.wait_dma2 semaphore(%arg14 : memref<!tpu.dma_semaphore, #tpu.memory_space<semaphore_mem>>) src(%dma_wait3A_196 : memref<32x16xf32, #tpu.memory_space<hbm>>) dst(%arg12 : memref<32x16xf32, #tpu.memory_space<vmem>>)
      %dma_wait3A_197 = arith.constant 0 : i32
      %dma_wait3A_198 = tpu.memref_slice %arg5[%mul3A_2, %dma_wait3A_197] : memref<65536x256xf32, #tpu.memory_space<hbm>> -> memref<32x256xf32, #tpu.memory_space<hbm>>
      %dma_wait3A_199 = arith.constant 0 : i32
      %dma_wait3A_200 = tpu.memref_slice %arg5[%mul3A_2, %dma_wait3A_199] : memref<65536x256xf32, #tpu.memory_space<hbm>> -> memref<32x256xf32, #tpu.memory_space<hbm>>
      tpu.wait_dma2 semaphore(%arg16 : memref<!tpu.dma_semaphore, #tpu.memory_space<semaphore_mem>>) src(%arg10 : memref<32x256xf32, #tpu.memory_space<vmem>>) dst(%dma_wait3A_200 : memref<32x256xf32, #tpu.memory_space<hbm>>)
      %add3A_201 = arith.constant 1 : i32
      %add3A_202 = arith.addi %mul3A_139, %add3A_201 : i32
      %jit3A_203 = arith.constant 8 : i32
      %eq3A_204 = arith.constant 0 : i32
      %eq3A_205 = arith.cmpi eq, %jit3A_203, %eq3A_204 : i32
      %jit3A_206 = arith.constant 1 : i32
      %select_n3A_207 = arith.select %eq3A_205, %jit3A_206, %jit3A_203 : i32
      %rem3A_208 = arith.remsi %add3A_202, %select_n3A_207 : i32
      %ne3A_209 = arith.constant 0 : i32
      %ne3A_210 = arith.cmpi ne, %rem3A_208, %ne3A_209 : i32
      %lt3A_211 = arith.constant 0 : i32
      %lt3A_212 = arith.cmpi slt, %rem3A_208, %lt3A_211 : i32
      %lt3A_213 = arith.constant 0 : i32
      %lt3A_214 = arith.cmpi slt, %select_n3A_207, %lt3A_213 : i32
      %ne3A_215 = arith.xori %lt3A_212, %lt3A_214 : i1
      %and3A_216 = arith.andi %ne3A_215, %ne3A_210 : i1
      %add3A_217 = arith.addi %rem3A_208, %select_n3A_207 : i32
      %select_n3A_218 = arith.select %and3A_216, %add3A_217, %rem3A_208 : i32
      %mul3A_219 = arith.constant 32 : i32
      %mul3A_220 = arith.muli %select_n3A_218, %mul3A_219 : i32
      %parallel_loop3A_221 = arith.constant 0 : i32
      %parallel_loop3A_222 = arith.constant 32 : i32
      %parallel_loop3A_223 = arith.constant 1 : i32
      scf.for %parallel_loop3A_249 = %parallel_loop3A_221 to %parallel_loop3A_222 step %parallel_loop3A_223  : i32 {
        %parallel_loop3A_250 = arith.index_cast %parallel_loop3A_249 : i32 to index
        %parallel_loop3A_251 = arith.constant 0 : index
        %parallel_loop3A_252 = tpu.vector_load %arg12[%parallel_loop3A_250, %parallel_loop3A_251] {strides = array<i32>} : memref<32x16xf32, #tpu.memory_space<vmem>>, vector<1x16xf32>,
        %parallel_loop3A_253 = vector.shape_cast %parallel_loop3A_252 : vector<1x16xf32> to vector<16xf32>
        %parallel_loop3A_254 = arith.addi %mul3A_220, %parallel_loop3A_249 : i32
        %parallel_loop3A_255 = arith.index_cast %parallel_loop3A_249 : i32 to index
        %parallel_loop3A_256 = arith.constant 0 : index
        %parallel_loop3A_257 = tpu.vector_load %arg8[%parallel_loop3A_255, %parallel_loop3A_256] {strides = array<i32>} : memref<32x256xf32, #tpu.memory_space<vmem>>, vector<1x16xf32>,
        %parallel_loop3A_258 = vector.shape_cast %parallel_loop3A_257 : vector<1x16xf32> to vector<16xf32>
        %parallel_loop3A_259 = arith.index_cast %parallel_loop3A_254 : i32 to index
        %parallel_loop3A_260 = arith.constant 0 : index
        %parallel_loop3A_261 = tpu.vector_load %arg6[%parallel_loop3A_259, %parallel_loop3A_260] {strides = array<i32>} : memref<256x256xf32, #tpu.memory_space<vmem>>, vector<1x16xf32>,
        %parallel_loop3A_262 = vector.shape_cast %parallel_loop3A_261 : vector<1x16xf32> to vector<16xf32>
        %parallel_loop3A_263 = arith.addf %parallel_loop3A_258, %parallel_loop3A_262 : vector<16xf32>
        %parallel_loop3A_264 = arith.addf %parallel_loop3A_263, %parallel_loop3A_253 : vector<16xf32>
        %parallel_loop3A_265 = arith.index_cast %parallel_loop3A_249 : i32 to index
        %parallel_loop3A_266 = arith.constant 0 : index
        %parallel_loop3A_267 = tpu.vector_load %arg10[%parallel_loop3A_265, %parallel_loop3A_266] {strides = array<i32>} : memref<32x256xf32, #tpu.memory_space<vmem>>, vector<1x16xf32>,
        %parallel_loop3A_268 = vector.shape_cast %parallel_loop3A_267 : vector<1x16xf32> to vector<16xf32>
        %parallel_loop3A_269 = vector.shape_cast %parallel_loop3A_264 : vector<16xf32> to vector<1x16xf32>
        tpu.vector_store %arg10[%parallel_loop3A_265, %parallel_loop3A_266], %parallel_loop3A_269 {strides = array<i32>} : memref<32x256xf32, #tpu.memory_space<vmem>>, vector<1x16xf32>,
        %parallel_loop3A_270 = arith.index_cast %parallel_loop3A_249 : i32 to index
        %parallel_loop3A_271 = arith.constant 16 : index
        %parallel_loop3A_272 = tpu.vector_load %arg8[%parallel_loop3A_270, %parallel_loop3A_271] {strides = array<i32>} : memref<32x256xf32, #tpu.memory_space<vmem>>, vector<1x16xf32>,
        %parallel_loop3A_273 = vector.shape_cast %parallel_loop3A_272 : vector<1x16xf32> to vector<16xf32>
        %parallel_loop3A_274 = arith.index_cast %parallel_loop3A_254 : i32 to index
        %parallel_loop3A_275 = arith.constant 16 : index
        %parallel_loop3A_276 = tpu.vector_load %arg6[%parallel_loop3A_274, %parallel_loop3A_275] {strides = array<i32>} : memref<256x256xf32, #tpu.memory_space<vmem>>, vector<1x16xf32>,
        %parallel_loop3A_277 = vector.shape_cast %parallel_loop3A_276 : vector<1x16xf32> to vector<16xf32>
        %parallel_loop3A_278 = arith.addf %parallel_loop3A_273, %parallel_loop3A_277 : vector<16xf32>
        %parallel_loop3A_279 = arith.addf %parallel_loop3A_278, %parallel_loop3A_253 : vector<16xf32>
        %parallel_loop3A_280 = arith.index_cast %parallel_loop3A_249 : i32 to index
        %parallel_loop3A_281 = arith.constant 16 : index
        %parallel_loop3A_282 = tpu.vector_load %arg10[%parallel_loop3A_280, %parallel_loop3A_281] {strides = array<i32>} : memref<32x256xf32, #tpu.memory_space<vmem>>, vector<1x16xf32>,
        %parallel_loop3A_283 = vector.shape_cast %parallel_loop3A_282 : vector<1x16xf32> to vector<16xf32>
        %parallel_loop3A_284 = vector.shape_cast %parallel_loop3A_279 : vector<16xf32> to vector<1x16xf32>
        tpu.vector_store %arg10[%parallel_loop3A_280, %parallel_loop3A_281], %parallel_loop3A_284 {strides = array<i32>} : memref<32x256xf32, #tpu.memory_space<vmem>>, vector<1x16xf32>,
        %parallel_loop3A_285 = arith.index_cast %parallel_loop3A_249 : i32 to index
        %parallel_loop3A_286 = arith.constant 32 : index
        %parallel_loop3A_287 = tpu.vector_load %arg8[%parallel_loop3A_285, %parallel_loop3A_286] {strides = array<i32>} : memref<32x256xf32, #tpu.memory_space<vmem>>, vector<1x16xf32>,
        %parallel_loop3A_288 = vector.shape_cast %parallel_loop3A_287 : vector<1x16xf32> to vector<16xf32>
        %parallel_loop3A_289 = arith.index_cast %parallel_loop3A_254 : i32 to index
        %parallel_loop3A_290 = arith.constant 32 : index
        %parallel_loop3A_291 = tpu.vector_load %arg6[%parallel_loop3A_289, %parallel_loop3A_290] {strides = array<i32>} : memref<256x256xf32, #tpu.memory_space<vmem>>, vector<1x16xf32>,
        %parallel_loop3A_292 = vector.shape_cast %parallel_loop3A_291 : vector<1x16xf32> to vector<16xf32>
        %parallel_loop3A_293 = arith.addf %parallel_loop3A_288, %parallel_loop3A_292 : vector<16xf32>
        %parallel_loop3A_294 = arith.addf %parallel_loop3A_293, %parallel_loop3A_253 : vector<16xf32>
        %parallel_loop3A_295 = arith.index_cast %parallel_loop3A_249 : i32 to index
        %parallel_loop3A_296 = arith.constant 32 : index
        %parallel_loop3A_297 = tpu.vector_load %arg10[%parallel_loop3A_295, %parallel_loop3A_296] {strides = array<i32>} : memref<32x256xf32, #tpu.memory_space<vmem>>, vector<1x16xf32>,
        %parallel_loop3A_298 = vector.shape_cast %parallel_loop3A_297 : vector<1x16xf32> to vector<16xf32>
        %parallel_loop3A_299 = vector.shape_cast %parallel_loop3A_294 : vector<16xf32> to vector<1x16xf32>
        tpu.vector_store %arg10[%parallel_loop3A_295, %parallel_loop3A_296], %parallel_loop3A_299 {strides = array<i32>} : memref<32x256xf32, #tpu.memory_space<vmem>>, vector<1x16xf32>,
        %parallel_loop3A_300 = arith.index_cast %parallel_loop3A_249 : i32 to index
        %parallel_loop3A_301 = arith.constant 48 : index
        %parallel_loop3A_302 = tpu.vector_load %arg8[%parallel_loop3A_300, %parallel_loop3A_301] {strides = array<i32>} : memref<32x256xf32, #tpu.memory_space<vmem>>, vector<1x16xf32>,
        %parallel_loop3A_303 = vector.shape_cast %parallel_loop3A_302 : vector<1x16xf32> to vector<16xf32>
        %parallel_loop3A_304 = arith.index_cast %parallel_loop3A_254 : i32 to index
        %parallel_loop3A_305 = arith.constant 48 : index
        %parallel_loop3A_306 = tpu.vector_load %arg6[%parallel_loop3A_304, %parallel_loop3A_305] {strides = array<i32>} : memref<256x256xf32, #tpu.memory_space<vmem>>, vector<1x16xf32>,
        %parallel_loop3A_307 = vector.shape_cast %parallel_loop3A_306 : vector<1x16xf32> to vector<16xf32>
        %parallel_loop3A_308 = arith.addf %parallel_loop3A_303, %parallel_loop3A_307 : vector<16xf32>
        %parallel_loop3A_309 = arith.addf %parallel_loop3A_308, %parallel_loop3A_253 : vector<16xf32>
        %parallel_loop3A_310 = arith.index_cast %parallel_loop3A_249 : i32 to index
        %parallel_loop3A_311 = arith.constant 48 : index
        %parallel_loop3A_312 = tpu.vector_load %arg10[%parallel_loop3A_310, %parallel_loop3A_311] {strides = array<i32>} : memref<32x256xf32, #tpu.memory_space<vmem>>, vector<1x16xf32>,
        %parallel_loop3A_313 = vector.shape_cast %parallel_loop3A_312 : vector<1x16xf32> to vector<16xf32>
        %parallel_loop3A_314 = vector.shape_cast %parallel_loop3A_309 : vector<16xf32> to vector<1x16xf32>
        tpu.vector_store %arg10[%parallel_loop3A_310, %parallel_loop3A_311], %parallel_loop3A_314 {strides = array<i32>} : memref<32x256xf32, #tpu.memory_space<vmem>>, vector<1x16xf32>,
        %parallel_loop3A_315 = arith.index_cast %parallel_loop3A_249 : i32 to index
        %parallel_loop3A_316 = arith.constant 64 : index
        %parallel_loop3A_317 = tpu.vector_load %arg8[%parallel_loop3A_315, %parallel_loop3A_316] {strides = array<i32>} : memref<32x256xf32, #tpu.memory_space<vmem>>, vector<1x16xf32>,
        %parallel_loop3A_318 = vector.shape_cast %parallel_loop3A_317 : vector<1x16xf32> to vector<16xf32>
        %parallel_loop3A_319 = arith.index_cast %parallel_loop3A_254 : i32 to index
        %parallel_loop3A_320 = arith.constant 64 : index
        %parallel_loop3A_321 = tpu.vector_load %arg6[%parallel_loop3A_319, %parallel_loop3A_320] {strides = array<i32>} : memref<256x256xf32, #tpu.memory_space<vmem>>, vector<1x16xf32>,
        %parallel_loop3A_322 = vector.shape_cast %parallel_loop3A_321 : vector<1x16xf32> to vector<16xf32>
        %parallel_loop3A_323 = arith.addf %parallel_loop3A_318, %parallel_loop3A_322 : vector<16xf32>
        %parallel_loop3A_324 = arith.addf %parallel_loop3A_323, %parallel_loop3A_253 : vector<16xf32>
        %parallel_loop3A_325 = arith.index_cast %parallel_loop3A_249 : i32 to index
        %parallel_loop3A_326 = arith.constant 64 : index
        %parallel_loop3A_327 = tpu.vector_load %arg10[%parallel_loop3A_325, %parallel_loop3A_326] {strides = array<i32>} : memref<32x256xf32, #tpu.memory_space<vmem>>, vector<1x16xf32>,
        %parallel_loop3A_328 = vector.shape_cast %parallel_loop3A_327 : vector<1x16xf32> to vector<16xf32>
        %parallel_loop3A_329 = vector.shape_cast %parallel_loop3A_324 : vector<16xf32> to vector<1x16xf32>
        tpu.vector_store %arg10[%parallel_loop3A_325, %parallel_loop3A_326], %parallel_loop3A_329 {strides = array<i32>} : memref<32x256xf32, #tpu.memory_space<vmem>>, vector<1x16xf32>,
        %parallel_loop3A_330 = arith.index_cast %parallel_loop3A_249 : i32 to index
        %parallel_loop3A_331 = arith.constant 80 : index
        %parallel_loop3A_332 = tpu.vector_load %arg8[%parallel_loop3A_330, %parallel_loop3A_331] {strides = array<i32>} : memref<32x256xf32, #tpu.memory_space<vmem>>, vector<1x16xf32>,
        %parallel_loop3A_333 = vector.shape_cast %parallel_loop3A_332 : vector<1x16xf32> to vector<16xf32>
        %parallel_loop3A_334 = arith.index_cast %parallel_loop3A_254 : i32 to index
        %parallel_loop3A_335 = arith.constant 80 : index
        %parallel_loop3A_336 = tpu.vector_load %arg6[%parallel_loop3A_334, %parallel_loop3A_335] {strides = array<i32>} : memref<256x256xf32, #tpu.memory_space<vmem>>, vector<1x16xf32>,
        %parallel_loop3A_337 = vector.shape_cast %parallel_loop3A_336 : vector<1x16xf32> to vector<16xf32>
        %parallel_loop3A_338 = arith.addf %parallel_loop3A_333, %parallel_loop3A_337 : vector<16xf32>
        %parallel_loop3A_339 = arith.addf %parallel_loop3A_338, %parallel_loop3A_253 : vector<16xf32>
        %parallel_loop3A_340 = arith.index_cast %parallel_loop3A_249 : i32 to index
        %parallel_loop3A_341 = arith.constant 80 : index
        %parallel_loop3A_342 = tpu.vector_load %arg10[%parallel_loop3A_340, %parallel_loop3A_341] {strides = array<i32>} : memref<32x256xf32, #tpu.memory_space<vmem>>, vector<1x16xf32>,
        %parallel_loop3A_343 = vector.shape_cast %parallel_loop3A_342 : vector<1x16xf32> to vector<16xf32>
        %parallel_loop3A_344 = vector.shape_cast %parallel_loop3A_339 : vector<16xf32> to vector<1x16xf32>
        tpu.vector_store %arg10[%parallel_loop3A_340, %parallel_loop3A_341], %parallel_loop3A_344 {strides = array<i32>} : memref<32x256xf32, #tpu.memory_space<vmem>>, vector<1x16xf32>,
        %parallel_loop3A_345 = arith.index_cast %parallel_loop3A_249 : i32 to index
        %parallel_loop3A_346 = arith.constant 96 : index
        %parallel_loop3A_347 = tpu.vector_load %arg8[%parallel_loop3A_345, %parallel_loop3A_346] {strides = array<i32>} : memref<32x256xf32, #tpu.memory_space<vmem>>, vector<1x16xf32>,
        %parallel_loop3A_348 = vector.shape_cast %parallel_loop3A_347 : vector<1x16xf32> to vector<16xf32>
        %parallel_loop3A_349 = arith.index_cast %parallel_loop3A_254 : i32 to index
        %parallel_loop3A_350 = arith.constant 96 : index
        %parallel_loop3A_351 = tpu.vector_load %arg6[%parallel_loop3A_349, %parallel_loop3A_350] {strides = array<i32>} : memref<256x256xf32, #tpu.memory_space<vmem>>, vector<1x16xf32>,
        %parallel_loop3A_352 = vector.shape_cast %parallel_loop3A_351 : vector<1x16xf32> to vector<16xf32>
        %parallel_loop3A_353 = arith.addf %parallel_loop3A_348, %parallel_loop3A_352 : vector<16xf32>
        %parallel_loop3A_354 = arith.addf %parallel_loop3A_353, %parallel_loop3A_253 : vector<16xf32>
        %parallel_loop3A_355 = arith.index_cast %parallel_loop3A_249 : i32 to index
        %parallel_loop3A_356 = arith.constant 96 : index
        %parallel_loop3A_357 = tpu.vector_load %arg10[%parallel_loop3A_355, %parallel_loop3A_356] {strides = array<i32>} : memref<32x256xf32, #tpu.memory_space<vmem>>, vector<1x16xf32>,
        %parallel_loop3A_358 = vector.shape_cast %parallel_loop3A_357 : vector<1x16xf32> to vector<16xf32>
        %parallel_loop3A_359 = vector.shape_cast %parallel_loop3A_354 : vector<16xf32> to vector<1x16xf32>
        tpu.vector_store %arg10[%parallel_loop3A_355, %parallel_loop3A_356], %parallel_loop3A_359 {strides = array<i32>} : memref<32x256xf32, #tpu.memory_space<vmem>>, vector<1x16xf32>,
        %parallel_loop3A_360 = arith.index_cast %parallel_loop3A_249 : i32 to index
        %parallel_loop3A_361 = arith.constant 112 : index
        %parallel_loop3A_362 = tpu.vector_load %arg8[%parallel_loop3A_360, %parallel_loop3A_361] {strides = array<i32>} : memref<32x256xf32, #tpu.memory_space<vmem>>, vector<1x16xf32>,
        %parallel_loop3A_363 = vector.shape_cast %parallel_loop3A_362 : vector<1x16xf32> to vector<16xf32>
        %parallel_loop3A_364 = arith.index_cast %parallel_loop3A_254 : i32 to index
        %parallel_loop3A_365 = arith.constant 112 : index
        %parallel_loop3A_366 = tpu.vector_load %arg6[%parallel_loop3A_364, %parallel_loop3A_365] {strides = array<i32>} : memref<256x256xf32, #tpu.memory_space<vmem>>, vector<1x16xf32>,
        %parallel_loop3A_367 = vector.shape_cast %parallel_loop3A_366 : vector<1x16xf32> to vector<16xf32>
        %parallel_loop3A_368 = arith.addf %parallel_loop3A_363, %parallel_loop3A_367 : vector<16xf32>
        %parallel_loop3A_369 = arith.addf %parallel_loop3A_368, %parallel_loop3A_253 : vector<16xf32>
        %parallel_loop3A_370 = arith.index_cast %parallel_loop3A_249 : i32 to index
        %parallel_loop3A_371 = arith.constant 112 : index
        %parallel_loop3A_372 = tpu.vector_load %arg10[%parallel_loop3A_370, %parallel_loop3A_371] {strides = array<i32>} : memref<32x256xf32, #tpu.memory_space<vmem>>, vector<1x16xf32>,
        %parallel_loop3A_373 = vector.shape_cast %parallel_loop3A_372 : vector<1x16xf32> to vector<16xf32>
        %parallel_loop3A_374 = vector.shape_cast %parallel_loop3A_369 : vector<16xf32> to vector<1x16xf32>
        tpu.vector_store %arg10[%parallel_loop3A_370, %parallel_loop3A_371], %parallel_loop3A_374 {strides = array<i32>} : memref<32x256xf32, #tpu.memory_space<vmem>>, vector<1x16xf32>,
        %parallel_loop3A_375 = arith.index_cast %parallel_loop3A_249 : i32 to index
        %parallel_loop3A_376 = arith.constant 128 : index
        %parallel_loop3A_377 = tpu.vector_load %arg8[%parallel_loop3A_375, %parallel_loop3A_376] {strides = array<i32>} : memref<32x256xf32, #tpu.memory_space<vmem>>, vector<1x16xf32>,
        %parallel_loop3A_378 = vector.shape_cast %parallel_loop3A_377 : vector<1x16xf32> to vector<16xf32>
        %parallel_loop3A_379 = arith.index_cast %parallel_loop3A_254 : i32 to index
        %parallel_loop3A_380 = arith.constant 128 : index
        %parallel_loop3A_381 = tpu.vector_load %arg6[%parallel_loop3A_379, %parallel_loop3A_380] {strides = array<i32>} : memref<256x256xf32, #tpu.memory_space<vmem>>, vector<1x16xf32>,
        %parallel_loop3A_382 = vector.shape_cast %parallel_loop3A_381 : vector<1x16xf32> to vector<16xf32>
        %parallel_loop3A_383 = arith.addf %parallel_loop3A_378, %parallel_loop3A_382 : vector<16xf32>
        %parallel_loop3A_384 = arith.addf %parallel_loop3A_383, %parallel_loop3A_253 : vector<16xf32>
        %parallel_loop3A_385 = arith.index_cast %parallel_loop3A_249 : i32 to index
        %parallel_loop3A_386 = arith.constant 128 : index
        %parallel_loop3A_387 = tpu.vector_load %arg10[%parallel_loop3A_385, %parallel_loop3A_386] {strides = array<i32>} : memref<32x256xf32, #tpu.memory_space<vmem>>, vector<1x16xf32>,
        %parallel_loop3A_388 = vector.shape_cast %parallel_loop3A_387 : vector<1x16xf32> to vector<16xf32>
        %parallel_loop3A_389 = vector.shape_cast %parallel_loop3A_384 : vector<16xf32> to vector<1x16xf32>
        tpu.vector_store %arg10[%parallel_loop3A_385, %parallel_loop3A_386], %parallel_loop3A_389 {strides = array<i32>} : memref<32x256xf32, #tpu.memory_space<vmem>>, vector<1x16xf32>,
        %parallel_loop3A_390 = arith.index_cast %parallel_loop3A_249 : i32 to index
        %parallel_loop3A_391 = arith.constant 144 : index
        %parallel_loop3A_392 = tpu.vector_load %arg8[%parallel_loop3A_390, %parallel_loop3A_391] {strides = array<i32>} : memref<32x256xf32, #tpu.memory_space<vmem>>, vector<1x16xf32>,
        %parallel_loop3A_393 = vector.shape_cast %parallel_loop3A_392 : vector<1x16xf32> to vector<16xf32>
        %parallel_loop3A_394 = arith.index_cast %parallel_loop3A_254 : i32 to index
        %parallel_loop3A_395 = arith.constant 144 : index
        %parallel_loop3A_396 = tpu.vector_load %arg6[%parallel_loop3A_394, %parallel_loop3A_395] {strides = array<i32>} : memref<256x256xf32, #tpu.memory_space<vmem>>, vector<1x16xf32>,
        %parallel_loop3A_397 = vector.shape_cast %parallel_loop3A_396 : vector<1x16xf32> to vector<16xf32>
        %parallel_loop3A_398 = arith.addf %parallel_loop3A_393, %parallel_loop3A_397 : vector<16xf32>
        %parallel_loop3A_399 = arith.addf %parallel_loop3A_398, %parallel_loop3A_253 : vector<16xf32>
        %parallel_loop3A_400 = arith.index_cast %parallel_loop3A_249 : i32 to index
        %parallel_loop3A_401 = arith.constant 144 : index
        %parallel_loop3A_402 = tpu.vector_load %arg10[%parallel_loop3A_400, %parallel_loop3A_401] {strides = array<i32>} : memref<32x256xf32, #tpu.memory_space<vmem>>, vector<1x16xf32>,
        %parallel_loop3A_403 = vector.shape_cast %parallel_loop3A_402 : vector<1x16xf32> to vector<16xf32>
        %parallel_loop3A_404 = vector.shape_cast %parallel_loop3A_399 : vector<16xf32> to vector<1x16xf32>
        tpu.vector_store %arg10[%parallel_loop3A_400, %parallel_loop3A_401], %parallel_loop3A_404 {strides = array<i32>} : memref<32x256xf32, #tpu.memory_space<vmem>>, vector<1x16xf32>,
        %parallel_loop3A_405 = arith.index_cast %parallel_loop3A_249 : i32 to index
        %parallel_loop3A_406 = arith.constant 160 : index
        %parallel_loop3A_407 = tpu.vector_load %arg8[%parallel_loop3A_405, %parallel_loop3A_406] {strides = array<i32>} : memref<32x256xf32, #tpu.memory_space<vmem>>, vector<1x16xf32>,
        %parallel_loop3A_408 = vector.shape_cast %parallel_loop3A_407 : vector<1x16xf32> to vector<16xf32>
        %parallel_loop3A_409 = arith.index_cast %parallel_loop3A_254 : i32 to index
        %parallel_loop3A_410 = arith.constant 160 : index
        %parallel_loop3A_411 = tpu.vector_load %arg6[%parallel_loop3A_409, %parallel_loop3A_410] {strides = array<i32>} : memref<256x256xf32, #tpu.memory_space<vmem>>, vector<1x16xf32>,
        %parallel_loop3A_412 = vector.shape_cast %parallel_loop3A_411 : vector<1x16xf32> to vector<16xf32>
        %parallel_loop3A_413 = arith.addf %parallel_loop3A_408, %parallel_loop3A_412 : vector<16xf32>
        %parallel_loop3A_414 = arith.addf %parallel_loop3A_413, %parallel_loop3A_253 : vector<16xf32>
        %parallel_loop3A_415 = arith.index_cast %parallel_loop3A_249 : i32 to index
        %parallel_loop3A_416 = arith.constant 160 : index
        %parallel_loop3A_417 = tpu.vector_load %arg10[%parallel_loop3A_415, %parallel_loop3A_416] {strides = array<i32>} : memref<32x256xf32, #tpu.memory_space<vmem>>, vector<1x16xf32>,
        %parallel_loop3A_418 = vector.shape_cast %parallel_loop3A_417 : vector<1x16xf32> to vector<16xf32>
        %parallel_loop3A_419 = vector.shape_cast %parallel_loop3A_414 : vector<16xf32> to vector<1x16xf32>
        tpu.vector_store %arg10[%parallel_loop3A_415, %parallel_loop3A_416], %parallel_loop3A_419 {strides = array<i32>} : memref<32x256xf32, #tpu.memory_space<vmem>>, vector<1x16xf32>,
        %parallel_loop3A_420 = arith.index_cast %parallel_loop3A_249 : i32 to index
        %parallel_loop3A_421 = arith.constant 176 : index
        %parallel_loop3A_422 = tpu.vector_load %arg8[%parallel_loop3A_420, %parallel_loop3A_421] {strides = array<i32>} : memref<32x256xf32, #tpu.memory_space<vmem>>, vector<1x16xf32>,
        %parallel_loop3A_423 = vector.shape_cast %parallel_loop3A_422 : vector<1x16xf32> to vector<16xf32>
        %parallel_loop3A_424 = arith.index_cast %parallel_loop3A_254 : i32 to index
        %parallel_loop3A_425 = arith.constant 176 : index
        %parallel_loop3A_426 = tpu.vector_load %arg6[%parallel_loop3A_424, %parallel_loop3A_425] {strides = array<i32>} : memref<256x256xf32, #tpu.memory_space<vmem>>, vector<1x16xf32>,
        %parallel_loop3A_427 = vector.shape_cast %parallel_loop3A_426 : vector<1x16xf32> to vector<16xf32>
        %parallel_loop3A_428 = arith.addf %parallel_loop3A_423, %parallel_loop3A_427 : vector<16xf32>
        %parallel_loop3A_429 = arith.addf %parallel_loop3A_428, %parallel_loop3A_253 : vector<16xf32>
        %parallel_loop3A_430 = arith.index_cast %parallel_loop3A_249 : i32 to index
        %parallel_loop3A_431 = arith.constant 176 : index
        %parallel_loop3A_432 = tpu.vector_load %arg10[%parallel_loop3A_430, %parallel_loop3A_431] {strides = array<i32>} : memref<32x256xf32, #tpu.memory_space<vmem>>, vector<1x16xf32>,
        %parallel_loop3A_433 = vector.shape_cast %parallel_loop3A_432 : vector<1x16xf32> to vector<16xf32>
        %parallel_loop3A_434 = vector.shape_cast %parallel_loop3A_429 : vector<16xf32> to vector<1x16xf32>
        tpu.vector_store %arg10[%parallel_loop3A_430, %parallel_loop3A_431], %parallel_loop3A_434 {strides = array<i32>} : memref<32x256xf32, #tpu.memory_space<vmem>>, vector<1x16xf32>,
        %parallel_loop3A_435 = arith.index_cast %parallel_loop3A_249 : i32 to index
        %parallel_loop3A_436 = arith.constant 192 : index
        %parallel_loop3A_437 = tpu.vector_load %arg8[%parallel_loop3A_435, %parallel_loop3A_436] {strides = array<i32>} : memref<32x256xf32, #tpu.memory_space<vmem>>, vector<1x16xf32>,
        %parallel_loop3A_438 = vector.shape_cast %parallel_loop3A_437 : vector<1x16xf32> to vector<16xf32>
        %parallel_loop3A_439 = arith.index_cast %parallel_loop3A_254 : i32 to index
        %parallel_loop3A_440 = arith.constant 192 : index
        %parallel_loop3A_441 = tpu.vector_load %arg6[%parallel_loop3A_439, %parallel_loop3A_440] {strides = array<i32>} : memref<256x256xf32, #tpu.memory_space<vmem>>, vector<1x16xf32>,
        %parallel_loop3A_442 = vector.shape_cast %parallel_loop3A_441 : vector<1x16xf32> to vector<16xf32>
        %parallel_loop3A_443 = arith.addf %parallel_loop3A_438, %parallel_loop3A_442 : vector<16xf32>
        %parallel_loop3A_444 = arith.addf %parallel_loop3A_443, %parallel_loop3A_253 : vector<16xf32>
        %parallel_loop3A_445 = arith.index_cast %parallel_loop3A_249 : i32 to index
        %parallel_loop3A_446 = arith.constant 192 : index
        %parallel_loop3A_447 = tpu.vector_load %arg10[%parallel_loop3A_445, %parallel_loop3A_446] {strides = array<i32>} : memref<32x256xf32, #tpu.memory_space<vmem>>, vector<1x16xf32>,
        %parallel_loop3A_448 = vector.shape_cast %parallel_loop3A_447 : vector<1x16xf32> to vector<16xf32>
        %parallel_loop3A_449 = vector.shape_cast %parallel_loop3A_444 : vector<16xf32> to vector<1x16xf32>
        tpu.vector_store %arg10[%parallel_loop3A_445, %parallel_loop3A_446], %parallel_loop3A_449 {strides = array<i32>} : memref<32x256xf32, #tpu.memory_space<vmem>>, vector<1x16xf32>,
        %parallel_loop3A_450 = arith.index_cast %parallel_loop3A_249 : i32 to index
        %parallel_loop3A_451 = arith.constant 208 : index
        %parallel_loop3A_452 = tpu.vector_load %arg8[%parallel_loop3A_450, %parallel_loop3A_451] {strides = array<i32>} : memref<32x256xf32, #tpu.memory_space<vmem>>, vector<1x16xf32>,
        %parallel_loop3A_453 = vector.shape_cast %parallel_loop3A_452 : vector<1x16xf32> to vector<16xf32>
        %parallel_loop3A_454 = arith.index_cast %parallel_loop3A_254 : i32 to index
        %parallel_loop3A_455 = arith.constant 208 : index
        %parallel_loop3A_456 = tpu.vector_load %arg6[%parallel_loop3A_454, %parallel_loop3A_455] {strides = array<i32>} : memref<256x256xf32, #tpu.memory_space<vmem>>, vector<1x16xf32>,
        %parallel_loop3A_457 = vector.shape_cast %parallel_loop3A_456 : vector<1x16xf32> to vector<16xf32>
        %parallel_loop3A_458 = arith.addf %parallel_loop3A_453, %parallel_loop3A_457 : vector<16xf32>
        %parallel_loop3A_459 = arith.addf %parallel_loop3A_458, %parallel_loop3A_253 : vector<16xf32>
        %parallel_loop3A_460 = arith.index_cast %parallel_loop3A_249 : i32 to index
        %parallel_loop3A_461 = arith.constant 208 : index
        %parallel_loop3A_462 = tpu.vector_load %arg10[%parallel_loop3A_460, %parallel_loop3A_461] {strides = array<i32>} : memref<32x256xf32, #tpu.memory_space<vmem>>, vector<1x16xf32>,
        %parallel_loop3A_463 = vector.shape_cast %parallel_loop3A_462 : vector<1x16xf32> to vector<16xf32>
        %parallel_loop3A_464 = vector.shape_cast %parallel_loop3A_459 : vector<16xf32> to vector<1x16xf32>
        tpu.vector_store %arg10[%parallel_loop3A_460, %parallel_loop3A_461], %parallel_loop3A_464 {strides = array<i32>} : memref<32x256xf32, #tpu.memory_space<vmem>>, vector<1x16xf32>,
        %parallel_loop3A_465 = arith.index_cast %parallel_loop3A_249 : i32 to index
        %parallel_loop3A_466 = arith.constant 224 : index
        %parallel_loop3A_467 = tpu.vector_load %arg8[%parallel_loop3A_465, %parallel_loop3A_466] {strides = array<i32>} : memref<32x256xf32, #tpu.memory_space<vmem>>, vector<1x16xf32>,
        %parallel_loop3A_468 = vector.shape_cast %parallel_loop3A_467 : vector<1x16xf32> to vector<16xf32>
        %parallel_loop3A_469 = arith.index_cast %parallel_loop3A_254 : i32 to index
        %parallel_loop3A_470 = arith.constant 224 : index
        %parallel_loop3A_471 = tpu.vector_load %arg6[%parallel_loop3A_469, %parallel_loop3A_470] {strides = array<i32>} : memref<256x256xf32, #tpu.memory_space<vmem>>, vector<1x16xf32>,
        %parallel_loop3A_472 = vector.shape_cast %parallel_loop3A_471 : vector<1x16xf32> to vector<16xf32>
        %parallel_loop3A_473 = arith.addf %parallel_loop3A_468, %parallel_loop3A_472 : vector<16xf32>
        %parallel_loop3A_474 = arith.addf %parallel_loop3A_473, %parallel_loop3A_253 : vector<16xf32>
        %parallel_loop3A_475 = arith.index_cast %parallel_loop3A_249 : i32 to index
        %parallel_loop3A_476 = arith.constant 224 : index
        %parallel_loop3A_477 = tpu.vector_load %arg10[%parallel_loop3A_475, %parallel_loop3A_476] {strides = array<i32>} : memref<32x256xf32, #tpu.memory_space<vmem>>, vector<1x16xf32>,
        %parallel_loop3A_478 = vector.shape_cast %parallel_loop3A_477 : vector<1x16xf32> to vector<16xf32>
        %parallel_loop3A_479 = vector.shape_cast %parallel_loop3A_474 : vector<16xf32> to vector<1x16xf32>
        tpu.vector_store %arg10[%parallel_loop3A_475, %parallel_loop3A_476], %parallel_loop3A_479 {strides = array<i32>} : memref<32x256xf32, #tpu.memory_space<vmem>>, vector<1x16xf32>,
        %parallel_loop3A_480 = arith.index_cast %parallel_loop3A_249 : i32 to index
        %parallel_loop3A_481 = arith.constant 240 : index
        %parallel_loop3A_482 = tpu.vector_load %arg8[%parallel_loop3A_480, %parallel_loop3A_481] {strides = array<i32>} : memref<32x256xf32, #tpu.memory_space<vmem>>, vector<1x16xf32>,
        %parallel_loop3A_483 = vector.shape_cast %parallel_loop3A_482 : vector<1x16xf32> to vector<16xf32>
        %parallel_loop3A_484 = arith.index_cast %parallel_loop3A_254 : i32 to index
        %parallel_loop3A_485 = arith.constant 240 : index
        %parallel_loop3A_486 = tpu.vector_load %arg6[%parallel_loop3A_484, %parallel_loop3A_485] {strides = array<i32>} : memref<256x256xf32, #tpu.memory_space<vmem>>, vector<1x16xf32>,
        %parallel_loop3A_487 = vector.shape_cast %parallel_loop3A_486 : vector<1x16xf32> to vector<16xf32>
        %parallel_loop3A_488 = arith.addf %parallel_loop3A_483, %parallel_loop3A_487 : vector<16xf32>
        %parallel_loop3A_489 = arith.addf %parallel_loop3A_488, %parallel_loop3A_253 : vector<16xf32>
        %parallel_loop3A_490 = arith.index_cast %parallel_loop3A_249 : i32 to index
        %parallel_loop3A_491 = arith.constant 240 : index
        %parallel_loop3A_492 = tpu.vector_load %arg10[%parallel_loop3A_490, %parallel_loop3A_491] {strides = array<i32>} : memref<32x256xf32, #tpu.memory_space<vmem>>, vector<1x16xf32>,
        %parallel_loop3A_493 = vector.shape_cast %parallel_loop3A_492 : vector<1x16xf32> to vector<16xf32>
        %parallel_loop3A_494 = vector.shape_cast %parallel_loop3A_489 : vector<16xf32> to vector<1x16xf32>
        tpu.vector_store %arg10[%parallel_loop3A_490, %parallel_loop3A_491], %parallel_loop3A_494 {strides = array<i32>} : memref<32x256xf32, #tpu.memory_space<vmem>>, vector<1x16xf32>,
      } {sc.loop_unroll_factor = 8 : i64, sc.parallel_access}
      %add3A_224 = arith.constant 1 : i32
      %add3A_225 = arith.addi %mul3A_139, %add3A_224 : i32
      %mul3A_226 = arith.constant 32 : i32
      %mul3A_227 = arith.muli %add3A_225, %mul3A_226 : i32
      %add3A_228 = arith.addi %mul3A_2, %mul3A_227 : i32
      %dma_start3A_229 = arith.constant 0 : i32
      %dma_start3A_230 = tpu.memref_slice %arg5[%add3A_228, %dma_start3A_229] : memref<65536x256xf32, #tpu.memory_space<hbm>> -> memref<32x256xf32, #tpu.memory_space<hbm>>
      %dma_start3A_231 = arith.constant 0 : i32
      %dma_start3A_232 = tpu.memref_slice %arg5[%add3A_228, %dma_start3A_231] : memref<65536x256xf32, #tpu.memory_space<hbm>> -> memref<32x256xf32, #tpu.memory_space<hbm>>
      tpu.enqueue_dma source(%arg10 : memref<32x256xf32, #tpu.memory_space<vmem>>) target(%dma_start3A_232 : memref<32x256xf32, #tpu.memory_space<hbm>>) target_semaphore(%arg16 : memref<!tpu.dma_semaphore, #tpu.memory_space<semaphore_mem>>)
      %add3A_233 = arith.constant 3 : i32
      %add3A_234 = arith.addi %mul3A_139, %add3A_233 : i32
      %mul3A_235 = arith.constant 32 : i32
      %mul3A_236 = arith.muli %add3A_234, %mul3A_235 : i32
      %add3A_237 = arith.addi %mul3A_2, %mul3A_236 : i32
      %dma_start3A_238 = arith.constant 0 : i32
      %dma_start3A_239 = tpu.memref_slice %arg2[%add3A_237, %dma_start3A_238] : memref<65536x256xf32, #tpu.memory_space<hbm>> -> memref<32x256xf32, #tpu.memory_space<hbm>>
      %dma_start3A_240 = arith.constant 0 : i32
      %dma_start3A_241 = tpu.memref_slice %arg2[%add3A_237, %dma_start3A_240] : memref<65536x256xf32, #tpu.memory_space<hbm>> -> memref<32x256xf32, #tpu.memory_space<hbm>>
      tpu.enqueue_dma source(%dma_start3A_241 : memref<32x256xf32, #tpu.memory_space<hbm>>) target(%arg8 : memref<32x256xf32, #tpu.memory_space<vmem>>) target_semaphore(%arg14 : memref<!tpu.dma_semaphore, #tpu.memory_space<semaphore_mem>>)
      %mul3A_242 = arith.constant 32 : i32
      %mul3A_243 = arith.muli %add3A_234, %mul3A_242 : i32
      %add3A_244 = arith.addi %mul3A_2, %mul3A_243 : i32
      %dma_start3A_245 = arith.constant 0 : i32
      %dma_start3A_246 = tpu.memref_slice %arg4[%add3A_244, %dma_start3A_245] : memref<65536x16xf32, #tpu.memory_space<hbm>> -> memref<32x16xf32, #tpu.memory_space<hbm>>
      %dma_start3A_247 = arith.constant 0 : i32
      %dma_start3A_248 = tpu.memref_slice %arg4[%add3A_244, %dma_start3A_247] : memref<65536x16xf32, #tpu.memory_space<hbm>> -> memref<32x16xf32, #tpu.memory_space<hbm>>
      tpu.enqueue_dma source(%dma_start3A_248 : memref<32x16xf32, #tpu.memory_space<hbm>>) target(%arg12 : memref<32x16xf32, #tpu.memory_space<vmem>>) target_semaphore(%arg14 : memref<!tpu.dma_semaphore, #tpu.memory_space<semaphore_mem>>)
    }
    %scan3A_86 = arith.constant 30 : i32
    %dma_wait3A_87 = arith.constant 0 : i32
    %dma_wait3A_88 = tpu.memref_slice %arg2[%mul3A_2, %dma_wait3A_87] : memref<65536x256xf32, #tpu.memory_space<hbm>> -> memref<32x256xf32, #tpu.memory_space<hbm>>
    %dma_wait3A_89 = arith.constant 0 : i32
    %dma_wait3A_90 = tpu.memref_slice %arg2[%mul3A_2, %dma_wait3A_89] : memref<65536x256xf32, #tpu.memory_space<hbm>> -> memref<32x256xf32, #tpu.memory_space<hbm>>
    tpu.wait_dma2 semaphore(%arg13 : memref<!tpu.dma_semaphore, #tpu.memory_space<semaphore_mem>>) src(%dma_wait3A_90 : memref<32x256xf32, #tpu.memory_space<hbm>>) dst(%arg7 : memref<32x256xf32, #tpu.memory_space<vmem>>)
    %dma_wait3A_91 = arith.constant 0 : i32
    %dma_wait3A_92 = tpu.memref_slice %arg4[%mul3A_2, %dma_wait3A_91] : memref<65536x16xf32, #tpu.memory_space<hbm>> -> memref<32x16xf32, #tpu.memory_space<hbm>>
    %dma_wait3A_93 = arith.constant 0 : i32
    %dma_wait3A_94 = tpu.memref_slice %arg4[%mul3A_2, %dma_wait3A_93] : memref<65536x16xf32, #tpu.memory_space<hbm>> -> memref<32x16xf32, #tpu.memory_space<hbm>>
    tpu.wait_dma2 semaphore(%arg13 : memref<!tpu.dma_semaphore, #tpu.memory_space<semaphore_mem>>) src(%dma_wait3A_94 : memref<32x16xf32, #tpu.memory_space<hbm>>) dst(%arg11 : memref<32x16xf32, #tpu.memory_space<vmem>>)
    %dma_wait3A_95 = arith.constant 0 : i32
    %dma_wait3A_96 = tpu.memref_slice %arg5[%mul3A_2, %dma_wait3A_95] : memref<65536x256xf32, #tpu.memory_space<hbm>> -> memref<32x256xf32, #tpu.memory_space<hbm>>
    %dma_wait3A_97 = arith.constant 0 : i32
    %dma_wait3A_98 = tpu.memref_slice %arg5[%mul3A_2, %dma_wait3A_97] : memref<65536x256xf32, #tpu.memory_space<hbm>> -> memref<32x256xf32, #tpu.memory_space<hbm>>
    tpu.wait_dma2 semaphore(%arg15 : memref<!tpu.dma_semaphore, #tpu.memory_space<semaphore_mem>>) src(%arg9 : memref<32x256xf32, #tpu.memory_space<vmem>>) dst(%dma_wait3A_98 : memref<32x256xf32, #tpu.memory_space<hbm>>)
    %parallel_loop3A_99 = arith.constant 0 : i32
    %parallel_loop3A_100 = arith.constant 32 : i32
    %parallel_loop3A_101 = arith.constant 1 : i32
    scf.for %parallel_loop3A_137 = %parallel_loop3A_99 to %parallel_loop3A_100 step %parallel_loop3A_101  : i32 {
      %parallel_loop3A_138 = arith.index_cast %parallel_loop3A_137 : i32 to index
      %parallel_loop3A_139 = arith.constant 0 : index
      %parallel_loop3A_140 = tpu.vector_load %arg11[%parallel_loop3A_138, %parallel_loop3A_139] {strides = array<i32>} : memref<32x16xf32, #tpu.memory_space<vmem>>, vector<1x16xf32>,
      %parallel_loop3A_141 = vector.shape_cast %parallel_loop3A_140 : vector<1x16xf32> to vector<16xf32>
      %parallel_loop3A_142 = arith.constant 192 : i32
      %parallel_loop3A_143 = arith.addi %parallel_loop3A_142, %parallel_loop3A_137 : i32
      %parallel_loop3A_144 = arith.index_cast %parallel_loop3A_137 : i32 to index
      %parallel_loop3A_145 = arith.constant 0 : index
      %parallel_loop3A_146 = tpu.vector_load %arg7[%parallel_loop3A_144, %parallel_loop3A_145] {strides = array<i32>} : memref<32x256xf32, #tpu.memory_space<vmem>>, vector<1x16xf32>,
      %parallel_loop3A_147 = vector.shape_cast %parallel_loop3A_146 : vector<1x16xf32> to vector<16xf32>
      %parallel_loop3A_148 = arith.index_cast %parallel_loop3A_143 : i32 to index
      %parallel_loop3A_149 = arith.constant 0 : index
      %parallel_loop3A_150 = tpu.vector_load %arg6[%parallel_loop3A_148, %parallel_loop3A_149] {strides = array<i32>} : memref<256x256xf32, #tpu.memory_space<vmem>>, vector<1x16xf32>,
      %parallel_loop3A_151 = vector.shape_cast %parallel_loop3A_150 : vector<1x16xf32> to vector<16xf32>
      %parallel_loop3A_152 = arith.addf %parallel_loop3A_147, %parallel_loop3A_151 : vector<16xf32>
      %parallel_loop3A_153 = arith.addf %parallel_loop3A_152, %parallel_loop3A_141 : vector<16xf32>
      %parallel_loop3A_154 = arith.index_cast %parallel_loop3A_137 : i32 to index
      %parallel_loop3A_155 = arith.constant 0 : index
      %parallel_loop3A_156 = tpu.vector_load %arg9[%parallel_loop3A_154, %parallel_loop3A_155] {strides = array<i32>} : memref<32x256xf32, #tpu.memory_space<vmem>>, vector<1x16xf32>,
      %parallel_loop3A_157 = vector.shape_cast %parallel_loop3A_156 : vector<1x16xf32> to vector<16xf32>
      %parallel_loop3A_158 = vector.shape_cast %parallel_loop3A_153 : vector<16xf32> to vector<1x16xf32>
      tpu.vector_store %arg9[%parallel_loop3A_154, %parallel_loop3A_155], %parallel_loop3A_158 {strides = array<i32>} : memref<32x256xf32, #tpu.memory_space<vmem>>, vector<1x16xf32>,
      %parallel_loop3A_159 = arith.index_cast %parallel_loop3A_137 : i32 to index
      %parallel_loop3A_160 = arith.constant 16 : index
      %parallel_loop3A_161 = tpu.vector_load %arg7[%parallel_loop3A_159, %parallel_loop3A_160] {strides = array<i32>} : memref<32x256xf32, #tpu.memory_space<vmem>>, vector<1x16xf32>,
      %parallel_loop3A_162 = vector.shape_cast %parallel_loop3A_161 : vector<1x16xf32> to vector<16xf32>
      %parallel_loop3A_163 = arith.index_cast %parallel_loop3A_143 : i32 to index
      %parallel_loop3A_164 = arith.constant 16 : index
      %parallel_loop3A_165 = tpu.vector_load %arg6[%parallel_loop3A_163, %parallel_loop3A_164] {strides = array<i32>} : memref<256x256xf32, #tpu.memory_space<vmem>>, vector<1x16xf32>,
      %parallel_loop3A_166 = vector.shape_cast %parallel_loop3A_165 : vector<1x16xf32> to vector<16xf32>
      %parallel_loop3A_167 = arith.addf %parallel_loop3A_162, %parallel_loop3A_166 : vector<16xf32>
      %parallel_loop3A_168 = arith.addf %parallel_loop3A_167, %parallel_loop3A_141 : vector<16xf32>
      %parallel_loop3A_169 = arith.index_cast %parallel_loop3A_137 : i32 to index
      %parallel_loop3A_170 = arith.constant 16 : index
      %parallel_loop3A_171 = tpu.vector_load %arg9[%parallel_loop3A_169, %parallel_loop3A_170] {strides = array<i32>} : memref<32x256xf32, #tpu.memory_space<vmem>>, vector<1x16xf32>,
      %parallel_loop3A_172 = vector.shape_cast %parallel_loop3A_171 : vector<1x16xf32> to vector<16xf32>
      %parallel_loop3A_173 = vector.shape_cast %parallel_loop3A_168 : vector<16xf32> to vector<1x16xf32>
      tpu.vector_store %arg9[%parallel_loop3A_169, %parallel_loop3A_170], %parallel_loop3A_173 {strides = array<i32>} : memref<32x256xf32, #tpu.memory_space<vmem>>, vector<1x16xf32>,
      %parallel_loop3A_174 = arith.index_cast %parallel_loop3A_137 : i32 to index
      %parallel_loop3A_175 = arith.constant 32 : index
      %parallel_loop3A_176 = tpu.vector_load %arg7[%parallel_loop3A_174, %parallel_loop3A_175] {strides = array<i32>} : memref<32x256xf32, #tpu.memory_space<vmem>>, vector<1x16xf32>,
      %parallel_loop3A_177 = vector.shape_cast %parallel_loop3A_176 : vector<1x16xf32> to vector<16xf32>
      %parallel_loop3A_178 = arith.index_cast %parallel_loop3A_143 : i32 to index
      %parallel_loop3A_179 = arith.constant 32 : index
      %parallel_loop3A_180 = tpu.vector_load %arg6[%parallel_loop3A_178, %parallel_loop3A_179] {strides = array<i32>} : memref<256x256xf32, #tpu.memory_space<vmem>>, vector<1x16xf32>,
      %parallel_loop3A_181 = vector.shape_cast %parallel_loop3A_180 : vector<1x16xf32> to vector<16xf32>
      %parallel_loop3A_182 = arith.addf %parallel_loop3A_177, %parallel_loop3A_181 : vector<16xf32>
      %parallel_loop3A_183 = arith.addf %parallel_loop3A_182, %parallel_loop3A_141 : vector<16xf32>
      %parallel_loop3A_184 = arith.index_cast %parallel_loop3A_137 : i32 to index
      %parallel_loop3A_185 = arith.constant 32 : index
      %parallel_loop3A_186 = tpu.vector_load %arg9[%parallel_loop3A_184, %parallel_loop3A_185] {strides = array<i32>} : memref<32x256xf32, #tpu.memory_space<vmem>>, vector<1x16xf32>,
      %parallel_loop3A_187 = vector.shape_cast %parallel_loop3A_186 : vector<1x16xf32> to vector<16xf32>
      %parallel_loop3A_188 = vector.shape_cast %parallel_loop3A_183 : vector<16xf32> to vector<1x16xf32>
      tpu.vector_store %arg9[%parallel_loop3A_184, %parallel_loop3A_185], %parallel_loop3A_188 {strides = array<i32>} : memref<32x256xf32, #tpu.memory_space<vmem>>, vector<1x16xf32>,
      %parallel_loop3A_189 = arith.index_cast %parallel_loop3A_137 : i32 to index
      %parallel_loop3A_190 = arith.constant 48 : index
      %parallel_loop3A_191 = tpu.vector_load %arg7[%parallel_loop3A_189, %parallel_loop3A_190] {strides = array<i32>} : memref<32x256xf32, #tpu.memory_space<vmem>>, vector<1x16xf32>,
      %parallel_loop3A_192 = vector.shape_cast %parallel_loop3A_191 : vector<1x16xf32> to vector<16xf32>
      %parallel_loop3A_193 = arith.index_cast %parallel_loop3A_143 : i32 to index
      %parallel_loop3A_194 = arith.constant 48 : index
      %parallel_loop3A_195 = tpu.vector_load %arg6[%parallel_loop3A_193, %parallel_loop3A_194] {strides = array<i32>} : memref<256x256xf32, #tpu.memory_space<vmem>>, vector<1x16xf32>,
      %parallel_loop3A_196 = vector.shape_cast %parallel_loop3A_195 : vector<1x16xf32> to vector<16xf32>
      %parallel_loop3A_197 = arith.addf %parallel_loop3A_192, %parallel_loop3A_196 : vector<16xf32>
      %parallel_loop3A_198 = arith.addf %parallel_loop3A_197, %parallel_loop3A_141 : vector<16xf32>
      %parallel_loop3A_199 = arith.index_cast %parallel_loop3A_137 : i32 to index
      %parallel_loop3A_200 = arith.constant 48 : index
      %parallel_loop3A_201 = tpu.vector_load %arg9[%parallel_loop3A_199, %parallel_loop3A_200] {strides = array<i32>} : memref<32x256xf32, #tpu.memory_space<vmem>>, vector<1x16xf32>,
      %parallel_loop3A_202 = vector.shape_cast %parallel_loop3A_201 : vector<1x16xf32> to vector<16xf32>
      %parallel_loop3A_203 = vector.shape_cast %parallel_loop3A_198 : vector<16xf32> to vector<1x16xf32>
      tpu.vector_store %arg9[%parallel_loop3A_199, %parallel_loop3A_200], %parallel_loop3A_203 {strides = array<i32>} : memref<32x256xf32, #tpu.memory_space<vmem>>, vector<1x16xf32>,
      %parallel_loop3A_204 = arith.index_cast %parallel_loop3A_137 : i32 to index
      %parallel_loop3A_205 = arith.constant 64 : index
      %parallel_loop3A_206 = tpu.vector_load %arg7[%parallel_loop3A_204, %parallel_loop3A_205] {strides = array<i32>} : memref<32x256xf32, #tpu.memory_space<vmem>>, vector<1x16xf32>,
      %parallel_loop3A_207 = vector.shape_cast %parallel_loop3A_206 : vector<1x16xf32> to vector<16xf32>
      %parallel_loop3A_208 = arith.index_cast %parallel_loop3A_143 : i32 to index
      %parallel_loop3A_209 = arith.constant 64 : index
      %parallel_loop3A_210 = tpu.vector_load %arg6[%parallel_loop3A_208, %parallel_loop3A_209] {strides = array<i32>} : memref<256x256xf32, #tpu.memory_space<vmem>>, vector<1x16xf32>,
      %parallel_loop3A_211 = vector.shape_cast %parallel_loop3A_210 : vector<1x16xf32> to vector<16xf32>
      %parallel_loop3A_212 = arith.addf %parallel_loop3A_207, %parallel_loop3A_211 : vector<16xf32>
      %parallel_loop3A_213 = arith.addf %parallel_loop3A_212, %parallel_loop3A_141 : vector<16xf32>
      %parallel_loop3A_214 = arith.index_cast %parallel_loop3A_137 : i32 to index
      %parallel_loop3A_215 = arith.constant 64 : index
      %parallel_loop3A_216 = tpu.vector_load %arg9[%parallel_loop3A_214, %parallel_loop3A_215] {strides = array<i32>} : memref<32x256xf32, #tpu.memory_space<vmem>>, vector<1x16xf32>,
      %parallel_loop3A_217 = vector.shape_cast %parallel_loop3A_216 : vector<1x16xf32> to vector<16xf32>
      %parallel_loop3A_218 = vector.shape_cast %parallel_loop3A_213 : vector<16xf32> to vector<1x16xf32>
      tpu.vector_store %arg9[%parallel_loop3A_214, %parallel_loop3A_215], %parallel_loop3A_218 {strides = array<i32>} : memref<32x256xf32, #tpu.memory_space<vmem>>, vector<1x16xf32>,
      %parallel_loop3A_219 = arith.index_cast %parallel_loop3A_137 : i32 to index
      %parallel_loop3A_220 = arith.constant 80 : index
      %parallel_loop3A_221 = tpu.vector_load %arg7[%parallel_loop3A_219, %parallel_loop3A_220] {strides = array<i32>} : memref<32x256xf32, #tpu.memory_space<vmem>>, vector<1x16xf32>,
      %parallel_loop3A_222 = vector.shape_cast %parallel_loop3A_221 : vector<1x16xf32> to vector<16xf32>
      %parallel_loop3A_223 = arith.index_cast %parallel_loop3A_143 : i32 to index
      %parallel_loop3A_224 = arith.constant 80 : index
      %parallel_loop3A_225 = tpu.vector_load %arg6[%parallel_loop3A_223, %parallel_loop3A_224] {strides = array<i32>} : memref<256x256xf32, #tpu.memory_space<vmem>>, vector<1x16xf32>,
      %parallel_loop3A_226 = vector.shape_cast %parallel_loop3A_225 : vector<1x16xf32> to vector<16xf32>
      %parallel_loop3A_227 = arith.addf %parallel_loop3A_222, %parallel_loop3A_226 : vector<16xf32>
      %parallel_loop3A_228 = arith.addf %parallel_loop3A_227, %parallel_loop3A_141 : vector<16xf32>
      %parallel_loop3A_229 = arith.index_cast %parallel_loop3A_137 : i32 to index
      %parallel_loop3A_230 = arith.constant 80 : index
      %parallel_loop3A_231 = tpu.vector_load %arg9[%parallel_loop3A_229, %parallel_loop3A_230] {strides = array<i32>} : memref<32x256xf32, #tpu.memory_space<vmem>>, vector<1x16xf32>,
      %parallel_loop3A_232 = vector.shape_cast %parallel_loop3A_231 : vector<1x16xf32> to vector<16xf32>
      %parallel_loop3A_233 = vector.shape_cast %parallel_loop3A_228 : vector<16xf32> to vector<1x16xf32>
      tpu.vector_store %arg9[%parallel_loop3A_229, %parallel_loop3A_230], %parallel_loop3A_233 {strides = array<i32>} : memref<32x256xf32, #tpu.memory_space<vmem>>, vector<1x16xf32>,
      %parallel_loop3A_234 = arith.index_cast %parallel_loop3A_137 : i32 to index
      %parallel_loop3A_235 = arith.constant 96 : index
      %parallel_loop3A_236 = tpu.vector_load %arg7[%parallel_loop3A_234, %parallel_loop3A_235] {strides = array<i32>} : memref<32x256xf32, #tpu.memory_space<vmem>>, vector<1x16xf32>,
      %parallel_loop3A_237 = vector.shape_cast %parallel_loop3A_236 : vector<1x16xf32> to vector<16xf32>
      %parallel_loop3A_238 = arith.index_cast %parallel_loop3A_143 : i32 to index
      %parallel_loop3A_239 = arith.constant 96 : index
      %parallel_loop3A_240 = tpu.vector_load %arg6[%parallel_loop3A_238, %parallel_loop3A_239] {strides = array<i32>} : memref<256x256xf32, #tpu.memory_space<vmem>>, vector<1x16xf32>,
      %parallel_loop3A_241 = vector.shape_cast %parallel_loop3A_240 : vector<1x16xf32> to vector<16xf32>
      %parallel_loop3A_242 = arith.addf %parallel_loop3A_237, %parallel_loop3A_241 : vector<16xf32>
      %parallel_loop3A_243 = arith.addf %parallel_loop3A_242, %parallel_loop3A_141 : vector<16xf32>
      %parallel_loop3A_244 = arith.index_cast %parallel_loop3A_137 : i32 to index
      %parallel_loop3A_245 = arith.constant 96 : index
      %parallel_loop3A_246 = tpu.vector_load %arg9[%parallel_loop3A_244, %parallel_loop3A_245] {strides = array<i32>} : memref<32x256xf32, #tpu.memory_space<vmem>>, vector<1x16xf32>,
      %parallel_loop3A_247 = vector.shape_cast %parallel_loop3A_246 : vector<1x16xf32> to vector<16xf32>
      %parallel_loop3A_248 = vector.shape_cast %parallel_loop3A_243 : vector<16xf32> to vector<1x16xf32>
      tpu.vector_store %arg9[%parallel_loop3A_244, %parallel_loop3A_245], %parallel_loop3A_248 {strides = array<i32>} : memref<32x256xf32, #tpu.memory_space<vmem>>, vector<1x16xf32>,
      %parallel_loop3A_249 = arith.index_cast %parallel_loop3A_137 : i32 to index
      %parallel_loop3A_250 = arith.constant 112 : index
      %parallel_loop3A_251 = tpu.vector_load %arg7[%parallel_loop3A_249, %parallel_loop3A_250] {strides = array<i32>} : memref<32x256xf32, #tpu.memory_space<vmem>>, vector<1x16xf32>,
      %parallel_loop3A_252 = vector.shape_cast %parallel_loop3A_251 : vector<1x16xf32> to vector<16xf32>
      %parallel_loop3A_253 = arith.index_cast %parallel_loop3A_143 : i32 to index
      %parallel_loop3A_254 = arith.constant 112 : index
      %parallel_loop3A_255 = tpu.vector_load %arg6[%parallel_loop3A_253, %parallel_loop3A_254] {strides = array<i32>} : memref<256x256xf32, #tpu.memory_space<vmem>>, vector<1x16xf32>,
      %parallel_loop3A_256 = vector.shape_cast %parallel_loop3A_255 : vector<1x16xf32> to vector<16xf32>
      %parallel_loop3A_257 = arith.addf %parallel_loop3A_252, %parallel_loop3A_256 : vector<16xf32>
      %parallel_loop3A_258 = arith.addf %parallel_loop3A_257, %parallel_loop3A_141 : vector<16xf32>
      %parallel_loop3A_259 = arith.index_cast %parallel_loop3A_137 : i32 to index
      %parallel_loop3A_260 = arith.constant 112 : index
      %parallel_loop3A_261 = tpu.vector_load %arg9[%parallel_loop3A_259, %parallel_loop3A_260] {strides = array<i32>} : memref<32x256xf32, #tpu.memory_space<vmem>>, vector<1x16xf32>,
      %parallel_loop3A_262 = vector.shape_cast %parallel_loop3A_261 : vector<1x16xf32> to vector<16xf32>
      %parallel_loop3A_263 = vector.shape_cast %parallel_loop3A_258 : vector<16xf32> to vector<1x16xf32>
      tpu.vector_store %arg9[%parallel_loop3A_259, %parallel_loop3A_260], %parallel_loop3A_263 {strides = array<i32>} : memref<32x256xf32, #tpu.memory_space<vmem>>, vector<1x16xf32>,
      %parallel_loop3A_264 = arith.index_cast %parallel_loop3A_137 : i32 to index
      %parallel_loop3A_265 = arith.constant 128 : index
      %parallel_loop3A_266 = tpu.vector_load %arg7[%parallel_loop3A_264, %parallel_loop3A_265] {strides = array<i32>} : memref<32x256xf32, #tpu.memory_space<vmem>>, vector<1x16xf32>,
      %parallel_loop3A_267 = vector.shape_cast %parallel_loop3A_266 : vector<1x16xf32> to vector<16xf32>
      %parallel_loop3A_268 = arith.index_cast %parallel_loop3A_143 : i32 to index
      %parallel_loop3A_269 = arith.constant 128 : index
      %parallel_loop3A_270 = tpu.vector_load %arg6[%parallel_loop3A_268, %parallel_loop3A_269] {strides = array<i32>} : memref<256x256xf32, #tpu.memory_space<vmem>>, vector<1x16xf32>,
      %parallel_loop3A_271 = vector.shape_cast %parallel_loop3A_270 : vector<1x16xf32> to vector<16xf32>
      %parallel_loop3A_272 = arith.addf %parallel_loop3A_267, %parallel_loop3A_271 : vector<16xf32>
      %parallel_loop3A_273 = arith.addf %parallel_loop3A_272, %parallel_loop3A_141 : vector<16xf32>
      %parallel_loop3A_274 = arith.index_cast %parallel_loop3A_137 : i32 to index
      %parallel_loop3A_275 = arith.constant 128 : index
      %parallel_loop3A_276 = tpu.vector_load %arg9[%parallel_loop3A_274, %parallel_loop3A_275] {strides = array<i32>} : memref<32x256xf32, #tpu.memory_space<vmem>>, vector<1x16xf32>,
      %parallel_loop3A_277 = vector.shape_cast %parallel_loop3A_276 : vector<1x16xf32> to vector<16xf32>
      %parallel_loop3A_278 = vector.shape_cast %parallel_loop3A_273 : vector<16xf32> to vector<1x16xf32>
      tpu.vector_store %arg9[%parallel_loop3A_274, %parallel_loop3A_275], %parallel_loop3A_278 {strides = array<i32>} : memref<32x256xf32, #tpu.memory_space<vmem>>, vector<1x16xf32>,
      %parallel_loop3A_279 = arith.index_cast %parallel_loop3A_137 : i32 to index
      %parallel_loop3A_280 = arith.constant 144 : index
      %parallel_loop3A_281 = tpu.vector_load %arg7[%parallel_loop3A_279, %parallel_loop3A_280] {strides = array<i32>} : memref<32x256xf32, #tpu.memory_space<vmem>>, vector<1x16xf32>,
      %parallel_loop3A_282 = vector.shape_cast %parallel_loop3A_281 : vector<1x16xf32> to vector<16xf32>
      %parallel_loop3A_283 = arith.index_cast %parallel_loop3A_143 : i32 to index
      %parallel_loop3A_284 = arith.constant 144 : index
      %parallel_loop3A_285 = tpu.vector_load %arg6[%parallel_loop3A_283, %parallel_loop3A_284] {strides = array<i32>} : memref<256x256xf32, #tpu.memory_space<vmem>>, vector<1x16xf32>,
      %parallel_loop3A_286 = vector.shape_cast %parallel_loop3A_285 : vector<1x16xf32> to vector<16xf32>
      %parallel_loop3A_287 = arith.addf %parallel_loop3A_282, %parallel_loop3A_286 : vector<16xf32>
      %parallel_loop3A_288 = arith.addf %parallel_loop3A_287, %parallel_loop3A_141 : vector<16xf32>
      %parallel_loop3A_289 = arith.index_cast %parallel_loop3A_137 : i32 to index
      %parallel_loop3A_290 = arith.constant 144 : index
      %parallel_loop3A_291 = tpu.vector_load %arg9[%parallel_loop3A_289, %parallel_loop3A_290] {strides = array<i32>} : memref<32x256xf32, #tpu.memory_space<vmem>>, vector<1x16xf32>,
      %parallel_loop3A_292 = vector.shape_cast %parallel_loop3A_291 : vector<1x16xf32> to vector<16xf32>
      %parallel_loop3A_293 = vector.shape_cast %parallel_loop3A_288 : vector<16xf32> to vector<1x16xf32>
      tpu.vector_store %arg9[%parallel_loop3A_289, %parallel_loop3A_290], %parallel_loop3A_293 {strides = array<i32>} : memref<32x256xf32, #tpu.memory_space<vmem>>, vector<1x16xf32>,
      %parallel_loop3A_294 = arith.index_cast %parallel_loop3A_137 : i32 to index
      %parallel_loop3A_295 = arith.constant 160 : index
      %parallel_loop3A_296 = tpu.vector_load %arg7[%parallel_loop3A_294, %parallel_loop3A_295] {strides = array<i32>} : memref<32x256xf32, #tpu.memory_space<vmem>>, vector<1x16xf32>,
      %parallel_loop3A_297 = vector.shape_cast %parallel_loop3A_296 : vector<1x16xf32> to vector<16xf32>
      %parallel_loop3A_298 = arith.index_cast %parallel_loop3A_143 : i32 to index
      %parallel_loop3A_299 = arith.constant 160 : index
      %parallel_loop3A_300 = tpu.vector_load %arg6[%parallel_loop3A_298, %parallel_loop3A_299] {strides = array<i32>} : memref<256x256xf32, #tpu.memory_space<vmem>>, vector<1x16xf32>,
      %parallel_loop3A_301 = vector.shape_cast %parallel_loop3A_300 : vector<1x16xf32> to vector<16xf32>
      %parallel_loop3A_302 = arith.addf %parallel_loop3A_297, %parallel_loop3A_301 : vector<16xf32>
      %parallel_loop3A_303 = arith.addf %parallel_loop3A_302, %parallel_loop3A_141 : vector<16xf32>
      %parallel_loop3A_304 = arith.index_cast %parallel_loop3A_137 : i32 to index
      %parallel_loop3A_305 = arith.constant 160 : index
      %parallel_loop3A_306 = tpu.vector_load %arg9[%parallel_loop3A_304, %parallel_loop3A_305] {strides = array<i32>} : memref<32x256xf32, #tpu.memory_space<vmem>>, vector<1x16xf32>,
      %parallel_loop3A_307 = vector.shape_cast %parallel_loop3A_306 : vector<1x16xf32> to vector<16xf32>
      %parallel_loop3A_308 = vector.shape_cast %parallel_loop3A_303 : vector<16xf32> to vector<1x16xf32>
      tpu.vector_store %arg9[%parallel_loop3A_304, %parallel_loop3A_305], %parallel_loop3A_308 {strides = array<i32>} : memref<32x256xf32, #tpu.memory_space<vmem>>, vector<1x16xf32>,
      %parallel_loop3A_309 = arith.index_cast %parallel_loop3A_137 : i32 to index
      %parallel_loop3A_310 = arith.constant 176 : index
      %parallel_loop3A_311 = tpu.vector_load %arg7[%parallel_loop3A_309, %parallel_loop3A_310] {strides = array<i32>} : memref<32x256xf32, #tpu.memory_space<vmem>>, vector<1x16xf32>,
      %parallel_loop3A_312 = vector.shape_cast %parallel_loop3A_311 : vector<1x16xf32> to vector<16xf32>
      %parallel_loop3A_313 = arith.index_cast %parallel_loop3A_143 : i32 to index
      %parallel_loop3A_314 = arith.constant 176 : index
      %parallel_loop3A_315 = tpu.vector_load %arg6[%parallel_loop3A_313, %parallel_loop3A_314] {strides = array<i32>} : memref<256x256xf32, #tpu.memory_space<vmem>>, vector<1x16xf32>,
      %parallel_loop3A_316 = vector.shape_cast %parallel_loop3A_315 : vector<1x16xf32> to vector<16xf32>
      %parallel_loop3A_317 = arith.addf %parallel_loop3A_312, %parallel_loop3A_316 : vector<16xf32>
      %parallel_loop3A_318 = arith.addf %parallel_loop3A_317, %parallel_loop3A_141 : vector<16xf32>
      %parallel_loop3A_319 = arith.index_cast %parallel_loop3A_137 : i32 to index
      %parallel_loop3A_320 = arith.constant 176 : index
      %parallel_loop3A_321 = tpu.vector_load %arg9[%parallel_loop3A_319, %parallel_loop3A_320] {strides = array<i32>} : memref<32x256xf32, #tpu.memory_space<vmem>>, vector<1x16xf32>,
      %parallel_loop3A_322 = vector.shape_cast %parallel_loop3A_321 : vector<1x16xf32> to vector<16xf32>
      %parallel_loop3A_323 = vector.shape_cast %parallel_loop3A_318 : vector<16xf32> to vector<1x16xf32>
      tpu.vector_store %arg9[%parallel_loop3A_319, %parallel_loop3A_320], %parallel_loop3A_323 {strides = array<i32>} : memref<32x256xf32, #tpu.memory_space<vmem>>, vector<1x16xf32>,
      %parallel_loop3A_324 = arith.index_cast %parallel_loop3A_137 : i32 to index
      %parallel_loop3A_325 = arith.constant 192 : index
      %parallel_loop3A_326 = tpu.vector_load %arg7[%parallel_loop3A_324, %parallel_loop3A_325] {strides = array<i32>} : memref<32x256xf32, #tpu.memory_space<vmem>>, vector<1x16xf32>,
      %parallel_loop3A_327 = vector.shape_cast %parallel_loop3A_326 : vector<1x16xf32> to vector<16xf32>
      %parallel_loop3A_328 = arith.index_cast %parallel_loop3A_143 : i32 to index
      %parallel_loop3A_329 = arith.constant 192 : index
      %parallel_loop3A_330 = tpu.vector_load %arg6[%parallel_loop3A_328, %parallel_loop3A_329] {strides = array<i32>} : memref<256x256xf32, #tpu.memory_space<vmem>>, vector<1x16xf32>,
      %parallel_loop3A_331 = vector.shape_cast %parallel_loop3A_330 : vector<1x16xf32> to vector<16xf32>
      %parallel_loop3A_332 = arith.addf %parallel_loop3A_327, %parallel_loop3A_331 : vector<16xf32>
      %parallel_loop3A_333 = arith.addf %parallel_loop3A_332, %parallel_loop3A_141 : vector<16xf32>
      %parallel_loop3A_334 = arith.index_cast %parallel_loop3A_137 : i32 to index
      %parallel_loop3A_335 = arith.constant 192 : index
      %parallel_loop3A_336 = tpu.vector_load %arg9[%parallel_loop3A_334, %parallel_loop3A_335] {strides = array<i32>} : memref<32x256xf32, #tpu.memory_space<vmem>>, vector<1x16xf32>,
      %parallel_loop3A_337 = vector.shape_cast %parallel_loop3A_336 : vector<1x16xf32> to vector<16xf32>
      %parallel_loop3A_338 = vector.shape_cast %parallel_loop3A_333 : vector<16xf32> to vector<1x16xf32>
      tpu.vector_store %arg9[%parallel_loop3A_334, %parallel_loop3A_335], %parallel_loop3A_338 {strides = array<i32>} : memref<32x256xf32, #tpu.memory_space<vmem>>, vector<1x16xf32>,
      %parallel_loop3A_339 = arith.index_cast %parallel_loop3A_137 : i32 to index
      %parallel_loop3A_340 = arith.constant 208 : index
      %parallel_loop3A_341 = tpu.vector_load %arg7[%parallel_loop3A_339, %parallel_loop3A_340] {strides = array<i32>} : memref<32x256xf32, #tpu.memory_space<vmem>>, vector<1x16xf32>,
      %parallel_loop3A_342 = vector.shape_cast %parallel_loop3A_341 : vector<1x16xf32> to vector<16xf32>
      %parallel_loop3A_343 = arith.index_cast %parallel_loop3A_143 : i32 to index
      %parallel_loop3A_344 = arith.constant 208 : index
      %parallel_loop3A_345 = tpu.vector_load %arg6[%parallel_loop3A_343, %parallel_loop3A_344] {strides = array<i32>} : memref<256x256xf32, #tpu.memory_space<vmem>>, vector<1x16xf32>,
      %parallel_loop3A_346 = vector.shape_cast %parallel_loop3A_345 : vector<1x16xf32> to vector<16xf32>
      %parallel_loop3A_347 = arith.addf %parallel_loop3A_342, %parallel_loop3A_346 : vector<16xf32>
      %parallel_loop3A_348 = arith.addf %parallel_loop3A_347, %parallel_loop3A_141 : vector<16xf32>
      %parallel_loop3A_349 = arith.index_cast %parallel_loop3A_137 : i32 to index
      %parallel_loop3A_350 = arith.constant 208 : index
      %parallel_loop3A_351 = tpu.vector_load %arg9[%parallel_loop3A_349, %parallel_loop3A_350] {strides = array<i32>} : memref<32x256xf32, #tpu.memory_space<vmem>>, vector<1x16xf32>,
      %parallel_loop3A_352 = vector.shape_cast %parallel_loop3A_351 : vector<1x16xf32> to vector<16xf32>
      %parallel_loop3A_353 = vector.shape_cast %parallel_loop3A_348 : vector<16xf32> to vector<1x16xf32>
      tpu.vector_store %arg9[%parallel_loop3A_349, %parallel_loop3A_350], %parallel_loop3A_353 {strides = array<i32>} : memref<32x256xf32, #tpu.memory_space<vmem>>, vector<1x16xf32>,
      %parallel_loop3A_354 = arith.index_cast %parallel_loop3A_137 : i32 to index
      %parallel_loop3A_355 = arith.constant 224 : index
      %parallel_loop3A_356 = tpu.vector_load %arg7[%parallel_loop3A_354, %parallel_loop3A_355] {strides = array<i32>} : memref<32x256xf32, #tpu.memory_space<vmem>>, vector<1x16xf32>,
      %parallel_loop3A_357 = vector.shape_cast %parallel_loop3A_356 : vector<1x16xf32> to vector<16xf32>
      %parallel_loop3A_358 = arith.index_cast %parallel_loop3A_143 : i32 to index
      %parallel_loop3A_359 = arith.constant 224 : index
      %parallel_loop3A_360 = tpu.vector_load %arg6[%parallel_loop3A_358, %parallel_loop3A_359] {strides = array<i32>} : memref<256x256xf32, #tpu.memory_space<vmem>>, vector<1x16xf32>,
      %parallel_loop3A_361 = vector.shape_cast %parallel_loop3A_360 : vector<1x16xf32> to vector<16xf32>
      %parallel_loop3A_362 = arith.addf %parallel_loop3A_357, %parallel_loop3A_361 : vector<16xf32>
      %parallel_loop3A_363 = arith.addf %parallel_loop3A_362, %parallel_loop3A_141 : vector<16xf32>
      %parallel_loop3A_364 = arith.index_cast %parallel_loop3A_137 : i32 to index
      %parallel_loop3A_365 = arith.constant 224 : index
      %parallel_loop3A_366 = tpu.vector_load %arg9[%parallel_loop3A_364, %parallel_loop3A_365] {strides = array<i32>} : memref<32x256xf32, #tpu.memory_space<vmem>>, vector<1x16xf32>,
      %parallel_loop3A_367 = vector.shape_cast %parallel_loop3A_366 : vector<1x16xf32> to vector<16xf32>
      %parallel_loop3A_368 = vector.shape_cast %parallel_loop3A_363 : vector<16xf32> to vector<1x16xf32>
      tpu.vector_store %arg9[%parallel_loop3A_364, %parallel_loop3A_365], %parallel_loop3A_368 {strides = array<i32>} : memref<32x256xf32, #tpu.memory_space<vmem>>, vector<1x16xf32>,
      %parallel_loop3A_369 = arith.index_cast %parallel_loop3A_137 : i32 to index
      %parallel_loop3A_370 = arith.constant 240 : index
      %parallel_loop3A_371 = tpu.vector_load %arg7[%parallel_loop3A_369, %parallel_loop3A_370] {strides = array<i32>} : memref<32x256xf32, #tpu.memory_space<vmem>>, vector<1x16xf32>,
      %parallel_loop3A_372 = vector.shape_cast %parallel_loop3A_371 : vector<1x16xf32> to vector<16xf32>
      %parallel_loop3A_373 = arith.index_cast %parallel_loop3A_143 : i32 to index
      %parallel_loop3A_374 = arith.constant 240 : index
      %parallel_loop3A_375 = tpu.vector_load %arg6[%parallel_loop3A_373, %parallel_loop3A_374] {strides = array<i32>} : memref<256x256xf32, #tpu.memory_space<vmem>>, vector<1x16xf32>,
      %parallel_loop3A_376 = vector.shape_cast %parallel_loop3A_375 : vector<1x16xf32> to vector<16xf32>
      %parallel_loop3A_377 = arith.addf %parallel_loop3A_372, %parallel_loop3A_376 : vector<16xf32>
      %parallel_loop3A_378 = arith.addf %parallel_loop3A_377, %parallel_loop3A_141 : vector<16xf32>
      %parallel_loop3A_379 = arith.index_cast %parallel_loop3A_137 : i32 to index
      %parallel_loop3A_380 = arith.constant 240 : index
      %parallel_loop3A_381 = tpu.vector_load %arg9[%parallel_loop3A_379, %parallel_loop3A_380] {strides = array<i32>} : memref<32x256xf32, #tpu.memory_space<vmem>>, vector<1x16xf32>,
      %parallel_loop3A_382 = vector.shape_cast %parallel_loop3A_381 : vector<1x16xf32> to vector<16xf32>
      %parallel_loop3A_383 = vector.shape_cast %parallel_loop3A_378 : vector<16xf32> to vector<1x16xf32>
      tpu.vector_store %arg9[%parallel_loop3A_379, %parallel_loop3A_380], %parallel_loop3A_383 {strides = array<i32>} : memref<32x256xf32, #tpu.memory_space<vmem>>, vector<1x16xf32>,
    } {sc.loop_unroll_factor = 8 : i64, sc.parallel_access}
    %add3A_102 = arith.constant 1984 : i32
    %add3A_103 = arith.addi %mul3A_2, %add3A_102 : i32
    %dma_start3A_104 = arith.constant 0 : i32
    %dma_start3A_105 = tpu.memref_slice %arg5[%add3A_103, %dma_start3A_104] : memref<65536x256xf32, #tpu.memory_space<hbm>> -> memref<32x256xf32, #tpu.memory_space<hbm>>
    %dma_start3A_106 = arith.constant 0 : i32
    %dma_start3A_107 = tpu.memref_slice %arg5[%add3A_103, %dma_start3A_106] : memref<65536x256xf32, #tpu.memory_space<hbm>> -> memref<32x256xf32, #tpu.memory_space<hbm>>
    tpu.enqueue_dma source(%arg9 : memref<32x256xf32, #tpu.memory_space<vmem>>) target(%dma_start3A_107 : memref<32x256xf32, #tpu.memory_space<hbm>>) target_semaphore(%arg15 : memref<!tpu.dma_semaphore, #tpu.memory_space<semaphore_mem>>)
    %dma_wait3A_108 = arith.constant 0 : i32
    %dma_wait3A_109 = tpu.memref_slice %arg2[%mul3A_2, %dma_wait3A_108] : memref<65536x256xf32, #tpu.memory_space<hbm>> -> memref<32x256xf32, #tpu.memory_space<hbm>>
    %dma_wait3A_110 = arith.constant 0 : i32
    %dma_wait3A_111 = tpu.memref_slice %arg2[%mul3A_2, %dma_wait3A_110] : memref<65536x256xf32, #tpu.memory_space<hbm>> -> memref<32x256xf32, #tpu.memory_space<hbm>>
    tpu.wait_dma2 semaphore(%arg14 : memref<!tpu.dma_semaphore, #tpu.memory_space<semaphore_mem>>) src(%dma_wait3A_111 : memref<32x256xf32, #tpu.memory_space<hbm>>) dst(%arg8 : memref<32x256xf32, #tpu.memory_space<vmem>>)
    %dma_wait3A_112 = arith.constant 0 : i32
    %dma_wait3A_113 = tpu.memref_slice %arg4[%mul3A_2, %dma_wait3A_112] : memref<65536x16xf32, #tpu.memory_space<hbm>> -> memref<32x16xf32, #tpu.memory_space<hbm>>
    %dma_wait3A_114 = arith.constant 0 : i32
    %dma_wait3A_115 = tpu.memref_slice %arg4[%mul3A_2, %dma_wait3A_114] : memref<65536x16xf32, #tpu.memory_space<hbm>> -> memref<32x16xf32, #tpu.memory_space<hbm>>
    tpu.wait_dma2 semaphore(%arg14 : memref<!tpu.dma_semaphore, #tpu.memory_space<semaphore_mem>>) src(%dma_wait3A_115 : memref<32x16xf32, #tpu.memory_space<hbm>>) dst(%arg12 : memref<32x16xf32, #tpu.memory_space<vmem>>)
    %dma_wait3A_116 = arith.constant 0 : i32
    %dma_wait3A_117 = tpu.memref_slice %arg5[%mul3A_2, %dma_wait3A_116] : memref<65536x256xf32, #tpu.memory_space<hbm>> -> memref<32x256xf32, #tpu.memory_space<hbm>>
    %dma_wait3A_118 = arith.constant 0 : i32
    %dma_wait3A_119 = tpu.memref_slice %arg5[%mul3A_2, %dma_wait3A_118] : memref<65536x256xf32, #tpu.memory_space<hbm>> -> memref<32x256xf32, #tpu.memory_space<hbm>>
    tpu.wait_dma2 semaphore(%arg16 : memref<!tpu.dma_semaphore, #tpu.memory_space<semaphore_mem>>) src(%arg10 : memref<32x256xf32, #tpu.memory_space<vmem>>) dst(%dma_wait3A_119 : memref<32x256xf32, #tpu.memory_space<hbm>>)
    %parallel_loop3A_120 = arith.constant 0 : i32
    %parallel_loop3A_121 = arith.constant 32 : i32
    %parallel_loop3A_122 = arith.constant 1 : i32
    scf.for %parallel_loop3A_137 = %parallel_loop3A_120 to %parallel_loop3A_121 step %parallel_loop3A_122  : i32 {
      %parallel_loop3A_138 = arith.index_cast %parallel_loop3A_137 : i32 to index
      %parallel_loop3A_139 = arith.constant 0 : index
      %parallel_loop3A_140 = tpu.vector_load %arg12[%parallel_loop3A_138, %parallel_loop3A_139] {strides = array<i32>} : memref<32x16xf32, #tpu.memory_space<vmem>>, vector<1x16xf32>,
      %parallel_loop3A_141 = vector.shape_cast %parallel_loop3A_140 : vector<1x16xf32> to vector<16xf32>
      %parallel_loop3A_142 = arith.constant 224 : i32
      %parallel_loop3A_143 = arith.addi %parallel_loop3A_142, %parallel_loop3A_137 : i32
      %parallel_loop3A_144 = arith.index_cast %parallel_loop3A_137 : i32 to index
      %parallel_loop3A_145 = arith.constant 0 : index
      %parallel_loop3A_146 = tpu.vector_load %arg8[%parallel_loop3A_144, %parallel_loop3A_145] {strides = array<i32>} : memref<32x256xf32, #tpu.memory_space<vmem>>, vector<1x16xf32>,
      %parallel_loop3A_147 = vector.shape_cast %parallel_loop3A_146 : vector<1x16xf32> to vector<16xf32>
      %parallel_loop3A_148 = arith.index_cast %parallel_loop3A_143 : i32 to index
      %parallel_loop3A_149 = arith.constant 0 : index
      %parallel_loop3A_150 = tpu.vector_load %arg6[%parallel_loop3A_148, %parallel_loop3A_149] {strides = array<i32>} : memref<256x256xf32, #tpu.memory_space<vmem>>, vector<1x16xf32>,
      %parallel_loop3A_151 = vector.shape_cast %parallel_loop3A_150 : vector<1x16xf32> to vector<16xf32>
      %parallel_loop3A_152 = arith.addf %parallel_loop3A_147, %parallel_loop3A_151 : vector<16xf32>
      %parallel_loop3A_153 = arith.addf %parallel_loop3A_152, %parallel_loop3A_141 : vector<16xf32>
      %parallel_loop3A_154 = arith.index_cast %parallel_loop3A_137 : i32 to index
      %parallel_loop3A_155 = arith.constant 0 : index
      %parallel_loop3A_156 = tpu.vector_load %arg10[%parallel_loop3A_154, %parallel_loop3A_155] {strides = array<i32>} : memref<32x256xf32, #tpu.memory_space<vmem>>, vector<1x16xf32>,
      %parallel_loop3A_157 = vector.shape_cast %parallel_loop3A_156 : vector<1x16xf32> to vector<16xf32>
      %parallel_loop3A_158 = vector.shape_cast %parallel_loop3A_153 : vector<16xf32> to vector<1x16xf32>
      tpu.vector_store %arg10[%parallel_loop3A_154, %parallel_loop3A_155], %parallel_loop3A_158 {strides = array<i32>} : memref<32x256xf32, #tpu.memory_space<vmem>>, vector<1x16xf32>,
      %parallel_loop3A_159 = arith.index_cast %parallel_loop3A_137 : i32 to index
      %parallel_loop3A_160 = arith.constant 16 : index
      %parallel_loop3A_161 = tpu.vector_load %arg8[%parallel_loop3A_159, %parallel_loop3A_160] {strides = array<i32>} : memref<32x256xf32, #tpu.memory_space<vmem>>, vector<1x16xf32>,
      %parallel_loop3A_162 = vector.shape_cast %parallel_loop3A_161 : vector<1x16xf32> to vector<16xf32>
      %parallel_loop3A_163 = arith.index_cast %parallel_loop3A_143 : i32 to index
      %parallel_loop3A_164 = arith.constant 16 : index
      %parallel_loop3A_165 = tpu.vector_load %arg6[%parallel_loop3A_163, %parallel_loop3A_164] {strides = array<i32>} : memref<256x256xf32, #tpu.memory_space<vmem>>, vector<1x16xf32>,
      %parallel_loop3A_166 = vector.shape_cast %parallel_loop3A_165 : vector<1x16xf32> to vector<16xf32>
      %parallel_loop3A_167 = arith.addf %parallel_loop3A_162, %parallel_loop3A_166 : vector<16xf32>
      %parallel_loop3A_168 = arith.addf %parallel_loop3A_167, %parallel_loop3A_141 : vector<16xf32>
      %parallel_loop3A_169 = arith.index_cast %parallel_loop3A_137 : i32 to index
      %parallel_loop3A_170 = arith.constant 16 : index
      %parallel_loop3A_171 = tpu.vector_load %arg10[%parallel_loop3A_169, %parallel_loop3A_170] {strides = array<i32>} : memref<32x256xf32, #tpu.memory_space<vmem>>, vector<1x16xf32>,
      %parallel_loop3A_172 = vector.shape_cast %parallel_loop3A_171 : vector<1x16xf32> to vector<16xf32>
      %parallel_loop3A_173 = vector.shape_cast %parallel_loop3A_168 : vector<16xf32> to vector<1x16xf32>
      tpu.vector_store %arg10[%parallel_loop3A_169, %parallel_loop3A_170], %parallel_loop3A_173 {strides = array<i32>} : memref<32x256xf32, #tpu.memory_space<vmem>>, vector<1x16xf32>,
      %parallel_loop3A_174 = arith.index_cast %parallel_loop3A_137 : i32 to index
      %parallel_loop3A_175 = arith.constant 32 : index
      %parallel_loop3A_176 = tpu.vector_load %arg8[%parallel_loop3A_174, %parallel_loop3A_175] {strides = array<i32>} : memref<32x256xf32, #tpu.memory_space<vmem>>, vector<1x16xf32>,
      %parallel_loop3A_177 = vector.shape_cast %parallel_loop3A_176 : vector<1x16xf32> to vector<16xf32>
      %parallel_loop3A_178 = arith.index_cast %parallel_loop3A_143 : i32 to index
      %parallel_loop3A_179 = arith.constant 32 : index
      %parallel_loop3A_180 = tpu.vector_load %arg6[%parallel_loop3A_178, %parallel_loop3A_179] {strides = array<i32>} : memref<256x256xf32, #tpu.memory_space<vmem>>, vector<1x16xf32>,
      %parallel_loop3A_181 = vector.shape_cast %parallel_loop3A_180 : vector<1x16xf32> to vector<16xf32>
      %parallel_loop3A_182 = arith.addf %parallel_loop3A_177, %parallel_loop3A_181 : vector<16xf32>
      %parallel_loop3A_183 = arith.addf %parallel_loop3A_182, %parallel_loop3A_141 : vector<16xf32>
      %parallel_loop3A_184 = arith.index_cast %parallel_loop3A_137 : i32 to index
      %parallel_loop3A_185 = arith.constant 32 : index
      %parallel_loop3A_186 = tpu.vector_load %arg10[%parallel_loop3A_184, %parallel_loop3A_185] {strides = array<i32>} : memref<32x256xf32, #tpu.memory_space<vmem>>, vector<1x16xf32>,
      %parallel_loop3A_187 = vector.shape_cast %parallel_loop3A_186 : vector<1x16xf32> to vector<16xf32>
      %parallel_loop3A_188 = vector.shape_cast %parallel_loop3A_183 : vector<16xf32> to vector<1x16xf32>
      tpu.vector_store %arg10[%parallel_loop3A_184, %parallel_loop3A_185], %parallel_loop3A_188 {strides = array<i32>} : memref<32x256xf32, #tpu.memory_space<vmem>>, vector<1x16xf32>,
      %parallel_loop3A_189 = arith.index_cast %parallel_loop3A_137 : i32 to index
      %parallel_loop3A_190 = arith.constant 48 : index
      %parallel_loop3A_191 = tpu.vector_load %arg8[%parallel_loop3A_189, %parallel_loop3A_190] {strides = array<i32>} : memref<32x256xf32, #tpu.memory_space<vmem>>, vector<1x16xf32>,
      %parallel_loop3A_192 = vector.shape_cast %parallel_loop3A_191 : vector<1x16xf32> to vector<16xf32>
      %parallel_loop3A_193 = arith.index_cast %parallel_loop3A_143 : i32 to index
      %parallel_loop3A_194 = arith.constant 48 : index
      %parallel_loop3A_195 = tpu.vector_load %arg6[%parallel_loop3A_193, %parallel_loop3A_194] {strides = array<i32>} : memref<256x256xf32, #tpu.memory_space<vmem>>, vector<1x16xf32>,
      %parallel_loop3A_196 = vector.shape_cast %parallel_loop3A_195 : vector<1x16xf32> to vector<16xf32>
      %parallel_loop3A_197 = arith.addf %parallel_loop3A_192, %parallel_loop3A_196 : vector<16xf32>
      %parallel_loop3A_198 = arith.addf %parallel_loop3A_197, %parallel_loop3A_141 : vector<16xf32>
      %parallel_loop3A_199 = arith.index_cast %parallel_loop3A_137 : i32 to index
      %parallel_loop3A_200 = arith.constant 48 : index
      %parallel_loop3A_201 = tpu.vector_load %arg10[%parallel_loop3A_199, %parallel_loop3A_200] {strides = array<i32>} : memref<32x256xf32, #tpu.memory_space<vmem>>, vector<1x16xf32>,
      %parallel_loop3A_202 = vector.shape_cast %parallel_loop3A_201 : vector<1x16xf32> to vector<16xf32>
      %parallel_loop3A_203 = vector.shape_cast %parallel_loop3A_198 : vector<16xf32> to vector<1x16xf32>
      tpu.vector_store %arg10[%parallel_loop3A_199, %parallel_loop3A_200], %parallel_loop3A_203 {strides = array<i32>} : memref<32x256xf32, #tpu.memory_space<vmem>>, vector<1x16xf32>,
      %parallel_loop3A_204 = arith.index_cast %parallel_loop3A_137 : i32 to index
      %parallel_loop3A_205 = arith.constant 64 : index
      %parallel_loop3A_206 = tpu.vector_load %arg8[%parallel_loop3A_204, %parallel_loop3A_205] {strides = array<i32>} : memref<32x256xf32, #tpu.memory_space<vmem>>, vector<1x16xf32>,
      %parallel_loop3A_207 = vector.shape_cast %parallel_loop3A_206 : vector<1x16xf32> to vector<16xf32>
      %parallel_loop3A_208 = arith.index_cast %parallel_loop3A_143 : i32 to index
      %parallel_loop3A_209 = arith.constant 64 : index
      %parallel_loop3A_210 = tpu.vector_load %arg6[%parallel_loop3A_208, %parallel_loop3A_209] {strides = array<i32>} : memref<256x256xf32, #tpu.memory_space<vmem>>, vector<1x16xf32>,
      %parallel_loop3A_211 = vector.shape_cast %parallel_loop3A_210 : vector<1x16xf32> to vector<16xf32>
      %parallel_loop3A_212 = arith.addf %parallel_loop3A_207, %parallel_loop3A_211 : vector<16xf32>
      %parallel_loop3A_213 = arith.addf %parallel_loop3A_212, %parallel_loop3A_141 : vector<16xf32>
      %parallel_loop3A_214 = arith.index_cast %parallel_loop3A_137 : i32 to index
      %parallel_loop3A_215 = arith.constant 64 : index
      %parallel_loop3A_216 = tpu.vector_load %arg10[%parallel_loop3A_214, %parallel_loop3A_215] {strides = array<i32>} : memref<32x256xf32, #tpu.memory_space<vmem>>, vector<1x16xf32>,
      %parallel_loop3A_217 = vector.shape_cast %parallel_loop3A_216 : vector<1x16xf32> to vector<16xf32>
      %parallel_loop3A_218 = vector.shape_cast %parallel_loop3A_213 : vector<16xf32> to vector<1x16xf32>
      tpu.vector_store %arg10[%parallel_loop3A_214, %parallel_loop3A_215], %parallel_loop3A_218 {strides = array<i32>} : memref<32x256xf32, #tpu.memory_space<vmem>>, vector<1x16xf32>,
      %parallel_loop3A_219 = arith.index_cast %parallel_loop3A_137 : i32 to index
      %parallel_loop3A_220 = arith.constant 80 : index
      %parallel_loop3A_221 = tpu.vector_load %arg8[%parallel_loop3A_219, %parallel_loop3A_220] {strides = array<i32>} : memref<32x256xf32, #tpu.memory_space<vmem>>, vector<1x16xf32>,
      %parallel_loop3A_222 = vector.shape_cast %parallel_loop3A_221 : vector<1x16xf32> to vector<16xf32>
      %parallel_loop3A_223 = arith.index_cast %parallel_loop3A_143 : i32 to index
      %parallel_loop3A_224 = arith.constant 80 : index
      %parallel_loop3A_225 = tpu.vector_load %arg6[%parallel_loop3A_223, %parallel_loop3A_224] {strides = array<i32>} : memref<256x256xf32, #tpu.memory_space<vmem>>, vector<1x16xf32>,
      %parallel_loop3A_226 = vector.shape_cast %parallel_loop3A_225 : vector<1x16xf32> to vector<16xf32>
      %parallel_loop3A_227 = arith.addf %parallel_loop3A_222, %parallel_loop3A_226 : vector<16xf32>
      %parallel_loop3A_228 = arith.addf %parallel_loop3A_227, %parallel_loop3A_141 : vector<16xf32>
      %parallel_loop3A_229 = arith.index_cast %parallel_loop3A_137 : i32 to index
      %parallel_loop3A_230 = arith.constant 80 : index
      %parallel_loop3A_231 = tpu.vector_load %arg10[%parallel_loop3A_229, %parallel_loop3A_230] {strides = array<i32>} : memref<32x256xf32, #tpu.memory_space<vmem>>, vector<1x16xf32>,
      %parallel_loop3A_232 = vector.shape_cast %parallel_loop3A_231 : vector<1x16xf32> to vector<16xf32>
      %parallel_loop3A_233 = vector.shape_cast %parallel_loop3A_228 : vector<16xf32> to vector<1x16xf32>
      tpu.vector_store %arg10[%parallel_loop3A_229, %parallel_loop3A_230], %parallel_loop3A_233 {strides = array<i32>} : memref<32x256xf32, #tpu.memory_space<vmem>>, vector<1x16xf32>,
      %parallel_loop3A_234 = arith.index_cast %parallel_loop3A_137 : i32 to index
      %parallel_loop3A_235 = arith.constant 96 : index
      %parallel_loop3A_236 = tpu.vector_load %arg8[%parallel_loop3A_234, %parallel_loop3A_235] {strides = array<i32>} : memref<32x256xf32, #tpu.memory_space<vmem>>, vector<1x16xf32>,
      %parallel_loop3A_237 = vector.shape_cast %parallel_loop3A_236 : vector<1x16xf32> to vector<16xf32>
      %parallel_loop3A_238 = arith.index_cast %parallel_loop3A_143 : i32 to index
      %parallel_loop3A_239 = arith.constant 96 : index
      %parallel_loop3A_240 = tpu.vector_load %arg6[%parallel_loop3A_238, %parallel_loop3A_239] {strides = array<i32>} : memref<256x256xf32, #tpu.memory_space<vmem>>, vector<1x16xf32>,
      %parallel_loop3A_241 = vector.shape_cast %parallel_loop3A_240 : vector<1x16xf32> to vector<16xf32>
      %parallel_loop3A_242 = arith.addf %parallel_loop3A_237, %parallel_loop3A_241 : vector<16xf32>
      %parallel_loop3A_243 = arith.addf %parallel_loop3A_242, %parallel_loop3A_141 : vector<16xf32>
      %parallel_loop3A_244 = arith.index_cast %parallel_loop3A_137 : i32 to index
      %parallel_loop3A_245 = arith.constant 96 : index
      %parallel_loop3A_246 = tpu.vector_load %arg10[%parallel_loop3A_244, %parallel_loop3A_245] {strides = array<i32>} : memref<32x256xf32, #tpu.memory_space<vmem>>, vector<1x16xf32>,
      %parallel_loop3A_247 = vector.shape_cast %parallel_loop3A_246 : vector<1x16xf32> to vector<16xf32>
      %parallel_loop3A_248 = vector.shape_cast %parallel_loop3A_243 : vector<16xf32> to vector<1x16xf32>
      tpu.vector_store %arg10[%parallel_loop3A_244, %parallel_loop3A_245], %parallel_loop3A_248 {strides = array<i32>} : memref<32x256xf32, #tpu.memory_space<vmem>>, vector<1x16xf32>,
      %parallel_loop3A_249 = arith.index_cast %parallel_loop3A_137 : i32 to index
      %parallel_loop3A_250 = arith.constant 112 : index
      %parallel_loop3A_251 = tpu.vector_load %arg8[%parallel_loop3A_249, %parallel_loop3A_250] {strides = array<i32>} : memref<32x256xf32, #tpu.memory_space<vmem>>, vector<1x16xf32>,
      %parallel_loop3A_252 = vector.shape_cast %parallel_loop3A_251 : vector<1x16xf32> to vector<16xf32>
      %parallel_loop3A_253 = arith.index_cast %parallel_loop3A_143 : i32 to index
      %parallel_loop3A_254 = arith.constant 112 : index
      %parallel_loop3A_255 = tpu.vector_load %arg6[%parallel_loop3A_253, %parallel_loop3A_254] {strides = array<i32>} : memref<256x256xf32, #tpu.memory_space<vmem>>, vector<1x16xf32>,
      %parallel_loop3A_256 = vector.shape_cast %parallel_loop3A_255 : vector<1x16xf32> to vector<16xf32>
      %parallel_loop3A_257 = arith.addf %parallel_loop3A_252, %parallel_loop3A_256 : vector<16xf32>
      %parallel_loop3A_258 = arith.addf %parallel_loop3A_257, %parallel_loop3A_141 : vector<16xf32>
      %parallel_loop3A_259 = arith.index_cast %parallel_loop3A_137 : i32 to index
      %parallel_loop3A_260 = arith.constant 112 : index
      %parallel_loop3A_261 = tpu.vector_load %arg10[%parallel_loop3A_259, %parallel_loop3A_260] {strides = array<i32>} : memref<32x256xf32, #tpu.memory_space<vmem>>, vector<1x16xf32>,
      %parallel_loop3A_262 = vector.shape_cast %parallel_loop3A_261 : vector<1x16xf32> to vector<16xf32>
      %parallel_loop3A_263 = vector.shape_cast %parallel_loop3A_258 : vector<16xf32> to vector<1x16xf32>
      tpu.vector_store %arg10[%parallel_loop3A_259, %parallel_loop3A_260], %parallel_loop3A_263 {strides = array<i32>} : memref<32x256xf32, #tpu.memory_space<vmem>>, vector<1x16xf32>,
      %parallel_loop3A_264 = arith.index_cast %parallel_loop3A_137 : i32 to index
      %parallel_loop3A_265 = arith.constant 128 : index
      %parallel_loop3A_266 = tpu.vector_load %arg8[%parallel_loop3A_264, %parallel_loop3A_265] {strides = array<i32>} : memref<32x256xf32, #tpu.memory_space<vmem>>, vector<1x16xf32>,
      %parallel_loop3A_267 = vector.shape_cast %parallel_loop3A_266 : vector<1x16xf32> to vector<16xf32>
      %parallel_loop3A_268 = arith.index_cast %parallel_loop3A_143 : i32 to index
      %parallel_loop3A_269 = arith.constant 128 : index
      %parallel_loop3A_270 = tpu.vector_load %arg6[%parallel_loop3A_268, %parallel_loop3A_269] {strides = array<i32>} : memref<256x256xf32, #tpu.memory_space<vmem>>, vector<1x16xf32>,
      %parallel_loop3A_271 = vector.shape_cast %parallel_loop3A_270 : vector<1x16xf32> to vector<16xf32>
      %parallel_loop3A_272 = arith.addf %parallel_loop3A_267, %parallel_loop3A_271 : vector<16xf32>
      %parallel_loop3A_273 = arith.addf %parallel_loop3A_272, %parallel_loop3A_141 : vector<16xf32>
      %parallel_loop3A_274 = arith.index_cast %parallel_loop3A_137 : i32 to index
      %parallel_loop3A_275 = arith.constant 128 : index
      %parallel_loop3A_276 = tpu.vector_load %arg10[%parallel_loop3A_274, %parallel_loop3A_275] {strides = array<i32>} : memref<32x256xf32, #tpu.memory_space<vmem>>, vector<1x16xf32>,
      %parallel_loop3A_277 = vector.shape_cast %parallel_loop3A_276 : vector<1x16xf32> to vector<16xf32>
      %parallel_loop3A_278 = vector.shape_cast %parallel_loop3A_273 : vector<16xf32> to vector<1x16xf32>
      tpu.vector_store %arg10[%parallel_loop3A_274, %parallel_loop3A_275], %parallel_loop3A_278 {strides = array<i32>} : memref<32x256xf32, #tpu.memory_space<vmem>>, vector<1x16xf32>,
      %parallel_loop3A_279 = arith.index_cast %parallel_loop3A_137 : i32 to index
      %parallel_loop3A_280 = arith.constant 144 : index
      %parallel_loop3A_281 = tpu.vector_load %arg8[%parallel_loop3A_279, %parallel_loop3A_280] {strides = array<i32>} : memref<32x256xf32, #tpu.memory_space<vmem>>, vector<1x16xf32>,
      %parallel_loop3A_282 = vector.shape_cast %parallel_loop3A_281 : vector<1x16xf32> to vector<16xf32>
      %parallel_loop3A_283 = arith.index_cast %parallel_loop3A_143 : i32 to index
      %parallel_loop3A_284 = arith.constant 144 : index
      %parallel_loop3A_285 = tpu.vector_load %arg6[%parallel_loop3A_283, %parallel_loop3A_284] {strides = array<i32>} : memref<256x256xf32, #tpu.memory_space<vmem>>, vector<1x16xf32>,
      %parallel_loop3A_286 = vector.shape_cast %parallel_loop3A_285 : vector<1x16xf32> to vector<16xf32>
      %parallel_loop3A_287 = arith.addf %parallel_loop3A_282, %parallel_loop3A_286 : vector<16xf32>
      %parallel_loop3A_288 = arith.addf %parallel_loop3A_287, %parallel_loop3A_141 : vector<16xf32>
      %parallel_loop3A_289 = arith.index_cast %parallel_loop3A_137 : i32 to index
      %parallel_loop3A_290 = arith.constant 144 : index
      %parallel_loop3A_291 = tpu.vector_load %arg10[%parallel_loop3A_289, %parallel_loop3A_290] {strides = array<i32>} : memref<32x256xf32, #tpu.memory_space<vmem>>, vector<1x16xf32>,
      %parallel_loop3A_292 = vector.shape_cast %parallel_loop3A_291 : vector<1x16xf32> to vector<16xf32>
      %parallel_loop3A_293 = vector.shape_cast %parallel_loop3A_288 : vector<16xf32> to vector<1x16xf32>
      tpu.vector_store %arg10[%parallel_loop3A_289, %parallel_loop3A_290], %parallel_loop3A_293 {strides = array<i32>} : memref<32x256xf32, #tpu.memory_space<vmem>>, vector<1x16xf32>,
      %parallel_loop3A_294 = arith.index_cast %parallel_loop3A_137 : i32 to index
      %parallel_loop3A_295 = arith.constant 160 : index
      %parallel_loop3A_296 = tpu.vector_load %arg8[%parallel_loop3A_294, %parallel_loop3A_295] {strides = array<i32>} : memref<32x256xf32, #tpu.memory_space<vmem>>, vector<1x16xf32>,
      %parallel_loop3A_297 = vector.shape_cast %parallel_loop3A_296 : vector<1x16xf32> to vector<16xf32>
      %parallel_loop3A_298 = arith.index_cast %parallel_loop3A_143 : i32 to index
      %parallel_loop3A_299 = arith.constant 160 : index
      %parallel_loop3A_300 = tpu.vector_load %arg6[%parallel_loop3A_298, %parallel_loop3A_299] {strides = array<i32>} : memref<256x256xf32, #tpu.memory_space<vmem>>, vector<1x16xf32>,
      %parallel_loop3A_301 = vector.shape_cast %parallel_loop3A_300 : vector<1x16xf32> to vector<16xf32>
      %parallel_loop3A_302 = arith.addf %parallel_loop3A_297, %parallel_loop3A_301 : vector<16xf32>
      %parallel_loop3A_303 = arith.addf %parallel_loop3A_302, %parallel_loop3A_141 : vector<16xf32>
      %parallel_loop3A_304 = arith.index_cast %parallel_loop3A_137 : i32 to index
      %parallel_loop3A_305 = arith.constant 160 : index
      %parallel_loop3A_306 = tpu.vector_load %arg10[%parallel_loop3A_304, %parallel_loop3A_305] {strides = array<i32>} : memref<32x256xf32, #tpu.memory_space<vmem>>, vector<1x16xf32>,
      %parallel_loop3A_307 = vector.shape_cast %parallel_loop3A_306 : vector<1x16xf32> to vector<16xf32>
      %parallel_loop3A_308 = vector.shape_cast %parallel_loop3A_303 : vector<16xf32> to vector<1x16xf32>
      tpu.vector_store %arg10[%parallel_loop3A_304, %parallel_loop3A_305], %parallel_loop3A_308 {strides = array<i32>} : memref<32x256xf32, #tpu.memory_space<vmem>>, vector<1x16xf32>,
      %parallel_loop3A_309 = arith.index_cast %parallel_loop3A_137 : i32 to index
      %parallel_loop3A_310 = arith.constant 176 : index
      %parallel_loop3A_311 = tpu.vector_load %arg8[%parallel_loop3A_309, %parallel_loop3A_310] {strides = array<i32>} : memref<32x256xf32, #tpu.memory_space<vmem>>, vector<1x16xf32>,
      %parallel_loop3A_312 = vector.shape_cast %parallel_loop3A_311 : vector<1x16xf32> to vector<16xf32>
      %parallel_loop3A_313 = arith.index_cast %parallel_loop3A_143 : i32 to index
      %parallel_loop3A_314 = arith.constant 176 : index
      %parallel_loop3A_315 = tpu.vector_load %arg6[%parallel_loop3A_313, %parallel_loop3A_314] {strides = array<i32>} : memref<256x256xf32, #tpu.memory_space<vmem>>, vector<1x16xf32>,
      %parallel_loop3A_316 = vector.shape_cast %parallel_loop3A_315 : vector<1x16xf32> to vector<16xf32>
      %parallel_loop3A_317 = arith.addf %parallel_loop3A_312, %parallel_loop3A_316 : vector<16xf32>
      %parallel_loop3A_318 = arith.addf %parallel_loop3A_317, %parallel_loop3A_141 : vector<16xf32>
      %parallel_loop3A_319 = arith.index_cast %parallel_loop3A_137 : i32 to index
      %parallel_loop3A_320 = arith.constant 176 : index
      %parallel_loop3A_321 = tpu.vector_load %arg10[%parallel_loop3A_319, %parallel_loop3A_320] {strides = array<i32>} : memref<32x256xf32, #tpu.memory_space<vmem>>, vector<1x16xf32>,
      %parallel_loop3A_322 = vector.shape_cast %parallel_loop3A_321 : vector<1x16xf32> to vector<16xf32>
      %parallel_loop3A_323 = vector.shape_cast %parallel_loop3A_318 : vector<16xf32> to vector<1x16xf32>
      tpu.vector_store %arg10[%parallel_loop3A_319, %parallel_loop3A_320], %parallel_loop3A_323 {strides = array<i32>} : memref<32x256xf32, #tpu.memory_space<vmem>>, vector<1x16xf32>,
      %parallel_loop3A_324 = arith.index_cast %parallel_loop3A_137 : i32 to index
      %parallel_loop3A_325 = arith.constant 192 : index
      %parallel_loop3A_326 = tpu.vector_load %arg8[%parallel_loop3A_324, %parallel_loop3A_325] {strides = array<i32>} : memref<32x256xf32, #tpu.memory_space<vmem>>, vector<1x16xf32>,
      %parallel_loop3A_327 = vector.shape_cast %parallel_loop3A_326 : vector<1x16xf32> to vector<16xf32>
      %parallel_loop3A_328 = arith.index_cast %parallel_loop3A_143 : i32 to index
      %parallel_loop3A_329 = arith.constant 192 : index
      %parallel_loop3A_330 = tpu.vector_load %arg6[%parallel_loop3A_328, %parallel_loop3A_329] {strides = array<i32>} : memref<256x256xf32, #tpu.memory_space<vmem>>, vector<1x16xf32>,
      %parallel_loop3A_331 = vector.shape_cast %parallel_loop3A_330 : vector<1x16xf32> to vector<16xf32>
      %parallel_loop3A_332 = arith.addf %parallel_loop3A_327, %parallel_loop3A_331 : vector<16xf32>
      %parallel_loop3A_333 = arith.addf %parallel_loop3A_332, %parallel_loop3A_141 : vector<16xf32>
      %parallel_loop3A_334 = arith.index_cast %parallel_loop3A_137 : i32 to index
      %parallel_loop3A_335 = arith.constant 192 : index
      %parallel_loop3A_336 = tpu.vector_load %arg10[%parallel_loop3A_334, %parallel_loop3A_335] {strides = array<i32>} : memref<32x256xf32, #tpu.memory_space<vmem>>, vector<1x16xf32>,
      %parallel_loop3A_337 = vector.shape_cast %parallel_loop3A_336 : vector<1x16xf32> to vector<16xf32>
      %parallel_loop3A_338 = vector.shape_cast %parallel_loop3A_333 : vector<16xf32> to vector<1x16xf32>
      tpu.vector_store %arg10[%parallel_loop3A_334, %parallel_loop3A_335], %parallel_loop3A_338 {strides = array<i32>} : memref<32x256xf32, #tpu.memory_space<vmem>>, vector<1x16xf32>,
      %parallel_loop3A_339 = arith.index_cast %parallel_loop3A_137 : i32 to index
      %parallel_loop3A_340 = arith.constant 208 : index
      %parallel_loop3A_341 = tpu.vector_load %arg8[%parallel_loop3A_339, %parallel_loop3A_340] {strides = array<i32>} : memref<32x256xf32, #tpu.memory_space<vmem>>, vector<1x16xf32>,
      %parallel_loop3A_342 = vector.shape_cast %parallel_loop3A_341 : vector<1x16xf32> to vector<16xf32>
      %parallel_loop3A_343 = arith.index_cast %parallel_loop3A_143 : i32 to index
      %parallel_loop3A_344 = arith.constant 208 : index
      %parallel_loop3A_345 = tpu.vector_load %arg6[%parallel_loop3A_343, %parallel_loop3A_344] {strides = array<i32>} : memref<256x256xf32, #tpu.memory_space<vmem>>, vector<1x16xf32>,
      %parallel_loop3A_346 = vector.shape_cast %parallel_loop3A_345 : vector<1x16xf32> to vector<16xf32>
      %parallel_loop3A_347 = arith.addf %parallel_loop3A_342, %parallel_loop3A_346 : vector<16xf32>
      %parallel_loop3A_348 = arith.addf %parallel_loop3A_347, %parallel_loop3A_141 : vector<16xf32>
      %parallel_loop3A_349 = arith.index_cast %parallel_loop3A_137 : i32 to index
      %parallel_loop3A_350 = arith.constant 208 : index
      %parallel_loop3A_351 = tpu.vector_load %arg10[%parallel_loop3A_349, %parallel_loop3A_350] {strides = array<i32>} : memref<32x256xf32, #tpu.memory_space<vmem>>, vector<1x16xf32>,
      %parallel_loop3A_352 = vector.shape_cast %parallel_loop3A_351 : vector<1x16xf32> to vector<16xf32>
      %parallel_loop3A_353 = vector.shape_cast %parallel_loop3A_348 : vector<16xf32> to vector<1x16xf32>
      tpu.vector_store %arg10[%parallel_loop3A_349, %parallel_loop3A_350], %parallel_loop3A_353 {strides = array<i32>} : memref<32x256xf32, #tpu.memory_space<vmem>>, vector<1x16xf32>,
      %parallel_loop3A_354 = arith.index_cast %parallel_loop3A_137 : i32 to index
      %parallel_loop3A_355 = arith.constant 224 : index
      %parallel_loop3A_356 = tpu.vector_load %arg8[%parallel_loop3A_354, %parallel_loop3A_355] {strides = array<i32>} : memref<32x256xf32, #tpu.memory_space<vmem>>, vector<1x16xf32>,
      %parallel_loop3A_357 = vector.shape_cast %parallel_loop3A_356 : vector<1x16xf32> to vector<16xf32>
      %parallel_loop3A_358 = arith.index_cast %parallel_loop3A_143 : i32 to index
      %parallel_loop3A_359 = arith.constant 224 : index
      %parallel_loop3A_360 = tpu.vector_load %arg6[%parallel_loop3A_358, %parallel_loop3A_359] {strides = array<i32>} : memref<256x256xf32, #tpu.memory_space<vmem>>, vector<1x16xf32>,
      %parallel_loop3A_361 = vector.shape_cast %parallel_loop3A_360 : vector<1x16xf32> to vector<16xf32>
      %parallel_loop3A_362 = arith.addf %parallel_loop3A_357, %parallel_loop3A_361 : vector<16xf32>
      %parallel_loop3A_363 = arith.addf %parallel_loop3A_362, %parallel_loop3A_141 : vector<16xf32>
      %parallel_loop3A_364 = arith.index_cast %parallel_loop3A_137 : i32 to index
      %parallel_loop3A_365 = arith.constant 224 : index
      %parallel_loop3A_366 = tpu.vector_load %arg10[%parallel_loop3A_364, %parallel_loop3A_365] {strides = array<i32>} : memref<32x256xf32, #tpu.memory_space<vmem>>, vector<1x16xf32>,
      %parallel_loop3A_367 = vector.shape_cast %parallel_loop3A_366 : vector<1x16xf32> to vector<16xf32>
      %parallel_loop3A_368 = vector.shape_cast %parallel_loop3A_363 : vector<16xf32> to vector<1x16xf32>
      tpu.vector_store %arg10[%parallel_loop3A_364, %parallel_loop3A_365], %parallel_loop3A_368 {strides = array<i32>} : memref<32x256xf32, #tpu.memory_space<vmem>>, vector<1x16xf32>,
      %parallel_loop3A_369 = arith.index_cast %parallel_loop3A_137 : i32 to index
      %parallel_loop3A_370 = arith.constant 240 : index
      %parallel_loop3A_371 = tpu.vector_load %arg8[%parallel_loop3A_369, %parallel_loop3A_370] {strides = array<i32>} : memref<32x256xf32, #tpu.memory_space<vmem>>, vector<1x16xf32>,
      %parallel_loop3A_372 = vector.shape_cast %parallel_loop3A_371 : vector<1x16xf32> to vector<16xf32>
      %parallel_loop3A_373 = arith.index_cast %parallel_loop3A_143 : i32 to index
      %parallel_loop3A_374 = arith.constant 240 : index
      %parallel_loop3A_375 = tpu.vector_load %arg6[%parallel_loop3A_373, %parallel_loop3A_374] {strides = array<i32>} : memref<256x256xf32, #tpu.memory_space<vmem>>, vector<1x16xf32>,
      %parallel_loop3A_376 = vector.shape_cast %parallel_loop3A_375 : vector<1x16xf32> to vector<16xf32>
      %parallel_loop3A_377 = arith.addf %parallel_loop3A_372, %parallel_loop3A_376 : vector<16xf32>
      %parallel_loop3A_378 = arith.addf %parallel_loop3A_377, %parallel_loop3A_141 : vector<16xf32>
      %parallel_loop3A_379 = arith.index_cast %parallel_loop3A_137 : i32 to index
      %parallel_loop3A_380 = arith.constant 240 : index
      %parallel_loop3A_381 = tpu.vector_load %arg10[%parallel_loop3A_379, %parallel_loop3A_380] {strides = array<i32>} : memref<32x256xf32, #tpu.memory_space<vmem>>, vector<1x16xf32>,
      %parallel_loop3A_382 = vector.shape_cast %parallel_loop3A_381 : vector<1x16xf32> to vector<16xf32>
      %parallel_loop3A_383 = vector.shape_cast %parallel_loop3A_378 : vector<16xf32> to vector<1x16xf32>
      tpu.vector_store %arg10[%parallel_loop3A_379, %parallel_loop3A_380], %parallel_loop3A_383 {strides = array<i32>} : memref<32x256xf32, #tpu.memory_space<vmem>>, vector<1x16xf32>,
    } {sc.loop_unroll_factor = 8 : i64, sc.parallel_access}
    %add3A_123 = arith.constant 2016 : i32
    %add3A_124 = arith.addi %mul3A_2, %add3A_123 : i32
    %dma_start3A_125 = arith.constant 0 : i32
    %dma_start3A_126 = tpu.memref_slice %arg5[%add3A_124, %dma_start3A_125] : memref<65536x256xf32, #tpu.memory_space<hbm>> -> memref<32x256xf32, #tpu.memory_space<hbm>>
    %dma_start3A_127 = arith.constant 0 : i32
    %dma_start3A_128 = tpu.memref_slice %arg5[%add3A_124, %dma_start3A_127] : memref<65536x256xf32, #tpu.memory_space<hbm>> -> memref<32x256xf32, #tpu.memory_space<hbm>>
    tpu.enqueue_dma source(%arg10 : memref<32x256xf32, #tpu.memory_space<vmem>>) target(%dma_start3A_128 : memref<32x256xf32, #tpu.memory_space<hbm>>) target_semaphore(%arg16 : memref<!tpu.dma_semaphore, #tpu.memory_space<semaphore_mem>>)
    %dma_wait3A_129 = arith.constant 0 : i32
    %dma_wait3A_130 = tpu.memref_slice %arg5[%mul3A_2, %dma_wait3A_129] : memref<65536x256xf32, #tpu.memory_space<hbm>> -> memref<32x256xf32, #tpu.memory_space<hbm>>
    %dma_wait3A_131 = arith.constant 0 : i32
    %dma_wait3A_132 = tpu.memref_slice %arg5[%mul3A_2, %dma_wait3A_131] : memref<65536x256xf32, #tpu.memory_space<hbm>> -> memref<32x256xf32, #tpu.memory_space<hbm>>
    tpu.wait_dma2 semaphore(%arg15 : memref<!tpu.dma_semaphore, #tpu.memory_space<semaphore_mem>>) src(%arg9 : memref<32x256xf32, #tpu.memory_space<vmem>>) dst(%dma_wait3A_132 : memref<32x256xf32, #tpu.memory_space<hbm>>)
    %dma_wait3A_133 = arith.constant 0 : i32
    %dma_wait3A_134 = tpu.memref_slice %arg5[%mul3A_2, %dma_wait3A_133] : memref<65536x256xf32, #tpu.memory_space<hbm>> -> memref<32x256xf32, #tpu.memory_space<hbm>>
    %dma_wait3A_135 = arith.constant 0 : i32
    %dma_wait3A_136 = tpu.memref_slice %arg5[%mul3A_2, %dma_wait3A_135] : memref<65536x256xf32, #tpu.memory_space<hbm>> -> memref<32x256xf32, #tpu.memory_space<hbm>>
    tpu.wait_dma2 semaphore(%arg16 : memref<!tpu.dma_semaphore, #tpu.memory_space<semaphore_mem>>) src(%arg10 : memref<32x256xf32, #tpu.memory_space<vmem>>) dst(%dma_wait3A_136 : memref<32x256xf32, #tpu.memory_space<hbm>>)
    return
  }
}

module attributes {stable_mosaic.version = 14 : i64} {
  func.func @_scalar_stage(%arg0: memref<1x256xf32, #tpu.memory_space<vmem>>, %arg1: memref<256x1xf32, #tpu.memory_space<vmem>>, %arg2: memref<256x256xf32, #tpu.memory_space<vmem>>, %arg3: memref<256x256xf32, #tpu.memory_space<vmem>>, %arg4: memref<256x256xf32, #tpu.memory_space<vmem>>) attributes {dimension_semantics = [], scalar_prefetch = 0 : i64, scratch_operands = 0 : i64, tpu.core_type = #tpu.core_type<tc>} {
    %get3A = arith.constant 0 : index
    %get3A_0 = arith.constant 0 : index
    %get3A_1 = vector.load %arg0[%get3A, %get3A_0] : memref<1x256xf32, #tpu.memory_space<vmem>>, vector<1x256xf32>
    %get3A_2 = arith.constant 0 : index
    %get3A_3 = arith.constant 0 : index
    %get3A_4 = vector.load %arg1[%get3A_2, %get3A_3] : memref<256x1xf32, #tpu.memory_space<vmem>>, vector<256x1xf32>
    %get3A_5 = arith.constant 0 : index
    %get3A_6 = arith.constant 0 : index
    %get3A_7 = vector.load %arg2[%get3A_5, %get3A_6] : memref<256x256xf32, #tpu.memory_space<vmem>>, vector<256x256xf32>
    %get3A_8 = arith.constant 0 : index
    %get3A_9 = arith.constant 0 : index
    %get3A_10 = vector.load %arg3[%get3A_8, %get3A_9] : memref<256x256xf32, #tpu.memory_space<vmem>>, vector<256x256xf32>
    %mul3A = arith.mulf %get3A_1, %get3A_1 : vector<1x256xf32>
    %reduce_sum3A = arith.constant dense<0.000000e+00> : vector<1xf32>
    %reduce_sum3A_11 = vector.multi_reduction <add>, %mul3A, %reduce_sum3A [1] : vector<1x256xf32> to vector<1xf32>
    %broadcast_in_dim3A = vector.shape_cast %reduce_sum3A_11 : vector<1xf32> to vector<1x1xf32>
    %sqrt3A = math.sqrt %broadcast_in_dim3A : vector<1x1xf32>
    %max3A = arith.constant 9.99999993E-9 : f32
    %max3A_12 = vector.broadcast %max3A : f32 to vector<1x1xf32>
    %max3A_13 = arith.maximumf %sqrt3A, %max3A_12 : vector<1x1xf32>
    %div3A = arith.constant 1.000000e+00 : f32
    %div3A_14 = vector.broadcast %div3A : f32 to vector<1x1xf32>
    %div3A_15 = arith.divf %div3A_14, %max3A_13 : vector<1x1xf32>
    %mul3A_16 = vector.broadcast %div3A_15 : vector<1x1xf32> to vector<1x256xf32>
    %mul3A_17 = arith.mulf %get3A_1, %mul3A_16 : vector<1x256xf32>
    %mul3A_18 = vector.broadcast %div3A_15 : vector<1x1xf32> to vector<256x1xf32>
    %mul3A_19 = arith.mulf %get3A_4, %mul3A_18 : vector<256x1xf32>
    %reduce_sum3A_20 = arith.constant dense<0.000000e+00> : vector<256xf32>
    %reduce_sum3A_21 = vector.multi_reduction <add>, %get3A_10, %reduce_sum3A_20 [0] : vector<256x256xf32> to vector<256xf32>
    %broadcast_in_dim3A_22 = vector.shape_cast %reduce_sum3A_21 : vector<256xf32> to vector<1x256xf32>
    %mul3A_23 = arith.mulf %get3A_10, %get3A_10 : vector<256x256xf32>
    %reduce_sum3A_24 = arith.constant dense<0.000000e+00> : vector<256xf32>
    %reduce_sum3A_25 = vector.multi_reduction <add>, %mul3A_23, %reduce_sum3A_24 [0] : vector<256x256xf32> to vector<256xf32>
    %broadcast_in_dim3A_26 = vector.shape_cast %reduce_sum3A_25 : vector<256xf32> to vector<1x256xf32>
    %mul3A_27 = arith.mulf %get3A_7, %get3A_7 : vector<256x256xf32>
    %reduce_sum3A_28 = arith.constant dense<0.000000e+00> : vector<256xf32>
    %reduce_sum3A_29 = vector.multi_reduction <add>, %mul3A_27, %reduce_sum3A_28 [1] : vector<256x256xf32> to vector<256xf32>
    %broadcast_in_dim3A_30 = vector.shape_cast %reduce_sum3A_29 : vector<256xf32> to vector<256x1xf32>
    %sqrt3A_31 = math.sqrt %broadcast_in_dim3A_26 : vector<1x256xf32>
    %max3A_32 = arith.constant 9.99999993E-9 : f32
    %max3A_33 = vector.broadcast %max3A_32 : f32 to vector<1x256xf32>
    %max3A_34 = arith.maximumf %sqrt3A_31, %max3A_33 : vector<1x256xf32>
    %div3A_35 = arith.constant 1.000000e+00 : f32
    %div3A_36 = vector.broadcast %div3A_35 : f32 to vector<1x256xf32>
    %div3A_37 = arith.divf %div3A_36, %max3A_34 : vector<1x256xf32>
    %sqrt3A_38 = math.sqrt %broadcast_in_dim3A_30 : vector<256x1xf32>
    %max3A_39 = arith.constant 9.99999993E-9 : f32
    %max3A_40 = vector.broadcast %max3A_39 : f32 to vector<256x1xf32>
    %max3A_41 = arith.maximumf %sqrt3A_38, %max3A_40 : vector<256x1xf32>
    %div3A_42 = arith.constant 1.000000e+00 : f32
    %div3A_43 = vector.broadcast %div3A_42 : f32 to vector<256x1xf32>
    %div3A_44 = arith.divf %div3A_43, %max3A_41 : vector<256x1xf32>
    %dot_general3A = arith.constant dense<0.000000e+00> : vector<256x1xf32>
    %dot_general3A_45 = tpu.matmul %get3A_7, %mul3A_19, %dot_general3A {dimension_numbers = #tpu.dot_dimension_numbers<[1], [0], [0], [1], [0, 0, 1, 1], [], []>, transpose_lhs_hint = false} : vector<256x256xf32>, vector<256x1xf32>, vector<256x1xf32> -> vector<256x1xf32>
    %dot_general3A_46 = arith.constant dense<0.000000e+00> : vector<1x256xf32>
    %dot_general3A_47 = tpu.matmul %mul3A_17, %get3A_10, %dot_general3A_46 {dimension_numbers = #tpu.dot_dimension_numbers<[1], [0], [0], [1], [0, 0, 1, 1], [], []>, transpose_lhs_hint = false} : vector<1x256xf32>, vector<256x256xf32>, vector<1x256xf32> -> vector<1x256xf32>
    %mul3A_48 = arith.mulf %dot_general3A_45, %div3A_44 : vector<256x1xf32>
    %mul3A_49 = arith.mulf %dot_general3A_47, %div3A_37 : vector<1x256xf32>
    %gt3A = arith.constant 3.000000e-01 : f32
    %gt3A_50 = vector.broadcast %gt3A : f32 to vector<256x1xf32>
    %gt3A_51 = arith.cmpf ogt, %mul3A_48, %gt3A_50 : vector<256x1xf32>
    %convert_element_type3A = arith.extui %gt3A_51 : vector<256x1xi1> to vector<256x1xi32>
    %convert_element_type3A_52 = arith.sitofp %convert_element_type3A : vector<256x1xi32> to vector<256x1xf32>
    %gt3A_53 = arith.constant 3.000000e-01 : f32
    %gt3A_54 = vector.broadcast %gt3A_53 : f32 to vector<1x256xf32>
    %gt3A_55 = arith.cmpf ogt, %mul3A_49, %gt3A_54 : vector<1x256xf32>
    %convert_element_type3A_56 = arith.extui %gt3A_55 : vector<1x256xi1> to vector<1x256xi32>
    %convert_element_type3A_57 = arith.sitofp %convert_element_type3A_56 : vector<1x256xi32> to vector<1x256xf32>
    %dot_general3A_58 = arith.constant dense<0.000000e+00> : vector<256x256xf32>
    %dot_general3A_59 = tpu.matmul %get3A_7, %get3A_10, %dot_general3A_58 {dimension_numbers = #tpu.dot_dimension_numbers<[1], [0], [0], [1], [0, 0, 1, 1], [], []>, transpose_lhs_hint = false} : vector<256x256xf32>, vector<256x256xf32>, vector<256x256xf32> -> vector<256x256xf32>
    %mul3A_60 = vector.broadcast %div3A_44 : vector<256x1xf32> to vector<256x256xf32>
    %mul3A_61 = arith.mulf %dot_general3A_59, %mul3A_60 : vector<256x256xf32>
    %mul3A_62 = vector.broadcast %div3A_37 : vector<1x256xf32> to vector<256x256xf32>
    %mul3A_63 = arith.mulf %mul3A_61, %mul3A_62 : vector<256x256xf32>
    %mul3A_64 = vector.broadcast %convert_element_type3A_52 : vector<256x1xf32> to vector<256x256xf32>
    %mul3A_65 = arith.mulf %mul3A_64, %mul3A_63 : vector<256x256xf32>
    %add3A = vector.broadcast %mul3A_49 : vector<1x256xf32> to vector<256x256xf32>
    %add3A_66 = arith.addf %mul3A_65, %add3A : vector<256x256xf32>
    %mul3A_67 = arith.mulf %convert_element_type3A_57, %div3A_37 : vector<1x256xf32>
    %dot_general3A_68 = arith.constant dense<0.000000e+00> : vector<1x256xf32>
    %dot_general3A_69 = tpu.matmul %mul3A_67, %get3A_7, %dot_general3A_68 {dimension_numbers = #tpu.dot_dimension_numbers<[1], [0], [0], [1], [0, 0, 1, 1], [], []>, transpose_lhs_hint = false} : vector<1x256xf32>, vector<256x256xf32>, vector<1x256xf32> -> vector<1x256xf32>
    %mul3A_70 = arith.constant 3.906250e-03 : f32
    %mul3A_71 = vector.broadcast %mul3A_70 : f32 to vector<1x256xf32>
    %mul3A_72 = arith.mulf %dot_general3A_69, %mul3A_71 : vector<1x256xf32>
    %add3A_73 = arith.addf %mul3A_17, %mul3A_72 : vector<1x256xf32>
    %reduce_sum3A_74 = arith.constant dense<0.000000e+00> : vector<1xf32>
    %reduce_sum3A_75 = vector.multi_reduction <add>, %add3A_73, %reduce_sum3A_74 [1] : vector<1x256xf32> to vector<1xf32>
    %broadcast_in_dim3A_76 = vector.shape_cast %reduce_sum3A_75 : vector<1xf32> to vector<1x1xf32>
    %dot_general3A_77 = arith.constant dense<0.000000e+00> : vector<1x256xf32>
    %dot_general3A_78 = tpu.matmul %add3A_73, %get3A_10, %dot_general3A_77 {dimension_numbers = #tpu.dot_dimension_numbers<[1], [0], [0], [1], [0, 0, 1, 1], [], []>, transpose_lhs_hint = false} : vector<1x256xf32>, vector<256x256xf32>, vector<1x256xf32> -> vector<1x256xf32>
    %mul3A_79 = arith.constant 2.000000e+00 : f32
    %mul3A_80 = vector.broadcast %mul3A_79 : f32 to vector<256x256xf32>
    %mul3A_81 = arith.mulf %mul3A_80, %add3A_66 : vector<256x256xf32>
    %mul3A_82 = vector.broadcast %broadcast_in_dim3A_22 : vector<1x256xf32> to vector<256x256xf32>
    %mul3A_83 = arith.mulf %mul3A_81, %mul3A_82 : vector<256x256xf32>
    %add3A_84 = vector.broadcast %broadcast_in_dim3A_26 : vector<1x256xf32> to vector<256x256xf32>
    %add3A_85 = arith.addf %add3A_84, %mul3A_83 : vector<256x256xf32>
    %mul3A_86 = arith.constant 2.560000e+02 : f32
    %mul3A_87 = vector.broadcast %mul3A_86 : f32 to vector<256x256xf32>
    %mul3A_88 = arith.mulf %mul3A_87, %add3A_66 : vector<256x256xf32>
    %mul3A_89 = arith.mulf %mul3A_88, %add3A_66 : vector<256x256xf32>
    %add3A_90 = arith.addf %add3A_85, %mul3A_89 : vector<256x256xf32>
    %sqrt3A_91 = math.sqrt %add3A_90 : vector<256x256xf32>
    %max3A_92 = arith.constant 9.99999993E-9 : f32
    %max3A_93 = vector.broadcast %max3A_92 : f32 to vector<256x256xf32>
    %max3A_94 = arith.maximumf %sqrt3A_91, %max3A_93 : vector<256x256xf32>
    %mul3A_95 = vector.broadcast %broadcast_in_dim3A_76 : vector<1x1xf32> to vector<256x256xf32>
    %mul3A_96 = arith.mulf %add3A_66, %mul3A_95 : vector<256x256xf32>
    %add3A_97 = vector.broadcast %dot_general3A_78 : vector<1x256xf32> to vector<256x256xf32>
    %add3A_98 = arith.addf %add3A_97, %mul3A_96 : vector<256x256xf32>
    %div3A_99 = arith.divf %add3A_98, %max3A_94 : vector<256x256xf32>
    %add3A_100 = arith.addf %add3A_66, %div3A_99 : vector<256x256xf32>
    %swap3A = arith.constant 0 : index
    %swap3A_101 = arith.constant 0 : index
    %swap3A_102 = vector.load %arg4[%swap3A, %swap3A_101] : memref<256x256xf32, #tpu.memory_space<vmem>>, vector<256x256xf32>
    tpu.vector_store %arg4[%swap3A, %swap3A_101], %add3A_100 {strides = array<i32>} : memref<256x256xf32, #tpu.memory_space<vmem>>, vector<256x256xf32>,
    return
  }
}

</mosaic_0001>

<sc_bundles>
// kernel: kernel.4.cloned.1.call-start
scs
__scs_entry_jumppad:
0x0: {  	(pc) =	sbr.rel $0x88, $3  }
0x1: {  	(tag) =	ssettag $0x0;
	lr =	simm.s32 $0x1  }
0x2: {  	[smem:$0x3F9F] =	sst lr;
	_ =	strace $0xD0000000  }
0x3: {  	_ = 	snop  }
0x4: {  	_ = 	snop  }
0x5: {  	_ = 	snop  }
0x6: {  	_ = 	snop  }
0x7: {  	_ = 	snop  }
__scs_overlays_trampoline_lowered:
0x8: {  	[smem:$0x3FAE] =	sst s0  }
0x9: {  	[smem:$0x3FAF] =	sst s1  }
0xa: {  	[smem:$0x3FB0] =	sst s2  }
0xb: {  	[smem:$0x3FB1] =	sst s3  }
0xc: {  	[smem:$0x3FB2] =	sst s4  }
0xd: {  	[smem:$0x3FB3] =	sst s5  }
0xe: {  	[smem:$0x3FB4] =	sst s6  }
0xf: {  	[smem:$0x3FB5] =	sst s7  }
0x10: {  	[smem:$0x3FB6] =	sst s8  }
0x11: {  	[smem:$0x3FB7] =	sst s9;
	s0 =	simm.s32 @!p0 $0x0  }
0x12: {  	s1 =	sld [smem:$0x3F9D];
	s0 =	simm.s32 @p0 $0x1  }
0x13: {  	[smem:$0x3FB8] =	sst s0;
	s0 =	simm.s32 @!p1 $0x0  }
0x14: {  	s2 =	sld [smem:$0x3F9C];
	s0 =	simm.s32 @p1 $0x1  }
0x15: {  	[smem:$0x3FB9] =	sst s0;
	s0 =	simm.s32 @!p2 $0x0  }
0x16: {  	s3 =	sld [smem:$0x3FDB];
	s0 =	simm.s32 @p2 $0x1  }
0x17: {  	s4 =	simm.s32 $0x1BF5;
	[smem:$0x3FBB] =	sst s0  }
0x18: {  	s0 =	sld [smem:$0x3F9E];
	_ =	swait.ge [sflag:s4], $0x0  }
0x19: {  	s7 =	sld [smem:$0x3F9F]  }
0x1a: {  	s8 =	sadd.s32 $0xFFFFE003, lr  }
0x1b: {  	s9 =	sadd.s32 $0xFFFFFEF7, lr;
	s5 =	simm.s32 $0xFFFFFFFF;
	p2 =	slt.u32 s8, $0xFFFFF086  }
0x1c: {  	p1 =	slt.u32 s9, $0xF7A;
	s5 =	simm.s32 @!p2 $0x0  }
0x1d: {  	s5 =	simm.s32 @p1 $0x1;
	p0 =	seq.s32 s7, s2  }
0x1e: {  	s7 =	smul.u32 @!p0 $0xF7A, s2;
	p2 =	seq.s32 @!p0 s5, $0x0  }
0x1f: {  	s9 =	smul.u32 $0xF7A, s1;
	s8 =	simm.s32 @!p0 $0x1BF5;
	p2 =	por !p2, p0  }
0x20: {  	[sflag:s8] =	ssyncset.s32 @!p0 $0xFFFFF086;
	s6 =	sadd.s32 @!p0 s3, s7;
	s7 =	simm.s32 @!p0 $0x108  }
0x21: {  	s3 =	sadd.s32 s3, s9;
	s6 =	sadd.s32 @!p0 $0x88, s6;
	s7 =	simm.s32 @p2 $0x1082  }
0x22: {  	[simem:s7], [sflag:s8] =	dma.local @!p0 [hbm:s6], $0xF7A  }
0x23: {  	s9 =	sor.u32 $0xD0000000, s2;
	s6 =	simm.s32 $0x108;
	_ =	swait.ge @!p0 [sflag:s8], $0x0  }
0x24: {  	s3 =	sadd.s32 $0x88, s3;
	s6 =	simm.s32 @!p1 $0x1082;
	[sflag:s4] =	ssyncset.s32 $0xFFFFF086  }
0x25: {  	[simem:s6], [sflag:s4] =	dma.local [hbm:s3], $0xF7A  }
0x26: {  	[smem:$0x3F9F] =	sst s1;
	(tag) =	ssettag s2;
	_ =	strace s9  }
0x27: {  	s1 =	sld [smem:$0x3FAF]  }
0x28: {  	s2 =	sld [smem:$0x3FB0]  }
0x29: {  	s4 =	sld [smem:$0x3FB2]  }
0x2a: {  	p0 =	seq.s32 s5, $0x0;
	s5 =	sld [smem:$0x3FB3]  }
0x2b: {  	s6 =	sld [smem:$0x3FB4]  }
0x2c: {  	s7 =	sld [smem:$0x3FB5]  }
0x2d: {  	s3 =	simm.s32 $0x108;
	s8 =	sld [smem:$0x3FB6]  }
0x2e: {  	s3 =	simm.s32 @!p0 $0x1082;
	s9 =	sld [smem:$0x3FB7]  }
0x2f: {  	lr =	sadd.s32 s0, s3;
	s0 =	sld [smem:$0x3FAE]  }
0x30: {  	s3 =	sld [smem:$0x3FB1]  }
0x31: {  	[smem:$0x3FBA] =	sst s10  }
0x32: {  	s10 =	sld [smem:$0x3FB8];
	_ =	sdelay $0x3  }
0x33: {  	p0 =	seq.s32 s10, $0x1;
	s10 =	sld [smem:$0x3FBA];
	_ =	sdelay $0x3  }
0x34: {  	[smem:$0x3FBA] =	sst s10  }
0x35: {  	s10 =	sld [smem:$0x3FB9];
	_ =	sdelay $0x3  }
0x36: {  	p1 =	seq.s32 s10, $0x1;
	s10 =	sld [smem:$0x3FBA];
	_ =	sdelay $0x3  }
0x37: {  	[smem:$0x3FBA] =	sst s10  }
0x38: {  	s10 =	sld [smem:$0x3FBB]  }
0x39: {  	_ = 	snop;
	(pc) =	sbr.ind lr, $3  }
0x3a: {  	_ = 	snop  }
0x3b: {  	_ = 	snop  }
0x3c: {  	p2 =	seq.s32 s10, $0x1;
	s10 =	sld [smem:$0x3FBA]  }
0x3d: {  	_ =	shalt  }
0x3e: {  	_ =	shalt  }
0x3f: {  	_ =	shalt  }
0x40: {  	_ =	shalt  }
0x41: {  	_ =	shalt  }
0x42: {  	_ =	shalt  }
0x43: {  	_ =	shalt  }
0x44: {  	_ =	shalt  }
0x45: {  	_ =	shalt  }
0x46: {  	_ =	shalt  }
0x47: {  	_ =	shalt  }
0x48: {  	_ =	shalt  }
0x49: {  	_ =	shalt  }
0x4a: {  	_ =	shalt  }
0x4b: {  	_ =	shalt  }
0x4c: {  	_ =	shalt  }
0x4d: {  	_ =	shalt  }
0x4e: {  	_ =	shalt  }
0x4f: {  	_ =	shalt  }
0x50: {  	_ =	shalt  }
0x51: {  	_ =	shalt  }
0x52: {  	_ =	shalt  }
0x53: {  	_ =	shalt  }
0x54: {  	_ =	shalt  }
0x55: {  	_ =	shalt  }
0x56: {  	_ =	shalt  }
0x57: {  	_ =	shalt  }
0x58: {  	_ =	shalt  }
0x59: {  	_ =	shalt  }
0x5a: {  	_ =	shalt  }
0x5b: {  	_ =	shalt  }
0x5c: {  	_ =	shalt  }
0x5d: {  	_ =	shalt  }
0x5e: {  	_ =	shalt  }
0x5f: {  	_ =	shalt  }
0x60: {  	_ =	shalt  }
0x61: {  	_ =	shalt  }
0x62: {  	_ =	shalt  }
0x63: {  	_ =	shalt  }
0x64: {  	_ =	shalt  }
0x65: {  	_ =	shalt  }
0x66: {  	_ =	shalt  }
0x67: {  	_ =	shalt  }
0x68: {  	_ =	shalt  }
0x69: {  	_ =	shalt  }
0x6a: {  	_ =	shalt  }
0x6b: {  	_ =	shalt  }
0x6c: {  	_ =	shalt  }
0x6d: {  	_ =	shalt  }
0x6e: {  	_ =	shalt  }
0x6f: {  	_ =	shalt  }
0x70: {  	_ =	shalt  }
0x71: {  	_ =	shalt  }
0x72: {  	_ =	shalt  }
0x73: {  	_ =	shalt  }
0x74: {  	_ =	shalt  }
0x75: {  	_ =	shalt  }
0x76: {  	_ =	shalt  }
0x77: {  	_ =	shalt  }
0x78: {  	_ =	shalt  }
0x79: {  	_ =	shalt  }
0x7a: {  	_ =	shalt  }
0x7b: {  	_ =	shalt  }
0x7c: {  	_ =	shalt  }
0x7d: {  	_ =	shalt  }
0x7e: {  	_ =	shalt  }
0x7f: {  	_ =	shalt  }
0x80: {  	_ =	shalt  }
0x81: {  	_ =	shalt  }
0x82: {  	_ =	shalt  }
0x83: {  	_ =	shalt  }
0x84: {  	_ =	shalt  }
0x85: {  	_ =	shalt  }
0x86: {  	_ =	shalt  }
0x87: {  	_ =	shalt  }
.Lfunc_end0:
.L_simem_size_0:
called_computation_lowered:
.L_overlay_start_0:
0x88: {  	s2 =	sld [smem:$0x3FD9]  }
0x89: {  	s3 =	sld [smem:$0x3FFE];
	_ =	sdelay $0x1  }
0x8a: {  	s1 =	srdreg.scid  }
0x8b: {  	s0 =	sand.u32 $0x1, s1  }
0x8c: {  	s17 =	sshll.u32 s0, $0xA;
	s2 =	sadd.s32 s3, s2  }
0x8d: {  	s2 =	sadd.s32 s2, s17  }
0x8e: {  	[smem:$0x3FC6] =	sst s2  }
0x8f: {  	_ = 	snop  }
0x90: {  	s2 =	sld [smem:$0x3FC8]  }
0x91: {  	s18 =	sld [smem:$0x3FD0];
	(tm) =	ssettm $0x1  }
0x92: {  	s4 =	sld [smem:$0x3FFB];
	_ =	sdelay $0x3  }
0x93: {  	_ =	strace s4  }
0x94: {  	s4 =	sld [smem:$0x3FFC];
	_ =	sdelay $0x3  }
0x95: {  	_ =	strace s4  }
0x96: {  	s4 =	sld [smem:$0x3FFD];
	_ =	sdelay $0x3  }
0x97: {  	_ =	strace s4  }
0x98: {  	_ =	strace $0x8FFFFFFF  }
0x99: {  	s19 =	sld [smem:$0x3FDB];
	_ =	sdelay $0x1  }
0x9a: {  	s5 =	simm.s32 $_scs_section_size  }
0x9b: {  	s6 =	simm.s32 $_size__tile_overlayer_lowered;
	s7 =	simm.s32 $_tile_overlayer_lowered  }
0x9c: {  	s22 =	simm.s32 $0x1BFF;
	s21 =	sshll.u32 s7, $0x1;
	s4 =	sadd.s32 s5, s19  }
0x9d: {  	s8 =	simm.s32 $0x0;
	s20 =	sshll.u32 s6, $0x1;
	s6 =	sadd.s32 s21, s4  }
0x9e: {  	[timem:s8], [sflag:s22] =	dma.local [hbm:s6], s20  }
0x9f: {  	_ =	swait.ge [sflag:s22], s20  }
0xa0: {  	s5 =	ssub.s32 $0x0, s20;
	[sflag:s22] =	ssyncset.done $0x0  }
0xa1: {  	[sflag:s22] =	ssyncadd.s32 s5;
	_ =	sdelay $0x1  }
0xa2: {  	s23 =	simm.s32 $0x1B8B  }
0xa3: {  	_ =	swait.ge [sflag:s23], $0x1  }
0xa4: {  	[sflag:s23] =	ssyncset.done $0x0  }
0xa5: {  	s25 =	simm.s32 $0x1B8E;
	s24 =	sld [smem:$0x3FFE];
	[sflag:s23] =	ssyncadd.s32 $0xFFFFFFFF  }
0xa6: {  	s26 =	simm.s32 $execute0_lowered;
	[smem:$0x3FD2] =	sst s25  }
0xa7: {  	s6 =	sshll.u32 s26, $0x1;
	_ =	strace $0x80000046;
	[dreg:$0x1] =	wrdreg $0xFFFFFFFF  }
0xa8: {  	s28 =	simm.s32 $_size_execute0_lowered;
	s4 =	sadd.s32 s4, s6;
	[dreg:$0x0] =	wrdreg $0x0  }
0xa9: {  	s6 =	sshll.u32 s28, $0x1;
	[dreg:$0x2] =	wrdreg s4  }
0xaa: {  	[dreg:$0x3] =	wrdreg s6  }
0xab: {  	[dreg:$0x4] =	wrdreg $0xC0  }
0xac: {  	_ =	task [dreg:s8], $0x5FFFF  }
0xad: {  	[dreg:$0x1] =	wrdreg $0xFFFFFFFF  }
0xae: {  	[dreg:$0x0] =	wrdreg $0x60  }
0xaf: {  	[dreg:$0x2] =	wrdreg s24  }
0xb0: {  	[dreg:$0x3] =	wrdreg s2  }
0xb1: {  	[dreg:$0x4] =	wrdreg s18  }
0xb2: {  	[dreg:$0x5] =	wrdreg $0x9  }
0xb3: {  	_ =	task.clear_ibuf [dreg:s8], $0x6FFFF;
	_ =	strace $0x90000046  }
0xb4: {  	s29 =	simm.s32 $0x9;
	_ =	strace $0x80000048  }
0xb5: {  	_ =	swait.ge [sflag:s29], $0x1  }
0xb6: {  	[sflag:s29] =	ssyncadd.s32 $0xFFFFFFFF  }
0xb7: {  	_ =	strace $0x90000048  }
0xb8: {  	_ =	sfence  }
0xb9: {  	s30 =	sld [smem:$0x0];
	_ =	sdelay $0x2  }
0xba: {  	s31 =	sshll.u32 s1, $0xD;
	s1 =	sshrl.u32 s1, $0x2  }
0xbb: {  	s3 =	sand.u32 $0x4000, s31;
	s1 =	sadd.s32 s1, s30  }
0xbc: {  	s0 =	sor.u32 s3, s0;
	s1 =	sshll.u32 s1, $0x11  }
0xbd: {  	s0 =	sor.u32 s1, s0  }
0xbe: {  	s0 =	sadd.s32 $0x8F2B, s0  }
0xbf: {  	[sflag:s0] =	ssyncadd.remote.s32 $0x1  }
0xc0: {  	_ =	sfence.sel $0xFFFF  }
0xc1: {  	[dreg:$0x0] =	wrdreg $0xFFFFFFFF;
	(pc) =	sbr.abs _section_cstart, $3  }
0xc2: {  	[dreg:$0x1] =	wrdreg $0xFFFFFFFF  }
0xc3: {  	_ =	task.clear_ibuf [dreg:s8], $0x2FFFF;
	_ =	strace $0x9FFFFFFF  }
0xc4: {  	(tm) =	ssettm $0x7FFFFFFF  }
0xc5: {  	_ =	shalt  }
tec
execute0_lowered:
.L_overlay_start_1:
0x0: {  	(tag) =	ssettag $0x1  }
0x1: {  	s0 =	rddreg [dreg:$0x0]  }
0x2: {  	s1 =	rddreg [dreg:$0x2];
	s14 =	simm.s32 $0x0;
	s2 =	srdreg.scid  }
0x3: {  	s3 =	stileid.u32;
	[smem:$0x7FF] =	sst s14  }
0x4: {  	s2 =	sand.u32 $0x1, s2;
	s3 =	sshll.u32 s3, $0xC;
	s16 =	sadd.s32 $0x200A00, s0  }
0x5: {  	s15 =	sadd.s32 $0xA00, s0;
	_ =	strace $0x80000047;
	s4 =	sshll.u32 s2, $0xB  }
0x6: {  	s2 =	ssub.s32 $0x2, s2;
	[smem:$0x7F9] =	sst s15;
	s3 =	sor.u32 s4, s3  }
0x7: {  	[smem:$0x7FA] =	sst s16;
	s20 =	sshrl.u32 s2, $0x1;
	s4 =	sshrl.u32 s3, $0x3  }
0x8: {  	s0 =	ssub.s32 s2, s20;
	s21 =	sshll.u32 s3, $0x5;
	s18 =	sor.u32 $0x40, s3  }
0x9: {  	s22 =	sshll.u32 s3, $0x4;
	s19 =	sor.u32 $0x60, s3;
	[smem:$0x7FC] =	sst s18  }
0xa: {  	s20 =	simm.s32 $0x10000;
	s6 =	sadd.s32 s15, s21;
	[smem:$0x7FD] =	sst s19  }
0xb: {  	s5 =	sor.u32 $0x4, s4;
	s0 =	smax.u32 s0, $0x1;
	[smem:$0x7ED] =	sst s6  }
0xc: {  	s17 =	sadd.s32 s1, s21;
	s24 =	sor.u32 $0x8, s4;
	[smem:$0x7F8] =	sst s0  }
0xd: {  	s4 =	sor.u32 $0xC, s4;
	s6 =	sadd.s32 s16, s22;
	[smem:$0x7FB] =	sst s17  }
0xe: {  	s21 =	simm.s32 $0x18000;
	s30 =	sadd.s32 $0xF800, s17;
	[smem:$0x7EE] =	sst s6  }
0xf: {  	s7 =	sshll.u32 s5, $0x8;
	s31 =	sadd.s32 $0xFC00, s17;
	[smem:$0x7F6] =	sst s30  }
0x10: {  	s5 =	sshll.u32 s5, $0x7;
	s23 =	sadd.s32 s15, s7;
	[smem:$0x7F7] =	sst s31  }
0x11: {  	s2 =	sshll.u32 s24, $0x7;
	s5 =	sadd.s32 s16, s5;
	[smem:$0x7EF] =	sst s23  }
0x12: {  	s25 =	sshll.u32 s24, $0x8;
	s2 =	sadd.s32 s16, s2;
	[smem:$0x7F0] =	sst s5  }
0x13: {  	s26 =	sshll.u32 s4, $0x8;
	s1 =	sadd.s32 s1, s7;
	[smem:$0x7F2] =	sst s2  }
0x14: {  	s29 =	sshll.u32 s4, $0x7;
	s28 =	sadd.s32 s15, s26;
	[smem:$0x7F3] =	sst s1  }
0x15: {  	s22 =	simm.s32 $0x12000;
	s5 =	sadd.s32 s15, s25;
	[smem:$0x7F4] =	sst s28  }
0x16: {  	s24 =	simm.s32 $0x1;
	s1 =	sadd.s32 s16, s29;
	[smem:$0x7F1] =	sst s5  }
0x17: {  	s23 =	simm.s32 $0x19000;
	[smem:$0x7F5] =	sst s1;
	s1 =	simm.s32 $0x0  }
.LBB2_1:
0x18: {  	[smem:$0x7EC] =	sst s1  }
0x19: {  	s0 =	rddreg [dreg:$0x1];
	s30 =	simm.s32 $0x5  }
0x1a: {  	[tilespmem:s14], [sflag:$0x5] =	stream.linear.gather [hbm4b:s0+s14], $0x10000, $0x38;
	[tilespmem:$0x1A000] =	vst v63  }
0x1b: {  	_ =	swait.ge [sflag:s30], $0x10000  }
0x1c: {  	s31 =	sld [smem:$0x7ED]  }
0x1d: {  	[sflag:s30] =	ssyncset.done $0x0  }
0x1e: {  	s1 =	sld [smem:$0x7EE];
	[sflag:s30] =	ssyncadd.s32 $0xFFFF0000  }
0x1f: {  	[tilespmem:s20], [sflag:$0x1] =	stream.linear.gather [hbm4b:s31+s14], $0x2000, $0x38;
	[tilespmem:$0x1A000] =	vst v63  }
0x20: {  	s2 =	sld [smem:$0x7EF]  }
0x21: {  	[tilespmem:s21], [sflag:$0x1] =	stream.linear.gather [hbm4b:s1+s14], $0x1000, $0x38;
	[tilespmem:$0x1A000] =	vst v63  }
0x22: {  	s3 =	sld [smem:$0x7F0]  }
0x23: {  	[tilespmem:s22], [sflag:$0x2] =	stream.linear.gather [hbm4b:s2+s14], $0x2000, $0x38;
	[tilespmem:$0x1A000] =	vst v63  }
0x24: {  	_ = 	snop  }
0x25: {  	[tilespmem:s23], [sflag:$0x2] =	stream.linear.gather [hbm4b:s3+s14], $0x1000, $0x38;
	[tilespmem:$0x1A000] =	vst v63  }
0x26: {  	_ =	swait.ge [sflag:s24], $0x2000  }
0x27: {  	[sflag:s24] =	ssyncset.done $0x0  }
0x28: {  	[sflag:s24] =	ssyncadd.s32 $0xFFFFE000  }
0x29: {  	_ =	swait.ge [sflag:s24], $0x1000  }
0x2a: {  	[sflag:s24] =	ssyncset.done $0x0  }
0x2b: {  	s1 =	simm.s32 $0x0;
	[sflag:s24] =	ssyncadd.s32 $0xFFFFF000  }
0x2c: {  	s4 =	sor.u32 $0x380, s1;
	s2 =	simm.s32 $0x0;
	v0 =	vld [tilespmem:s1+$0x10380]  }
0x2d: {  	s0 =	sand.u32 $0x3FFFFF80, s2;
	v1 =	vld [tilespmem:s4+$0x0]  }
0x2e: {  	s9 =	sor.u32 $0x100, s1;
	v4 =	vld [tilespmem:s0+$0x18380]  }
0x2f: {  	s10 =	sor.u32 $0x180, s1;
	v3 =	vld [tilespmem:s9+$0x0]  }
0x30: {  	s11 =	sor.u32 $0x200, s1;
	v6 =	vld [tilespmem:s10+$0x0]  }
0x31: {  	s13 =	sor.u32 $0x280, s1;
	v7 =	vld [tilespmem:s11+$0x0]  }
0x32: {  	v8 =	vld [tilespmem:s13+$0x0]  }
0x33: {  	v9 =	vld [tilespmem:s1+$0x10100]  }
0x34: {  	v10 =	vld [tilespmem:s1+$0x10180]  }
0x35: {  	v11 =	vld [tilespmem:s1+$0x10200];
	v0 =	vadd.f32 v1, v0  }
0x36: {  	v12 =	vld [tilespmem:s1+$0x10280]  }
0x37: {  	v5 =	vld [tilespmem:s0+$0x18100];
	v0 =	vadd.f32 v0, v4  }
0x38: {  	v2 =	vld [tilespmem:s0+$0x18200]  }
0x39: {  	s5 =	sor.u32 $0x390, s1;
	[tilespmem:s1+$0x14380] =	vst v0;
	v0 =	vld [tilespmem:s1+$0x10390]  }
0x3a: {  	v1 =	vld [tilespmem:s5+$0x0]  }
0x3b: {  	v14 =	vld [tilespmem:s1+$0x10300]  }
0x3c: {  	v15 =	vld [tilespmem:s1+$0x10290]  }
0x3d: {  	v16 =	vld [tilespmem:s1+$0x10360]  }
0x3e: {  	v60 =	vld [tilespmem:s1+$0x10]  }
0x3f: {  	v17 =	vld [tilespmem:s1+$0x10020];
	v0 =	vadd.f32 v1, v0  }
0x40: {  	v18 =	vld [tilespmem:s1+$0x20]  }
0x41: {  	v19 =	vld [tilespmem:s1+$0x10030];
	v0 =	vadd.f32 v0, v4  }
0x42: {  	v20 =	vld [tilespmem:s1+$0x30]  }
0x43: {  	s6 =	sor.u32 $0x3A0, s1;
	[tilespmem:s1+$0x14390] =	vst v0;
	v0 =	vld [tilespmem:s1+$0x103A0]  }
0x44: {  	v1 =	vld [tilespmem:s6+$0x0]  }
0x45: {  	v21 =	vld [tilespmem:s1+$0x10040]  }
0x46: {  	v22 =	vld [tilespmem:s1+$0x40]  }
0x47: {  	v23 =	vld [tilespmem:s1+$0x10050]  }
0x48: {  	v24 =	vld [tilespmem:s1+$0x50]  }
0x49: {  	v25 =	vld [tilespmem:s1+$0x10060];
	v0 =	vadd.f32 v1, v0  }
0x4a: {  	v26 =	vld [tilespmem:s1+$0x60]  }
0x4b: {  	v27 =	vld [tilespmem:s1+$0x10070];
	v0 =	vadd.f32 v0, v4  }
0x4c: {  	v28 =	vld [tilespmem:s1+$0x70]  }
0x4d: {  	s7 =	sor.u32 $0x3B0, s1;
	[tilespmem:s1+$0x143A0] =	vst v0;
	v0 =	vld [tilespmem:s1+$0x103B0]  }
0x4e: {  	v1 =	vld [tilespmem:s7+$0x0]  }
0x4f: {  	v29 =	vld [tilespmem:s1+$0x10080]  }
0x50: {  	v30 =	vld [tilespmem:s1+$0x80]  }
0x51: {  	v31 =	vld [tilespmem:s1+$0x10090]  }
0x52: {  	v32 =	vld [tilespmem:s1+$0x90]  }
0x53: {  	v33 =	vld [tilespmem:s1+$0x100A0];
	v0 =	vadd.f32 v1, v0  }
0x54: {  	v34 =	vld [tilespmem:s1+$0xA0]  }
0x55: {  	v35 =	vld [tilespmem:s1+$0x100B0];
	v0 =	vadd.f32 v0, v4  }
0x56: {  	v36 =	vld [tilespmem:s1+$0xB0]  }
0x57: {  	s8 =	sor.u32 $0x3C0, s1;
	[tilespmem:s1+$0x143B0] =	vst v0;
	v0 =	vld [tilespmem:s1+$0x103C0]  }
0x58: {  	v1 =	vld [tilespmem:s8+$0x0]  }
0x59: {  	v37 =	vld [tilespmem:s1+$0x100C0]  }
0x5a: {  	v38 =	vld [tilespmem:s1+$0xC0]  }
0x5b: {  	v42 =	vld [tilespmem:s1+$0x100D0]  }
0x5c: {  	v43 =	vld [tilespmem:s1+$0xD0]  }
0x5d: {  	v61 =	vld [tilespmem:s1+$0x100E0];
	v0 =	vadd.f32 v1, v0  }
0x5e: {  	v62 =	vld [tilespmem:s1+$0xE0]  }
0x5f: {  	v48 =	vld [tilespmem:s1+$0xF0];
	v0 =	vadd.f32 v0, v4  }
0x60: {  	v52 =	vld [tilespmem:s1+$0x10480]  }
0x61: {  	s12 =	sor.u32 $0x3D0, s1;
	v1 =	vld [tilespmem:s1+$0x103D0];
	[tilespmem:s1+$0x143C0] =	vst v0  }
0x62: {  	v0 =	vld [tilespmem:s12+$0x0]  }
0x63: {  	v54 =	vld [tilespmem:s1+$0x10410]  }
0x64: {  	v56 =	vld [tilespmem:s1+$0x10490]  }
0x65: {  	v3 =	vadd.f32 v3, v9;
	v6 =	vadd.f32 v6, v10;
	v10 =	vld [tilespmem:s1+$0x103E0]  }
0x66: {  	v53 =	vadd.f32 v34, v33;
	v55 =	vadd.f32 v36, v35;
	v33 =	vld [tilespmem:s1+$0x10420]  }
0x67: {  	v35 =	vld [tilespmem:s1+$0x104A0];
	v3 =	vadd.f32 v3, v5;
	v0 =	vadd.f32 v0, v1  }
0x68: {  	v7 =	vadd.f32 v7, v11;
	v1 =	vld [tilespmem:s0+$0x18180]  }
0x69: {  	s16 =	sor.u32 $0x110, s1;
	[tilespmem:s1+$0x14100] =	vst v3;
	v3 =	vld [tilespmem:s0+$0x18300];
	v13 =	vadd.f32 v0, v4  }
0x6a: {  	v7 =	vadd.f32 v7, v2;
	v11 =	vld [tilespmem:s16+$0x0]  }
0x6b: {  	s14 =	sor.u32 $0x3E0, s1;
	v0 =	vld [tilespmem:s0+$0x18280];
	[tilespmem:s1+$0x143D0] =	vst v13  }
0x6c: {  	s18 =	sor.u32 $0x210, s1;
	[tilespmem:s1+$0x14200] =	vst v7;
	v9 =	vld [tilespmem:s14+$0x0]  }
0x6d: {  	s15 =	sor.u32 $0x300, s1;
	v7 =	vld [tilespmem:s18+$0x0];
	v6 =	vadd.f32 v6, v1  }
0x6e: {  	v8 =	vadd.f32 v8, v12;
	v13 =	vld [tilespmem:s15+$0x0]  }
0x6f: {  	s17 =	sor.u32 $0x190, s1;
	v40 =	vld [tilespmem:s1+$0x10270];
	[tilespmem:s1+$0x14180] =	vst v6  }
0x70: {  	v6 =	vadd.f32 v8, v0;
	v8 =	vld [tilespmem:s17+$0x0]  }
0x71: {  	v39 =	vld [tilespmem:s1+$0x101F0];
	v9 =	vadd.f32 v9, v10  }
0x72: {  	v10 =	vld [tilespmem:s1+$0x10110]  }
0x73: {  	v12 =	vadd.f32 v13, v14;
	[tilespmem:s1+$0x14280] =	vst v6;
	v13 =	vld [tilespmem:s1+$0x10190];
	v6 =	vadd.f32 v9, v4  }
0x74: {  	v14 =	vld [tilespmem:s1+$0x10210]  }
0x75: {  	s20 =	sor.u32 $0x3F0, s1;
	v41 =	vld [tilespmem:s1+$0x102F0];
	[tilespmem:s1+$0x143E0] =	vst v6  }
0x76: {  	v12 =	vadd.f32 v12, v3;
	v6 =	vld [tilespmem:s20+$0x0]  }
0x77: {  	s19 =	sor.u32 $0x290, s1;
	v10 =	vadd.f32 v11, v10;
	v11 =	vld [tilespmem:s1+$0x103F0]  }
0x78: {  	s21 =	sor.u32 $0x310, s1;
	v9 =	vld [tilespmem:s19+$0x0];
	[tilespmem:s1+$0x14300] =	vst v12  }
0x79: {  	v12 =	vld [tilespmem:s21+$0x0];
	v10 =	vadd.f32 v10, v5  }
0x7a: {  	v8 =	vadd.f32 v8, v13;
	v7 =	vadd.f32 v7, v14;
	v14 =	vld [tilespmem:s1+$0x101A0]  }
0x7b: {  	s22 =	sor.u32 $0x120, s1;
	[tilespmem:s1+$0x14110] =	vst v10;
	v10 =	vld [tilespmem:s1+$0x10310]  }
0x7c: {  	v8 =	vadd.f32 v8, v1;
	v13 =	vld [tilespmem:s22+$0x0];
	v6 =	vadd.f32 v6, v11  }
0x7d: {  	v7 =	vadd.f32 v7, v2;
	v11 =	vld [tilespmem:s1+$0x10120]  }
0x7e: {  	s23 =	sor.u32 $0x1A0, s1;
	v9 =	vadd.f32 v9, v15;
	[tilespmem:s1+$0x14190] =	vst v8;
	v8 =	vld [tilespmem:s1+$0x10220];
	v6 =	vadd.f32 v6, v4  }
0x7f: {  	s25 =	sor.u32 $0x220, s1;
	[tilespmem:s1+$0x14210] =	vst v7;
	v15 =	vld [tilespmem:s23+$0x0]  }
0x80: {  	s24 =	sor.u32 $0x780, s1;
	v10 =	vadd.f32 v12, v10;
	[tilespmem:s1+$0x143F0] =	vst v6;
	v6 =	vadd.f32 v9, v0;
	v12 =	vld [tilespmem:s25+$0x0]  }
0x81: {  	v9 =	vld [tilespmem:s24+$0x0]  }
0x82: {  	s26 =	sor.u32 $0x2A0, s1;
	v11 =	vadd.f32 v13, v11;
	v7 =	vadd.f32 v10, v3;
	v10 =	vld [tilespmem:s1+$0x10780];
	[tilespmem:s1+$0x14290] =	vst v6  }
0x83: {  	v6 =	vld [tilespmem:s26+$0x0]  }
0x84: {  	[tilespmem:s1+$0x14310] =	vst v7;
	v7 =	vadd.f32 v11, v5;
	v11 =	vadd.f32 v15, v14;
	v14 =	vld [tilespmem:s1+$0x102A0]  }
0x85: {  	s28 =	sor.u32 $0x320, s1;
	v15 =	vld [tilespmem:s1+$0x10250]  }
0x86: {  	v13 =	vld [tilespmem:s28+$0x0]  }
0x87: {  	v8 =	vadd.f32 v12, v8;
	v12 =	vld [tilespmem:s1+$0x10130]  }
0x88: {  	s29 =	sor.u32 $0x130, s1;
	[tilespmem:s1+$0x14120] =	vst v7;
	v7 =	vadd.f32 v11, v1;
	v11 =	vld [tilespmem:s1+$0x10320]  }
0x89: {  	v9 =	vadd.f32 v9, v10;
	v10 =	vld [tilespmem:s29+$0x0]  }
0x8a: {  	s30 =	sor.u32 $0x1B0, s1;
	v58 =	vld [tilespmem:s1+$0x10500];
	[tilespmem:s1+$0x141A0] =	vst v7  }
0x8b: {  	v8 =	vadd.f32 v8, v2;
	v7 =	vadd.f32 v9, v4;
	v9 =	vld [tilespmem:s30+$0x0]  }
0x8c: {  	v6 =	vadd.f32 v6, v14;
	v14 =	vld [tilespmem:s1+$0x101B0]  }
0x8d: {  	s3 =	sor.u32 $0x230, s1;
	[tilespmem:s1+$0x14220] =	vst v8;
	v8 =	vadd.f32 v13, v11;
	v11 =	vld [tilespmem:s1+$0x10790]  }
0x8e: {  	s31 =	sor.u32 $0x790, s1;
	[tilespmem:s1+$0x14780] =	vst v7;
	v6 =	vadd.f32 v6, v0;
	v13 =	vld [tilespmem:s3+$0x0]  }
0x8f: {  	v7 =	vld [tilespmem:s31+$0x0]  }
0x90: {  	s4 =	sor.u32 $0x2B0, s1;
	v10 =	vadd.f32 v10, v12;
	v12 =	vld [tilespmem:s1+$0x10230];
	v8 =	vadd.f32 v8, v3;
	[tilespmem:s1+$0x142A0] =	vst v6  }
0x91: {  	v6 =	vld [tilespmem:s4+$0x0]  }
0x92: {  	s5 =	sor.u32 $0x330, s1;
	v10 =	vadd.f32 v10, v5;
	[tilespmem:s1+$0x14320] =	vst v8;
	v8 =	vld [tilespmem:s1+$0x102B0]  }
0x93: {  	v9 =	vadd.f32 v9, v14;
	v14 =	vld [tilespmem:s5+$0x0]  }
0x94: {  	[tilespmem:s1+$0x14130] =	vst v10;
	v10 =	vld [tilespmem:s1+$0x10330]  }
0x95: {  	v47 =	vadd.f32 v28, v27;
	s6 =	sor.u32 $0x140, s1;
	v28 =	vld [tilespmem:s1+$0x10700];
	v7 =	vadd.f32 v7, v11  }
0x96: {  	v9 =	vadd.f32 v9, v1;
	v11 =	vld [tilespmem:s6+$0x0];
	v12 =	vadd.f32 v13, v12  }
0x97: {  	v13 =	vld [tilespmem:s1+$0x10140];
	v7 =	vadd.f32 v7, v4  }
0x98: {  	v49 =	vadd.f32 v30, v29;
	s7 =	sor.u32 $0x1C0, s1;
	v29 =	vld [tilespmem:s1+$0x10510];
	[tilespmem:s1+$0x141B0] =	vst v9;
	v9 =	vadd.f32 v12, v2  }
0x99: {  	v6 =	vadd.f32 v6, v8;
	v8 =	vld [tilespmem:s7+$0x0];
	[tilespmem:s1+$0x14790] =	vst v7  }
0x9a: {  	s8 =	sor.u32 $0x7A0, s1;
	[tilespmem:s1+$0x14230] =	vst v9;
	v9 =	vadd.f32 v14, v10;
	v10 =	vld [tilespmem:s1+$0x107A0]  }
0x9b: {  	v7 =	vld [tilespmem:s8+$0x0]  }
0x9c: {  	s9 =	sor.u32 $0x240, s1;
	v14 =	vld [tilespmem:s1+$0x101C0];
	v6 =	vadd.f32 v6, v0  }
0x9d: {  	v12 =	vld [tilespmem:s9+$0x0];
	v9 =	vadd.f32 v9, v3  }
0x9e: {  	s10 =	sor.u32 $0x2C0, s1;
	[tilespmem:s1+$0x142B0] =	vst v6;
	v6 =	vadd.f32 v11, v13;
	v13 =	vld [tilespmem:s1+$0x10240]  }
0x9f: {  	s11 =	sor.u32 $0x340, s1;
	v11 =	vld [tilespmem:s10+$0x0];
	[tilespmem:s1+$0x14330] =	vst v9  }
0xa0: {  	v6 =	vadd.f32 v6, v5;
	v9 =	vld [tilespmem:s11+$0x0];
	v7 =	vadd.f32 v7, v10  }
0xa1: {  	v10 =	vld [tilespmem:s1+$0x102C0]  }
0xa2: {  	s12 =	sor.u32 $0x150, s1;
	[tilespmem:s1+$0x14140] =	vst v6;
	v6 =	vadd.f32 v8, v14;
	v8 =	vld [tilespmem:s1+$0x10340];
	v7 =	vadd.f32 v7, v4  }
0xa3: {  	v14 =	vld [tilespmem:s12+$0x0]  }
0xa4: {  	s13 =	sor.u32 $0x7B0, s1;
	v12 =	vadd.f32 v12, v13;
	v13 =	vld [tilespmem:s1+$0x10150];
	v6 =	vadd.f32 v6, v1;
	[tilespmem:s1+$0x147A0] =	vst v7  }
0xa5: {  	v7 =	vld [tilespmem:s13+$0x0]  }
0xa6: {  	s14 =	sor.u32 $0x1D0, s1;
	v12 =	vadd.f32 v12, v2;
	[tilespmem:s1+$0x141C0] =	vst v6;
	v6 =	vadd.f32 v11, v10;
	v10 =	vld [tilespmem:s1+$0x107B0]  }
0xa7: {  	v11 =	vld [tilespmem:s14+$0x0]  }
0xa8: {  	s15 =	sor.u32 $0x250, s1;
	[tilespmem:s1+$0x14240] =	vst v12;
	v8 =	vadd.f32 v9, v8;
	v9 =	vld [tilespmem:s1+$0x101D0];
	v6 =	vadd.f32 v6, v0  }
0xa9: {  	v12 =	vld [tilespmem:s15+$0x0]  }
0xaa: {  	s16 =	sor.u32 $0x2D0, s1;
	v8 =	vadd.f32 v8, v3;
	[tilespmem:s1+$0x142C0] =	vst v6;
	v6 =	vadd.f32 v14, v13;
	v14 =	vld [tilespmem:s1+$0x10160]  }
0xab: {  	v13 =	vld [tilespmem:s16+$0x0];
	v7 =	vadd.f32 v7, v10  }
0xac: {  	s17 =	sor.u32 $0x350, s1;
	[tilespmem:s1+$0x14340] =	vst v8;
	v8 =	vld [tilespmem:s1+$0x102D0];
	v6 =	vadd.f32 v6, v5  }
0xad: {  	v10 =	vld [tilespmem:s17+$0x0];
	v9 =	vadd.f32 v11, v9;
	v7 =	vadd.f32 v7, v4  }
0xae: {  	[tilespmem:s1+$0x14150] =	vst v6;
	v6 =	vld [tilespmem:s1+$0x10350]  }
0xaf: {  	s19 =	sor.u32 $0x7C0, s1;
	v11 =	vadd.f32 v12, v15;
	v15 =	vld [tilespmem:s1+$0x102E0];
	v9 =	vadd.f32 v9, v1;
	[tilespmem:s1+$0x147B0] =	vst v7  }
0xb0: {  	v7 =	vld [tilespmem:s19+$0x0]  }
0xb1: {  	s18 =	sor.u32 $0x160, s1;
	[tilespmem:s1+$0x141D0] =	vst v9;
	v9 =	vld [tilespmem:s1+$0x107C0]  }
0xb2: {  	s20 =	sor.u32 $0x1E0, s1;
	v12 =	vld [tilespmem:s18+$0x0];
	v11 =	vadd.f32 v11, v2;
	v8 =	vadd.f32 v13, v8  }
0xb3: {  	v13 =	vld [tilespmem:s20+$0x0];
	v6 =	vadd.f32 v10, v6  }
0xb4: {  	s21 =	sor.u32 $0x260, s1;
	[tilespmem:s1+$0x14250] =	vst v11;
	v11 =	vld [tilespmem:s1+$0x101E0];
	v8 =	vadd.f32 v8, v0  }
0xb5: {  	v10 =	vld [tilespmem:s21+$0x0];
	v6 =	vadd.f32 v6, v3  }
0xb6: {  	s22 =	sor.u32 $0x2E0, s1;
	[tilespmem:s1+$0x142D0] =	vst v8;
	v7 =	vadd.f32 v7, v9;
	v9 =	vld [tilespmem:s1+$0x10260]  }
0xb7: {  	s23 =	sor.u32 $0x360, s1;
	v8 =	vld [tilespmem:s22+$0x0];
	[tilespmem:s1+$0x14350] =	vst v6  }
0xb8: {  	v7 =	vadd.f32 v7, v4;
	v6 =	vld [tilespmem:s23+$0x0]  }
0xb9: {  	v30 =	vld [tilespmem:s1+$0x10590];
	v12 =	vadd.f32 v12, v14  }
0xba: {  	v51 =	vadd.f32 v32, v31;
	s24 =	sor.u32 $0x7D0, s1;
	v11 =	vadd.f32 v13, v11;
	[tilespmem:s1+$0x147C0] =	vst v7;
	v7 =	vld [tilespmem:s1+$0x107D0]  }
0xbb: {  	v12 =	vadd.f32 v12, v5;
	v14 =	vld [tilespmem:s24+$0x0];
	v9 =	vadd.f32 v10, v9  }
0xbc: {  	v31 =	vld [tilespmem:s1+$0x10610];
	v10 =	vadd.f32 v11, v1;
	v8 =	vadd.f32 v8, v15  }
0xbd: {  	s25 =	sor.u32 $0x170, s1;
	v32 =	vld [tilespmem:s1+$0x10690];
	[tilespmem:s1+$0x14160] =	vst v12;
	v9 =	vadd.f32 v9, v2;
	v6 =	vadd.f32 v6, v16  }
0xbe: {  	s26 =	sor.u32 $0x1F0, s1;
	v11 =	vld [tilespmem:s25+$0x0];
	[tilespmem:s1+$0x141E0] =	vst v10;
	v8 =	vadd.f32 v8, v0  }
0xbf: {  	s28 =	sor.u32 $0x270, s1;
	v10 =	vld [tilespmem:s26+$0x0];
	[tilespmem:s1+$0x14260] =	vst v9;
	v6 =	vadd.f32 v6, v3  }
0xc0: {  	[tilespmem:s1+$0x142E0] =	vst v8;
	v7 =	vadd.f32 v14, v7;
	v9 =	vld [tilespmem:s28+$0x0]  }
0xc1: {  	s29 =	sor.u32 $0x2F0, s1;
	[tilespmem:s1+$0x14360] =	vst v6;
	v6 =	vld [tilespmem:s1+$0x10170]  }
0xc2: {  	v12 =	vld [tilespmem:s29+$0x0];
	v7 =	vadd.f32 v7, v4  }
0xc3: {  	v14 =	vld [tilespmem:s1+$0x0]  }
0xc4: {  	[tilespmem:s1+$0x147D0] =	vst v7;
	v7 =	vld [tilespmem:s1+$0x10000]  }
0xc5: {  	v63 =	vadd.f32 v20, v19;
	v15 =	vld [tilespmem:s1+$0x10010];
	v10 =	vadd.f32 v10, v39  }
0xc6: {  	v9 =	vadd.f32 v9, v40;
	v11 =	vadd.f32 v11, v6;
	v6 =	vld [tilespmem:s0+$0x18000]  }
0xc7: {  	v57 =	vadd.f32 v38, v37;
	v34 =	vld [tilespmem:s1+$0x10710];
	v10 =	vadd.f32 v10, v1  }
0xc8: {  	v36 =	vld [tilespmem:s1+$0x10520];
	v12 =	vadd.f32 v12, v41;
	v9 =	vadd.f32 v9, v2  }
0xc9: {  	s30 =	sor.u32 $0x370, s1;
	v38 =	vld [tilespmem:s1+$0x10620];
	[tilespmem:s1+$0x141F0] =	vst v10;
	v11 =	vadd.f32 v11, v5;
	v14 =	vadd.f32 v14, v7  }
0xca: {  	v15 =	vadd.f32 v60, v15;
	v13 =	vld [tilespmem:s30+$0x0];
	v10 =	vadd.f32 v12, v0;
	[tilespmem:s1+$0x14270] =	vst v9  }
0xcb: {  	v12 =	vadd.f32 v18, v17;
	[tilespmem:s1+$0x14170] =	vst v11;
	v11 =	vld [tilespmem:s1+$0x10370];
	v14 =	vadd.f32 v14, v6  }
0xcc: {  	v60 =	vadd.f32 v62, v61;
	v61 =	vld [tilespmem:s1+$0x10580];
	[tilespmem:s1+$0x142F0] =	vst v10;
	v15 =	vadd.f32 v15, v6  }
0xcd: {  	s31 =	sor.u32 $0x7E0, s1;
	v62 =	vld [tilespmem:s1+$0x10600];
	v41 =	vadd.f32 v22, v21;
	v12 =	vadd.f32 v12, v6;
	[tilespmem:s1+$0x14000] =	vst v14  }
0xce: {  	v44 =	vadd.f32 v24, v23;
	v8 =	vld [tilespmem:s31+$0x0];
	v16 =	vadd.f32 v63, v6;
	[tilespmem:s1+$0x14010] =	vst v15  }
0xcf: {  	v45 =	vadd.f32 v26, v25;
	v7 =	vld [tilespmem:s0+$0x18080];
	v17 =	vadd.f32 v41, v6;
	[tilespmem:s1+$0x14020] =	vst v12  }
0xd0: {  	v40 =	vld [tilespmem:s1+$0x10720];
	v46 =	vadd.f32 v44, v6;
	[tilespmem:s1+$0x14030] =	vst v16;
	v11 =	vadd.f32 v13, v11  }
0xd1: {  	s6 =	sor.u32 $0x680, s1;
	v9 =	vld [tilespmem:s1+$0x10400];
	v19 =	vadd.f32 v45, v6;
	[tilespmem:s1+$0x14040] =	vst v17  }
0xd2: {  	s3 =	sor.u32 $0x500, s1;
	v50 =	vld [tilespmem:s6+$0x0];
	[tilespmem:s1+$0x14050] =	vst v46;
	v11 =	vadd.f32 v11, v3  }
0xd3: {  	v10 =	vld [tilespmem:s3+$0x0];
	v18 =	vadd.f32 v47, v6;
	[tilespmem:s1+$0x14060] =	vst v19  }
0xd4: {  	v14 =	vld [tilespmem:s1+$0x100F0];
	[tilespmem:s1+$0x14370] =	vst v11;
	v11 =	vadd.f32 v49, v7  }
0xd5: {  	s4 =	sor.u32 $0x580, s1;
	v63 =	vld [tilespmem:s1+$0x10680];
	v16 =	vadd.f32 v51, v7;
	[tilespmem:s1+$0x14070] =	vst v18  }
0xd6: {  	v15 =	vld [tilespmem:s4+$0x0];
	v19 =	vadd.f32 v53, v7;
	[tilespmem:s1+$0x14080] =	vst v11;
	v11 =	vadd.f32 v43, v42  }
0xd7: {  	v41 =	vld [tilespmem:s1+$0x10530];
	v23 =	vadd.f32 v55, v7;
	[tilespmem:s1+$0x14090] =	vst v16  }
0xd8: {  	s5 =	sor.u32 $0x600, s1;
	v44 =	vld [tilespmem:s1+$0x10630];
	[tilespmem:s1+$0x140A0] =	vst v19;
	v11 =	vadd.f32 v11, v7  }
0xd9: {  	s8 =	sor.u32 $0x400, s1;
	v24 =	vadd.f32 v57, v7;
	v13 =	vld [tilespmem:s5+$0x0];
	[tilespmem:s1+$0x140B0] =	vst v23;
	v14 =	vadd.f32 v48, v14  }
0xda: {  	v16 =	vadd.f32 v60, v7;
	v10 =	vadd.f32 v10, v58;
	[tilespmem:s1+$0x140D0] =	vst v11;
	v11 =	vld [tilespmem:s8+$0x0]  }
0xdb: {  	v45 =	vld [tilespmem:s1+$0x10730];
	[tilespmem:s1+$0x140C0] =	vst v24;
	v15 =	vadd.f32 v15, v61;
	v14 =	vadd.f32 v14, v7  }
0xdc: {  	s7 =	sor.u32 $0x700, s1;
	v12 =	vld [tilespmem:s1+$0x107E0];
	[tilespmem:s1+$0x140E0] =	vst v16;
	v10 =	vadd.f32 v10, v5  }
0xdd: {  	s9 =	sor.u32 $0x480, s1;
	v19 =	vadd.f32 v50, v63;
	v59 =	vld [tilespmem:s7+$0x0];
	v15 =	vadd.f32 v15, v1;
	[tilespmem:s1+$0x140F0] =	vst v14  }
0xde: {  	s10 =	sor.u32 $0x510, s1;
	v13 =	vadd.f32 v13, v62;
	[tilespmem:s1+$0x14500] =	vst v10;
	v14 =	vld [tilespmem:s9+$0x0]  }
0xdf: {  	s11 =	sor.u32 $0x590, s1;
	v19 =	vadd.f32 v19, v0;
	v10 =	vld [tilespmem:s10+$0x0];
	[tilespmem:s1+$0x14580] =	vst v15;
	v9 =	vadd.f32 v11, v9  }
0xe0: {  	v13 =	vadd.f32 v13, v2;
	v15 =	vld [tilespmem:s11+$0x0]  }
0xe1: {  	v46 =	vld [tilespmem:s1+$0x10440];
	[tilespmem:s1+$0x14680] =	vst v19;
	v9 =	vadd.f32 v9, v6  }
0xe2: {  	v51 =	vld [tilespmem:s1+$0x10740];
	[tilespmem:s1+$0x14600] =	vst v13;
	v13 =	vadd.f32 v59, v28  }
0xe3: {  	s13 =	sor.u32 $0x690, s1;
	v55 =	vld [tilespmem:s1+$0x10560];
	[tilespmem:s1+$0x14400] =	vst v9;
	v9 =	vadd.f32 v14, v52  }
0xe4: {  	s14 =	sor.u32 $0x410, s1;
	v19 =	vld [tilespmem:s13+$0x0];
	v10 =	vadd.f32 v10, v29;
	v13 =	vadd.f32 v13, v3  }
0xe5: {  	s12 =	sor.u32 $0x610, s1;
	v15 =	vadd.f32 v15, v30;
	v14 =	vld [tilespmem:s14+$0x0];
	v9 =	vadd.f32 v9, v7  }
0xe6: {  	s15 =	sor.u32 $0x710, s1;
	v10 =	vadd.f32 v10, v5;
	[tilespmem:s1+$0x14700] =	vst v13;
	v11 =	vld [tilespmem:s12+$0x0]  }
0xe7: {  	s16 =	sor.u32 $0x490, s1;
	v13 =	vld [tilespmem:s15+$0x0];
	[tilespmem:s1+$0x14480] =	vst v9;
	v9 =	vadd.f32 v15, v1  }
0xe8: {  	s17 =	sor.u32 $0x520, s1;
	v8 =	vadd.f32 v8, v12;
	[tilespmem:s1+$0x14510] =	vst v10;
	v12 =	vld [tilespmem:s16+$0x0]  }
0xe9: {  	v10 =	vld [tilespmem:s17+$0x0];
	[tilespmem:s1+$0x14590] =	vst v9;
	v9 =	vadd.f32 v19, v32  }
0xea: {  	s18 =	sor.u32 $0x5A0, s1;
	v15 =	vld [tilespmem:s1+$0x105A0];
	v14 =	vadd.f32 v14, v54  }
0xeb: {  	v11 =	vadd.f32 v11, v31;
	v37 =	vld [tilespmem:s18+$0x0];
	v9 =	vadd.f32 v9, v0  }
0xec: {  	v57 =	vld [tilespmem:s1+$0x10660];
	v13 =	vadd.f32 v13, v34;
	v14 =	vadd.f32 v14, v6  }
0xed: {  	v48 =	vld [tilespmem:s1+$0x105C0];
	v11 =	vadd.f32 v11, v2;
	[tilespmem:s1+$0x14690] =	vst v9;
	v9 =	vadd.f32 v12, v56  }
0xee: {  	s21 =	sor.u32 $0x420, s1;
	v61 =	vld [tilespmem:s1+$0x107F0];
	v13 =	vadd.f32 v13, v3;
	[tilespmem:s1+$0x14410] =	vst v14  }
0xef: {  	s20 =	sor.u32 $0x620, s1;
	[tilespmem:s1+$0x14610] =	vst v11;
	v14 =	vld [tilespmem:s21+$0x0];
	v9 =	vadd.f32 v9, v7  }
0xf0: {  	s22 =	sor.u32 $0x6A0, s1;
	v10 =	vadd.f32 v10, v36;
	[tilespmem:s1+$0x14710] =	vst v13;
	v11 =	vld [tilespmem:s20+$0x0];
	v13 =	vadd.f32 v37, v15  }
0xf1: {  	s24 =	sor.u32 $0x4A0, s1;
	v12 =	vld [tilespmem:s22+$0x0];
	[tilespmem:s1+$0x14490] =	vst v9  }
0xf2: {  	v10 =	vadd.f32 v10, v5;
	v9 =	vadd.f32 v13, v1;
	v13 =	vld [tilespmem:s24+$0x0]  }
0xf3: {  	v15 =	vld [tilespmem:s1+$0x106A0]  }
0xf4: {  	v42 =	vld [tilespmem:s1+$0x104B0];
	[tilespmem:s1+$0x14520] =	vst v10;
	v10 =	vadd.f32 v14, v33  }
0xf5: {  	s23 =	sor.u32 $0x720, s1;
	v62 =	vld [tilespmem:s1+$0x10570]  }
0xf6: {  	s25 =	sor.u32 $0x530, s1;
	v39 =	vld [tilespmem:s23+$0x0];
	v10 =	vadd.f32 v10, v6  }
0xf7: {  	v14 =	vld [tilespmem:s25+$0x0];
	v13 =	vadd.f32 v13, v35  }
0xf8: {  	s29 =	sor.u32 $0x430, s1;
	v11 =	vadd.f32 v11, v38;
	v12 =	vadd.f32 v12, v15;
	v15 =	vld [tilespmem:s1+$0x10430];
	[tilespmem:s1+$0x14420] =	vst v10  }
0xf9: {  	s26 =	sor.u32 $0x5B0, s1;
	[tilespmem:s1+$0x145A0] =	vst v9;
	v10 =	vld [tilespmem:s29+$0x0];
	v13 =	vadd.f32 v13, v7  }
0xfa: {  	v11 =	vadd.f32 v11, v2;
	v9 =	vld [tilespmem:s26+$0x0]  }
0xfb: {  	s2 =	sor.u32 $0x4B0, s1;
	v8 =	vadd.f32 v8, v4;
	[tilespmem:s1+$0x144A0] =	vst v13;
	v13 =	vld [tilespmem:s1+$0x105B0]  }
0xfc: {  	s28 =	sor.u32 $0x630, s1;
	[tilespmem:s1+$0x14620] =	vst v11;
	v12 =	vadd.f32 v12, v0;
	v14 =	vadd.f32 v14, v41;
	v43 =	vld [tilespmem:s2+$0x0]  }
0xfd: {  	s19 =	sor.u32 $0x7F0, s1;
	[tilespmem:s1+$0x147E0] =	vst v8;
	v16 =	vadd.f32 v39, v40;
	v11 =	vld [tilespmem:s28+$0x0]  }
0xfe: {  	s30 =	sor.u32 $0x6B0, s1;
	v8 =	vld [tilespmem:s19+$0x0];
	[tilespmem:s1+$0x146A0] =	vst v12;
	v14 =	vadd.f32 v14, v5;
	v10 =	vadd.f32 v10, v15  }
0xff: {  	v12 =	vld [tilespmem:s30+$0x0]  }
0x100: {  	s3 =	sor.u32 $0x540, s1;
	v16 =	vadd.f32 v16, v3;
	[tilespmem:s1+$0x14530] =	vst v14;
	v15 =	vld [tilespmem:s1+$0x106B0];
	v10 =	vadd.f32 v10, v6  }
0x101: {  	v14 =	vld [tilespmem:s3+$0x0];
	v9 =	vadd.f32 v9, v13;
	v13 =	vadd.f32 v43, v42  }
0x102: {  	s4 =	sor.u32 $0x440, s1;
	[tilespmem:s1+$0x14430] =	vst v10;
	v10 =	vadd.f32 v11, v44;
	v11 =	vld [tilespmem:s1+$0x10540]  }
0x103: {  	s31 =	sor.u32 $0x730, s1;
	[tilespmem:s1+$0x14720] =	vst v16;
	v47 =	vld [tilespmem:s4+$0x0];
	v13 =	vadd.f32 v13, v7  }
0x104: {  	v16 =	vld [tilespmem:s31+$0x0];
	v9 =	vadd.f32 v9, v1  }
0x105: {  	s6 =	sor.u32 $0x4C0, s1;
	v12 =	vadd.f32 v12, v15;
	v15 =	vld [tilespmem:s1+$0x104C0];
	[tilespmem:s1+$0x144B0] =	vst v13  }
0x106: {  	[tilespmem:s1+$0x145B0] =	vst v9;
	v9 =	vadd.f32 v10, v2;
	v13 =	vld [tilespmem:s6+$0x0]  }
0x107: {  	s5 =	sor.u32 $0x5C0, s1;
	v52 =	vld [tilespmem:s1+$0x104D0];
	v12 =	vadd.f32 v12, v0  }
0x108: {  	s7 =	sor.u32 $0x640, s1;
	v10 =	vld [tilespmem:s5+$0x0];
	[tilespmem:s1+$0x14630] =	vst v9;
	v11 =	vadd.f32 v14, v11;
	v14 =	vadd.f32 v47, v46  }
0x109: {  	s8 =	sor.u32 $0x6C0, s1;
	v16 =	vadd.f32 v16, v45;
	[tilespmem:s1+$0x146B0] =	vst v12;
	v9 =	vld [tilespmem:s7+$0x0]  }
0x10a: {  	v12 =	vld [tilespmem:s8+$0x0];
	v14 =	vadd.f32 v14, v6  }
0x10b: {  	v16 =	vadd.f32 v16, v3;
	v13 =	vadd.f32 v13, v15;
	v15 =	vld [tilespmem:s1+$0x10640]  }
0x10c: {  	v11 =	vadd.f32 v11, v5;
	[tilespmem:s1+$0x14440] =	vst v14;
	v14 =	vld [tilespmem:s1+$0x106C0]  }
0x10d: {  	s9 =	sor.u32 $0x740, s1;
	v54 =	vld [tilespmem:s1+$0x106D0];
	[tilespmem:s1+$0x14730] =	vst v16  }
0x10e: {  	s10 =	sor.u32 $0x550, s1;
	v49 =	vld [tilespmem:s9+$0x0];
	[tilespmem:s1+$0x14540] =	vst v11;
	v10 =	vadd.f32 v10, v48  }
0x10f: {  	s11 =	sor.u32 $0x450, s1;
	v11 =	vld [tilespmem:s10+$0x0]  }
0x110: {  	v50 =	vld [tilespmem:s11+$0x0];
	v10 =	vadd.f32 v10, v1;
	v9 =	vadd.f32 v9, v15  }
0x111: {  	v13 =	vadd.f32 v13, v7;
	v15 =	vld [tilespmem:s1+$0x10450];
	v12 =	vadd.f32 v12, v14  }
0x112: {  	s13 =	sor.u32 $0x5D0, s1;
	[tilespmem:s1+$0x145C0] =	vst v10;
	v14 =	vld [tilespmem:s1+$0x10550];
	v9 =	vadd.f32 v9, v2  }
0x113: {  	s12 =	sor.u32 $0x4D0, s1;
	[tilespmem:s1+$0x144C0] =	vst v13;
	v10 =	vld [tilespmem:s13+$0x0];
	v12 =	vadd.f32 v12, v0  }
0x114: {  	v16 =	vadd.f32 v49, v51;
	v13 =	vld [tilespmem:s12+$0x0];
	[tilespmem:s1+$0x14640] =	vst v9  }
0x115: {  	s14 =	sor.u32 $0x650, s1;
	[tilespmem:s1+$0x146C0] =	vst v12;
	v12 =	vld [tilespmem:s1+$0x105D0]  }
0x116: {  	v16 =	vadd.f32 v16, v3;
	v9 =	vld [tilespmem:s14+$0x0];
	v15 =	vadd.f32 v50, v15  }
0x117: {  	s15 =	sor.u32 $0x6D0, s1;
	v11 =	vadd.f32 v11, v14;
	v14 =	vld [tilespmem:s1+$0x10650]  }
0x118: {  	s16 =	sor.u32 $0x750, s1;
	[tilespmem:s1+$0x14740] =	vst v16;
	v53 =	vld [tilespmem:s15+$0x0];
	v15 =	vadd.f32 v15, v6  }
0x119: {  	v16 =	vld [tilespmem:s16+$0x0];
	v13 =	vadd.f32 v13, v52  }
0x11a: {  	s17 =	sor.u32 $0x460, s1;
	[tilespmem:s1+$0x14450] =	vst v15;
	v15 =	vld [tilespmem:s1+$0x10750]  }
0x11b: {  	v13 =	vadd.f32 v13, v7;
	v10 =	vadd.f32 v10, v12;
	v12 =	vld [tilespmem:s17+$0x0]  }
0x11c: {  	v11 =	vadd.f32 v11, v5;
	v9 =	vadd.f32 v9, v14;
	v14 =	vld [tilespmem:s1+$0x10460]  }
0x11d: {  	s19 =	sor.u32 $0x4E0, s1;
	v56 =	vld [tilespmem:s1+$0x104E0];
	[tilespmem:s1+$0x144D0] =	vst v13;
	v17 =	vadd.f32 v53, v54  }
0x11e: {  	s18 =	sor.u32 $0x560, s1;
	[tilespmem:s1+$0x14550] =	vst v11;
	v13 =	vld [tilespmem:s19+$0x0];
	v10 =	vadd.f32 v10, v1  }
0x11f: {  	v11 =	vld [tilespmem:s18+$0x0];
	v17 =	vadd.f32 v17, v0  }
0x120: {  	v59 =	vld [tilespmem:s1+$0x10760];
	s20 =	sor.u32 $0x5E0, s1;
	v9 =	vadd.f32 v9, v2;
	[tilespmem:s1+$0x145D0] =	vst v10;
	v10 =	vadd.f32 v16, v15  }
0x121: {  	s22 =	sor.u32 $0x6E0, s1;
	v15 =	vld [tilespmem:s20+$0x0];
	[tilespmem:s1+$0x146D0] =	vst v17;
	v12 =	vadd.f32 v12, v14  }
0x122: {  	[tilespmem:s1+$0x14650] =	vst v9;
	v17 =	vld [tilespmem:s22+$0x0];
	v9 =	vadd.f32 v10, v3  }
0x123: {  	s21 =	sor.u32 $0x660, s1;
	v14 =	vld [tilespmem:s1+$0x105E0];
	v13 =	vadd.f32 v13, v56;
	v12 =	vadd.f32 v12, v6  }
0x124: {  	v11 =	vadd.f32 v11, v55;
	v10 =	vld [tilespmem:s21+$0x0];
	[tilespmem:s1+$0x14750] =	vst v9  }
0x125: {  	s23 =	sor.u32 $0x760, s1;
	v13 =	vadd.f32 v13, v7;
	[tilespmem:s1+$0x14460] =	vst v12;
	v12 =	vld [tilespmem:s1+$0x106E0]  }
0x126: {  	s24 =	sor.u32 $0x470, s1;
	v11 =	vadd.f32 v11, v5;
	v9 =	vld [tilespmem:s23+$0x0]  }
0x127: {  	v63 =	vadd.f32 v8, v61;
	s26 =	sor.u32 $0x4F0, s1;
	[tilespmem:s1+$0x144E0] =	vst v13;
	v58 =	vld [tilespmem:s24+$0x0]  }
0x128: {  	[tilespmem:s1+$0x14560] =	vst v11;
	v11 =	vadd.f32 v15, v14;
	v13 =	vld [tilespmem:s26+$0x0]  }
0x129: {  	v4 =	vadd.f32 v63, v4;
	v14 =	vld [tilespmem:s1+$0x10470];
	v10 =	vadd.f32 v10, v57  }
0x12a: {  	s25 =	sor.u32 $0x570, s1;
	v15 =	vld [tilespmem:s1+$0x104F0];
	v11 =	vadd.f32 v11, v1;
	v12 =	vadd.f32 v17, v12  }
0x12b: {  	[tilespmem:s1+$0x147F0] =	vst v4;
	v60 =	vld [tilespmem:s25+$0x0];
	v16 =	vadd.f32 v10, v2;
	v9 =	vadd.f32 v9, v59  }
0x12c: {  	v4 =	vld [tilespmem:s1+$0x106F0];
	s28 =	sor.u32 $0x5F0, s1;
	[tilespmem:s1+$0x145E0] =	vst v11;
	v12 =	vadd.f32 v12, v0  }
0x12d: {  	s29 =	sor.u32 $0x670, s1;
	v10 =	vld [tilespmem:s28+$0x0];
	[tilespmem:s1+$0x14660] =	vst v16;
	v9 =	vadd.f32 v9, v3  }
0x12e: {  	s30 =	sor.u32 $0x6F0, s1;
	v11 =	vld [tilespmem:s29+$0x0];
	[tilespmem:s1+$0x146E0] =	vst v12;
	v12 =	vadd.f32 v58, v14  }
0x12f: {  	s31 =	sor.u32 $0x770, s1;
	v13 =	vadd.f32 v13, v15;
	[tilespmem:s1+$0x14760] =	vst v9;
	v8 =	vld [tilespmem:s30+$0x0]  }
0x130: {  	v15 =	vadd.f32 v60, v62;
	v9 =	vld [tilespmem:s31+$0x0];
	v14 =	vadd.f32 v12, v6  }
0x131: {  	v12 =	vld [tilespmem:s1+$0x105F0]  }
0x132: {  	s22 =	simm.s32 $0x8;
	v7 =	vadd.f32 v13, v7;
	v5 =	vadd.f32 v15, v5;
	v6 =	vld [tilespmem:s1+$0x10670];
	[tilespmem:s1+$0x14470] =	vst v14  }
.LBB2_2:
0x133: {  	_ = 	snop  }
0x134: {  	s6 =	sshll.u32 s22, $0x8;
	[tilespmem:s1+$0x144F0] =	vst v7;
	v7 =	vld [tilespmem:s1+$0x10770]  }
0x135: {  	s4 =	sshll.u32 s22, $0x7;
	s0 =	sor.u32 $0x380, s6;
	v13 =	vld [tilespmem:s6+$0x10380]  }
0x136: {  	v14 =	vld [tilespmem:s0+$0x0];
	s0 =	sand.u32 $0x3FFFFF80, s4;
	v10 =	vadd.f32 v10, v12  }
0x137: {  	s2 =	sor.u32 $0x100, s6;
	[tilespmem:s1+$0x14570] =	vst v5;
	v5 =	vld [tilespmem:s0+$0x18380];
	v6 =	vadd.f32 v11, v6  }
0x138: {  	s3 =	sor.u32 $0x180, s6;
	v12 =	vld [tilespmem:s2+$0x0];
	v1 =	vadd.f32 v10, v1  }
0x139: {  	s5 =	sor.u32 $0x200, s6;
	v4 =	vadd.f32 v8, v4;
	v8 =	vld [tilespmem:s3+$0x0];
	v2 =	vadd.f32 v6, v2  }
0x13a: {  	s8 =	sor.u32 $0x280, s6;
	v6 =	vadd.f32 v9, v7;
	v7 =	vld [tilespmem:s5+$0x0];
	[tilespmem:s1+$0x145F0] =	vst v1  }
0x13b: {  	s9 =	sor.u32 $0x300, s6;
	v0 =	vadd.f32 v4, v0;
	v9 =	vld [tilespmem:s8+$0x0];
	[tilespmem:s1+$0x14670] =	vst v2  }
0x13c: {  	v1 =	vadd.f32 v14, v13;
	v2 =	vadd.f32 v6, v3;
	v6 =	vld [tilespmem:s9+$0x0]  }
0x13d: {  	[tilespmem:s1+$0x146F0] =	vst v0;
	v0 =	vld [tilespmem:s6+$0x10100]  }
0x13e: {  	v11 =	vld [tilespmem:s6+$0x10200];
	v1 =	vadd.f32 v1, v5  }
0x13f: {  	v4 =	vld [tilespmem:s0+$0x18100];
	[tilespmem:s1+$0x14770] =	vst v2  }
0x140: {  	s21 =	sor.u32 $0x390, s6;
	s18 =	sor.u32 $0x1E0, s6;
	v2 =	vld [tilespmem:s6+$0x10180];
	[tilespmem:s6+$0x14380] =	vst v1  }
0x141: {  	[smem:$0x7CC] =	sst s18;
	v10 =	vld [tilespmem:s21+$0x0];
	s21 =	sor.u32 $0x260, s6  }
0x142: {  	v13 =	vld [tilespmem:s6+$0x10280];
	[smem:$0x7CD] =	sst s21;
	s21 =	sor.u32 $0x2E0, s6  }
0x143: {  	v1 =	vld [tilespmem:s0+$0x18180];
	v12 =	vadd.f32 v12, v0;
	[smem:$0x7CE] =	sst s21;
	s21 =	sor.u32 $0x360, s6  }
0x144: {  	[smem:$0x7CF] =	sst s21;
	s21 =	sor.u32 $0x170, s6  }
0x145: {  	v7 =	vadd.f32 v7, v11;
	v11 =	vadd.f32 v12, v4;
	[smem:$0x7D0] =	sst s21;
	s21 =	sor.u32 $0x1F0, s6  }
0x146: {  	v0 =	vld [tilespmem:s0+$0x18280];
	v8 =	vadd.f32 v8, v2;
	[smem:$0x7D1] =	sst s21;
	s21 =	sor.u32 $0x270, s6  }
0x147: {  	s23 =	sor.u32 $0x110, s6;
	[tilespmem:s6+$0x14100] =	vst v11;
	[smem:$0x7D2] =	sst s21;
	s21 =	sor.u32 $0x400, s6  }
0x148: {  	v9 =	vadd.f32 v9, v13;
	v8 =	vadd.f32 v8, v1;
	v13 =	vld [tilespmem:s23+$0x0];
	s23 =	sor.u32 $0x630, s6;
	[smem:$0x7DA] =	sst s21  }
0x149: {  	s21 =	sor.u32 $0x2F0, s6;
	[smem:$0x7EB] =	sst s23  }
0x14a: {  	s24 =	sor.u32 $0x190, s6;
	[tilespmem:s6+$0x14180] =	vst v8;
	s23 =	sor.u32 $0x440, s6;
	[smem:$0x7D3] =	sst s21  }
0x14b: {  	v8 =	vadd.f32 v9, v0;
	v9 =	vld [tilespmem:s24+$0x0];
	s24 =	sor.u32 $0x540, s6;
	[dreg:$0x19] =	wrdreg s23  }
0x14c: {  	v2 =	vld [tilespmem:s0+$0x18200];
	s21 =	sor.u32 $0x370, s6;
	[dreg:$0x1b] =	wrdreg s24  }
0x14d: {  	s23 =	sor.u32 $0x730, s6;
	[smem:$0x7D4] =	sst s21  }
0x14e: {  	s24 =	sor.u32 $0x450, s6;
	[dreg:$0x1f] =	wrdreg s23  }
0x14f: {  	s21 =	sor.u32 $0x480, s6;
	[dreg:$0x11] =	wrdreg s24  }
0x150: {  	s26 =	sor.u32 $0x290, s6;
	[tilespmem:s6+$0x14280] =	vst v8;
	s23 =	sor.u32 $0x640, s6;
	[smem:$0x7DB] =	sst s21  }
0x151: {  	v7 =	vadd.f32 v7, v2;
	v8 =	vld [tilespmem:s26+$0x0];
	s26 =	sor.u32 $0x740, s6;
	[dreg:$0x16] =	wrdreg s23  }
0x152: {  	s24 =	sor.u32 $0x5D0, s6;
	[dreg:$0x15] =	wrdreg s26  }
0x153: {  	s25 =	sor.u32 $0x210, s6;
	[tilespmem:s6+$0x14200] =	vst v7;
	s21 =	sor.u32 $0x500, s6;
	[dreg:$0xf] =	wrdreg s24  }
0x154: {  	v7 =	vld [tilespmem:s25+$0x0];
	s25 =	sor.u32 $0x6C0, s6;
	[smem:$0x7D5] =	sst s21  }
0x155: {  	v3 =	vld [tilespmem:s6+$0x10390];
	s23 =	sor.u32 $0x550, s6;
	[dreg:$0x17] =	wrdreg s25  }
0x156: {  	s26 =	sor.u32 $0x6D0, s6;
	[dreg:$0x13] =	wrdreg s23  }
0x157: {  	s24 =	sor.u32 $0x560, s6;
	[dreg:$0xe] =	wrdreg s26  }
0x158: {  	s21 =	sor.u32 $0x580, s6;
	[dreg:$0xb] =	wrdreg s24  }
0x159: {  	s25 =	sor.u32 $0x650, s6;
	[smem:$0x7D6] =	sst s21  }
0x15a: {  	v14 =	vld [tilespmem:s6+$0x10300];
	v3 =	vadd.f32 v10, v3;
	s23 =	sor.u32 $0x4E0, s6;
	[dreg:$0x10] =	wrdreg s25  }
0x15b: {  	s26 =	sor.u32 $0x660, s6;
	[dreg:$0xa] =	wrdreg s23  }
0x15c: {  	v10 =	vadd.f32 v3, v5;
	v3 =	vld [tilespmem:s0+$0x18300];
	s24 =	sor.u32 $0x6E0, s6;
	[dreg:$0x7] =	wrdreg s26  }
0x15d: {  	s29 =	sor.u32 $0x120, s6;
	s21 =	sor.u32 $0x600, s6;
	[dreg:$0x8] =	wrdreg s24  }
0x15e: {  	s1 =	sor.u32 $0x3A0, s6;
	[tilespmem:s6+$0x14390] =	vst v10;
	v10 =	vld [tilespmem:s6+$0x103A0];
	s25 =	sor.u32 $0x5E0, s6;
	[smem:$0x7D7] =	sst s21  }
0x15f: {  	s31 =	sor.u32 $0x1A0, s6;
	v6 =	vadd.f32 v6, v14;
	v12 =	vld [tilespmem:s1+$0x0];
	s26 =	sor.u32 $0x570, s6;
	[dreg:$0x9] =	wrdreg s25  }
0x160: {  	s28 =	sor.u32 $0x310, s6;
	s21 =	sor.u32 $0x680, s6;
	[dreg:$0x5] =	wrdreg s26  }
0x161: {  	s30 =	sor.u32 $0x220, s6;
	v6 =	vadd.f32 v6, v3;
	s25 =	sor.u32 $0x760, s6;
	[smem:$0x7D8] =	sst s21  }
0x162: {  	s7 =	sor.u32 $0x230, s6;
	s21 =	sor.u32 $0x700, s6;
	[dreg:$0x6] =	wrdreg s25  }
0x163: {  	s10 =	sor.u32 $0x140, s6;
	v11 =	vld [tilespmem:s6+$0x10110];
	[tilespmem:s6+$0x14300] =	vst v6;
	[smem:$0x7D9] =	sst s21;
	s21 =	sor.u32 $0x410, s6  }
0x164: {  	s11 =	sor.u32 $0x1C0, s6;
	v6 =	vadd.f32 v12, v10;
	v10 =	vld [tilespmem:s28+$0x0];
	s28 =	sor.u32 $0x750, s6;
	[smem:$0x7E1] =	sst s21  }
0x165: {  	s12 =	sor.u32 $0x240, s6;
	s21 =	sor.u32 $0x490, s6;
	[dreg:$0xd] =	wrdreg s28  }
0x166: {  	s14 =	sor.u32 $0x2C0, s6;
	[smem:$0x7E2] =	sst s21;
	s21 =	sor.u32 $0x510, s6  }
0x167: {  	s15 =	sor.u32 $0x150, s6;
	[smem:$0x7DC] =	sst s21;
	s21 =	sor.u32 $0x590, s6  }
0x168: {  	s1 =	smov.u32 s6;
	v11 =	vadd.f32 v13, v11;
	v13 =	vld [tilespmem:s6+$0x10210];
	[smem:$0x7DD] =	sst s21;
	s21 =	sor.u32 $0x610, s6  }
0x169: {  	s16 =	sor.u32 $0x1D0, s6;
	v16 =	vld [tilespmem:s1+$0x101A0];
	[smem:$0x7DE] =	sst s21;
	s21 =	sor.u32 $0x690, s6  }
0x16a: {  	s13 =	sor.u32 $0x340, s6;
	v41 =	vld [tilespmem:s1+$0x10010];
	[smem:$0x7DF] =	sst s21;
	s21 =	sor.u32 $0x420, s6  }
0x16b: {  	s17 =	sor.u32 $0x250, s6;
	v17 =	vld [tilespmem:s1+$0x10];
	[smem:$0x7E8] =	sst s21;
	s21 =	sor.u32 $0x4A0, s6  }
0x16c: {  	s19 =	sor.u32 $0x2D0, s6;
	v18 =	vld [tilespmem:s1+$0x10030];
	[dreg:$0x1d] =	wrdreg s21;
	s21 =	sor.u32 $0x710, s6  }
0x16d: {  	s20 =	sor.u32 $0x160, s6;
	v43 =	vld [tilespmem:s1+$0x30];
	[smem:$0x7E0] =	sst s21;
	s21 =	sor.u32 $0x520, s6  }
0x16e: {  	s4 =	sor.u32 $0x130, s6;
	v19 =	vld [tilespmem:s1+$0x40];
	v11 =	vadd.f32 v11, v4;
	[smem:$0x7E3] =	sst s21;
	s21 =	sor.u32 $0x5A0, s6  }
0x16f: {  	s2 =	sor.u32 $0x2A0, s6;
	v12 =	vld [tilespmem:s6+$0x10190];
	v6 =	vadd.f32 v6, v5;
	[smem:$0x7E4] =	sst s21;
	s21 =	sor.u32 $0x620, s6  }
0x170: {  	s3 =	sor.u32 $0x320, s6;
	[tilespmem:s6+$0x14110] =	vst v11;
	v11 =	vld [tilespmem:s6+$0x10290];
	[smem:$0x7E5] =	sst s21;
	s21 =	sor.u32 $0x6A0, s6  }
0x171: {  	s28 =	sor.u32 $0x3B0, s6;
	[tilespmem:s6+$0x143A0] =	vst v6;
	v6 =	vld [tilespmem:s6+$0x103B0];
	[smem:$0x7E6] =	sst s21;
	s21 =	sor.u32 $0x720, s6  }
0x172: {  	s5 =	sor.u32 $0x1B0, s6;
	v14 =	vld [tilespmem:s28+$0x0];
	[smem:$0x7E7] =	sst s21;
	s21 =	sor.u32 $0x430, s6  }
0x173: {  	s8 =	sor.u32 $0x2B0, s6;
	v15 =	vld [tilespmem:s29+$0x0];
	[dreg:$0x1c] =	wrdreg s21;
	s21 =	sor.u32 $0x4B0, s6  }
0x174: {  	s9 =	sor.u32 $0x330, s6;
	v9 =	vadd.f32 v9, v12;
	v12 =	vld [tilespmem:s6+$0x10310];
	[dreg:$0x1a] =	wrdreg s21;
	s21 =	sor.u32 $0x530, s6  }
0x175: {  	s18 =	sor.u32 $0x350, s6;
	v7 =	vadd.f32 v7, v13;
	v13 =	vld [tilespmem:s1+$0x10120];
	[smem:$0x7E9] =	sst s21;
	s21 =	sor.u32 $0x5B0, s6  }
0x176: {  	v20 =	vld [tilespmem:s1+$0x10050];
	s24 =	sor.u32 $0x6F0, s6;
	v9 =	vadd.f32 v9, v1;
	[smem:$0x7EA] =	sst s21;
	s21 =	sor.u32 $0x6B0, s6  }
0x177: {  	v21 =	vld [tilespmem:s1+$0x50];
	s23 =	sor.u32 $0x770, s6;
	v7 =	vadd.f32 v7, v2;
	v6 =	vadd.f32 v14, v6;
	[dreg:$0x1e] =	wrdreg s21;
	s21 =	sor.u32 $0x4C0, s6  }
0x178: {  	s26 =	sor.u32 $0x670, s6;
	v8 =	vadd.f32 v8, v11;
	[tilespmem:s1+$0x14190] =	vst v9;
	v9 =	vld [tilespmem:s1+$0x10220];
	[dreg:$0x14] =	wrdreg s21;
	s21 =	sor.u32 $0x5C0, s6  }
0x179: {  	s25 =	sor.u32 $0x5F0, s6;
	[tilespmem:s1+$0x14210] =	vst v7;
	v11 =	vld [tilespmem:s31+$0x0];
	v7 =	vadd.f32 v10, v12;
	v6 =	vadd.f32 v6, v5;
	[dreg:$0x18] =	wrdreg s21;
	s21 =	sor.u32 $0x4D0, s6  }
0x17a: {  	s28 =	sor.u32 $0x4F0, s6;
	v8 =	vadd.f32 v8, v0;
	v10 =	vld [tilespmem:s30+$0x0];
	v12 =	vadd.f32 v15, v13;
	[dreg:$0x12] =	wrdreg s21;
	s21 =	sor.u32 $0x460, s6  }
0x17b: {  	v7 =	vadd.f32 v7, v3;
	[tilespmem:s1+$0x143B0] =	vst v6;
	v6 =	vld [tilespmem:s1+$0x103C0];
	[dreg:$0xc] =	wrdreg s21;
	s21 =	sor.u32 $0x470, s6;
	s6 =	sor.u32 $0x3C0, s1  }
0x17c: {  	[tilespmem:s1+$0x14290] =	vst v8;
	v12 =	vadd.f32 v12, v4;
	v8 =	vld [tilespmem:s6+$0x0]  }
0x17d: {  	v13 =	vld [tilespmem:s2+$0x0];
	[tilespmem:s1+$0x14310] =	vst v7  }
0x17e: {  	[tilespmem:s1+$0x14120] =	vst v12;
	v12 =	vld [tilespmem:s1+$0x10320];
	v7 =	vadd.f32 v11, v16  }
0x17f: {  	v9 =	vadd.f32 v10, v9;
	v10 =	vld [tilespmem:s1+$0x102A0]  }
0x180: {  	v11 =	vld [tilespmem:s3+$0x0];
	v7 =	vadd.f32 v7, v1  }
0x181: {  	v14 =	vld [tilespmem:s4+$0x0];
	v9 =	vadd.f32 v9, v2;
	v6 =	vadd.f32 v8, v6  }
0x182: {  	[tilespmem:s1+$0x141A0] =	vst v7;
	v8 =	vld [tilespmem:s1+$0x10130]  }
0x183: {  	[tilespmem:s1+$0x14220] =	vst v9;
	v7 =	vld [tilespmem:s5+$0x0];
	v6 =	vadd.f32 v6, v5  }
0x184: {  	v9 =	vld [tilespmem:s7+$0x0];
	v10 =	vadd.f32 v13, v10  }
0x185: {  	s29 =	sor.u32 $0x3D0, s1;
	v11 =	vadd.f32 v11, v12;
	[tilespmem:s1+$0x143C0] =	vst v6;
	v6 =	vld [tilespmem:s1+$0x103D0]  }
0x186: {  	v10 =	vadd.f32 v10, v0;
	v12 =	vld [tilespmem:s29+$0x0]  }
0x187: {  	v13 =	vld [tilespmem:s1+$0x101B0];
	v11 =	vadd.f32 v11, v3;
	v8 =	vadd.f32 v14, v8  }
0x188: {  	[tilespmem:s1+$0x142A0] =	vst v10;
	v14 =	vld [tilespmem:s1+$0x10230]  }
0x189: {  	[tilespmem:s1+$0x14320] =	vst v11;
	v10 =	vld [tilespmem:s8+$0x0];
	v8 =	vadd.f32 v8, v4  }
0x18a: {  	v11 =	vld [tilespmem:s9+$0x0]  }
0x18b: {  	[tilespmem:s1+$0x14130] =	vst v8;
	v8 =	vld [tilespmem:s1+$0x102B0];
	v6 =	vadd.f32 v12, v6  }
0x18c: {  	v7 =	vadd.f32 v7, v13;
	v12 =	vld [tilespmem:s1+$0x10330]  }
0x18d: {  	v13 =	vld [tilespmem:s10+$0x0];
	v9 =	vadd.f32 v9, v14;
	v6 =	vadd.f32 v6, v5  }
0x18e: {  	v7 =	vadd.f32 v7, v1;
	v14 =	vld [tilespmem:s1+$0x10140]  }
0x18f: {  	s30 =	sor.u32 $0x3E0, s1;
	v9 =	vadd.f32 v9, v2;
	[tilespmem:s1+$0x143D0] =	vst v6;
	v6 =	vld [tilespmem:s1+$0x103E0]  }
0x190: {  	[tilespmem:s1+$0x141B0] =	vst v7;
	v7 =	vadd.f32 v10, v8;
	v8 =	vld [tilespmem:s30+$0x0]  }
0x191: {  	v10 =	vld [tilespmem:s11+$0x0];
	[tilespmem:s1+$0x14230] =	vst v9;
	v9 =	vadd.f32 v11, v12  }
0x192: {  	v11 =	vld [tilespmem:s12+$0x0];
	v7 =	vadd.f32 v7, v0  }
0x193: {  	v12 =	vadd.f32 v13, v14;
	v13 =	vld [tilespmem:s1+$0x101C0];
	v9 =	vadd.f32 v9, v3  }
0x194: {  	v14 =	vld [tilespmem:s1+$0x10240];
	[tilespmem:s1+$0x142B0] =	vst v7  }
0x195: {  	v7 =	vadd.f32 v12, v4;
	v12 =	vld [tilespmem:s14+$0x0];
	[tilespmem:s1+$0x14330] =	vst v9;
	v6 =	vadd.f32 v8, v6  }
0x196: {  	v8 =	vld [tilespmem:s13+$0x0]  }
0x197: {  	[tilespmem:s1+$0x14140] =	vst v7;
	v7 =	vld [tilespmem:s1+$0x102C0];
	v6 =	vadd.f32 v6, v5  }
0x198: {  	v9 =	vadd.f32 v10, v13;
	v10 =	vld [tilespmem:s1+$0x10340]  }
0x199: {  	s31 =	sor.u32 $0x3F0, s1;
	v11 =	vadd.f32 v11, v14;
	[tilespmem:s1+$0x143E0] =	vst v6;
	v6 =	vld [tilespmem:s1+$0x103F0]  }
0x19a: {  	v9 =	vadd.f32 v9, v1;
	v13 =	vld [tilespmem:s31+$0x0]  }
0x19b: {  	v15 =	vld [tilespmem:s1+$0x10150];
	v11 =	vadd.f32 v11, v2  }
0x19c: {  	v14 =	vld [tilespmem:s15+$0x0];
	[tilespmem:s1+$0x141C0] =	vst v9  }
0x19d: {  	[tilespmem:s1+$0x14240] =	vst v11;
	v11 =	vld [tilespmem:s1+$0x101D0];
	v7 =	vadd.f32 v12, v7  }
0x19e: {  	v9 =	vld [tilespmem:s16+$0x0];
	v8 =	vadd.f32 v8, v10  }
0x19f: {  	v10 =	vld [tilespmem:s17+$0x0];
	v7 =	vadd.f32 v7, v0;
	v6 =	vadd.f32 v13, v6  }
0x1a0: {  	v12 =	vld [tilespmem:s1+$0x10250]  }
0x1a1: {  	v45 =	vld [tilespmem:s1+$0x10060];
	[tilespmem:s1+$0x142C0] =	vst v7;
	v7 =	vadd.f32 v14, v15;
	v6 =	vadd.f32 v6, v5  }
0x1a2: {  	v13 =	vld [tilespmem:s19+$0x0]  }
0x1a3: {  	s3 =	sor.u32 $0x780, s1;
	v7 =	vadd.f32 v7, v4;
	[tilespmem:s1+$0x143F0] =	vst v6;
	v6 =	vld [tilespmem:s1+$0x10780]  }
0x1a4: {  	v8 =	vadd.f32 v8, v3;
	v9 =	vadd.f32 v9, v11;
	v11 =	vld [tilespmem:s3+$0x0]  }
0x1a5: {  	[tilespmem:s1+$0x14150] =	vst v7;
	v7 =	vadd.f32 v10, v12;
	v10 =	vld [tilespmem:s1+$0x102D0]  }
0x1a6: {  	[tilespmem:s1+$0x14340] =	vst v8;
	v15 =	vld [tilespmem:s1+$0x10160]  }
0x1a7: {  	v8 =	vld [tilespmem:s18+$0x0]  }
0x1a8: {  	s4 =	sld [smem:$0x7CC];
	v9 =	vadd.f32 v9, v1;
	v12 =	vld [tilespmem:s1+$0x10350]  }
0x1a9: {  	v14 =	vld [tilespmem:s20+$0x0];
	v6 =	vadd.f32 v11, v6  }
0x1aa: {  	v46 =	vld [tilespmem:s1+$0x60];
	[tilespmem:s1+$0x141D0] =	vst v9;
	v10 =	vadd.f32 v13, v10  }
0x1ab: {  	v9 =	vld [tilespmem:s4+$0x0];
	v6 =	vadd.f32 v6, v5  }
0x1ac: {  	v11 =	vld [tilespmem:s1+$0x101E0];
	v10 =	vadd.f32 v10, v0  }
0x1ad: {  	s6 =	sor.u32 $0x790, s1;
	v8 =	vadd.f32 v8, v12;
	[tilespmem:s1+$0x14780] =	vst v6;
	v6 =	vld [tilespmem:s1+$0x10790]  }
0x1ae: {  	v13 =	vadd.f32 v14, v15;
	[tilespmem:s1+$0x142D0] =	vst v10;
	v10 =	vld [tilespmem:s6+$0x0]  }
0x1af: {  	v47 =	vld [tilespmem:s1+$0x10070];
	v8 =	vadd.f32 v8, v3  }
0x1b0: {  	v22 =	vld [tilespmem:s1+$0x70];
	s8 =	sld [smem:$0x7CF];
	v13 =	vadd.f32 v13, v4  }
0x1b1: {  	v49 =	vld [tilespmem:s1+$0x10080];
	[tilespmem:s1+$0x14350] =	vst v8  }
0x1b2: {  	[tilespmem:s1+$0x14160] =	vst v13;
	v13 =	vld [tilespmem:s1+$0x10360]  }
0x1b3: {  	v8 =	vadd.f32 v9, v11;
	v11 =	vld [tilespmem:s8+$0x0];
	v6 =	vadd.f32 v10, v6  }
0x1b4: {  	v23 =	vld [tilespmem:s1+$0x80]  }
0x1b5: {  	v24 =	vld [tilespmem:s1+$0x10090];
	v6 =	vadd.f32 v6, v5  }
0x1b6: {  	v25 =	vld [tilespmem:s1+$0x90]  }
0x1b7: {  	s12 =	sor.u32 $0x7A0, s1;
	[tilespmem:s1+$0x14790] =	vst v6;
	v6 =	vld [tilespmem:s1+$0x107A0]  }
0x1b8: {  	v11 =	vadd.f32 v11, v13;
	v13 =	vld [tilespmem:s12+$0x0]  }
0x1b9: {  	v50 =	vld [tilespmem:s1+$0x100A0]  }
0x1ba: {  	v51 =	vld [tilespmem:s1+$0xA0]  }
0x1bb: {  	v52 =	vld [tilespmem:s1+$0x100B0]  }
0x1bc: {  	v26 =	vld [tilespmem:s1+$0xB0]  }
0x1bd: {  	v54 =	vld [tilespmem:s1+$0x100C0];
	v6 =	vadd.f32 v13, v6  }
0x1be: {  	v27 =	vld [tilespmem:s1+$0xC0]  }
0x1bf: {  	v28 =	vld [tilespmem:s1+$0x100D0];
	v6 =	vadd.f32 v6, v5  }
0x1c0: {  	v29 =	vld [tilespmem:s1+$0xD0]  }
0x1c1: {  	s5 =	sld [smem:$0x7CD];
	s15 =	sor.u32 $0x7B0, s1;
	v7 =	vadd.f32 v7, v2;
	[tilespmem:s1+$0x147A0] =	vst v6;
	v6 =	vld [tilespmem:s1+$0x107B0]  }
0x1c2: {  	v42 =	vld [tilespmem:s15+$0x0]  }
0x1c3: {  	v55 =	vld [tilespmem:s1+$0x100E0];
	[tilespmem:s1+$0x14250] =	vst v7  }
0x1c4: {  	v7 =	vld [tilespmem:s5+$0x0]  }
0x1c5: {  	v12 =	vld [tilespmem:s1+$0x10260]  }
0x1c6: {  	v57 =	vld [tilespmem:s1+$0x100F0];
	s7 =	sld [smem:$0x7CE]  }
0x1c7: {  	v32 =	vld [tilespmem:s1+$0x10270];
	v6 =	vadd.f32 v42, v6  }
0x1c8: {  	v33 =	vld [tilespmem:s1+$0x102F0]  }
0x1c9: {  	v14 =	vld [tilespmem:s7+$0x0];
	v6 =	vadd.f32 v6, v5  }
0x1ca: {  	v9 =	vadd.f32 v7, v12;
	v12 =	vld [tilespmem:s1+$0x102E0]  }
0x1cb: {  	s16 =	sor.u32 $0x7C0, s1;
	[tilespmem:s1+$0x147B0] =	vst v6;
	v6 =	vld [tilespmem:s1+$0x107C0]  }
0x1cc: {  	v48 =	vld [tilespmem:s16+$0x0]  }
0x1cd: {  	v60 =	vld [tilespmem:s1+$0x10370]  }
0x1ce: {  	v15 =	vld [tilespmem:s1+$0x10000]  }
0x1cf: {  	s9 =	sld [smem:$0x7D0];
	v10 =	vadd.f32 v14, v12;
	v14 =	vld [tilespmem:s1+$0x0]  }
0x1d0: {  	v59 =	vld [tilespmem:s1+$0x10170];
	s11 =	sld [smem:$0x7D2];
	v9 =	vadd.f32 v9, v2  }
0x1d1: {  	v31 =	vld [tilespmem:s1+$0x101F0];
	v6 =	vadd.f32 v48, v6  }
0x1d2: {  	v7 =	vld [tilespmem:s9+$0x0];
	[tilespmem:s1+$0x14260] =	vst v9;
	v11 =	vadd.f32 v11, v3  }
0x1d3: {  	v9 =	vld [tilespmem:s11+$0x0];
	v6 =	vadd.f32 v6, v5  }
0x1d4: {  	[tilespmem:s1+$0x14360] =	vst v11;
	v11 =	vadd.f32 v14, v15;
	v14 =	vld [tilespmem:s1+$0x10020]  }
0x1d5: {  	s10 =	sld [smem:$0x7D1];
	s17 =	sor.u32 $0x7D0, s1;
	v8 =	vadd.f32 v8, v1;
	[tilespmem:s1+$0x147C0] =	vst v6;
	v6 =	vld [tilespmem:s1+$0x107D0]  }
0x1d6: {  	v53 =	vld [tilespmem:s17+$0x0]  }
0x1d7: {  	v44 =	vadd.f32 v43, v18;
	s13 =	sld [smem:$0x7D3];
	[tilespmem:s1+$0x141E0] =	vst v8;
	v10 =	vadd.f32 v10, v0;
	v15 =	vld [tilespmem:s1+$0x20]  }
0x1d8: {  	v18 =	vadd.f32 v23, v49;
	s14 =	sld [smem:$0x7D4];
	v8 =	vld [tilespmem:s10+$0x0];
	v9 =	vadd.f32 v9, v32  }
0x1d9: {  	v23 =	vadd.f32 v26, v52;
	v26 =	vadd.f32 v7, v59;
	v7 =	vld [tilespmem:s0+$0x18080];
	[tilespmem:s1+$0x142E0] =	vst v10  }
0x1da: {  	s29 =	sld [smem:$0x7D7];
	v12 =	vld [tilespmem:s13+$0x0];
	v9 =	vadd.f32 v9, v2  }
0x1db: {  	v10 =	vld [tilespmem:s14+$0x0];
	v6 =	vadd.f32 v53, v6  }
0x1dc: {  	[tilespmem:s1+$0x14270] =	vst v9;
	v14 =	vadd.f32 v15, v14;
	v15 =	vld [tilespmem:s1+$0x10040]  }
0x1dd: {  	v20 =	vadd.f32 v21, v20;
	v36 =	vld [tilespmem:s29+$0x0];
	v6 =	vadd.f32 v6, v5  }
0x1de: {  	v8 =	vadd.f32 v8, v31;
	v13 =	vadd.f32 v17, v41;
	v41 =	vld [tilespmem:s1+$0x10600]  }
0x1df: {  	v21 =	vadd.f32 v51, v50;
	v28 =	vadd.f32 v29, v28;
	s18 =	sor.u32 $0x7E0, s1;
	[tilespmem:s1+$0x147D0] =	vst v6;
	v6 =	vld [tilespmem:s1+$0x107E0]  }
0x1e0: {  	v26 =	vadd.f32 v26, v4;
	v8 =	vadd.f32 v8, v1;
	v58 =	vld [tilespmem:s18+$0x0]  }
0x1e1: {  	v30 =	vld [tilespmem:s1+$0xF0];
	v12 =	vadd.f32 v12, v33;
	v10 =	vadd.f32 v10, v60  }
0x1e2: {  	v56 =	vld [tilespmem:s1+$0xE0];
	v21 =	vadd.f32 v21, v7;
	v23 =	vadd.f32 v23, v7  }
0x1e3: {  	v63 =	vld [tilespmem:s1+$0x10400];
	[tilespmem:s1+$0x141F0] =	vst v8;
	v8 =	vadd.f32 v12, v0;
	v9 =	vadd.f32 v10, v3  }
0x1e4: {  	v38 =	vld [tilespmem:s1+$0x10480];
	[tilespmem:s1+$0x14170] =	vst v26;
	v15 =	vadd.f32 v19, v15;
	v19 =	vadd.f32 v22, v47  }
0x1e5: {  	[tilespmem:s1+$0x140A0] =	vst v21;
	v16 =	vadd.f32 v36, v41;
	v29 =	vadd.f32 v58, v6;
	v6 =	vld [tilespmem:s0+$0x18000]  }
0x1e6: {  	v49 =	vld [tilespmem:s1+$0x10420];
	[tilespmem:s1+$0x140B0] =	vst v23;
	v22 =	vadd.f32 v27, v54;
	v27 =	vadd.f32 v30, v57  }
0x1e7: {  	v50 =	vld [tilespmem:s1+$0x104A0];
	[tilespmem:s1+$0x142F0] =	vst v8;
	v16 =	vadd.f32 v16, v2  }
0x1e8: {  	v61 =	vld [tilespmem:s1+$0x107F0];
	[tilespmem:s1+$0x14370] =	vst v9;
	v42 =	vadd.f32 v27, v7  }
0x1e9: {  	v40 =	vld [tilespmem:s1+$0x10580];
	[tilespmem:s1+$0x14600] =	vst v16;
	v29 =	vadd.f32 v29, v5  }
0x1ea: {  	v43 =	vld [tilespmem:s1+$0x10680];
	s20 =	sld [smem:$0x7D5];
	[tilespmem:s1+$0x140F0] =	vst v42;
	v11 =	vadd.f32 v11, v6  }
0x1eb: {  	v39 =	vld [tilespmem:s1+$0x10500];
	[tilespmem:s1+$0x147E0] =	vst v29;
	v12 =	vadd.f32 v13, v6  }
0x1ec: {  	[dreg:$0x4] =	wrdreg s21;
	v52 =	vld [tilespmem:s1+$0x105A0];
	v10 =	vadd.f32 v14, v6;
	[tilespmem:s1+$0x14000] =	vst v11  }
0x1ed: {  	s21 =	sld [smem:$0x7D6];
	s19 =	sor.u32 $0x7F0, s1;
	v26 =	vld [tilespmem:s20+$0x0];
	v17 =	vadd.f32 v46, v45;
	v14 =	vadd.f32 v44, v6;
	[tilespmem:s1+$0x14010] =	vst v12  }
0x1ee: {  	s31 =	sld [smem:$0x7D9];
	v62 =	vld [tilespmem:s19+$0x0];
	v8 =	vadd.f32 v15, v6;
	[tilespmem:s1+$0x14020] =	vst v10  }
0x1ef: {  	v46 =	vld [tilespmem:s1+$0x10590];
	v17 =	vadd.f32 v17, v6;
	[tilespmem:s1+$0x14030] =	vst v14  }
0x1f0: {  	v24 =	vadd.f32 v25, v24;
	s30 =	sld [smem:$0x7D8];
	v13 =	vld [tilespmem:s21+$0x0];
	v11 =	vadd.f32 v20, v6;
	[tilespmem:s1+$0x14040] =	vst v8  }
0x1f1: {  	s6 =	sld [smem:$0x7DE];
	v37 =	vld [tilespmem:s31+$0x0];
	v12 =	vadd.f32 v19, v6;
	[tilespmem:s1+$0x14060] =	vst v17  }
0x1f2: {  	v25 =	vadd.f32 v56, v55;
	v47 =	vld [tilespmem:s1+$0x10610];
	v10 =	vadd.f32 v24, v7;
	[tilespmem:s1+$0x14050] =	vst v11  }
0x1f3: {  	s2 =	sld [smem:$0x7DA];
	v15 =	vld [tilespmem:s30+$0x0];
	v14 =	vadd.f32 v28, v7;
	[tilespmem:s1+$0x14070] =	vst v12;
	v9 =	vadd.f32 v62, v61  }
0x1f4: {  	v16 =	vld [tilespmem:s6+$0x0];
	v8 =	vadd.f32 v25, v7;
	[tilespmem:s1+$0x14090] =	vst v10  }
0x1f5: {  	v11 =	vld [tilespmem:s1+$0x10700];
	[tilespmem:s1+$0x140D0] =	vst v14;
	v13 =	vadd.f32 v13, v40;
	v5 =	vadd.f32 v9, v5  }
0x1f6: {  	[tilespmem:s1+$0x140E0] =	vst v8;
	v45 =	vld [tilespmem:s2+$0x0];
	v9 =	vadd.f32 v18, v7  }
0x1f7: {  	s5 =	sld [smem:$0x7DD];
	v44 =	vld [tilespmem:s1+$0x10410];
	v18 =	vadd.f32 v26, v39;
	v13 =	vadd.f32 v13, v1;
	[tilespmem:s1+$0x147F0] =	vst v5  }
0x1f8: {  	s3 =	sld [smem:$0x7DB];
	v10 =	vld [tilespmem:s1+$0x10510];
	v15 =	vadd.f32 v15, v43;
	v5 =	vadd.f32 v22, v7;
	[tilespmem:s1+$0x14080] =	vst v9  }
0x1f9: {  	s4 =	sld [smem:$0x7DC];
	v14 =	vld [tilespmem:s1+$0x10710];
	v9 =	vadd.f32 v18, v4;
	[tilespmem:s1+$0x14580] =	vst v13  }
0x1fa: {  	s7 =	sld [smem:$0x7DF];
	v15 =	vadd.f32 v15, v0;
	v11 =	vadd.f32 v37, v11;
	v13 =	vld [tilespmem:s5+$0x0];
	[tilespmem:s1+$0x140C0] =	vst v5  }
0x1fb: {  	v48 =	vadd.f32 v45, v63;
	[tilespmem:s1+$0x14500] =	vst v9;
	v23 =	vld [tilespmem:s3+$0x0]  }
0x1fc: {  	s8 =	sld [smem:$0x7E0];
	[tilespmem:s1+$0x14680] =	vst v15;
	v11 =	vadd.f32 v11, v3;
	v9 =	vld [tilespmem:s4+$0x0]  }
0x1fd: {  	s9 =	sld [smem:$0x7E1];
	v15 =	vld [tilespmem:s7+$0x0];
	v8 =	vadd.f32 v48, v6  }
0x1fe: {  	v5 =	vld [tilespmem:s1+$0x10690];
	[tilespmem:s1+$0x14700] =	vst v11  }
0x1ff: {  	[tilespmem:s1+$0x14400] =	vst v8;
	v11 =	vld [tilespmem:s8+$0x0]  }
0x200: {  	v51 =	vld [tilespmem:s9+$0x0];
	v8 =	vadd.f32 v23, v38  }
0x201: {  	v56 =	vld [tilespmem:s1+$0x106B0];
	v16 =	vadd.f32 v16, v47;
	v9 =	vadd.f32 v9, v10  }
0x202: {  	s10 =	sld [smem:$0x7E2];
	v12 =	vld [tilespmem:s1+$0x10490];
	v13 =	vadd.f32 v13, v46;
	v8 =	vadd.f32 v8, v7  }
0x203: {  	s11 =	sld [smem:$0x7E3];
	v5 =	vadd.f32 v15, v5;
	v10 =	vld [tilespmem:s1+$0x10520];
	v9 =	vadd.f32 v9, v4  }
0x204: {  	s12 =	sld [smem:$0x7E4];
	v11 =	vadd.f32 v11, v14;
	[tilespmem:s1+$0x14480] =	vst v8;
	v8 =	vadd.f32 v13, v1;
	v13 =	vld [tilespmem:s1+$0x10620]  }
0x205: {  	s13 =	sld [smem:$0x7E5];
	v14 =	vadd.f32 v51, v44;
	[tilespmem:s1+$0x14510] =	vst v9;
	v9 =	vadd.f32 v16, v2;
	v15 =	vld [tilespmem:s10+$0x0]  }
0x206: {  	v53 =	vld [tilespmem:s11+$0x0];
	[tilespmem:s1+$0x14590] =	vst v8  }
0x207: {  	s16 =	sld [smem:$0x7E8];
	[tilespmem:s1+$0x14610] =	vst v9;
	v9 =	vadd.f32 v11, v3;
	v11 =	vadd.f32 v14, v6;
	v8 =	vld [tilespmem:s12+$0x0]  }
0x208: {  	v14 =	vld [tilespmem:s13+$0x0]  }
0x209: {  	s14 =	sld [smem:$0x7E6];
	v54 =	vld [tilespmem:s1+$0x10430];
	v5 =	vadd.f32 v5, v0;
	[tilespmem:s1+$0x14410] =	vst v11  }
0x20a: {  	[tilespmem:s1+$0x14710] =	vst v9;
	v9 =	vadd.f32 v15, v12;
	v12 =	vld [tilespmem:s16+$0x0]  }
0x20b: {  	s15 =	sld [smem:$0x7E7];
	v57 =	vld [tilespmem:s1+$0x10730];
	[tilespmem:s1+$0x14690] =	vst v5;
	v10 =	vadd.f32 v53, v10  }
0x20c: {  	v5 =	vld [tilespmem:s14+$0x0];
	v9 =	vadd.f32 v9, v7;
	v8 =	vadd.f32 v8, v52  }
0x20d: {  	s17 =	rddreg [dreg:$0x1d];
	v15 =	vld [tilespmem:s1+$0x106A0];
	v10 =	vadd.f32 v10, v4;
	v13 =	vadd.f32 v14, v13  }
0x20e: {  	s18 =	sld [smem:$0x7E9];
	v11 =	vld [tilespmem:s15+$0x0];
	[tilespmem:s1+$0x14490] =	vst v9;
	v8 =	vadd.f32 v8, v1  }
0x20f: {  	s19 =	sld [smem:$0x7EA];
	[tilespmem:s1+$0x14520] =	vst v10;
	v10 =	vadd.f32 v13, v2;
	v9 =	vld [tilespmem:s17+$0x0];
	v12 =	vadd.f32 v12, v49  }
0x210: {  	v14 =	vld [tilespmem:s1+$0x10720];
	[tilespmem:s1+$0x145A0] =	vst v8  }
0x211: {  	v13 =	vld [tilespmem:s18+$0x0];
	[tilespmem:s1+$0x14620] =	vst v10;
	v10 =	vadd.f32 v12, v6  }
0x212: {  	s20 =	sld [smem:$0x7EB];
	v5 =	vadd.f32 v5, v15;
	v8 =	vld [tilespmem:s19+$0x0]  }
0x213: {  	s21 =	rddreg [dreg:$0x1c];
	[tilespmem:s1+$0x14420] =	vst v10;
	v10 =	vld [tilespmem:s1+$0x10530]  }
0x214: {  	v5 =	vadd.f32 v5, v0;
	v9 =	vadd.f32 v9, v50;
	v15 =	vld [tilespmem:s21+$0x0]  }
0x215: {  	v12 =	vld [tilespmem:s20+$0x0]  }
0x216: {  	s29 =	rddreg [dreg:$0x1e];
	v11 =	vadd.f32 v11, v14;
	v14 =	vld [tilespmem:s1+$0x104B0];
	[tilespmem:s1+$0x146A0] =	vst v5;
	v5 =	vadd.f32 v9, v7  }
0x217: {  	v9 =	vld [tilespmem:s29+$0x0]  }
0x218: {  	s31 =	rddreg [dreg:$0x1a];
	[tilespmem:s1+$0x144A0] =	vst v5;
	v5 =	vld [tilespmem:s1+$0x105B0];
	v10 =	vadd.f32 v13, v10  }
0x219: {  	v11 =	vadd.f32 v11, v3;
	v55 =	vld [tilespmem:s31+$0x0];
	v13 =	vadd.f32 v15, v54  }
0x21a: {  	v15 =	vld [tilespmem:s1+$0x10630];
	v10 =	vadd.f32 v10, v4  }
0x21b: {  	v58 =	vld [tilespmem:s1+$0x10440];
	s30 =	rddreg [dreg:$0x1f];
	[tilespmem:s1+$0x14720] =	vst v11;
	v13 =	vadd.f32 v13, v6  }
0x21c: {  	s2 =	rddreg [dreg:$0x1b];
	v11 =	vld [tilespmem:s30+$0x0];
	v9 =	vadd.f32 v9, v56;
	[tilespmem:s1+$0x14530] =	vst v10  }
0x21d: {  	s3 =	rddreg [dreg:$0x19];
	v5 =	vadd.f32 v8, v5;
	[tilespmem:s1+$0x14430] =	vst v13;
	v10 =	vld [tilespmem:s2+$0x0]  }
0x21e: {  	v9 =	vadd.f32 v9, v0;
	v8 =	vadd.f32 v55, v14;
	v13 =	vld [tilespmem:s3+$0x0]  }
0x21f: {  	v12 =	vadd.f32 v12, v15;
	v15 =	vld [tilespmem:s1+$0x10540];
	v5 =	vadd.f32 v5, v1  }
0x220: {  	[tilespmem:s1+$0x146B0] =	vst v9;
	v8 =	vadd.f32 v8, v7  }
0x221: {  	s7 =	rddreg [dreg:$0x17];
	v11 =	vadd.f32 v11, v57;
	v14 =	vld [tilespmem:s1+$0x104C0];
	[tilespmem:s1+$0x145B0] =	vst v5;
	v5 =	vadd.f32 v12, v2  }
0x222: {  	s5 =	rddreg [dreg:$0x14];
	v9 =	vld [tilespmem:s7+$0x0];
	[tilespmem:s1+$0x144B0] =	vst v8  }
0x223: {  	s4 =	rddreg [dreg:$0x18];
	v12 =	vld [tilespmem:s5+$0x0];
	[tilespmem:s1+$0x14630] =	vst v5;
	v5 =	vadd.f32 v11, v3;
	v11 =	vadd.f32 v13, v58  }
0x224: {  	v8 =	vld [tilespmem:s4+$0x0];
	v10 =	vadd.f32 v10, v15  }
0x225: {  	s6 =	rddreg [dreg:$0x16];
	v15 =	vld [tilespmem:s1+$0x105C0];
	[tilespmem:s1+$0x14730] =	vst v5;
	v5 =	vadd.f32 v11, v6  }
0x226: {  	s8 =	rddreg [dreg:$0x15];
	v13 =	vld [tilespmem:s6+$0x0];
	v10 =	vadd.f32 v10, v4  }
0x227: {  	v11 =	vld [tilespmem:s8+$0x0];
	[tilespmem:s1+$0x14440] =	vst v5  }
0x228: {  	[tilespmem:s1+$0x14540] =	vst v10;
	v10 =	vld [tilespmem:s1+$0x10740];
	v5 =	vadd.f32 v12, v14  }
0x229: {  	v12 =	vld [tilespmem:s1+$0x10640]  }
0x22a: {  	s9 =	rddreg [dreg:$0x13];
	v14 =	vld [tilespmem:s1+$0x106C0];
	v5 =	vadd.f32 v5, v7  }
0x22b: {  	s10 =	rddreg [dreg:$0x11];
	v59 =	vld [tilespmem:s9+$0x0]  }
0x22c: {  	s11 =	rddreg [dreg:$0x12];
	v60 =	vld [tilespmem:s10+$0x0];
	[tilespmem:s1+$0x144C0] =	vst v5  }
0x22d: {  	v5 =	vadd.f32 v8, v15;
	v8 =	vld [tilespmem:s11+$0x0]  }
0x22e: {  	v10 =	vadd.f32 v11, v10;
	v12 =	vadd.f32 v13, v12;
	v13 =	vld [tilespmem:s1+$0x10450]  }
0x22f: {  	v9 =	vadd.f32 v9, v14;
	v14 =	vld [tilespmem:s1+$0x104D0];
	v5 =	vadd.f32 v5, v1  }
0x230: {  	v11 =	vld [tilespmem:s1+$0x10550];
	v10 =	vadd.f32 v10, v3  }
0x231: {  	s12 =	rddreg [dreg:$0xf];
	v15 =	vld [tilespmem:s1+$0x10650];
	[tilespmem:s1+$0x145C0] =	vst v5;
	v5 =	vadd.f32 v9, v0  }
0x232: {  	s15 =	rddreg [dreg:$0xd];
	v12 =	vadd.f32 v12, v2;
	[tilespmem:s1+$0x14740] =	vst v10;
	v9 =	vld [tilespmem:s12+$0x0]  }
0x233: {  	v10 =	vld [tilespmem:s15+$0x0];
	[tilespmem:s1+$0x146C0] =	vst v5;
	v5 =	vadd.f32 v60, v13  }
0x234: {  	s13 =	rddreg [dreg:$0x10];
	[tilespmem:s1+$0x14640] =	vst v12;
	v8 =	vadd.f32 v8, v14;
	v14 =	vld [tilespmem:s1+$0x105D0]  }
0x235: {  	s14 =	rddreg [dreg:$0xe];
	v11 =	vadd.f32 v59, v11;
	v12 =	vld [tilespmem:s13+$0x0];
	v5 =	vadd.f32 v5, v6  }
0x236: {  	v13 =	vld [tilespmem:s14+$0x0];
	v8 =	vadd.f32 v8, v7  }
0x237: {  	[tilespmem:s1+$0x14450] =	vst v5;
	v5 =	vadd.f32 v11, v4;
	v11 =	vld [tilespmem:s1+$0x106D0]  }
0x238: {  	s16 =	rddreg [dreg:$0xc];
	[tilespmem:s1+$0x144D0] =	vst v8;
	v8 =	vld [tilespmem:s1+$0x10750]  }
0x239: {  	s18 =	rddreg [dreg:$0xa];
	v61 =	vld [tilespmem:s16+$0x0];
	v9 =	vadd.f32 v9, v14  }
0x23a: {  	v14 =	vld [tilespmem:s18+$0x0];
	v12 =	vadd.f32 v12, v15  }
0x23b: {  	s17 =	rddreg [dreg:$0xb];
	v15 =	vld [tilespmem:s1+$0x10460];
	[tilespmem:s1+$0x14550] =	vst v5;
	v9 =	vadd.f32 v9, v1  }
0x23c: {  	v5 =	vld [tilespmem:s17+$0x0];
	v12 =	vadd.f32 v12, v2;
	v11 =	vadd.f32 v13, v11  }
0x23d: {  	v13 =	vld [tilespmem:s1+$0x104E0];
	v8 =	vadd.f32 v10, v8;
	[tilespmem:s1+$0x145D0] =	vst v9  }
0x23e: {  	s20 =	rddreg [dreg:$0x7];
	v10 =	vld [tilespmem:s1+$0x10560];
	[tilespmem:s1+$0x14650] =	vst v12;
	v9 =	vadd.f32 v11, v0  }
0x23f: {  	s19 =	rddreg [dreg:$0x9];
	v12 =	vld [tilespmem:s20+$0x0];
	v8 =	vadd.f32 v8, v3  }
0x240: {  	s21 =	rddreg [dreg:$0x8];
	v11 =	vld [tilespmem:s19+$0x0];
	[tilespmem:s1+$0x146D0] =	vst v9  }
0x241: {  	s29 =	rddreg [dreg:$0x6];
	v9 =	vadd.f32 v61, v15;
	[tilespmem:s1+$0x14750] =	vst v8;
	v15 =	vld [tilespmem:s21+$0x0]  }
0x242: {  	v8 =	vadd.f32 v14, v13;
	v13 =	vld [tilespmem:s29+$0x0]  }
0x243: {  	v5 =	vadd.f32 v5, v10;
	v10 =	vld [tilespmem:s1+$0x105E0];
	v9 =	vadd.f32 v9, v6  }
0x244: {  	v14 =	vld [tilespmem:s1+$0x10660];
	v8 =	vadd.f32 v8, v7  }
0x245: {  	v5 =	vadd.f32 v5, v4;
	[tilespmem:s1+$0x14460] =	vst v9;
	v9 =	vld [tilespmem:s1+$0x106E0]  }
0x246: {  	s30 =	rddreg [dreg:$0x4];
	[tilespmem:s1+$0x144E0] =	vst v8;
	v8 =	vld [tilespmem:s1+$0x10760]  }
0x247: {  	s31 =	rddreg [dreg:$0x5];
	v62 =	vld [tilespmem:s30+$0x0];
	[tilespmem:s1+$0x14560] =	vst v5  }
0x248: {  	v5 =	vld [tilespmem:s31+$0x0];
	v10 =	vadd.f32 v11, v10  }
0x249: {  	v11 =	vadd.f32 v12, v14;
	v12 =	vld [tilespmem:s1+$0x10470]  }
0x24a: {  	v63 =	vld [tilespmem:s28+$0x0];
	v10 =	vadd.f32 v10, v1;
	v9 =	vadd.f32 v15, v9  }
0x24b: {  	v14 =	vld [tilespmem:s1+$0x104F0];
	v11 =	vadd.f32 v11, v2  }
0x24c: {  	v8 =	vadd.f32 v13, v8;
	v13 =	vld [tilespmem:s1+$0x10570];
	[tilespmem:s1+$0x145E0] =	vst v10;
	v9 =	vadd.f32 v9, v0  }
0x24d: {  	[tilespmem:s1+$0x14660] =	vst v11;
	v10 =	vld [tilespmem:s25+$0x0]  }
0x24e: {  	p0 =	slt.u32 s22, $0x18;
	v11 =	vld [tilespmem:s26+$0x0];
	v12 =	vadd.f32 v62, v12;
	v15 =	vadd.f32 v8, v3;
	[tilespmem:s1+$0x146E0] =	vst v9  }
.Ltmp0:
0x24f: {  	v8 =	vld [tilespmem:s24+$0x0];
	(pc) =	sbr.rel @p0 .LBB2_2-.Ltmp0, $4  }
0x250: {  	[tilespmem:s1+$0x14760] =	vst v15;
	v15 =	vadd.f32 v12, v6;
	v12 =	vld [tilespmem:s1+$0x105F0]  }
0x251: {  	v14 =	vadd.f32 v63, v14;
	v6 =	vld [tilespmem:s1+$0x10670];
	v5 =	vadd.f32 v5, v13  }
0x252: {  	v9 =	vld [tilespmem:s23+$0x0]  }
0x253: {  	s22 =	sadd.s32 $0x8, s22;
	v7 =	vadd.f32 v14, v7;
	[tilespmem:s1+$0x14470] =	vst v15;
	v5 =	vadd.f32 v5, v4;
	v4 =	vld [tilespmem:s1+$0x106F0]  }
0x254: {  	v13 =	vld [tilespmem:s1+$0x10770];
	_ =	sdelay $0x1  }
0x255: {  	v10 =	vadd.f32 v10, v12  }
0x256: {  	v6 =	vadd.f32 v11, v6  }
0x257: {  	[tilespmem:s1+$0x144F0] =	vst v7;
	v1 =	vadd.f32 v10, v1;
	v4 =	vadd.f32 v8, v4  }
0x258: {  	[tilespmem:s1+$0x14570] =	vst v5;
	v2 =	vadd.f32 v6, v2;
	v62 =	vadd.f32 v9, v13  }
0x259: {  	[tilespmem:s1+$0x145F0] =	vst v1;
	v0 =	vadd.f32 v4, v0  }
0x25a: {  	[tilespmem:s1+$0x14670] =	vst v2;
	v63 =	vadd.f32 v62, v3  }
0x25b: {  	[tilespmem:s1+$0x146F0] =	vst v0  }
0x25c: {  	[tilespmem:s1+$0x14770] =	vst v63  }
0x25d: {  	s17 =	sld [smem:$0x7FB];
	_ =	sdelay $0x1  }
0x25e: {  	s0 =	simm.s32 $0x0;
	s25 =	simm.s32 $0x14000;
	s1 =	sld [smem:$0x7F1]  }
0x25f: {  	[hbm4b:s17+s0] =	stream.linear.scatter [tilespmem:s25], [sflag:$0x3], $0x2000, $0x38;
	[tilespmem:$0x1A000] =	vst v63  }
0x260: {  	s20 =	simm.s32 $0x10000;
	s31 =	sld [smem:$0x7F2]  }
0x261: {  	[tilespmem:s20], [sflag:$0x1] =	stream.linear.gather [hbm4b:s1+s0], $0x2000, $0x38;
	[tilespmem:$0x1A000] =	vst v63  }
0x262: {  	s21 =	simm.s32 $0x18000;
	s26 =	simm.s32 $0x2  }
0x263: {  	[tilespmem:s21], [sflag:$0x1] =	stream.linear.gather [hbm4b:s31+s0], $0x1000, $0x38;
	[tilespmem:$0x1A000] =	vst v63  }
0x264: {  	_ =	swait.ge [sflag:s26], $0x2000  }
0x265: {  	[sflag:s26] =	ssyncset.done $0x0  }
0x266: {  	[sflag:s26] =	ssyncadd.s32 $0xFFFFE000  }
0x267: {  	_ =	swait.ge [sflag:s26], $0x1000  }
0x268: {  	[sflag:s26] =	ssyncset.done $0x0  }
0x269: {  	[sflag:s26] =	ssyncadd.s32 $0xFFFFF000  }
.LBB2_4:
0x26a: {  	s30 =	sshll.u32 s0, $0x8  }
0x26b: {  	v8 =	vld [tilespmem:s30+$0x12000]  }
0x26c: {  	v4 =	vld [tilespmem:s30+$0x2000]  }
0x26d: {  	v9 =	vld [tilespmem:s30+$0x12010]  }
0x26e: {  	v5 =	vld [tilespmem:s30+$0x2010]  }
0x26f: {  	v10 =	vld [tilespmem:s30+$0x12020]  }
0x270: {  	v6 =	vld [tilespmem:s30+$0x2020]  }
0x271: {  	v11 =	vld [tilespmem:s30+$0x12030]  }
0x272: {  	v7 =	vld [tilespmem:s30+$0x2030]  }
0x273: {  	v13 =	vld [tilespmem:s30+$0x12040]  }
0x274: {  	v12 =	vld [tilespmem:s30+$0x2040]  }
0x275: {  	v15 =	vld [tilespmem:s30+$0x12050]  }
0x276: {  	v14 =	vld [tilespmem:s30+$0x2050]  }
0x277: {  	v17 =	vld [tilespmem:s30+$0x12060]  }
0x278: {  	v63 =	vld [tilespmem:s30+$0x24D0]  }
0x279: {  	v16 =	vld [tilespmem:s30+$0x2060]  }
0x27a: {  	v19 =	vld [tilespmem:s30+$0x12070]  }
0x27b: {  	v18 =	vld [tilespmem:s30+$0x2070]  }
0x27c: {  	v21 =	vld [tilespmem:s30+$0x12400]  }
0x27d: {  	[tilespmem:$0x1FA00] =	vst v63;
	v63 =	vld [tilespmem:s30+$0x124E0]  }
0x27e: {  	v20 =	vld [tilespmem:s30+$0x2400]  }
0x27f: {  	v23 =	vld [tilespmem:s30+$0x12410]  }
0x280: {  	v22 =	vld [tilespmem:s30+$0x2410]  }
0x281: {  	v25 =	vld [tilespmem:s30+$0x12420]  }
0x282: {  	[tilespmem:$0x1FA10] =	vst v63;
	v63 =	vld [tilespmem:s30+$0x24E0]  }
0x283: {  	v24 =	vld [tilespmem:s30+$0x2420]  }
0x284: {  	v27 =	vld [tilespmem:s30+$0x12430]  }
0x285: {  	v26 =	vld [tilespmem:s30+$0x2430]  }
0x286: {  	v29 =	vld [tilespmem:s30+$0x12440]  }
0x287: {  	[tilespmem:$0x1FA20] =	vst v63;
	v63 =	vld [tilespmem:s30+$0x124F0]  }
0x288: {  	v28 =	vld [tilespmem:s30+$0x2440]  }
0x289: {  	v31 =	vld [tilespmem:s30+$0x12450]  }
0x28a: {  	v30 =	vld [tilespmem:s30+$0x2450]  }
0x28b: {  	v33 =	vld [tilespmem:s30+$0x12460]  }
0x28c: {  	[tilespmem:$0x1FA30] =	vst v63;
	v63 =	vld [tilespmem:s30+$0x24F0]  }
0x28d: {  	v32 =	vld [tilespmem:s30+$0x2460]  }
0x28e: {  	v36 =	vld [tilespmem:s30+$0x12470]  }
0x28f: {  	v34 =	vld [tilespmem:s30+$0x2470]  }
0x290: {  	v37 =	vld [tilespmem:s30+$0x12080]  }
0x291: {  	[tilespmem:$0x1FA40] =	vst v63;
	v63 =	vld [tilespmem:s30+$0x12100]  }
0x292: {  	v35 =	vld [tilespmem:s30+$0x2080]  }
0x293: {  	v40 =	vld [tilespmem:s30+$0x12090]  }
0x294: {  	v38 =	vld [tilespmem:s30+$0x2090]  }
0x295: {  	v41 =	vld [tilespmem:s30+$0x120A0]  }
0x296: {  	[tilespmem:$0x1FA50] =	vst v63;
	v63 =	vld [tilespmem:s30+$0x2100]  }
0x297: {  	v39 =	vld [tilespmem:s30+$0x20A0]  }
0x298: {  	v43 =	vld [tilespmem:s30+$0x120B0]  }
0x299: {  	v42 =	vld [tilespmem:s30+$0x20B0]  }
0x29a: {  	v62 =	vld [tilespmem:s30+$0x120C0]  }
0x29b: {  	[tilespmem:$0x1FA60] =	vst v63;
	v63 =	vld [tilespmem:s30+$0x12110]  }
0x29c: {  	v44 =	vld [tilespmem:s30+$0x20C0]  }
0x29d: {  	v55 =	vld [tilespmem:s30+$0x120D0]  }
0x29e: {  	v45 =	vld [tilespmem:s30+$0x20D0]  }
0x29f: {  	v56 =	vld [tilespmem:s30+$0x120E0]  }
0x2a0: {  	[tilespmem:$0x1FA70] =	vst v63;
	v63 =	vld [tilespmem:s30+$0x2110]  }
0x2a1: {  	v46 =	vld [tilespmem:s30+$0x20E0]  }
0x2a2: {  	v48 =	vld [tilespmem:s30+$0x120F0]  }
0x2a3: {  	v47 =	vld [tilespmem:s30+$0x20F0]  }
0x2a4: {  	v50 =	vld [tilespmem:s30+$0x12480]  }
0x2a5: {  	[tilespmem:$0x1FA80] =	vst v63;
	v63 =	vld [tilespmem:s30+$0x12120]  }
0x2a6: {  	v49 =	vld [tilespmem:s30+$0x2480]  }
0x2a7: {  	v53 =	vld [tilespmem:s30+$0x12490]  }
0x2a8: {  	v51 =	vld [tilespmem:s30+$0x2490]  }
0x2a9: {  	v57 =	vld [tilespmem:s30+$0x124A0]  }
0x2aa: {  	[tilespmem:$0x1FA90] =	vst v63;
	v63 =	vld [tilespmem:s30+$0x2120]  }
0x2ab: {  	v54 =	vld [tilespmem:s30+$0x24A0]  }
0x2ac: {  	v59 =	vld [tilespmem:s30+$0x124B0]  }
0x2ad: {  	v58 =	vld [tilespmem:s30+$0x24B0]  }
0x2ae: {  	v0 =	vld [tilespmem:s30+$0x124D0]  }
0x2af: {  	[tilespmem:$0x1FAA0] =	vst v63;
	v63 =	vld [tilespmem:s30+$0x12130]  }
0x2b0: {  	s1 =	sshll.u32 s0, $0x7;
	v61 =	vld [tilespmem:s30+$0x124C0]  }
0x2b1: {  	s2 =	sand.u32 $0x3FFFFF80, s1;
	v60 =	vld [tilespmem:s30+$0x24C0]  }
0x2b2: {  	v2 =	vld [tilespmem:s2+$0x19000]  }
0x2b3: {  	v52 =	vld [tilespmem:s2+$0x19080];
	[tilespmem:$0x1F9F0] =	vst v0  }
0x2b4: {  	v3 =	vld [tilespmem:s2+$0x19100];
	[tilespmem:$0x1FAB0] =	vst v63  }
0x2b5: {  	v63 =	vld [tilespmem:s30+$0x12140];
	_ =	sdelay $0x4  }
0x2b6: {  	[tilespmem:$0x1FAD0] =	vst v63;
	v63 =	vld [tilespmem:s30+$0x2140];
	_ =	sdelay $0x4  }
0x2b7: {  	[tilespmem:$0x1FAE0] =	vst v63;
	v63 =	vld [tilespmem:s30+$0x12150];
	_ =	sdelay $0x4  }
0x2b8: {  	[tilespmem:$0x1FAF0] =	vst v63;
	v63 =	vld [tilespmem:s30+$0x2150];
	_ =	sdelay $0x4  }
0x2b9: {  	[tilespmem:$0x1FB00] =	vst v63;
	v63 =	vld [tilespmem:s30+$0x12160];
	_ =	sdelay $0x4  }
0x2ba: {  	[tilespmem:$0x1FB10] =	vst v63;
	v63 =	vld [tilespmem:s30+$0x2160];
	_ =	sdelay $0x4  }
0x2bb: {  	[tilespmem:$0x1FB20] =	vst v63;
	v63 =	vld [tilespmem:s30+$0x12170];
	_ =	sdelay $0x4  }
0x2bc: {  	[tilespmem:$0x1FB30] =	vst v63;
	v63 =	vld [tilespmem:s30+$0x2170];
	_ =	sdelay $0x4  }
0x2bd: {  	[tilespmem:$0x1FB40] =	vst v63;
	v63 =	vld [tilespmem:s30+$0x12500];
	_ =	sdelay $0x4  }
0x2be: {  	[tilespmem:$0x1FB50] =	vst v63;
	v63 =	vld [tilespmem:s30+$0x2500];
	_ =	sdelay $0x4  }
0x2bf: {  	[tilespmem:$0x1FB60] =	vst v63;
	v63 =	vld [tilespmem:s30+$0x12510];
	_ =	sdelay $0x4  }
0x2c0: {  	[tilespmem:$0x1FB70] =	vst v63;
	v63 =	vld [tilespmem:s30+$0x2510];
	_ =	sdelay $0x4  }
0x2c1: {  	[tilespmem:$0x1FB80] =	vst v63;
	v63 =	vld [tilespmem:s30+$0x12520];
	_ =	sdelay $0x4  }
0x2c2: {  	[tilespmem:$0x1FB90] =	vst v63;
	v63 =	vld [tilespmem:s30+$0x2520];
	_ =	sdelay $0x4  }
0x2c3: {  	[tilespmem:$0x1FBA0] =	vst v63;
	v63 =	vld [tilespmem:s30+$0x12530];
	_ =	sdelay $0x4  }
0x2c4: {  	[tilespmem:$0x1FBB0] =	vst v63;
	v63 =	vld [tilespmem:s30+$0x2530];
	_ =	sdelay $0x4  }
0x2c5: {  	[tilespmem:$0x1FBC0] =	vst v63;
	v63 =	vld [tilespmem:s30+$0x12540];
	_ =	sdelay $0x4  }
0x2c6: {  	[tilespmem:$0x1FBD0] =	vst v63;
	v63 =	vld [tilespmem:s30+$0x2540];
	_ =	sdelay $0x4  }
0x2c7: {  	[tilespmem:$0x1FBE0] =	vst v63;
	v63 =	vld [tilespmem:s30+$0x12550];
	_ =	sdelay $0x4  }
0x2c8: {  	[tilespmem:$0x1FBF0] =	vst v63;
	v63 =	vld [tilespmem:s30+$0x2550];
	_ =	sdelay $0x4  }
0x2c9: {  	[tilespmem:$0x1FC00] =	vst v63;
	v63 =	vld [tilespmem:s30+$0x12560];
	_ =	sdelay $0x4  }
0x2ca: {  	[tilespmem:$0x1FC10] =	vst v63;
	v63 =	vld [tilespmem:s30+$0x2560];
	_ =	sdelay $0x4  }
0x2cb: {  	[tilespmem:$0x1FC20] =	vst v63;
	v63 =	vld [tilespmem:s30+$0x12570];
	_ =	sdelay $0x4  }
0x2cc: {  	[tilespmem:$0x1FC30] =	vst v63;
	v63 =	vld [tilespmem:s30+$0x2570];
	_ =	sdelay $0x4  }
0x2cd: {  	[tilespmem:$0x1FC40] =	vst v63;
	v63 =	vld [tilespmem:s30+$0x12180];
	_ =	sdelay $0x4  }
0x2ce: {  	[tilespmem:$0x1FC50] =	vst v63;
	v63 =	vld [tilespmem:s30+$0x2180];
	_ =	sdelay $0x4  }
0x2cf: {  	[tilespmem:$0x1FC60] =	vst v63;
	v63 =	vld [tilespmem:s30+$0x12190];
	_ =	sdelay $0x4  }
0x2d0: {  	[tilespmem:$0x1FC70] =	vst v63;
	v63 =	vld [tilespmem:s30+$0x2190]  }
0x2d1: {  	v0 =	vld [tilespmem:s30+$0x2130]  }
0x2d2: {  	v1 =	vld [tilespmem:s2+$0x19180]  }
0x2d3: {  	v4 =	vadd.f32 v4, v8;
	v8 =	vld [tilespmem:s30+$0x2250]  }
0x2d4: {  	v12 =	vadd.f32 v12, v13;
	v13 =	vld [tilespmem:s30+$0x12260]  }
0x2d5: {  	[tilespmem:$0x1FC80] =	vst v63;
	v63 =	vld [tilespmem:s30+$0x121A0]  }
0x2d6: {  	v14 =	vadd.f32 v14, v15;
	v15 =	vld [tilespmem:s30+$0x2260]  }
0x2d7: {  	v16 =	vadd.f32 v16, v17;
	v17 =	vld [tilespmem:s30+$0x12270]  }
0x2d8: {  	v5 =	vadd.f32 v5, v9;
	v18 =	vadd.f32 v18, v19;
	v19 =	vld [tilespmem:s30+$0x2270]  }
0x2d9: {  	v6 =	vadd.f32 v6, v10;
	v20 =	vadd.f32 v20, v21;
	v21 =	vld [tilespmem:s30+$0x12600]  }
0x2da: {  	v7 =	vadd.f32 v7, v11;
	v4 =	vadd.f32 v4, v2;
	[tilespmem:$0x1FC90] =	vst v63;
	v63 =	vld [tilespmem:s30+$0x21A0]  }
0x2db: {  	v22 =	vadd.f32 v22, v23;
	v5 =	vadd.f32 v5, v2;
	v23 =	vld [tilespmem:s30+$0x2600]  }
0x2dc: {  	v24 =	vadd.f32 v24, v25;
	v6 =	vadd.f32 v6, v2;
	[tilespmem:s30+$0x16000] =	vst v4;
	v25 =	vld [tilespmem:s30+$0x12610]  }
0x2dd: {  	v26 =	vadd.f32 v26, v27;
	[tilespmem:s30+$0x16010] =	vst v5;
	v27 =	vld [tilespmem:s30+$0x2610]  }
0x2de: {  	v28 =	vadd.f32 v28, v29;
	v7 =	vadd.f32 v7, v2;
	[tilespmem:s30+$0x16020] =	vst v6;
	v29 =	vld [tilespmem:s30+$0x12620]  }
0x2df: {  	v4 =	vadd.f32 v12, v2;
	[tilespmem:$0x1FCA0] =	vst v63;
	v63 =	vld [tilespmem:s30+$0x121B0]  }
0x2e0: {  	v30 =	vadd.f32 v30, v31;
	[tilespmem:s30+$0x16030] =	vst v7;
	v5 =	vadd.f32 v14, v2;
	v31 =	vld [tilespmem:s30+$0x2620]  }
0x2e1: {  	v6 =	vadd.f32 v16, v2;
	v12 =	vadd.f32 v32, v33;
	v32 =	vld [tilespmem:s30+$0x2280];
	[tilespmem:s30+$0x16040] =	vst v4  }
0x2e2: {  	v33 =	vld [tilespmem:s30+$0x12290];
	[tilespmem:s30+$0x16050] =	vst v5  }
0x2e3: {  	v7 =	vadd.f32 v18, v2;
	v9 =	vld [tilespmem:s30+$0x22B0];
	[tilespmem:s30+$0x16060] =	vst v6  }
0x2e4: {  	v16 =	vadd.f32 v35, v37;
	v4 =	vadd.f32 v20, v2;
	[tilespmem:$0x1FCB0] =	vst v63;
	v63 =	vld [tilespmem:s30+$0x21B0]  }
0x2e5: {  	v37 =	vadd.f32 v54, v57;
	v54 =	vld [tilespmem:$0x1FA70];
	[tilespmem:s30+$0x16070] =	vst v7;
	v5 =	vadd.f32 v22, v2  }
0x2e6: {  	v57 =	vld [tilespmem:$0x1FA80];
	v6 =	vadd.f32 v24, v2;
	[tilespmem:s30+$0x16400] =	vst v4  }
0x2e7: {  	v18 =	vadd.f32 v38, v40;
	v38 =	vadd.f32 v58, v59;
	v58 =	vld [tilespmem:$0x1FA90];
	[tilespmem:s30+$0x16410] =	vst v5  }
0x2e8: {  	v59 =	vld [tilespmem:$0x1FAA0];
	v7 =	vadd.f32 v26, v2;
	[tilespmem:s30+$0x16420] =	vst v6  }
0x2e9: {  	[tilespmem:$0x1FCC0] =	vst v63;
	v63 =	vld [tilespmem:s30+$0x121C0]  }
0x2ea: {  	v40 =	vadd.f32 v60, v61;
	v61 =	vld [tilespmem:$0x1FAB0];
	[tilespmem:s30+$0x16430] =	vst v7  }
0x2eb: {  	v24 =	vadd.f32 v44, v62;
	v62 =	vld [tilespmem:s30+$0x12660];
	[tilespmem:$0x1FAC0] =	vst v0  }
0x2ec: {  	v26 =	vadd.f32 v46, v56;
	v56 =	vld [tilespmem:s30+$0x12670];
	[tilespmem:$0x1FF00] =	vst v13  }
0x2ed: {  	v20 =	vadd.f32 v39, v41;
	v39 =	vld [tilespmem:s30+$0x12280];
	[tilespmem:$0x1FF10] =	vst v15  }
0x2ee: {  	[tilespmem:$0x1FCD0] =	vst v63;
	v63 =	vld [tilespmem:s30+$0x21C0]  }
0x2ef: {  	v41 =	vld [tilespmem:$0x1F9F0];
	[tilespmem:$0x1FF20] =	vst v17  }
0x2f0: {  	v22 =	vadd.f32 v42, v43;
	v42 =	vld [tilespmem:$0x1FA00];
	[tilespmem:$0x1FF30] =	vst v19  }
0x2f1: {  	v43 =	vld [tilespmem:$0x1FA10];
	[tilespmem:$0x1FF40] =	vst v21  }
0x2f2: {  	v44 =	vld [tilespmem:$0x1FA20];
	[tilespmem:$0x1FF50] =	vst v23  }
0x2f3: {  	[tilespmem:$0x1FCE0] =	vst v63;
	v63 =	vld [tilespmem:s30+$0x121D0]  }
0x2f4: {  	v46 =	vld [tilespmem:$0x1FA40];
	[tilespmem:$0x1FF60] =	vst v25  }
0x2f5: {  	v4 =	vadd.f32 v28, v2;
	v28 =	vadd.f32 v49, v50;
	v49 =	vld [tilespmem:$0x1FA60];
	[tilespmem:$0x1FF70] =	vst v27  }
0x2f6: {  	v0 =	vld [tilespmem:s2+$0x19200];
	[tilespmem:$0x1FF80] =	vst v29  }
0x2f7: {  	v14 =	vadd.f32 v34, v36;
	v5 =	vadd.f32 v30, v2;
	v13 =	vld [tilespmem:s30+$0x12630];
	[tilespmem:s30+$0x16440] =	vst v4  }
0x2f8: {  	v6 =	vadd.f32 v12, v2;
	[tilespmem:$0x1FCF0] =	vst v63;
	v63 =	vld [tilespmem:s30+$0x21D0]  }
0x2f9: {  	v2 =	vadd.f32 v14, v2;
	v15 =	vld [tilespmem:s30+$0x2630];
	[tilespmem:s30+$0x16450] =	vst v5  }
0x2fa: {  	v17 =	vld [tilespmem:s30+$0x12640];
	[tilespmem:s30+$0x16460] =	vst v6;
	v4 =	vadd.f32 v16, v52  }
0x2fb: {  	v19 =	vld [tilespmem:s30+$0x2640];
	[tilespmem:s30+$0x16470] =	vst v2  }
0x2fc: {  	v21 =	vld [tilespmem:s30+$0x12650];
	v5 =	vadd.f32 v18, v52;
	[tilespmem:s30+$0x16080] =	vst v4  }
0x2fd: {  	v6 =	vadd.f32 v20, v52;
	[tilespmem:$0x1FD00] =	vst v63;
	v63 =	vld [tilespmem:s30+$0x121E0]  }
0x2fe: {  	v23 =	vld [tilespmem:s30+$0x2650];
	v2 =	vadd.f32 v22, v52;
	[tilespmem:s30+$0x16090] =	vst v5  }
0x2ff: {  	v25 =	vadd.f32 v45, v55;
	v55 =	vld [tilespmem:s30+$0x2660];
	[tilespmem:s30+$0x160A0] =	vst v6;
	v4 =	vadd.f32 v24, v52  }
0x300: {  	v27 =	vadd.f32 v47, v48;
	v47 =	vld [tilespmem:s30+$0x2670];
	[tilespmem:s30+$0x160B0] =	vst v2  }
0x301: {  	v45 =	vld [tilespmem:$0x1FA30];
	v5 =	vadd.f32 v25, v52;
	[tilespmem:s30+$0x160C0] =	vst v4  }
0x302: {  	v6 =	vadd.f32 v26, v52;
	[tilespmem:$0x1FD10] =	vst v63;
	v63 =	vld [tilespmem:s30+$0x21E0]  }
0x303: {  	v48 =	vld [tilespmem:$0x1FA50];
	v7 =	vadd.f32 v27, v52;
	[tilespmem:s30+$0x160D0] =	vst v5  }
0x304: {  	v12 =	vld [tilespmem:$0x1FAC0];
	[tilespmem:s30+$0x160E0] =	vst v6  }
0x305: {  	v32 =	vadd.f32 v32, v39;
	v39 =	vld [tilespmem:s30+$0x12730];
	[tilespmem:s30+$0x160F0] =	vst v7  }
0x306: {  	v2 =	vld [tilespmem:s2+$0x19280];
	[tilespmem:$0x1FFA0] =	vst v13  }
0x307: {  	v29 =	vadd.f32 v51, v53;
	[tilespmem:$0x1FD20] =	vst v63;
	v63 =	vld [tilespmem:s30+$0x121F0]  }
0x308: {  	v26 =	vld [tilespmem:s30+$0x2290];
	v4 =	vadd.f32 v28, v52;
	[tilespmem:$0x1FFB0] =	vst v15  }
0x309: {  	v24 =	vld [tilespmem:s30+$0x122A0];
	v5 =	vadd.f32 v29, v52;
	[tilespmem:$0x1FFC0] =	vst v17  }
0x30a: {  	v17 =	vld [tilespmem:s30+$0x22A0];
	[tilespmem:s30+$0x16480] =	vst v4  }
0x30b: {  	v6 =	vadd.f32 v37, v52;
	v15 =	vld [tilespmem:s30+$0x122B0];
	[tilespmem:s30+$0x16490] =	vst v5  }
0x30c: {  	v7 =	vadd.f32 v38, v52;
	v5 =	vadd.f32 v42, v41;
	[tilespmem:$0x1FD30] =	vst v63;
	v63 =	vld [tilespmem:s30+$0x21F0]  }
0x30d: {  	v13 =	vld [tilespmem:$0x1FAD0];
	[tilespmem:s30+$0x164A0] =	vst v6;
	v6 =	vadd.f32 v44, v43;
	v4 =	vadd.f32 v40, v52  }
0x30e: {  	[tilespmem:s30+$0x164B0] =	vst v7;
	v7 =	vadd.f32 v46, v45;
	v14 =	vld [tilespmem:$0x1FAE0];
	v26 =	vadd.f32 v26, v33  }
0x30f: {  	v33 =	vld [tilespmem:s30+$0x2730];
	v5 =	vadd.f32 v5, v52;
	[tilespmem:s30+$0x164C0] =	vst v4;
	v4 =	vadd.f32 v49, v48  }
0x310: {  	v6 =	vadd.f32 v6, v52;
	v50 =	vadd.f32 v7, v52;
	v52 =	vld [tilespmem:s30+$0x122C0]  }
0x311: {  	[tilespmem:$0x1FD40] =	vst v63;
	v63 =	vld [tilespmem:s30+$0x12580]  }
0x312: {  	v60 =	vadd.f32 v4, v3;
	v4 =	vld [tilespmem:s30+$0x22C0]  }
0x313: {  	[tilespmem:s30+$0x164D0] =	vst v5;
	v5 =	vld [tilespmem:s30+$0x122D0]  }
0x314: {  	v17 =	vadd.f32 v17, v24;
	v24 =	vld [tilespmem:s30+$0x12740]  }
0x315: {  	[tilespmem:s30+$0x164E0] =	vst v6;
	v9 =	vadd.f32 v9, v15;
	v15 =	vld [tilespmem:s30+$0x2740]  }
0x316: {  	v6 =	vadd.f32 v59, v58;
	[tilespmem:$0x1FD50] =	vst v63;
	v63 =	vld [tilespmem:s30+$0x2580]  }
0x317: {  	[tilespmem:$0x1FEF0] =	vst v8;
	v8 =	vadd.f32 v14, v13;
	v18 =	vld [tilespmem:$0x1FAF0]  }
0x318: {  	v16 =	vadd.f32 v6, v3;
	v6 =	vld [tilespmem:s30+$0x22D0]  }
0x319: {  	v22 =	vadd.f32 v8, v3;
	v8 =	vld [tilespmem:s30+$0x22E0]  }
0x31a: {  	v20 =	vld [tilespmem:$0x1FB10]  }
0x31b: {  	[tilespmem:$0x1FD60] =	vst v63;
	v63 =	vld [tilespmem:s30+$0x12590]  }
0x31c: {  	[tilespmem:$0x1FFE0] =	vst v21;
	v21 =	vld [tilespmem:$0x1FB20]  }
0x31d: {  	[tilespmem:$0x1FFD0] =	vst v19;
	v19 =	vld [tilespmem:$0x1FB00]  }
0x31e: {  	v5 =	vadd.f32 v6, v5;
	v6 =	vld [tilespmem:s30+$0x2750]  }
0x31f: {  	v27 =	vld [tilespmem:$0x1FB50]  }
0x320: {  	[tilespmem:$0x1FD70] =	vst v63;
	v63 =	vld [tilespmem:s30+$0x2590]  }
0x321: {  	v11 =	vadd.f32 v21, v20;
	v28 =	vld [tilespmem:$0x1FB60]  }
0x322: {  	[tilespmem:$0x1FFF0] =	vst v23;
	v23 =	vld [tilespmem:$0x1FB30]  }
0x323: {  	v29 =	vadd.f32 v11, v3;
	v11 =	vld [tilespmem:s30+$0x22F0]  }
0x324: {  	v25 =	vld [tilespmem:$0x1FB40]  }
0x325: {  	[tilespmem:$0x1FD80] =	vst v63;
	v63 =	vld [tilespmem:s30+$0x125A0]  }
0x326: {  	v13 =	vadd.f32 v28, v27;
	v30 =	vld [tilespmem:$0x1FB70]  }
0x327: {  	v28 =	vld [tilespmem:s30+$0x126E0]  }
0x328: {  	v36 =	vadd.f32 v13, v3;
	v13 =	vld [tilespmem:s30+$0x2680]  }
0x329: {  	[tilespmem:$0x1FF90] =	vst v31;
	v31 =	vld [tilespmem:$0x1FB80]  }
0x32a: {  	[tilespmem:$0x1FD90] =	vst v63;
	v63 =	vld [tilespmem:s30+$0x25A0]  }
0x32b: {  	v40 =	vld [tilespmem:$0x1FBD0]  }
0x32c: {  	v41 =	vld [tilespmem:$0x1FBE0]  }
0x32d: {  	v34 =	vld [tilespmem:$0x1FB90]  }
0x32e: {  	v35 =	vld [tilespmem:$0x1FBA0]  }
0x32f: {  	[tilespmem:$0x1FDA0] =	vst v63;
	v63 =	vld [tilespmem:s30+$0x125B0]  }
0x330: {  	v10 =	vadd.f32 v12, v61;
	v37 =	vld [tilespmem:$0x1FBB0]  }
0x331: {  	v12 =	vadd.f32 v19, v18;
	v38 =	vld [tilespmem:$0x1FBC0];
	v19 =	vadd.f32 v41, v40  }
0x332: {  	v43 =	vld [tilespmem:$0x1FBF0]  }
0x333: {  	v7 =	vadd.f32 v57, v54;
	v48 =	vadd.f32 v19, v3;
	v19 =	vld [tilespmem:s30+$0x26A0]  }
0x334: {  	[tilespmem:$0x1FDB0] =	vst v63;
	v63 =	vld [tilespmem:s30+$0x25B0]  }
0x335: {  	v7 =	vadd.f32 v7, v3;
	v44 =	vld [tilespmem:$0x1FC00]  }
0x336: {  	v45 =	vld [tilespmem:$0x1FC10]  }
0x337: {  	v46 =	vld [tilespmem:$0x1FC20];
	[tilespmem:s30+$0x16110] =	vst v7  }
0x338: {  	v10 =	vadd.f32 v10, v3;
	v14 =	vadd.f32 v25, v23;
	v7 =	vld [tilespmem:s30+$0x122E0];
	[tilespmem:s30+$0x16120] =	vst v16  }
0x339: {  	v12 =	vadd.f32 v12, v3;
	v18 =	vadd.f32 v31, v30;
	[tilespmem:$0x1FDC0] =	vst v63;
	v63 =	vld [tilespmem:s30+$0x125C0]  }
0x33a: {  	v14 =	vadd.f32 v14, v3;
	[tilespmem:s30+$0x16130] =	vst v10;
	v10 =	vld [tilespmem:s30+$0x122F0]  }
0x33b: {  	v18 =	vadd.f32 v18, v3;
	v20 =	vadd.f32 v38, v37;
	[tilespmem:s30+$0x16150] =	vst v12;
	v12 =	vld [tilespmem:s30+$0x12680]  }
0x33c: {  	[tilespmem:s30+$0x16170] =	vst v14;
	v14 =	vld [tilespmem:s30+$0x12690]  }
0x33d: {  	v20 =	vadd.f32 v20, v3;
	[tilespmem:s30+$0x16510] =	vst v18;
	v18 =	vld [tilespmem:s30+$0x126A0]  }
0x33e: {  	[tilespmem:$0x1FDD0] =	vst v63;
	v63 =	vld [tilespmem:s30+$0x25C0]  }
0x33f: {  	[tilespmem:s30+$0x16530] =	vst v20;
	v20 =	vld [tilespmem:s30+$0x126B0]  }
0x340: {  	[tilespmem:s30+$0x16160] =	vst v29;
	v16 =	vadd.f32 v35, v34;
	v29 =	vld [tilespmem:s30+$0x26E0]  }
0x341: {  	[tilespmem:s30+$0x16140] =	vst v22;
	v22 =	vadd.f32 v44, v43;
	v49 =	vld [tilespmem:$0x1FC30]  }
0x342: {  	v21 =	vadd.f32 v46, v45;
	v42 =	vadd.f32 v16, v3;
	v16 =	vld [tilespmem:s30+$0x2690]  }
0x343: {  	v22 =	vadd.f32 v22, v3;
	[tilespmem:$0x1FDE0] =	vst v63;
	v63 =	vld [tilespmem:s30+$0x125D0]  }
0x344: {  	v54 =	vadd.f32 v21, v3;
	v21 =	vld [tilespmem:s30+$0x26B0]  }
0x345: {  	[tilespmem:s30+$0x16550] =	vst v22;
	v22 =	vld [tilespmem:s30+$0x126C0]  }
0x346: {  	v47 =	vadd.f32 v47, v56;
	v7 =	vadd.f32 v8, v7;
	v8 =	vld [tilespmem:s30+$0x12760]  }
0x347: {  	v32 =	vadd.f32 v32, v2;
	v56 =	vadd.f32 v11, v10;
	v10 =	vld [tilespmem:s30+$0x12770]  }
0x348: {  	[tilespmem:$0x1FDF0] =	vst v63;
	v63 =	vld [tilespmem:s30+$0x25D0]  }
0x349: {  	[tilespmem:s30+$0x16280] =	vst v32;
	v32 =	vadd.f32 v19, v18;
	v18 =	vld [tilespmem:s30+$0x123A0]  }
0x34a: {  	v19 =	vld [tilespmem:s30+$0x23A0]  }
0x34b: {  	v11 =	vld [tilespmem:s30+$0x123B0]  }
0x34c: {  	[tilespmem:s30+$0x164F0] =	vst v50;
	v50 =	vld [tilespmem:$0x1FC40]  }
0x34d: {  	[tilespmem:$0x1FE00] =	vst v63;
	v63 =	vld [tilespmem:s30+$0x125E0]  }
0x34e: {  	v51 =	vld [tilespmem:$0x1FC50]  }
0x34f: {  	v53 =	vld [tilespmem:$0x1FC60]  }
0x350: {  	v57 =	vld [tilespmem:$0x1FC70]  }
0x351: {  	v4 =	vadd.f32 v4, v52;
	v58 =	vld [tilespmem:$0x1FC80]  }
0x352: {  	v52 =	vadd.f32 v5, v2;
	v5 =	vadd.f32 v56, v2;
	[tilespmem:$0x1FE10] =	vst v63;
	v63 =	vld [tilespmem:s30+$0x25E0]  }
0x353: {  	v16 =	vadd.f32 v16, v14;
	v14 =	vld [tilespmem:s30+$0x2380]  }
0x354: {  	[tilespmem:s30+$0x162F0] =	vst v5;
	v5 =	vld [tilespmem:s30+$0x123C0]  }
0x355: {  	v25 =	vadd.f32 v50, v49;
	v59 =	vld [tilespmem:$0x1FC90]  }
0x356: {  	[tilespmem:s30+$0x16100] =	vst v60;
	v23 =	vadd.f32 v53, v51;
	v60 =	vld [tilespmem:$0x1FCA0]  }
0x357: {  	v3 =	vadd.f32 v25, v3;
	v25 =	vadd.f32 v58, v57;
	[tilespmem:$0x1FE20] =	vst v63;
	v63 =	vld [tilespmem:s30+$0x125F0]  }
0x358: {  	v61 =	vadd.f32 v23, v1;
	v23 =	vld [tilespmem:s30+$0x26C0]  }
0x359: {  	[tilespmem:s30+$0x16500] =	vst v36;
	v36 =	vadd.f32 v25, v1;
	v25 =	vld [tilespmem:s30+$0x126D0]  }
0x35a: {  	v34 =	vld [tilespmem:$0x1FCB0]  }
0x35b: {  	v37 =	vld [tilespmem:$0x1FCD0]  }
0x35c: {  	v27 =	vadd.f32 v60, v59;
	[tilespmem:$0x1FE30] =	vst v63;
	v63 =	vld [tilespmem:s30+$0x25F0]  }
0x35d: {  	v38 =	vld [tilespmem:$0x1FCE0]  }
0x35e: {  	v40 =	vadd.f32 v27, v1;
	v27 =	vld [tilespmem:s30+$0x26D0]  }
0x35f: {  	v44 =	vld [tilespmem:$0x1FD10]  }
0x360: {  	v45 =	vld [tilespmem:$0x1FD20]  }
0x361: {  	[tilespmem:$0x1FE40] =	vst v63;
	v63 =	vld [tilespmem:s30+$0x12200]  }
0x362: {  	v35 =	vld [tilespmem:$0x1FCC0];
	v30 =	vadd.f32 v38, v37  }
0x363: {  	v41 =	vld [tilespmem:$0x1FCF0]  }
0x364: {  	v46 =	vadd.f32 v30, v1;
	v30 =	vld [tilespmem:s30+$0x126F0]  }
0x365: {  	[tilespmem:s30+$0x16520] =	vst v42;
	v42 =	vld [tilespmem:$0x1FD00]  }
0x366: {  	v31 =	vadd.f32 v45, v44;
	[tilespmem:$0x1FE50] =	vst v63;
	v63 =	vld [tilespmem:s30+$0x2200]  }
0x367: {  	[tilespmem:s30+$0x16540] =	vst v48;
	v48 =	vld [tilespmem:$0x1FD30]  }
0x368: {  	v53 =	vadd.f32 v31, v1;
	v31 =	vld [tilespmem:s30+$0x26F0]  }
0x369: {  	v49 =	vld [tilespmem:$0x1FD40]  }
0x36a: {  	v50 =	vld [tilespmem:$0x1FD50]  }
0x36b: {  	[tilespmem:$0x1FE60] =	vst v63;
	v63 =	vld [tilespmem:s30+$0x12210]  }
0x36c: {  	v51 =	vld [tilespmem:$0x1FD60]  }
0x36d: {  	[tilespmem:s30+$0x16560] =	vst v54;
	v54 =	vld [tilespmem:$0x1FD70]  }
0x36e: {  	v57 =	vld [tilespmem:$0x1FD80]  }
0x36f: {  	v59 =	vld [tilespmem:$0x1FD90]  }
0x370: {  	[tilespmem:$0x1FE70] =	vst v63;
	v63 =	vld [tilespmem:s30+$0x2210]  }
0x371: {  	v60 =	vld [tilespmem:$0x1FDA0]  }
0x372: {  	v44 =	vld [tilespmem:$0x1FDB0]  }
0x373: {  	v45 =	vld [tilespmem:$0x1FDC0]  }
0x374: {  	[tilespmem:s30+$0x16570] =	vst v3;
	v3 =	vadd.f32 v35, v34;
	v35 =	vadd.f32 v51, v50;
	v50 =	vld [tilespmem:$0x1FDF0]  }
0x375: {  	v43 =	vadd.f32 v42, v41;
	[tilespmem:$0x1FE80] =	vst v63;
	v63 =	vld [tilespmem:s30+$0x12220]  }
0x376: {  	v51 =	vld [tilespmem:$0x1FE00]  }
0x377: {  	v34 =	vadd.f32 v43, v1;
	v37 =	vadd.f32 v57, v54;
	v54 =	vld [tilespmem:$0x1FE10]  }
0x378: {  	v57 =	vld [tilespmem:$0x1FE20]  }
0x379: {  	[tilespmem:s30+$0x161D0] =	vst v34;
	v34 =	vld [tilespmem:s30+$0x12300]  }
0x37a: {  	[tilespmem:$0x1FE90] =	vst v63;
	v63 =	vld [tilespmem:s30+$0x2220]  }
0x37b: {  	v3 =	vadd.f32 v3, v1;
	[tilespmem:s30+$0x16180] =	vst v61;
	v61 =	vadd.f32 v35, v1;
	v35 =	vld [tilespmem:s30+$0x2300]  }
0x37c: {  	v37 =	vadd.f32 v37, v1;
	[tilespmem:s30+$0x161C0] =	vst v46;
	v46 =	vld [tilespmem:$0x1FDD0]  }
0x37d: {  	v42 =	vadd.f32 v51, v50;
	[tilespmem:s30+$0x161B0] =	vst v3;
	v3 =	vadd.f32 v49, v48;
	v48 =	vld [tilespmem:$0x1FDE0]  }
0x37e: {  	v38 =	vadd.f32 v45, v44;
	[tilespmem:s30+$0x16590] =	vst v37;
	v37 =	vld [tilespmem:s30+$0x2310]  }
0x37f: {  	v42 =	vadd.f32 v42, v1;
	[tilespmem:$0x1FEA0] =	vst v63;
	v63 =	vld [tilespmem:s30+$0x12230]  }
0x380: {  	[tilespmem:s30+$0x161E0] =	vst v53;
	v53 =	vadd.f32 v38, v1;
	v38 =	vld [tilespmem:s30+$0x12320]  }
0x381: {  	[tilespmem:s30+$0x165D0] =	vst v42;
	v42 =	vld [tilespmem:s30+$0x12340]  }
0x382: {  	[tilespmem:s30+$0x16190] =	vst v36;
	v36 =	vadd.f32 v60, v59;
	v59 =	vld [tilespmem:$0x1FE30]  }
0x383: {  	v58 =	vadd.f32 v3, v1;
	v3 =	vld [tilespmem:s2+$0x19300]  }
0x384: {  	[tilespmem:$0x1FEB0] =	vst v63;
	v63 =	vld [tilespmem:s30+$0x2230]  }
0x385: {  	v41 =	vadd.f32 v57, v54;
	v49 =	vadd.f32 v36, v1;
	v36 =	vld [tilespmem:s30+$0x12310]  }
0x386: {  	[tilespmem:s30+$0x161A0] =	vst v40;
	v40 =	vadd.f32 v48, v46;
	v60 =	vld [tilespmem:$0x1FE40]  }
0x387: {  	[tilespmem:s30+$0x165A0] =	vst v49;
	v49 =	vadd.f32 v41, v1;
	v41 =	vld [tilespmem:s30+$0x12330]  }
0x388: {  	[tilespmem:s30+$0x161F0] =	vst v58;
	v58 =	vadd.f32 v40, v1;
	v40 =	vld [tilespmem:s30+$0x2320]  }
0x389: {  	[tilespmem:$0x1FEC0] =	vst v63;
	v63 =	vld [tilespmem:s30+$0x12240]  }
0x38a: {  	v50 =	vld [tilespmem:$0x1FE70]  }
0x38b: {  	v43 =	vadd.f32 v60, v59;
	v51 =	vld [tilespmem:$0x1FE80]  }
0x38c: {  	[tilespmem:s30+$0x16580] =	vst v61;
	v61 =	vld [tilespmem:$0x1FE50]  }
0x38d: {  	v43 =	vadd.f32 v43, v1;
	v1 =	vld [tilespmem:s30+$0x2330]  }
0x38e: {  	[tilespmem:$0x1FED0] =	vst v63;
	v63 =	vld [tilespmem:s30+$0x2240]  }
0x38f: {  	v48 =	vld [tilespmem:$0x1FE60]  }
0x390: {  	[tilespmem:s30+$0x165B0] =	vst v53;
	v53 =	vadd.f32 v51, v50;
	v54 =	vld [tilespmem:$0x1FE90]  }
0x391: {  	v50 =	vld [tilespmem:s30+$0x2350]  }
0x392: {  	v46 =	vadd.f32 v53, v0;
	v53 =	vld [tilespmem:$0x1FEF0]  }
0x393: {  	v60 =	vld [tilespmem:$0x1FED0];
	[tilespmem:$0x1FEE0] =	vst v63  }
0x394: {  	v44 =	vadd.f32 v48, v61;
	v61 =	vld [tilespmem:$0x1FEE0]  }
0x395: {  	v57 =	vld [tilespmem:$0x1FEA0]  }
0x396: {  	[tilespmem:s30+$0x165C0] =	vst v58;
	v58 =	vld [tilespmem:$0x1FEB0]  }
0x397: {  	v59 =	vld [tilespmem:$0x1FEC0]  }
0x398: {  	v63 =	vld [tilespmem:s30+$0x12250]  }
0x399: {  	[tilespmem:s30+$0x165E0] =	vst v49;
	v49 =	vadd.f32 v61, v60;
	v60 =	vld [tilespmem:$0x1FF40]  }
0x39a: {  	v61 =	vld [tilespmem:$0x1FF50]  }
0x39b: {  	v45 =	vadd.f32 v57, v54;
	v54 =	vld [tilespmem:$0x1FF00]  }
0x39c: {  	v48 =	vadd.f32 v59, v58;
	v58 =	vld [tilespmem:$0x1FF20]  }
0x39d: {  	v59 =	vld [tilespmem:$0x1FF30];
	v49 =	vadd.f32 v49, v0  }
0x39e: {  	v17 =	vadd.f32 v17, v2;
	[tilespmem:s30+$0x16210] =	vst v46;
	v46 =	vadd.f32 v53, v63;
	v63 =	vld [tilespmem:$0x1FF60]  }
0x39f: {  	v44 =	vadd.f32 v44, v0;
	[tilespmem:s30+$0x16240] =	vst v49;
	v49 =	vadd.f32 v61, v60;
	v60 =	vld [tilespmem:$0x1FF70]  }
0x3a0: {  	[tilespmem:s30+$0x162A0] =	vst v17;
	v57 =	vld [tilespmem:$0x1FF10];
	v48 =	vadd.f32 v48, v0  }
0x3a1: {  	v4 =	vadd.f32 v4, v2;
	[tilespmem:s30+$0x16200] =	vst v44;
	v44 =	vld [tilespmem:s30+$0x12350]  }
0x3a2: {  	[tilespmem:s30+$0x16230] =	vst v48;
	v48 =	vadd.f32 v59, v58;
	v58 =	vld [tilespmem:s30+$0x12700];
	v46 =	vadd.f32 v46, v0  }
0x3a3: {  	[tilespmem:s30+$0x162C0] =	vst v4;
	v56 =	vadd.f32 v27, v25;
	v45 =	vadd.f32 v45, v0;
	v61 =	vld [tilespmem:$0x1FF80]  }
0x3a4: {  	v1 =	vadd.f32 v1, v41;
	[tilespmem:s30+$0x16250] =	vst v46;
	v46 =	vadd.f32 v60, v63;
	v63 =	vld [tilespmem:$0x1FF90]  }
0x3a5: {  	v25 =	vadd.f32 v35, v34;
	[tilespmem:s30+$0x16220] =	vst v45;
	v45 =	vadd.f32 v57, v54;
	v59 =	vld [tilespmem:s30+$0x2700]  }
0x3a6: {  	[tilespmem:s30+$0x165F0] =	vst v43;
	v43 =	vld [tilespmem:s30+$0x2340];
	v1 =	vadd.f32 v1, v3;
	v34 =	vadd.f32 v50, v44  }
0x3a7: {  	[tilespmem:s30+$0x162D0] =	vst v52;
	v27 =	vadd.f32 v37, v36;
	v51 =	vld [tilespmem:s30+$0x12360];
	v45 =	vadd.f32 v45, v0  }
0x3a8: {  	[tilespmem:s30+$0x16330] =	vst v1;
	v48 =	vadd.f32 v48, v0;
	v37 =	vadd.f32 v34, v3;
	v60 =	vld [tilespmem:$0x1FFA0]  }
0x3a9: {  	[tilespmem:s30+$0x16260] =	vst v45;
	v45 =	vadd.f32 v63, v61;
	v61 =	vld [tilespmem:$0x1FFB0];
	v63 =	vadd.f32 v55, v62  }
0x3aa: {  	v53 =	vld [tilespmem:s30+$0x2360];
	[tilespmem:s30+$0x16270] =	vst v48;
	v41 =	vadd.f32 v59, v58;
	v49 =	vadd.f32 v49, v0  }
0x3ab: {  	v54 =	vld [tilespmem:s30+$0x12370];
	[tilespmem:s30+$0x16350] =	vst v37;
	v63 =	vadd.f32 v63, v0  }
0x3ac: {  	v57 =	vld [tilespmem:s30+$0x2370];
	v44 =	vadd.f32 v41, v3;
	[tilespmem:s30+$0x16600] =	vst v49  }
0x3ad: {  	v49 =	vld [tilespmem:$0x1FFC0];
	v46 =	vadd.f32 v46, v0;
	[tilespmem:s30+$0x16660] =	vst v63;
	v63 =	vadd.f32 v13, v12  }
0x3ae: {  	[tilespmem:s30+$0x16700] =	vst v44;
	v45 =	vadd.f32 v45, v0;
	v48 =	vadd.f32 v61, v60;
	v60 =	vld [tilespmem:$0x1FFD0]  }
0x3af: {  	v36 =	vadd.f32 v53, v51;
	[tilespmem:s30+$0x16610] =	vst v46;
	v61 =	vld [tilespmem:$0x1FFF0];
	v17 =	vadd.f32 v63, v2  }
0x3b0: {  	[tilespmem:s30+$0x16620] =	vst v45;
	v63 =	vadd.f32 v29, v28;
	v46 =	vadd.f32 v48, v0;
	v48 =	vld [tilespmem:$0x1FFE0]  }
0x3b1: {  	v50 =	vld [tilespmem:s30+$0x2780];
	v28 =	vadd.f32 v25, v3;
	v29 =	vadd.f32 v40, v38;
	[tilespmem:s30+$0x16680] =	vst v17  }
0x3b2: {  	v59 =	vld [tilespmem:s30+$0x127A0];
	v40 =	vadd.f32 v36, v3;
	[tilespmem:s30+$0x16630] =	vst v46;
	v46 =	vadd.f32 v21, v20  }
0x3b3: {  	v41 =	vld [tilespmem:s30+$0x127D0];
	[tilespmem:s30+$0x16300] =	vst v28;
	v21 =	vadd.f32 v56, v2;
	v49 =	vadd.f32 v60, v49  }
0x3b4: {  	v53 =	vld [tilespmem:s30+$0x12790];
	[tilespmem:s30+$0x16360] =	vst v40;
	v52 =	vadd.f32 v46, v2  }
0x3b5: {  	v12 =	vld [tilespmem:s30+$0x2770];
	[tilespmem:s30+$0x166D0] =	vst v21;
	v48 =	vadd.f32 v61, v48;
	v45 =	vadd.f32 v49, v0  }
0x3b6: {  	v44 =	vld [tilespmem:s30+$0x27D0];
	v49 =	vadd.f32 v9, v2;
	[tilespmem:s30+$0x166B0] =	vst v52  }
0x3b7: {  	v55 =	vld [tilespmem:s30+$0x12720];
	v62 =	vadd.f32 v48, v0;
	[tilespmem:s30+$0x16640] =	vst v45  }
0x3b8: {  	v13 =	vld [tilespmem:s30+$0x12380];
	v0 =	vadd.f32 v47, v0;
	[tilespmem:s30+$0x162B0] =	vst v49  }
0x3b9: {  	v25 =	vld [tilespmem:s30+$0x123E0];
	v47 =	vadd.f32 v26, v2;
	[tilespmem:s30+$0x16650] =	vst v62  }
0x3ba: {  	v36 =	vld [tilespmem:s30+$0x127C0];
	v58 =	vadd.f32 v12, v10;
	v45 =	vadd.f32 v16, v2;
	[tilespmem:s30+$0x16670] =	vst v0  }
0x3bb: {  	v17 =	vld [tilespmem:s30+$0x2390];
	v49 =	vadd.f32 v23, v22;
	v23 =	vadd.f32 v63, v2;
	[tilespmem:s30+$0x16290] =	vst v47  }
0x3bc: {  	v28 =	vld [tilespmem:s30+$0x123F0];
	v22 =	vadd.f32 v31, v30;
	v30 =	vadd.f32 v27, v3;
	[tilespmem:s30+$0x16690] =	vst v45  }
0x3bd: {  	v60 =	vld [tilespmem:s30+$0x12710];
	v31 =	vadd.f32 v29, v3;
	[tilespmem:s30+$0x166E0] =	vst v23  }
0x3be: {  	v61 =	vld [tilespmem:s30+$0x2710];
	v63 =	vadd.f32 v58, v3;
	[tilespmem:s30+$0x16310] =	vst v30  }
0x3bf: {  	v38 =	vadd.f32 v57, v54;
	v20 =	vld [tilespmem:s30+$0x23B0];
	v62 =	vadd.f32 v7, v2;
	[tilespmem:s30+$0x16320] =	vst v31  }
0x3c0: {  	v56 =	vld [tilespmem:s30+$0x2790];
	v47 =	vadd.f32 v32, v2;
	[tilespmem:s30+$0x16770] =	vst v63  }
0x3c1: {  	v48 =	vld [tilespmem:s30+$0x2720];
	v32 =	vadd.f32 v43, v42;
	v42 =	vadd.f32 v38, v3;
	[tilespmem:s30+$0x162E0] =	vst v62  }
0x3c2: {  	v26 =	vld [tilespmem:s30+$0x12750];
	[tilespmem:s30+$0x166A0] =	vst v47;
	v62 =	vadd.f32 v49, v2  }
0x3c3: {  	v9 =	vld [tilespmem:s30+$0x2760];
	v43 =	vadd.f32 v61, v60;
	v2 =	vadd.f32 v22, v2;
	[tilespmem:s30+$0x16370] =	vst v42  }
0x3c4: {  	v21 =	vld [tilespmem:s30+$0x23C0];
	v35 =	vadd.f32 v32, v3;
	v47 =	vadd.f32 v33, v39;
	[tilespmem:s30+$0x166C0] =	vst v62  }
0x3c5: {  	v16 =	vld [tilespmem:s30+$0x12390];
	v49 =	vadd.f32 v15, v24;
	v46 =	vadd.f32 v43, v3;
	[tilespmem:s30+$0x166F0] =	vst v2  }
0x3c6: {  	v0 =	vld [tilespmem:s2+$0x19380];
	v45 =	vadd.f32 v48, v55;
	[tilespmem:s30+$0x16340] =	vst v35;
	v51 =	vadd.f32 v47, v3  }
0x3c7: {  	v27 =	vld [tilespmem:s30+$0x23E0];
	v52 =	vadd.f32 v6, v26;
	v54 =	vadd.f32 v49, v3;
	[tilespmem:s30+$0x16710] =	vst v46  }
0x3c8: {  	v29 =	vld [tilespmem:s30+$0x23F0];
	v55 =	vadd.f32 v9, v8;
	v48 =	vadd.f32 v45, v3;
	[tilespmem:s30+$0x16730] =	vst v51  }
0x3c9: {  	v23 =	vld [tilespmem:s30+$0x23D0];
	v61 =	vadd.f32 v14, v13;
	v57 =	vadd.f32 v52, v3;
	[tilespmem:s30+$0x16740] =	vst v54  }
0x3ca: {  	v30 =	vld [tilespmem:s30+$0x12780];
	v24 =	vadd.f32 v17, v16;
	v60 =	vadd.f32 v55, v3;
	[tilespmem:s30+$0x16720] =	vst v48  }
0x3cb: {  	v38 =	vld [tilespmem:s30+$0x27C0];
	v32 =	vadd.f32 v19, v18;
	v31 =	vadd.f32 v61, v0;
	[tilespmem:s30+$0x16750] =	vst v57  }
0x3cc: {  	v5 =	vadd.f32 v21, v5;
	v22 =	vld [tilespmem:s30+$0x123D0];
	v34 =	vadd.f32 v24, v0;
	[tilespmem:s30+$0x16760] =	vst v60  }
0x3cd: {  	v33 =	vld [tilespmem:s30+$0x27B0];
	v35 =	vadd.f32 v20, v11;
	v37 =	vadd.f32 v32, v0;
	[tilespmem:s30+$0x16380] =	vst v31  }
0x3ce: {  	v26 =	vld [tilespmem:s30+$0x127B0];
	v43 =	vadd.f32 v27, v25;
	v42 =	vadd.f32 v5, v0;
	[tilespmem:s30+$0x16390] =	vst v34  }
0x3cf: {  	v62 =	vld [tilespmem:s30+$0x27A0];
	v46 =	vadd.f32 v29, v28;
	v39 =	vadd.f32 v35, v0;
	[tilespmem:s30+$0x163A0] =	vst v37  }
0x3d0: {  	v47 =	vld [tilespmem:s30+$0x127E0];
	v49 =	vadd.f32 v50, v30;
	[tilespmem:s30+$0x163C0] =	vst v42;
	v48 =	vadd.f32 v43, v0  }
0x3d1: {  	v50 =	vld [tilespmem:s30+$0x27E0];
	v52 =	vadd.f32 v56, v53;
	v51 =	vadd.f32 v46, v0;
	[tilespmem:s30+$0x163B0] =	vst v39  }
0x3d2: {  	v53 =	vld [tilespmem:s30+$0x127F0];
	v58 =	vadd.f32 v38, v36;
	v54 =	vadd.f32 v49, v0;
	[tilespmem:s30+$0x163E0] =	vst v48  }
0x3d3: {  	v56 =	vld [tilespmem:s30+$0x27F0];
	v40 =	vadd.f32 v23, v22;
	v2 =	vadd.f32 v52, v0;
	[tilespmem:s30+$0x163F0] =	vst v51  }
0x3d4: {  	v60 =	vadd.f32 v44, v41;
	v3 =	vadd.f32 v58, v0;
	[tilespmem:s30+$0x16780] =	vst v54  }
0x3d5: {  	v57 =	vadd.f32 v33, v26;
	v45 =	vadd.f32 v40, v0;
	[tilespmem:s30+$0x16790] =	vst v2  }
0x3d6: {  	v55 =	vadd.f32 v62, v59;
	v2 =	vadd.f32 v60, v0;
	[tilespmem:s30+$0x167C0] =	vst v3  }
0x3d7: {  	p0 =	slt.u32 s0, $0x18;
	v1 =	vadd.f32 v57, v0;
	v61 =	vadd.f32 v50, v47;
	[tilespmem:s30+$0x163D0] =	vst v45  }
.Ltmp1:
0x3d8: {  	v62 =	vadd.f32 v56, v53;
	v59 =	vadd.f32 v55, v0;
	[tilespmem:s30+$0x167D0] =	vst v2;
	(pc) =	sbr.rel @p0 .LBB2_4-.Ltmp1, $4  }
0x3d9: {  	[tilespmem:s30+$0x167B0] =	vst v1;
	v63 =	vadd.f32 v61, v0  }
0x3da: {  	v0 =	vadd.f32 v62, v0;
	[tilespmem:s30+$0x167A0] =	vst v59  }
0x3db: {  	s31 =	sadd.s32 $0x8, s0;
	[tilespmem:s30+$0x167E0] =	vst v63  }
0x3dc: {  	s0 =	smov.u32 s31;
	[tilespmem:s30+$0x167F0] =	vst v0  }
0x3dd: {  	s0 =	sld [smem:$0x7F3]  }
0x3de: {  	s24 =	sld [smem:$0x7F4]  }
0x3df: {  	s31 =	sld [smem:$0x7F5]  }
0x3e0: {  	s15 =	sld [smem:$0x7F9]  }
0x3e1: {  	s14 =	simm.s32 $0x0;
	s16 =	sld [smem:$0x7FA]  }
0x3e2: {  	s28 =	simm.s32 $0x16000;
	s22 =	simm.s32 $0x12000;
	s18 =	sld [smem:$0x7FC]  }
0x3e3: {  	[hbm4b:s0+s14] =	stream.linear.scatter [tilespmem:s28], [sflag:$0x4], $0x2000, $0x38;
	[tilespmem:$0x1A000] =	vst v63  }
0x3e4: {  	s23 =	simm.s32 $0x19000;
	s1 =	simm.s32 $0x1;
	s19 =	sld [smem:$0x7FD]  }
0x3e5: {  	[tilespmem:s22], [sflag:$0x2] =	stream.linear.gather [hbm4b:s24+s14], $0x2000, $0x38;
	[tilespmem:$0x1A000] =	vst v63  }
0x3e6: {  	s29 =	simm.s32 $0x3;
	s30 =	simm.s32 $0x4;
	s24 =	simm.s32 $0x1  }
0x3e7: {  	[tilespmem:s23], [sflag:$0x2] =	stream.linear.gather [hbm4b:s31+s14], $0x1000, $0x38;
	[tilespmem:$0x1A000] =	vst v63  }
.LBB2_6:
0x3e8: {  	_ =	swait.ge [sflag:s24], $0x2000  }
0x3e9: {  	[sflag:s24] =	ssyncset.done $0x0  }
0x3ea: {  	[sflag:s24] =	ssyncadd.s32 $0xFFFFE000  }
0x3eb: {  	_ =	swait.ge [sflag:s24], $0x1000  }
0x3ec: {  	[sflag:s24] =	ssyncset.done $0x0  }
0x3ed: {  	[sflag:s24] =	ssyncadd.s32 $0xFFFFF000  }
0x3ee: {  	_ =	swait.ge [sflag:s29], $0x2000  }
0x3ef: {  	s6 =	sshll.u32 s1, $0x6;
	[sflag:s29] =	ssyncset.done $0x0  }
0x3f0: {  	s2 =	simm.s32 $0x0;
	s0 =	sand.u32 $0xC0, s6;
	[sflag:s29] =	ssyncadd.s32 $0xFFFFE000  }
.LBB2_7:
0x3f1: {  	s5 =	sor.u32 $0x6, s2  }
0x3f2: {  	s4 =	sor.u32 s0, s5  }
0x3f3: {  	s3 =	sshll.u32 s2, $0x8;
	s4 =	sshll.u32 s4, $0x8  }
0x3f4: {  	v1 =	vld [tilespmem:s3+$0x10300];
	s8 =	sand.u32 $0xD800, s4  }
0x3f5: {  	s5 =	sshll.u32 s5, $0x7;
	v2 =	vld [tilespmem:s8+$0x300]  }
0x3f6: {  	s5 =	sand.u32 $0x3FFFFF80, s5  }
0x3f7: {  	v0 =	vld [tilespmem:s5+$0x18000];
	_ =	sdelay $0x1  }
0x3f8: {  	s7 =	sor.u32 $0x7, s2  }
0x3f9: {  	s12 =	sor.u32 s0, s7;
	v1 =	vadd.f32 v2, v1  }
0x3fa: {  	v27 =	vld [tilespmem:s3+$0x10380];
	s5 =	sshll.u32 s12, $0x8  }
0x3fb: {  	s7 =	sshll.u32 s7, $0x7;
	v28 =	vld [tilespmem:s3+$0x10310];
	s11 =	sand.u32 $0xD800, s5;
	v4 =	vadd.f32 v1, v0  }
0x3fc: {  	s7 =	sand.u32 $0x3FFFFF80, s7;
	v3 =	vld [tilespmem:s11+$0x380]  }
0x3fd: {  	v1 =	vld [tilespmem:s7+$0x18000];
	[tilespmem:s3+$0x14300] =	vst v4  }
0x3fe: {  	v5 =	vld [tilespmem:s8+$0x310];
	_ =	sdelay $0x2  }
0x3ff: {  	v2 =	vadd.f32 v3, v27;
	_ =	sdelay $0x1  }
0x400: {  	v2 =	vadd.f32 v2, v1;
	v29 =	vadd.f32 v5, v28;
	_ =	sdelay $0x1  }
0x401: {  	v30 =	vld [tilespmem:s3+$0x10390];
	[tilespmem:s3+$0x14380] =	vst v2;
	v3 =	vadd.f32 v29, v0  }
0x402: {  	v31 =	vld [tilespmem:s11+$0x390]  }
0x403: {  	v32 =	vld [tilespmem:s3+$0x10320];
	[tilespmem:s3+$0x14310] =	vst v3  }
0x404: {  	v33 =	vld [tilespmem:s8+$0x320];
	_ =	sdelay $0x2  }
0x405: {  	v2 =	vadd.f32 v31, v30;
	_ =	sdelay $0x1  }
0x406: {  	v2 =	vadd.f32 v2, v1;
	v3 =	vadd.f32 v33, v32;
	_ =	sdelay $0x1  }
0x407: {  	v34 =	vld [tilespmem:s3+$0x103A0];
	[tilespmem:s3+$0x14390] =	vst v2;
	v3 =	vadd.f32 v3, v0  }
0x408: {  	v35 =	vld [tilespmem:s11+$0x3A0]  }
0x409: {  	v36 =	vld [tilespmem:s3+$0x10330];
	[tilespmem:s3+$0x14320] =	vst v3  }
0x40a: {  	v37 =	vld [tilespmem:s8+$0x330];
	_ =	sdelay $0x2  }
0x40b: {  	v2 =	vadd.f32 v35, v34;
	_ =	sdelay $0x1  }
0x40c: {  	v2 =	vadd.f32 v2, v1;
	v3 =	vadd.f32 v37, v36;
	_ =	sdelay $0x1  }
0x40d: {  	v38 =	vld [tilespmem:s3+$0x103B0];
	[tilespmem:s3+$0x143A0] =	vst v2;
	v3 =	vadd.f32 v3, v0  }
0x40e: {  	v39 =	vld [tilespmem:s11+$0x3B0]  }
0x40f: {  	v40 =	vld [tilespmem:s3+$0x10340];
	[tilespmem:s3+$0x14330] =	vst v3  }
0x410: {  	v41 =	vld [tilespmem:s8+$0x340];
	_ =	sdelay $0x2  }
0x411: {  	v2 =	vadd.f32 v39, v38;
	_ =	sdelay $0x1  }
0x412: {  	v2 =	vadd.f32 v2, v1;
	v3 =	vadd.f32 v41, v40;
	_ =	sdelay $0x1  }
0x413: {  	v42 =	vld [tilespmem:s3+$0x103C0];
	[tilespmem:s3+$0x143B0] =	vst v2;
	v3 =	vadd.f32 v3, v0  }
0x414: {  	v43 =	vld [tilespmem:s11+$0x3C0]  }
0x415: {  	v44 =	vld [tilespmem:s3+$0x10350];
	[tilespmem:s3+$0x14340] =	vst v3  }
0x416: {  	v45 =	vld [tilespmem:s8+$0x350];
	_ =	sdelay $0x2  }
0x417: {  	v2 =	vadd.f32 v43, v42;
	_ =	sdelay $0x1  }
0x418: {  	v2 =	vadd.f32 v2, v1;
	v3 =	vadd.f32 v45, v44  }
0x419: {  	v46 =	vld [tilespmem:s3+$0x103D0]  }
0x41a: {  	v48 =	vld [tilespmem:s3+$0x10360];
	[tilespmem:s3+$0x143C0] =	vst v2;
	v3 =	vadd.f32 v3, v0  }
0x41b: {  	v47 =	vld [tilespmem:s11+$0x3D0]  }
0x41c: {  	v50 =	vld [tilespmem:s3+$0x103E0];
	[tilespmem:s3+$0x14350] =	vst v3  }
0x41d: {  	v49 =	vld [tilespmem:s8+$0x360]  }
0x41e: {  	v6 =	vld [tilespmem:s3+$0x10200]  }
0x41f: {  	v9 =	vld [tilespmem:s3+$0x10000]  }
0x420: {  	v53 =	vld [tilespmem:s3+$0x10370];
	v2 =	vadd.f32 v47, v46  }
0x421: {  	v54 =	vld [tilespmem:s3+$0x103F0]  }
0x422: {  	v55 =	vld [tilespmem:s3+$0x10210];
	v2 =	vadd.f32 v2, v1;
	v3 =	vadd.f32 v49, v48  }
0x423: {  	s9 =	sor.u32 $0x4, s2;
	v57 =	vld [tilespmem:s3+$0x10010]  }
0x424: {  	s13 =	sor.u32 s0, s9;
	s9 =	sshll.u32 s9, $0x7;
	v59 =	vld [tilespmem:s3+$0x10700];
	[tilespmem:s3+$0x143D0] =	vst v2;
	v3 =	vadd.f32 v3, v0  }
0x425: {  	s31 =	sadd.s32 s0, s2;
	s9 =	sand.u32 $0x3FFFFF80, s9;
	v51 =	vld [tilespmem:s11+$0x3E0]  }
0x426: {  	v2 =	vld [tilespmem:s9+$0x18000];
	s9 =	sshll.u32 s31, $0x8;
	[tilespmem:s3+$0x14360] =	vst v3  }
0x427: {  	v8 =	vld [tilespmem:s8+$0x370];
	s8 =	sand.u32 $0x3FFFFF00, s9  }
0x428: {  	s12 =	sshll.u32 s2, $0x7;
	v52 =	vld [tilespmem:s8+$0x0]  }
0x429: {  	v61 =	vld [tilespmem:s3+$0x10780];
	s9 =	sand.u32 $0x3FFFFF80, s12  }
0x42a: {  	v4 =	vadd.f32 v51, v50;
	v3 =	vld [tilespmem:s9+$0x18000]  }
0x42b: {  	v63 =	vld [tilespmem:s3+$0x10220];
	s7 =	sshll.u32 s13, $0x8  }
0x42c: {  	v13 =	vld [tilespmem:s3+$0x10020];
	s10 =	sand.u32 $0xD800, s7;
	v4 =	vadd.f32 v4, v1  }
0x42d: {  	v7 =	vld [tilespmem:s10+$0x200];
	v5 =	vadd.f32 v52, v9  }
0x42e: {  	v15 =	vld [tilespmem:s3+$0x10710];
	[tilespmem:s3+$0x143E0] =	vst v4  }
0x42f: {  	v10 =	vld [tilespmem:s11+$0x3F0];
	v5 =	vadd.f32 v5, v3  }
0x430: {  	v17 =	vld [tilespmem:s3+$0x10790]  }
0x431: {  	v19 =	vld [tilespmem:s3+$0x10230];
	[tilespmem:s3+$0x14000] =	vst v5  }
0x432: {  	v6 =	vadd.f32 v7, v6;
	v58 =	vld [tilespmem:s8+$0x10]  }
0x433: {  	v21 =	vld [tilespmem:s3+$0x10030]  }
0x434: {  	v23 =	vld [tilespmem:s3+$0x10720];
	v6 =	vadd.f32 v6, v2;
	v4 =	vadd.f32 v10, v54  }
0x435: {  	v25 =	vld [tilespmem:s3+$0x107A0]  }
0x436: {  	v27 =	vld [tilespmem:s3+$0x10240];
	[tilespmem:s3+$0x14200] =	vst v6;
	v7 =	vadd.f32 v8, v53;
	v4 =	vadd.f32 v4, v1  }
0x437: {  	v56 =	vld [tilespmem:s10+$0x210];
	v5 =	vadd.f32 v58, v57  }
0x438: {  	s13 =	sor.u32 $0x780, s5;
	v29 =	vld [tilespmem:s3+$0x10040];
	v7 =	vadd.f32 v7, v0;
	[tilespmem:s3+$0x143F0] =	vst v4  }
0x439: {  	v62 =	vld [tilespmem:s13+$0x0];
	v5 =	vadd.f32 v5, v3  }
0x43a: {  	v31 =	vld [tilespmem:s3+$0x10730];
	s12 =	sor.u32 $0x700, s4;
	[tilespmem:s3+$0x14370] =	vst v7  }
0x43b: {  	v60 =	vld [tilespmem:s12+$0x0];
	[tilespmem:s3+$0x14010] =	vst v5  }
0x43c: {  	v6 =	vadd.f32 v56, v55;
	v14 =	vld [tilespmem:s8+$0x20]  }
0x43d: {  	v33 =	vld [tilespmem:s3+$0x107B0]  }
0x43e: {  	v35 =	vld [tilespmem:s3+$0x10250];
	v6 =	vadd.f32 v6, v2;
	v4 =	vadd.f32 v62, v61  }
0x43f: {  	v36 =	vld [tilespmem:s3+$0x10050]  }
0x440: {  	v38 =	vld [tilespmem:s3+$0x10260];
	[tilespmem:s3+$0x14210] =	vst v6;
	v7 =	vadd.f32 v60, v59;
	v4 =	vadd.f32 v4, v1  }
0x441: {  	v12 =	vld [tilespmem:s10+$0x220];
	v5 =	vadd.f32 v14, v13  }
0x442: {  	v40 =	vld [tilespmem:s3+$0x10740];
	s12 =	sor.u32 $0x790, s5;
	v7 =	vadd.f32 v7, v0;
	[tilespmem:s3+$0x14780] =	vst v4  }
0x443: {  	v18 =	vld [tilespmem:s12+$0x0];
	v5 =	vadd.f32 v5, v3  }
0x444: {  	v41 =	vld [tilespmem:s3+$0x107C0];
	s31 =	sor.u32 $0x710, s4;
	[tilespmem:s3+$0x14700] =	vst v7  }
0x445: {  	v16 =	vld [tilespmem:s31+$0x0];
	[tilespmem:s3+$0x14020] =	vst v5  }
0x446: {  	v6 =	vadd.f32 v12, v63;
	v22 =	vld [tilespmem:s8+$0x30]  }
0x447: {  	v42 =	vld [tilespmem:s3+$0x10060]  }
0x448: {  	v45 =	vld [tilespmem:s3+$0x10750];
	v6 =	vadd.f32 v6, v2;
	v4 =	vadd.f32 v18, v17  }
0x449: {  	v46 =	vld [tilespmem:s3+$0x107D0]  }
0x44a: {  	v47 =	vld [tilespmem:s3+$0x10070];
	[tilespmem:s3+$0x14220] =	vst v6;
	v7 =	vadd.f32 v16, v15;
	v4 =	vadd.f32 v4, v1  }
0x44b: {  	v20 =	vld [tilespmem:s10+$0x230];
	v5 =	vadd.f32 v22, v21  }
0x44c: {  	v49 =	vld [tilespmem:s3+$0x10400];
	s31 =	sor.u32 $0x7A0, s5;
	v7 =	vadd.f32 v7, v0;
	[tilespmem:s3+$0x14790] =	vst v4  }
0x44d: {  	v26 =	vld [tilespmem:s31+$0x0];
	v5 =	vadd.f32 v5, v3  }
0x44e: {  	v50 =	vld [tilespmem:s3+$0x10090];
	s13 =	sor.u32 $0x720, s4;
	[tilespmem:s3+$0x14710] =	vst v7  }
0x44f: {  	v24 =	vld [tilespmem:s13+$0x0];
	[tilespmem:s3+$0x14030] =	vst v5  }
0x450: {  	v6 =	vadd.f32 v20, v19;
	v30 =	vld [tilespmem:s8+$0x40]  }
0x451: {  	v51 =	vld [tilespmem:s3+$0x10100]  }
0x452: {  	v53 =	vld [tilespmem:s8+$0x180];
	v6 =	vadd.f32 v6, v2;
	v4 =	vadd.f32 v26, v25  }
0x453: {  	v52 =	vld [tilespmem:s8+$0x100]  }
0x454: {  	v55 =	vld [tilespmem:s3+$0x10280];
	[tilespmem:s3+$0x14230] =	vst v6;
	v7 =	vadd.f32 v24, v23;
	v4 =	vadd.f32 v4, v1  }
0x455: {  	v28 =	vld [tilespmem:s10+$0x240];
	v5 =	vadd.f32 v30, v29  }
0x456: {  	v56 =	vld [tilespmem:s8+$0x280];
	s13 =	sor.u32 $0x7B0, s5;
	v7 =	vadd.f32 v7, v0;
	[tilespmem:s3+$0x147A0] =	vst v4  }
0x457: {  	v34 =	vld [tilespmem:s13+$0x0];
	v5 =	vadd.f32 v5, v3  }
0x458: {  	v60 =	vld [tilespmem:s3+$0x10190];
	s12 =	sor.u32 $0x730, s4;
	[tilespmem:s3+$0x14720] =	vst v7  }
0x459: {  	v32 =	vld [tilespmem:s12+$0x0];
	[tilespmem:s3+$0x14040] =	vst v5  }
0x45a: {  	v6 =	vadd.f32 v28, v27;
	v37 =	vld [tilespmem:s8+$0x50]  }
0x45b: {  	v57 =	vld [tilespmem:s3+$0x10110]  }
0x45c: {  	v63 =	vld [tilespmem:s3+$0x10420];
	v6 =	vadd.f32 v6, v2;
	v4 =	vadd.f32 v34, v33  }
0x45d: {  	v13 =	vld [tilespmem:s3+$0x10080]  }
0x45e: {  	v14 =	vld [tilespmem:s8+$0x80];
	[tilespmem:s3+$0x14240] =	vst v6;
	v7 =	vadd.f32 v32, v31;
	v4 =	vadd.f32 v4, v1  }
0x45f: {  	v11 =	vld [tilespmem:s10+$0x250];
	v5 =	vadd.f32 v37, v36  }
0x460: {  	v19 =	vld [tilespmem:s3+$0x10410];
	s12 =	sor.u32 $0x7C0, s5;
	v7 =	vadd.f32 v7, v0;
	[tilespmem:s3+$0x147B0] =	vst v4  }
0x461: {  	v4 =	vld [tilespmem:s12+$0x0];
	v5 =	vadd.f32 v5, v3  }
0x462: {  	v20 =	vld [tilespmem:s3+$0x100A0];
	s31 =	sor.u32 $0x740, s4;
	[tilespmem:s3+$0x14730] =	vst v7  }
0x463: {  	v7 =	vld [tilespmem:s31+$0x0];
	[tilespmem:s3+$0x14050] =	vst v5  }
0x464: {  	v6 =	vadd.f32 v11, v35;
	v43 =	vld [tilespmem:s8+$0x60]  }
0x465: {  	v17 =	vld [tilespmem:s3+$0x10180]  }
0x466: {  	v22 =	vld [tilespmem:s3+$0x10150];
	v6 =	vadd.f32 v6, v2;
	v4 =	vadd.f32 v4, v41  }
0x467: {  	v27 =	vld [tilespmem:s3+$0x100B0]  }
0x468: {  	v25 =	vld [tilespmem:s3+$0x10290];
	[tilespmem:s3+$0x14250] =	vst v6;
	v7 =	vadd.f32 v7, v40;
	v4 =	vadd.f32 v4, v1  }
0x469: {  	v39 =	vld [tilespmem:s10+$0x260];
	v5 =	vadd.f32 v43, v42  }
0x46a: {  	v32 =	vld [tilespmem:s3+$0x101A0];
	s31 =	sor.u32 $0x7D0, s5;
	v7 =	vadd.f32 v7, v0;
	[tilespmem:s3+$0x147C0] =	vst v4  }
0x46b: {  	v4 =	vld [tilespmem:s31+$0x0];
	v5 =	vadd.f32 v5, v3  }
0x46c: {  	s13 =	sor.u32 $0x750, s4;
	v29 =	vld [tilespmem:s3+$0x10120];
	[tilespmem:s3+$0x14740] =	vst v7  }
0x46d: {  	v44 =	vld [tilespmem:s13+$0x0];
	[tilespmem:s3+$0x14060] =	vst v5  }
0x46e: {  	v6 =	vadd.f32 v39, v38;
	v12 =	vld [tilespmem:s8+$0x70]  }
0x46f: {  	v5 =	vld [tilespmem:s9+$0x18080]  }
0x470: {  	v35 =	vld [tilespmem:s3+$0x10430];
	v6 =	vadd.f32 v6, v2;
	v4 =	vadd.f32 v4, v46  }
0x471: {  	v13 =	vadd.f32 v14, v13;
	v37 =	vld [tilespmem:s3+$0x102A0]  }
0x472: {  	[tilespmem:s3+$0x14260] =	vst v6;
	v6 =	vadd.f32 v44, v45;
	v15 =	vadd.f32 v4, v1;
	v4 =	vld [tilespmem:s9+$0x18280]  }
0x473: {  	v7 =	vld [tilespmem:s9+$0x18100];
	v10 =	vadd.f32 v12, v47  }
0x474: {  	v48 =	vadd.f32 v6, v0;
	v6 =	vld [tilespmem:s9+$0x18180];
	v13 =	vadd.f32 v13, v5  }
0x475: {  	v39 =	vld [tilespmem:s3+$0x100C0];
	[tilespmem:s3+$0x147D0] =	vst v15;
	v15 =	vadd.f32 v56, v55;
	v10 =	vadd.f32 v10, v3  }
0x476: {  	v41 =	vld [tilespmem:s3+$0x10130];
	v12 =	vadd.f32 v52, v51;
	[tilespmem:s3+$0x14080] =	vst v13  }
0x477: {  	v15 =	vadd.f32 v15, v4;
	v16 =	vld [tilespmem:s8+$0x90];
	[tilespmem:s3+$0x14070] =	vst v10;
	v10 =	vadd.f32 v53, v17  }
0x478: {  	v12 =	vadd.f32 v12, v7;
	v18 =	vld [tilespmem:s8+$0x400]  }
0x479: {  	v11 =	vld [tilespmem:s10+$0x270];
	[tilespmem:s3+$0x14280] =	vst v15;
	v10 =	vadd.f32 v10, v6  }
0x47a: {  	[tilespmem:s3+$0x14100] =	vst v12;
	v26 =	vld [tilespmem:s8+$0x290]  }
0x47b: {  	v58 =	vld [tilespmem:s8+$0x110];
	[tilespmem:s3+$0x14180] =	vst v10  }
0x47c: {  	v54 =	vadd.f32 v16, v50;
	v61 =	vld [tilespmem:s8+$0x190]  }
0x47d: {  	s11 =	sor.u32 $0x760, s4;
	v44 =	vld [tilespmem:s3+$0x101B0];
	[tilespmem:s3+$0x14750] =	vst v48;
	v14 =	vadd.f32 v18, v49  }
0x47e: {  	v9 =	vld [tilespmem:s11+$0x0];
	v13 =	vadd.f32 v54, v5  }
0x47f: {  	s12 =	sor.u32 $0x7E0, s5;
	v56 =	vld [tilespmem:s3+$0x101C0];
	v15 =	vadd.f32 v26, v25;
	v14 =	vadd.f32 v14, v3  }
0x480: {  	v8 =	vld [tilespmem:s12+$0x0];
	v12 =	vadd.f32 v58, v57;
	[tilespmem:s3+$0x14090] =	vst v13  }
0x481: {  	v15 =	vadd.f32 v15, v4;
	v59 =	vld [tilespmem:s8+$0xA0];
	[tilespmem:s3+$0x14400] =	vst v14;
	v10 =	vadd.f32 v61, v60  }
0x482: {  	v12 =	vadd.f32 v12, v7;
	v62 =	vld [tilespmem:s8+$0x410]  }
0x483: {  	v47 =	vld [tilespmem:s3+$0x10440];
	[tilespmem:s3+$0x14290] =	vst v15;
	v10 =	vadd.f32 v10, v6  }
0x484: {  	[tilespmem:s3+$0x14110] =	vst v12;
	v38 =	vld [tilespmem:s8+$0x2A0]  }
0x485: {  	v30 =	vld [tilespmem:s8+$0x120];
	[tilespmem:s3+$0x14190] =	vst v10  }
0x486: {  	v24 =	vadd.f32 v59, v20;
	v33 =	vld [tilespmem:s8+$0x1A0]  }
0x487: {  	v51 =	vld [tilespmem:s3+$0x100D0];
	v28 =	vadd.f32 v62, v19  }
0x488: {  	v53 =	vld [tilespmem:s3+$0x10140];
	v13 =	vadd.f32 v24, v5  }
0x489: {  	v25 =	vld [tilespmem:s3+$0x101D0];
	v15 =	vadd.f32 v38, v37;
	v14 =	vadd.f32 v28, v3  }
0x48a: {  	v49 =	vld [tilespmem:s3+$0x102B0];
	v12 =	vadd.f32 v30, v29;
	[tilespmem:s3+$0x140A0] =	vst v13  }
0x48b: {  	v15 =	vadd.f32 v15, v4;
	v31 =	vld [tilespmem:s8+$0xB0];
	[tilespmem:s3+$0x14410] =	vst v14;
	v10 =	vadd.f32 v33, v32  }
0x48c: {  	v12 =	vadd.f32 v12, v7;
	v34 =	vld [tilespmem:s8+$0x420]  }
0x48d: {  	v61 =	vld [tilespmem:s3+$0x102C0];
	[tilespmem:s3+$0x142A0] =	vst v15;
	v10 =	vadd.f32 v10, v6  }
0x48e: {  	[tilespmem:s3+$0x14120] =	vst v12;
	v50 =	vld [tilespmem:s8+$0x2B0]  }
0x48f: {  	v42 =	vld [tilespmem:s8+$0x130];
	[tilespmem:s3+$0x141A0] =	vst v10  }
0x490: {  	v36 =	vadd.f32 v31, v27;
	v45 =	vld [tilespmem:s8+$0x1B0]  }
0x491: {  	v59 =	vld [tilespmem:s3+$0x10450];
	v40 =	vadd.f32 v34, v63  }
0x492: {  	v37 =	vld [tilespmem:s3+$0x101E0];
	v13 =	vadd.f32 v36, v5  }
0x493: {  	v30 =	vld [tilespmem:s3+$0x102D0];
	v15 =	vadd.f32 v50, v49;
	v14 =	vadd.f32 v40, v3  }
0x494: {  	v28 =	vld [tilespmem:s3+$0x10460];
	v12 =	vadd.f32 v42, v41;
	[tilespmem:s3+$0x140B0] =	vst v13  }
0x495: {  	v15 =	vadd.f32 v15, v4;
	v43 =	vld [tilespmem:s8+$0xC0];
	[tilespmem:s3+$0x14420] =	vst v14;
	v10 =	vadd.f32 v45, v44  }
0x496: {  	v12 =	vadd.f32 v12, v7;
	v46 =	vld [tilespmem:s8+$0x430]  }
0x497: {  	v32 =	vld [tilespmem:s3+$0x100F0];
	[tilespmem:s3+$0x142B0] =	vst v15;
	v10 =	vadd.f32 v10, v6  }
0x498: {  	[tilespmem:s3+$0x14130] =	vst v12;
	v62 =	vld [tilespmem:s8+$0x2C0]  }
0x499: {  	v54 =	vld [tilespmem:s8+$0x140];
	[tilespmem:s3+$0x141B0] =	vst v10  }
0x49a: {  	v48 =	vadd.f32 v43, v39;
	v57 =	vld [tilespmem:s8+$0x1C0]  }
0x49b: {  	v49 =	vld [tilespmem:s3+$0x101F0];
	v52 =	vadd.f32 v46, v35  }
0x49c: {  	v63 =	vld [tilespmem:s3+$0x100E0];
	v13 =	vadd.f32 v48, v5  }
0x49d: {  	v34 =	vld [tilespmem:s3+$0x10160];
	v15 =	vadd.f32 v62, v61;
	v14 =	vadd.f32 v52, v3  }
0x49e: {  	v42 =	vld [tilespmem:s3+$0x102E0];
	v12 =	vadd.f32 v54, v53;
	[tilespmem:s3+$0x140C0] =	vst v13  }
0x49f: {  	v15 =	vadd.f32 v15, v4;
	v55 =	vld [tilespmem:s8+$0xD0];
	[tilespmem:s3+$0x14430] =	vst v14;
	v10 =	vadd.f32 v57, v56  }
0x4a0: {  	v12 =	vadd.f32 v12, v7;
	v58 =	vld [tilespmem:s8+$0x440]  }
0x4a1: {  	v44 =	vld [tilespmem:s3+$0x10170];
	[tilespmem:s3+$0x142C0] =	vst v15;
	v10 =	vadd.f32 v10, v6  }
0x4a2: {  	[tilespmem:s3+$0x14140] =	vst v12;
	v31 =	vld [tilespmem:s8+$0x2D0]  }
0x4a3: {  	v23 =	vld [tilespmem:s8+$0x150];
	[tilespmem:s3+$0x141C0] =	vst v10  }
0x4a4: {  	v60 =	vadd.f32 v55, v51;
	v26 =	vld [tilespmem:s8+$0x1D0]  }
0x4a5: {  	v43 =	vld [tilespmem:s3+$0x10480];
	v21 =	vadd.f32 v58, v47  }
0x4a6: {  	v62 =	vld [tilespmem:s3+$0x10680];
	v13 =	vadd.f32 v60, v5  }
0x4a7: {  	v54 =	vld [tilespmem:s3+$0x10490];
	v38 =	vadd.f32 v31, v30;
	v14 =	vadd.f32 v21, v3  }
0x4a8: {  	v52 =	vld [tilespmem:s3+$0x102F0];
	v12 =	vadd.f32 v23, v22;
	[tilespmem:s3+$0x140D0] =	vst v13  }
0x4a9: {  	v17 =	vadd.f32 v38, v4;
	v24 =	vld [tilespmem:s8+$0xE0];
	[tilespmem:s3+$0x14440] =	vst v14;
	v10 =	vadd.f32 v26, v25  }
0x4aa: {  	v12 =	vadd.f32 v12, v7;
	v27 =	vld [tilespmem:s8+$0x450]  }
0x4ab: {  	v51 =	vld [tilespmem:s3+$0x10270];
	[tilespmem:s3+$0x142D0] =	vst v17;
	v10 =	vadd.f32 v10, v6  }
0x4ac: {  	[tilespmem:s3+$0x14150] =	vst v12;
	v17 =	vld [tilespmem:s8+$0x2E0]  }
0x4ad: {  	v35 =	vld [tilespmem:s8+$0x160];
	[tilespmem:s3+$0x141D0] =	vst v10  }
0x4ae: {  	v29 =	vadd.f32 v24, v63;
	v39 =	vld [tilespmem:s8+$0x1E0]  }
0x4af: {  	v55 =	vld [tilespmem:s3+$0x10500];
	v33 =	vadd.f32 v27, v59  }
0x4b0: {  	v60 =	vld [tilespmem:s3+$0x10600];
	v13 =	vadd.f32 v29, v5  }
0x4b1: {  	v30 =	vld [tilespmem:s3+$0x10610];
	v16 =	vadd.f32 v17, v42;
	v14 =	vadd.f32 v33, v3  }
0x4b2: {  	v58 =	vld [tilespmem:s3+$0x10580];
	v12 =	vadd.f32 v35, v34;
	[tilespmem:s3+$0x140E0] =	vst v13  }
0x4b3: {  	v16 =	vadd.f32 v16, v4;
	v36 =	vld [tilespmem:s8+$0xF0];
	[tilespmem:s3+$0x14450] =	vst v14;
	v14 =	vadd.f32 v39, v37  }
0x4b4: {  	v38 =	vld [tilespmem:s3+$0x105A0];
	v12 =	vadd.f32 v12, v7  }
0x4b5: {  	v11 =	vadd.f32 v11, v51;
	v21 =	vld [tilespmem:s3+$0x10570];
	[tilespmem:s3+$0x142E0] =	vst v16;
	v46 =	vadd.f32 v14, v6  }
0x4b6: {  	[tilespmem:s3+$0x14160] =	vst v12;
	v53 =	vld [tilespmem:s8+$0x2F0]  }
0x4b7: {  	v11 =	vadd.f32 v11, v2;
	v45 =	vld [tilespmem:s8+$0x170];
	[tilespmem:s3+$0x141E0] =	vst v46  }
0x4b8: {  	v41 =	vadd.f32 v36, v32;
	v50 =	vld [tilespmem:s8+$0x1F0]  }
0x4b9: {  	v25 =	vld [tilespmem:s3+$0x10510];
	[tilespmem:s3+$0x14270] =	vst v11  }
0x4ba: {  	v61 =	vld [tilespmem:s7+$0x200];
	v13 =	vadd.f32 v41, v5  }
0x4bb: {  	v24 =	vld [tilespmem:s3+$0x104A0];
	v16 =	vadd.f32 v53, v52  }
0x4bc: {  	v10 =	vld [tilespmem:s3+$0x10470];
	[tilespmem:s3+$0x140F0] =	vst v13;
	v13 =	vadd.f32 v45, v44  }
0x4bd: {  	v40 =	vld [tilespmem:s8+$0x460];
	v16 =	vadd.f32 v16, v4;
	v14 =	vadd.f32 v50, v49  }
0x4be: {  	v42 =	vld [tilespmem:s3+$0x106A0];
	v13 =	vadd.f32 v13, v7  }
0x4bf: {  	v48 =	vld [tilespmem:s8+$0x480];
	[tilespmem:s3+$0x142F0] =	vst v16;
	v14 =	vadd.f32 v14, v6  }
0x4c0: {  	v63 =	vld [tilespmem:s8+$0x680];
	[tilespmem:s3+$0x14170] =	vst v13  }
0x4c1: {  	v11 =	vadd.f32 v61, v60;
	v56 =	vld [tilespmem:s8+$0x500];
	[tilespmem:s3+$0x141F0] =	vst v14  }
0x4c2: {  	v15 =	vadd.f32 v40, v28;
	v59 =	vld [tilespmem:s8+$0x580]  }
0x4c3: {  	v34 =	vld [tilespmem:s3+$0x104B0];
	v11 =	vadd.f32 v11, v2  }
0x4c4: {  	v35 =	vld [tilespmem:s3+$0x10520];
	v47 =	vadd.f32 v15, v3;
	v15 =	vadd.f32 v48, v43  }
0x4c5: {  	v60 =	vld [tilespmem:s3+$0x10640];
	[tilespmem:s3+$0x14600] =	vst v11;
	v16 =	vadd.f32 v63, v62  }
0x4c6: {  	v31 =	vld [tilespmem:s7+$0x210];
	v15 =	vadd.f32 v15, v5;
	v13 =	vadd.f32 v56, v55  }
0x4c7: {  	v32 =	vld [tilespmem:s3+$0x10690];
	v16 =	vadd.f32 v16, v4;
	v14 =	vadd.f32 v59, v58  }
0x4c8: {  	v28 =	vld [tilespmem:s3+$0x10590];
	[tilespmem:s3+$0x14480] =	vst v15;
	v13 =	vadd.f32 v13, v7  }
0x4c9: {  	v57 =	vld [tilespmem:s8+$0x490];
	[tilespmem:s3+$0x14680] =	vst v16;
	v14 =	vadd.f32 v14, v6  }
0x4ca: {  	v33 =	vld [tilespmem:s8+$0x690];
	[tilespmem:s3+$0x14500] =	vst v13  }
0x4cb: {  	v11 =	vadd.f32 v31, v30;
	v26 =	vld [tilespmem:s8+$0x510];
	[tilespmem:s3+$0x14580] =	vst v14  }
0x4cc: {  	v29 =	vld [tilespmem:s8+$0x590]  }
0x4cd: {  	v52 =	vld [tilespmem:s3+$0x106B0];
	v11 =	vadd.f32 v11, v2  }
0x4ce: {  	v40 =	vld [tilespmem:s3+$0x10620];
	v17 =	vadd.f32 v57, v54  }
0x4cf: {  	v44 =	vld [tilespmem:s3+$0x104C0];
	[tilespmem:s3+$0x14610] =	vst v11;
	v16 =	vadd.f32 v33, v32  }
0x4d0: {  	v41 =	vld [tilespmem:s7+$0x220];
	v17 =	vadd.f32 v17, v5;
	v13 =	vadd.f32 v26, v25  }
0x4d1: {  	v45 =	vld [tilespmem:s3+$0x10530];
	v16 =	vadd.f32 v16, v4;
	v14 =	vadd.f32 v29, v28  }
0x4d2: {  	v30 =	vld [tilespmem:s3+$0x10650];
	[tilespmem:s3+$0x14490] =	vst v17;
	v13 =	vadd.f32 v13, v7  }
0x4d3: {  	v27 =	vld [tilespmem:s8+$0x4A0];
	[tilespmem:s3+$0x14690] =	vst v16;
	v14 =	vadd.f32 v14, v6  }
0x4d4: {  	v43 =	vld [tilespmem:s8+$0x6A0];
	[tilespmem:s3+$0x14510] =	vst v13  }
0x4d5: {  	v11 =	vadd.f32 v41, v40;
	v36 =	vld [tilespmem:s8+$0x520];
	[tilespmem:s3+$0x14590] =	vst v14  }
0x4d6: {  	v39 =	vld [tilespmem:s8+$0x5A0]  }
0x4d7: {  	[tilespmem:s3+$0x14460] =	vst v47;
	v50 =	vld [tilespmem:s3+$0x10630];
	v11 =	vadd.f32 v11, v2  }
0x4d8: {  	v12 =	vld [tilespmem:s8+$0x470];
	v15 =	vadd.f32 v27, v24  }
0x4d9: {  	v48 =	vld [tilespmem:s3+$0x105B0];
	[tilespmem:s3+$0x14620] =	vst v11;
	v16 =	vadd.f32 v43, v42  }
0x4da: {  	v51 =	vld [tilespmem:s7+$0x230];
	v15 =	vadd.f32 v15, v5;
	v13 =	vadd.f32 v36, v35  }
0x4db: {  	v62 =	vld [tilespmem:s3+$0x106C0];
	v16 =	vadd.f32 v16, v4;
	v14 =	vadd.f32 v39, v38  }
0x4dc: {  	v55 =	vld [tilespmem:s3+$0x10540];
	[tilespmem:s3+$0x144A0] =	vst v15;
	v13 =	vadd.f32 v13, v7  }
0x4dd: {  	v37 =	vld [tilespmem:s8+$0x4B0];
	[tilespmem:s3+$0x146A0] =	vst v16;
	v14 =	vadd.f32 v14, v6  }
0x4de: {  	v53 =	vld [tilespmem:s8+$0x6B0];
	[tilespmem:s3+$0x14520] =	vst v13  }
0x4df: {  	v11 =	vadd.f32 v51, v50;
	v46 =	vld [tilespmem:s8+$0x530];
	[tilespmem:s3+$0x145A0] =	vst v14  }
0x4e0: {  	v49 =	vld [tilespmem:s8+$0x5B0]  }
0x4e1: {  	v40 =	vld [tilespmem:s3+$0x10660];
	v11 =	vadd.f32 v11, v2  }
0x4e2: {  	v58 =	vld [tilespmem:s3+$0x105C0];
	v17 =	vadd.f32 v37, v34  }
0x4e3: {  	v54 =	vld [tilespmem:s3+$0x104D0];
	[tilespmem:s3+$0x14630] =	vst v11;
	v16 =	vadd.f32 v53, v52  }
0x4e4: {  	v61 =	vld [tilespmem:s7+$0x240];
	v17 =	vadd.f32 v17, v5;
	v13 =	vadd.f32 v46, v45  }
0x4e5: {  	v32 =	vld [tilespmem:s3+$0x106D0];
	v16 =	vadd.f32 v16, v4;
	v14 =	vadd.f32 v49, v48  }
0x4e6: {  	v25 =	vld [tilespmem:s3+$0x10550];
	[tilespmem:s3+$0x144B0] =	vst v17;
	v13 =	vadd.f32 v13, v7  }
0x4e7: {  	v47 =	vld [tilespmem:s8+$0x4C0];
	[tilespmem:s3+$0x146B0] =	vst v16;
	v14 =	vadd.f32 v14, v6  }
0x4e8: {  	v63 =	vld [tilespmem:s8+$0x6C0];
	[tilespmem:s3+$0x14530] =	vst v13  }
0x4e9: {  	v11 =	vadd.f32 v61, v60;
	v56 =	vld [tilespmem:s8+$0x540];
	[tilespmem:s3+$0x145B0] =	vst v14  }
0x4ea: {  	v59 =	vld [tilespmem:s8+$0x5C0]  }
0x4eb: {  	v51 =	vld [tilespmem:s3+$0x106F0];
	v11 =	vadd.f32 v11, v2  }
0x4ec: {  	v28 =	vld [tilespmem:s3+$0x105D0];
	v15 =	vadd.f32 v47, v44  }
0x4ed: {  	v24 =	vld [tilespmem:s3+$0x104E0];
	[tilespmem:s3+$0x14640] =	vst v11;
	v16 =	vadd.f32 v63, v62  }
0x4ee: {  	v31 =	vld [tilespmem:s7+$0x250];
	v15 =	vadd.f32 v15, v5;
	v13 =	vadd.f32 v56, v55  }
0x4ef: {  	v42 =	vld [tilespmem:s3+$0x106E0];
	v16 =	vadd.f32 v16, v4;
	v14 =	vadd.f32 v59, v58  }
0x4f0: {  	v35 =	vld [tilespmem:s3+$0x10560];
	[tilespmem:s3+$0x144C0] =	vst v15;
	v13 =	vadd.f32 v13, v7  }
0x4f1: {  	v57 =	vld [tilespmem:s8+$0x4D0];
	[tilespmem:s3+$0x146C0] =	vst v16;
	v14 =	vadd.f32 v14, v6  }
0x4f2: {  	v33 =	vld [tilespmem:s8+$0x6D0];
	[tilespmem:s3+$0x14540] =	vst v13  }
0x4f3: {  	v11 =	vadd.f32 v31, v30;
	v26 =	vld [tilespmem:s8+$0x550];
	[tilespmem:s3+$0x145C0] =	vst v14  }
0x4f4: {  	v29 =	vld [tilespmem:s8+$0x5D0]  }
0x4f5: {  	v38 =	vld [tilespmem:s3+$0x105E0];
	v11 =	vadd.f32 v11, v2  }
0x4f6: {  	v34 =	vld [tilespmem:s3+$0x104F0];
	v17 =	vadd.f32 v57, v54  }
0x4f7: {  	v53 =	vld [tilespmem:s3+$0x10770];
	[tilespmem:s3+$0x14650] =	vst v11;
	v16 =	vadd.f32 v33, v32  }
0x4f8: {  	v41 =	vld [tilespmem:s7+$0x260];
	v17 =	vadd.f32 v17, v5;
	v13 =	vadd.f32 v26, v25  }
0x4f9: {  	v44 =	vld [tilespmem:s3+$0x10760];
	v16 =	vadd.f32 v16, v4;
	v14 =	vadd.f32 v29, v28  }
0x4fa: {  	v46 =	vld [tilespmem:s3+$0x107E0];
	[tilespmem:s3+$0x144D0] =	vst v17;
	v13 =	vadd.f32 v13, v7  }
0x4fb: {  	v27 =	vld [tilespmem:s8+$0x4E0];
	[tilespmem:s3+$0x146D0] =	vst v16;
	v14 =	vadd.f32 v14, v6  }
0x4fc: {  	v43 =	vld [tilespmem:s8+$0x6E0];
	[tilespmem:s3+$0x14550] =	vst v13  }
0x4fd: {  	v11 =	vadd.f32 v41, v40;
	v36 =	vld [tilespmem:s8+$0x560];
	[tilespmem:s3+$0x145D0] =	vst v14  }
0x4fe: {  	v9 =	vadd.f32 v9, v44;
	v39 =	vld [tilespmem:s8+$0x5E0]  }
0x4ff: {  	v49 =	vld [tilespmem:s3+$0x10670];
	v8 =	vadd.f32 v8, v46;
	v11 =	vadd.f32 v11, v2  }
0x500: {  	v47 =	vld [tilespmem:s3+$0x105F0];
	v9 =	vadd.f32 v9, v0;
	v15 =	vadd.f32 v27, v24  }
0x501: {  	v8 =	vadd.f32 v8, v1;
	v55 =	vld [tilespmem:s3+$0x107F0];
	[tilespmem:s3+$0x14660] =	vst v11;
	v16 =	vadd.f32 v43, v42  }
0x502: {  	s4 =	sor.u32 $0x770, s4;
	[tilespmem:s3+$0x14760] =	vst v9;
	v50 =	vld [tilespmem:s7+$0x270];
	v15 =	vadd.f32 v15, v5;
	v13 =	vadd.f32 v36, v35  }
0x503: {  	s13 =	sor.u32 $0x7F0, s5;
	[tilespmem:s3+$0x147E0] =	vst v8;
	v54 =	vld [tilespmem:s4+$0x0];
	v16 =	vadd.f32 v16, v4;
	v14 =	vadd.f32 v39, v38  }
0x504: {  	v57 =	vld [tilespmem:s13+$0x0];
	[tilespmem:s3+$0x144E0] =	vst v15;
	v13 =	vadd.f32 v13, v7  }
0x505: {  	v37 =	vld [tilespmem:s8+$0x4F0];
	[tilespmem:s3+$0x146E0] =	vst v16;
	v14 =	vadd.f32 v14, v6  }
0x506: {  	v10 =	vadd.f32 v12, v10;
	v52 =	vld [tilespmem:s8+$0x6F0];
	[tilespmem:s3+$0x14560] =	vst v13  }
0x507: {  	v59 =	vadd.f32 v50, v49;
	v45 =	vld [tilespmem:s8+$0x570];
	[tilespmem:s3+$0x145E0] =	vst v14  }
0x508: {  	v3 =	vadd.f32 v10, v3;
	v62 =	vadd.f32 v54, v53;
	v48 =	vld [tilespmem:s8+$0x5F0]  }
0x509: {  	v63 =	vadd.f32 v57, v55;
	v2 =	vadd.f32 v59, v2  }
0x50a: {  	[tilespmem:s3+$0x14470] =	vst v3;
	v0 =	vadd.f32 v62, v0;
	v17 =	vadd.f32 v37, v34  }
0x50b: {  	v1 =	vadd.f32 v63, v1;
	[tilespmem:s3+$0x14670] =	vst v2;
	v61 =	vadd.f32 v52, v51  }
0x50c: {  	p0 =	slt.u32 s2, $0x18;
	[tilespmem:s3+$0x14770] =	vst v0;
	v5 =	vadd.f32 v17, v5;
	v56 =	vadd.f32 v45, v21  }
.Ltmp2:
0x50d: {  	[tilespmem:s3+$0x147F0] =	vst v1;
	v4 =	vadd.f32 v61, v4;
	v14 =	vadd.f32 v48, v47;
	(pc) =	sbr.rel @p0 .LBB2_7-.Ltmp2, $4  }
0x50e: {  	[tilespmem:s3+$0x144F0] =	vst v5;
	v58 =	vadd.f32 v56, v7  }
0x50f: {  	[tilespmem:s3+$0x146F0] =	vst v4;
	v60 =	vadd.f32 v14, v6  }
0x510: {  	s31 =	sadd.s32 $0x8, s2;
	[tilespmem:s3+$0x14570] =	vst v58  }
0x511: {  	s2 =	smov.u32 s31;
	[tilespmem:s3+$0x145F0] =	vst v60  }
0x512: {  	s0 =	sshll.u32 s1, $0xB;
	s13 =	sadd.s32 s6, s18  }
0x513: {  	s2 =	simm.s32 $0x0;
	s0 =	sadd.s32 s0, s17;
	s3 =	sshll.u32 s13, $0x5  }
0x514: {  	[hbm4b:s0+s2] =	stream.linear.scatter [tilespmem:s25], [sflag:$0x3], $0x2000, $0x38;
	[tilespmem:$0x1A000] =	vst v63  }
0x515: {  	s3 =	sadd.s32 s15, s3;
	s0 =	sshll.u32 s13, $0x4  }
0x516: {  	[tilespmem:s20], [sflag:$0x1] =	stream.linear.gather [hbm4b:s3+s2], $0x2000, $0x38;
	[tilespmem:$0x1A000] =	vst v63  }
0x517: {  	s0 =	sadd.s32 s16, s0  }
0x518: {  	[tilespmem:s21], [sflag:$0x1] =	stream.linear.gather [hbm4b:s0+s2], $0x1000, $0x38;
	[tilespmem:$0x1A000] =	vst v63  }
0x519: {  	_ =	swait.ge [sflag:s26], $0x2000  }
0x51a: {  	[sflag:s26] =	ssyncset.done $0x0  }
0x51b: {  	[sflag:s26] =	ssyncadd.s32 $0xFFFFE000  }
0x51c: {  	_ =	swait.ge [sflag:s26], $0x1000  }
0x51d: {  	[sflag:s26] =	ssyncset.done $0x0  }
0x51e: {  	[sflag:s26] =	ssyncadd.s32 $0xFFFFF000  }
0x51f: {  	s7 =	sshllo.u32 s1, $0x1;
	_ =	swait.ge [sflag:s30], $0x2000  }
0x520: {  	s31 =	sshll.u32 s7, $0x5;
	[sflag:s30] =	ssyncset.done $0x0  }
0x521: {  	s0 =	sand.u32 $0xE0, s31;
	[sflag:s30] =	ssyncadd.s32 $0xFFFFE000  }
.LBB2_9:
0x522: {  	s5 =	sor.u32 $0x6, s2  }
0x523: {  	s4 =	sor.u32 s0, s5  }
0x524: {  	s3 =	sshll.u32 s2, $0x8;
	s4 =	sshll.u32 s4, $0x8  }
0x525: {  	v1 =	vld [tilespmem:s3+$0x12300];
	s9 =	sand.u32 $0xF800, s4  }
0x526: {  	s5 =	sshll.u32 s5, $0x7;
	v2 =	vld [tilespmem:s9+$0x300]  }
0x527: {  	s5 =	sand.u32 $0x3FFFFF80, s5  }
0x528: {  	v0 =	vld [tilespmem:s5+$0x19000];
	_ =	sdelay $0x1  }
0x529: {  	s8 =	sor.u32 $0x7, s2  }
0x52a: {  	s12 =	sor.u32 s0, s8;
	v1 =	vadd.f32 v2, v1  }
0x52b: {  	v27 =	vld [tilespmem:s3+$0x12380];
	s5 =	sshll.u32 s12, $0x8  }
0x52c: {  	s8 =	sshll.u32 s8, $0x7;
	v28 =	vld [tilespmem:s3+$0x12310];
	s12 =	sand.u32 $0xF800, s5;
	v4 =	vadd.f32 v1, v0  }
0x52d: {  	s8 =	sand.u32 $0x3FFFFF80, s8;
	v3 =	vld [tilespmem:s12+$0x380]  }
0x52e: {  	v1 =	vld [tilespmem:s8+$0x19000];
	[tilespmem:s3+$0x16300] =	vst v4  }
0x52f: {  	v5 =	vld [tilespmem:s9+$0x310];
	_ =	sdelay $0x2  }
0x530: {  	v2 =	vadd.f32 v3, v27;
	_ =	sdelay $0x1  }
0x531: {  	v2 =	vadd.f32 v2, v1;
	v29 =	vadd.f32 v5, v28;
	_ =	sdelay $0x1  }
0x532: {  	v30 =	vld [tilespmem:s3+$0x12390];
	[tilespmem:s3+$0x16380] =	vst v2;
	v3 =	vadd.f32 v29, v0  }
0x533: {  	v31 =	vld [tilespmem:s12+$0x390]  }
0x534: {  	v32 =	vld [tilespmem:s3+$0x12320];
	[tilespmem:s3+$0x16310] =	vst v3  }
0x535: {  	v33 =	vld [tilespmem:s9+$0x320];
	_ =	sdelay $0x2  }
0x536: {  	v2 =	vadd.f32 v31, v30;
	_ =	sdelay $0x1  }
0x537: {  	v2 =	vadd.f32 v2, v1;
	v3 =	vadd.f32 v33, v32;
	_ =	sdelay $0x1  }
0x538: {  	v34 =	vld [tilespmem:s3+$0x123A0];
	[tilespmem:s3+$0x16390] =	vst v2;
	v3 =	vadd.f32 v3, v0  }
0x539: {  	v35 =	vld [tilespmem:s12+$0x3A0]  }
0x53a: {  	v36 =	vld [tilespmem:s3+$0x12330];
	[tilespmem:s3+$0x16320] =	vst v3  }
0x53b: {  	v37 =	vld [tilespmem:s9+$0x330];
	_ =	sdelay $0x2  }
0x53c: {  	v2 =	vadd.f32 v35, v34;
	_ =	sdelay $0x1  }
0x53d: {  	v2 =	vadd.f32 v2, v1;
	v3 =	vadd.f32 v37, v36;
	_ =	sdelay $0x1  }
0x53e: {  	v38 =	vld [tilespmem:s3+$0x123B0];
	[tilespmem:s3+$0x163A0] =	vst v2;
	v3 =	vadd.f32 v3, v0  }
0x53f: {  	v39 =	vld [tilespmem:s12+$0x3B0]  }
0x540: {  	v40 =	vld [tilespmem:s3+$0x12340];
	[tilespmem:s3+$0x16330] =	vst v3  }
0x541: {  	v41 =	vld [tilespmem:s9+$0x340];
	_ =	sdelay $0x2  }
0x542: {  	v2 =	vadd.f32 v39, v38;
	_ =	sdelay $0x1  }
0x543: {  	v2 =	vadd.f32 v2, v1;
	v3 =	vadd.f32 v41, v40;
	_ =	sdelay $0x1  }
0x544: {  	v42 =	vld [tilespmem:s3+$0x123C0];
	[tilespmem:s3+$0x163B0] =	vst v2;
	v3 =	vadd.f32 v3, v0  }
0x545: {  	v43 =	vld [tilespmem:s12+$0x3C0]  }
0x546: {  	v44 =	vld [tilespmem:s3+$0x12350];
	[tilespmem:s3+$0x16340] =	vst v3  }
0x547: {  	v45 =	vld [tilespmem:s9+$0x350];
	_ =	sdelay $0x2  }
0x548: {  	v2 =	vadd.f32 v43, v42;
	_ =	sdelay $0x1  }
0x549: {  	v2 =	vadd.f32 v2, v1;
	v3 =	vadd.f32 v45, v44  }
0x54a: {  	v46 =	vld [tilespmem:s3+$0x123D0]  }
0x54b: {  	v48 =	vld [tilespmem:s3+$0x12360];
	[tilespmem:s3+$0x163C0] =	vst v2;
	v3 =	vadd.f32 v3, v0  }
0x54c: {  	v47 =	vld [tilespmem:s12+$0x3D0]  }
0x54d: {  	v50 =	vld [tilespmem:s3+$0x123E0];
	[tilespmem:s3+$0x16350] =	vst v3  }
0x54e: {  	v49 =	vld [tilespmem:s9+$0x360]  }
0x54f: {  	v6 =	vld [tilespmem:s3+$0x12200]  }
0x550: {  	v9 =	vld [tilespmem:s3+$0x12000]  }
0x551: {  	v53 =	vld [tilespmem:s3+$0x12370];
	v2 =	vadd.f32 v47, v46  }
0x552: {  	v54 =	vld [tilespmem:s3+$0x123F0]  }
0x553: {  	v55 =	vld [tilespmem:s3+$0x12210];
	v2 =	vadd.f32 v2, v1;
	v3 =	vadd.f32 v49, v48  }
0x554: {  	s10 =	sor.u32 $0x4, s2;
	v57 =	vld [tilespmem:s3+$0x12010]  }
0x555: {  	s13 =	sor.u32 s0, s10;
	s10 =	sshll.u32 s10, $0x7;
	v59 =	vld [tilespmem:s3+$0x12700];
	[tilespmem:s3+$0x163D0] =	vst v2;
	v3 =	vadd.f32 v3, v0  }
0x556: {  	s31 =	sadd.s32 s0, s2;
	s10 =	sand.u32 $0x3FFFFF80, s10;
	v51 =	vld [tilespmem:s12+$0x3E0]  }
0x557: {  	v2 =	vld [tilespmem:s10+$0x19000];
	s10 =	sshll.u32 s31, $0x8;
	[tilespmem:s3+$0x16360] =	vst v3  }
0x558: {  	v8 =	vld [tilespmem:s9+$0x370];
	s9 =	sand.u32 $0x3FFFFF00, s10  }
0x559: {  	s8 =	sshll.u32 s13, $0x8;
	s13 =	sshll.u32 s2, $0x7;
	v52 =	vld [tilespmem:s9+$0x0]  }
0x55a: {  	v61 =	vld [tilespmem:s3+$0x12780];
	s10 =	sand.u32 $0x3FFFFF80, s13  }
0x55b: {  	v4 =	vadd.f32 v51, v50;
	v3 =	vld [tilespmem:s10+$0x19000]  }
0x55c: {  	v63 =	vld [tilespmem:s3+$0x12220]  }
0x55d: {  	v13 =	vld [tilespmem:s3+$0x12020];
	s11 =	sand.u32 $0xF800, s8;
	v4 =	vadd.f32 v4, v1  }
0x55e: {  	v7 =	vld [tilespmem:s11+$0x200];
	v5 =	vadd.f32 v52, v9  }
0x55f: {  	v15 =	vld [tilespmem:s3+$0x12710];
	[tilespmem:s3+$0x163E0] =	vst v4  }
0x560: {  	v10 =	vld [tilespmem:s12+$0x3F0];
	v5 =	vadd.f32 v5, v3  }
0x561: {  	v17 =	vld [tilespmem:s3+$0x12790]  }
0x562: {  	v19 =	vld [tilespmem:s3+$0x12230];
	[tilespmem:s3+$0x16000] =	vst v5  }
0x563: {  	v6 =	vadd.f32 v7, v6;
	v58 =	vld [tilespmem:s9+$0x10]  }
0x564: {  	v21 =	vld [tilespmem:s3+$0x12030]  }
0x565: {  	v23 =	vld [tilespmem:s3+$0x12720];
	v6 =	vadd.f32 v6, v2;
	v4 =	vadd.f32 v10, v54  }
0x566: {  	v25 =	vld [tilespmem:s3+$0x127A0]  }
0x567: {  	v27 =	vld [tilespmem:s3+$0x12240];
	[tilespmem:s3+$0x16200] =	vst v6;
	v7 =	vadd.f32 v8, v53;
	v4 =	vadd.f32 v4, v1  }
0x568: {  	v56 =	vld [tilespmem:s11+$0x210];
	v5 =	vadd.f32 v58, v57  }
0x569: {  	v29 =	vld [tilespmem:s3+$0x12040];
	s31 =	sor.u32 $0x780, s5;
	v7 =	vadd.f32 v7, v0;
	[tilespmem:s3+$0x163F0] =	vst v4  }
0x56a: {  	v62 =	vld [tilespmem:s31+$0x0];
	v5 =	vadd.f32 v5, v3  }
0x56b: {  	v31 =	vld [tilespmem:s3+$0x12730];
	s13 =	sor.u32 $0x700, s4;
	[tilespmem:s3+$0x16370] =	vst v7  }
0x56c: {  	v60 =	vld [tilespmem:s13+$0x0];
	[tilespmem:s3+$0x16010] =	vst v5  }
0x56d: {  	v6 =	vadd.f32 v56, v55;
	v14 =	vld [tilespmem:s9+$0x20]  }
0x56e: {  	v33 =	vld [tilespmem:s3+$0x127B0]  }
0x56f: {  	v35 =	vld [tilespmem:s3+$0x12250];
	v6 =	vadd.f32 v6, v2;
	v4 =	vadd.f32 v62, v61  }
0x570: {  	v36 =	vld [tilespmem:s3+$0x12050]  }
0x571: {  	v38 =	vld [tilespmem:s3+$0x12260];
	[tilespmem:s3+$0x16210] =	vst v6;
	v7 =	vadd.f32 v60, v59;
	v4 =	vadd.f32 v4, v1  }
0x572: {  	v12 =	vld [tilespmem:s11+$0x220];
	v5 =	vadd.f32 v14, v13  }
0x573: {  	v40 =	vld [tilespmem:s3+$0x12740];
	s31 =	sor.u32 $0x790, s5;
	v7 =	vadd.f32 v7, v0;
	[tilespmem:s3+$0x16780] =	vst v4  }
0x574: {  	v18 =	vld [tilespmem:s31+$0x0];
	v5 =	vadd.f32 v5, v3  }
0x575: {  	v41 =	vld [tilespmem:s3+$0x127C0];
	s13 =	sor.u32 $0x710, s4;
	[tilespmem:s3+$0x16700] =	vst v7  }
0x576: {  	v16 =	vld [tilespmem:s13+$0x0];
	[tilespmem:s3+$0x16020] =	vst v5  }
0x577: {  	v6 =	vadd.f32 v12, v63;
	v22 =	vld [tilespmem:s9+$0x30]  }
0x578: {  	v42 =	vld [tilespmem:s3+$0x12060]  }
0x579: {  	v45 =	vld [tilespmem:s3+$0x12750];
	v6 =	vadd.f32 v6, v2;
	v4 =	vadd.f32 v18, v17  }
0x57a: {  	v46 =	vld [tilespmem:s3+$0x127D0]  }
0x57b: {  	v47 =	vld [tilespmem:s3+$0x12070];
	[tilespmem:s3+$0x16220] =	vst v6;
	v7 =	vadd.f32 v16, v15;
	v4 =	vadd.f32 v4, v1  }
0x57c: {  	v20 =	vld [tilespmem:s11+$0x230];
	v5 =	vadd.f32 v22, v21  }
0x57d: {  	v49 =	vld [tilespmem:s3+$0x12400];
	s31 =	sor.u32 $0x7A0, s5;
	v7 =	vadd.f32 v7, v0;
	[tilespmem:s3+$0x16790] =	vst v4  }
0x57e: {  	v26 =	vld [tilespmem:s31+$0x0];
	v5 =	vadd.f32 v5, v3  }
0x57f: {  	v50 =	vld [tilespmem:s3+$0x12090];
	s13 =	sor.u32 $0x720, s4;
	[tilespmem:s3+$0x16710] =	vst v7  }
0x580: {  	v24 =	vld [tilespmem:s13+$0x0];
	[tilespmem:s3+$0x16030] =	vst v5  }
0x581: {  	v6 =	vadd.f32 v20, v19;
	v30 =	vld [tilespmem:s9+$0x40]  }
0x582: {  	v51 =	vld [tilespmem:s3+$0x12100]  }
0x583: {  	v53 =	vld [tilespmem:s9+$0x180];
	v6 =	vadd.f32 v6, v2;
	v4 =	vadd.f32 v26, v25  }
0x584: {  	v52 =	vld [tilespmem:s9+$0x100]  }
0x585: {  	v55 =	vld [tilespmem:s3+$0x12280];
	[tilespmem:s3+$0x16230] =	vst v6;
	v7 =	vadd.f32 v24, v23;
	v4 =	vadd.f32 v4, v1  }
0x586: {  	v28 =	vld [tilespmem:s11+$0x240];
	v5 =	vadd.f32 v30, v29  }
0x587: {  	v56 =	vld [tilespmem:s9+$0x280];
	s31 =	sor.u32 $0x7B0, s5;
	v7 =	vadd.f32 v7, v0;
	[tilespmem:s3+$0x167A0] =	vst v4  }
0x588: {  	v34 =	vld [tilespmem:s31+$0x0];
	v5 =	vadd.f32 v5, v3  }
0x589: {  	v60 =	vld [tilespmem:s3+$0x12190];
	s13 =	sor.u32 $0x730, s4;
	[tilespmem:s3+$0x16720] =	vst v7  }
0x58a: {  	v32 =	vld [tilespmem:s13+$0x0];
	[tilespmem:s3+$0x16040] =	vst v5  }
0x58b: {  	v6 =	vadd.f32 v28, v27;
	v37 =	vld [tilespmem:s9+$0x50]  }
0x58c: {  	v57 =	vld [tilespmem:s3+$0x12110]  }
0x58d: {  	v63 =	vld [tilespmem:s3+$0x12420];
	v6 =	vadd.f32 v6, v2;
	v4 =	vadd.f32 v34, v33  }
0x58e: {  	v13 =	vld [tilespmem:s3+$0x12080]  }
0x58f: {  	v14 =	vld [tilespmem:s9+$0x80];
	[tilespmem:s3+$0x16240] =	vst v6;
	v7 =	vadd.f32 v32, v31;
	v4 =	vadd.f32 v4, v1  }
0x590: {  	v11 =	vld [tilespmem:s11+$0x250];
	v5 =	vadd.f32 v37, v36  }
0x591: {  	v19 =	vld [tilespmem:s3+$0x12410];
	s31 =	sor.u32 $0x7C0, s5;
	v7 =	vadd.f32 v7, v0;
	[tilespmem:s3+$0x167B0] =	vst v4  }
0x592: {  	v4 =	vld [tilespmem:s31+$0x0];
	v5 =	vadd.f32 v5, v3  }
0x593: {  	v20 =	vld [tilespmem:s3+$0x120A0];
	s13 =	sor.u32 $0x740, s4;
	[tilespmem:s3+$0x16730] =	vst v7  }
0x594: {  	v7 =	vld [tilespmem:s13+$0x0];
	[tilespmem:s3+$0x16050] =	vst v5  }
0x595: {  	v6 =	vadd.f32 v11, v35;
	v43 =	vld [tilespmem:s9+$0x60]  }
0x596: {  	v17 =	vld [tilespmem:s3+$0x12180]  }
0x597: {  	v22 =	vld [tilespmem:s3+$0x12150];
	v6 =	vadd.f32 v6, v2;
	v4 =	vadd.f32 v4, v41  }
0x598: {  	v27 =	vld [tilespmem:s3+$0x120B0]  }
0x599: {  	v25 =	vld [tilespmem:s3+$0x12290];
	[tilespmem:s3+$0x16250] =	vst v6;
	v7 =	vadd.f32 v7, v40;
	v4 =	vadd.f32 v4, v1  }
0x59a: {  	v39 =	vld [tilespmem:s11+$0x260];
	v5 =	vadd.f32 v43, v42  }
0x59b: {  	v32 =	vld [tilespmem:s3+$0x121A0];
	s31 =	sor.u32 $0x7D0, s5;
	v7 =	vadd.f32 v7, v0;
	[tilespmem:s3+$0x167C0] =	vst v4  }
0x59c: {  	v4 =	vld [tilespmem:s31+$0x0];
	v5 =	vadd.f32 v5, v3  }
0x59d: {  	v29 =	vld [tilespmem:s3+$0x12120];
	s13 =	sor.u32 $0x750, s4;
	[tilespmem:s3+$0x16740] =	vst v7  }
0x59e: {  	v44 =	vld [tilespmem:s13+$0x0];
	[tilespmem:s3+$0x16060] =	vst v5  }
0x59f: {  	v6 =	vadd.f32 v39, v38;
	v12 =	vld [tilespmem:s9+$0x70]  }
0x5a0: {  	v5 =	vld [tilespmem:s10+$0x19080]  }
0x5a1: {  	v35 =	vld [tilespmem:s3+$0x12430];
	v6 =	vadd.f32 v6, v2;
	v4 =	vadd.f32 v4, v46  }
0x5a2: {  	v13 =	vadd.f32 v14, v13;
	v37 =	vld [tilespmem:s3+$0x122A0]  }
0x5a3: {  	[tilespmem:s3+$0x16260] =	vst v6;
	v6 =	vadd.f32 v44, v45;
	v15 =	vadd.f32 v4, v1;
	v4 =	vld [tilespmem:s10+$0x19280]  }
0x5a4: {  	v7 =	vld [tilespmem:s10+$0x19100];
	v10 =	vadd.f32 v12, v47  }
0x5a5: {  	v48 =	vadd.f32 v6, v0;
	v6 =	vld [tilespmem:s10+$0x19180];
	v13 =	vadd.f32 v13, v5  }
0x5a6: {  	v39 =	vld [tilespmem:s3+$0x120C0];
	[tilespmem:s3+$0x167D0] =	vst v15;
	v15 =	vadd.f32 v56, v55;
	v10 =	vadd.f32 v10, v3  }
0x5a7: {  	v41 =	vld [tilespmem:s3+$0x12130];
	v12 =	vadd.f32 v52, v51;
	[tilespmem:s3+$0x16080] =	vst v13  }
0x5a8: {  	v15 =	vadd.f32 v15, v4;
	v16 =	vld [tilespmem:s9+$0x90];
	[tilespmem:s3+$0x16070] =	vst v10;
	v10 =	vadd.f32 v53, v17  }
0x5a9: {  	v12 =	vadd.f32 v12, v7;
	v18 =	vld [tilespmem:s9+$0x400]  }
0x5aa: {  	v11 =	vld [tilespmem:s11+$0x270];
	[tilespmem:s3+$0x16280] =	vst v15;
	v10 =	vadd.f32 v10, v6  }
0x5ab: {  	[tilespmem:s3+$0x16100] =	vst v12;
	v26 =	vld [tilespmem:s9+$0x290]  }
0x5ac: {  	v58 =	vld [tilespmem:s9+$0x110];
	[tilespmem:s3+$0x16180] =	vst v10  }
0x5ad: {  	v54 =	vadd.f32 v16, v50;
	v61 =	vld [tilespmem:s9+$0x190]  }
0x5ae: {  	s11 =	sor.u32 $0x760, s4;
	v44 =	vld [tilespmem:s3+$0x121B0];
	[tilespmem:s3+$0x16750] =	vst v48;
	v14 =	vadd.f32 v18, v49  }
0x5af: {  	v9 =	vld [tilespmem:s11+$0x0];
	v13 =	vadd.f32 v54, v5  }
0x5b0: {  	s12 =	sor.u32 $0x7E0, s5;
	v56 =	vld [tilespmem:s3+$0x121C0];
	v15 =	vadd.f32 v26, v25;
	v14 =	vadd.f32 v14, v3  }
0x5b1: {  	v8 =	vld [tilespmem:s12+$0x0];
	v12 =	vadd.f32 v58, v57;
	[tilespmem:s3+$0x16090] =	vst v13  }
0x5b2: {  	v15 =	vadd.f32 v15, v4;
	v59 =	vld [tilespmem:s9+$0xA0];
	[tilespmem:s3+$0x16400] =	vst v14;
	v10 =	vadd.f32 v61, v60  }
0x5b3: {  	v12 =	vadd.f32 v12, v7;
	v62 =	vld [tilespmem:s9+$0x410]  }
0x5b4: {  	v47 =	vld [tilespmem:s3+$0x12440];
	[tilespmem:s3+$0x16290] =	vst v15;
	v10 =	vadd.f32 v10, v6  }
0x5b5: {  	[tilespmem:s3+$0x16110] =	vst v12;
	v38 =	vld [tilespmem:s9+$0x2A0]  }
0x5b6: {  	v30 =	vld [tilespmem:s9+$0x120];
	[tilespmem:s3+$0x16190] =	vst v10  }
0x5b7: {  	v24 =	vadd.f32 v59, v20;
	v33 =	vld [tilespmem:s9+$0x1A0]  }
0x5b8: {  	v51 =	vld [tilespmem:s3+$0x120D0];
	v28 =	vadd.f32 v62, v19  }
0x5b9: {  	v53 =	vld [tilespmem:s3+$0x12140];
	v13 =	vadd.f32 v24, v5  }
0x5ba: {  	v25 =	vld [tilespmem:s3+$0x121D0];
	v15 =	vadd.f32 v38, v37;
	v14 =	vadd.f32 v28, v3  }
0x5bb: {  	v49 =	vld [tilespmem:s3+$0x122B0];
	v12 =	vadd.f32 v30, v29;
	[tilespmem:s3+$0x160A0] =	vst v13  }
0x5bc: {  	v15 =	vadd.f32 v15, v4;
	v31 =	vld [tilespmem:s9+$0xB0];
	[tilespmem:s3+$0x16410] =	vst v14;
	v10 =	vadd.f32 v33, v32  }
0x5bd: {  	v12 =	vadd.f32 v12, v7;
	v34 =	vld [tilespmem:s9+$0x420]  }
0x5be: {  	v61 =	vld [tilespmem:s3+$0x122C0];
	[tilespmem:s3+$0x162A0] =	vst v15;
	v10 =	vadd.f32 v10, v6  }
0x5bf: {  	[tilespmem:s3+$0x16120] =	vst v12;
	v50 =	vld [tilespmem:s9+$0x2B0]  }
0x5c0: {  	v42 =	vld [tilespmem:s9+$0x130];
	[tilespmem:s3+$0x161A0] =	vst v10  }
0x5c1: {  	v36 =	vadd.f32 v31, v27;
	v45 =	vld [tilespmem:s9+$0x1B0]  }
0x5c2: {  	v59 =	vld [tilespmem:s3+$0x12450];
	v40 =	vadd.f32 v34, v63  }
0x5c3: {  	v37 =	vld [tilespmem:s3+$0x121E0];
	v13 =	vadd.f32 v36, v5  }
0x5c4: {  	v30 =	vld [tilespmem:s3+$0x122D0];
	v15 =	vadd.f32 v50, v49;
	v14 =	vadd.f32 v40, v3  }
0x5c5: {  	v28 =	vld [tilespmem:s3+$0x12460];
	v12 =	vadd.f32 v42, v41;
	[tilespmem:s3+$0x160B0] =	vst v13  }
0x5c6: {  	v15 =	vadd.f32 v15, v4;
	v43 =	vld [tilespmem:s9+$0xC0];
	[tilespmem:s3+$0x16420] =	vst v14;
	v10 =	vadd.f32 v45, v44  }
0x5c7: {  	v12 =	vadd.f32 v12, v7;
	v46 =	vld [tilespmem:s9+$0x430]  }
0x5c8: {  	v32 =	vld [tilespmem:s3+$0x120F0];
	[tilespmem:s3+$0x162B0] =	vst v15;
	v10 =	vadd.f32 v10, v6  }
0x5c9: {  	[tilespmem:s3+$0x16130] =	vst v12;
	v62 =	vld [tilespmem:s9+$0x2C0]  }
0x5ca: {  	v54 =	vld [tilespmem:s9+$0x140];
	[tilespmem:s3+$0x161B0] =	vst v10  }
0x5cb: {  	v48 =	vadd.f32 v43, v39;
	v57 =	vld [tilespmem:s9+$0x1C0]  }
0x5cc: {  	v49 =	vld [tilespmem:s3+$0x121F0];
	v52 =	vadd.f32 v46, v35  }
0x5cd: {  	v63 =	vld [tilespmem:s3+$0x120E0];
	v13 =	vadd.f32 v48, v5  }
0x5ce: {  	v34 =	vld [tilespmem:s3+$0x12160];
	v15 =	vadd.f32 v62, v61;
	v14 =	vadd.f32 v52, v3  }
0x5cf: {  	v42 =	vld [tilespmem:s3+$0x122E0];
	v12 =	vadd.f32 v54, v53;
	[tilespmem:s3+$0x160C0] =	vst v13  }
0x5d0: {  	v15 =	vadd.f32 v15, v4;
	v55 =	vld [tilespmem:s9+$0xD0];
	[tilespmem:s3+$0x16430] =	vst v14;
	v10 =	vadd.f32 v57, v56  }
0x5d1: {  	v12 =	vadd.f32 v12, v7;
	v58 =	vld [tilespmem:s9+$0x440]  }
0x5d2: {  	v44 =	vld [tilespmem:s3+$0x12170];
	[tilespmem:s3+$0x162C0] =	vst v15;
	v10 =	vadd.f32 v10, v6  }
0x5d3: {  	[tilespmem:s3+$0x16140] =	vst v12;
	v31 =	vld [tilespmem:s9+$0x2D0]  }
0x5d4: {  	v23 =	vld [tilespmem:s9+$0x150];
	[tilespmem:s3+$0x161C0] =	vst v10  }
0x5d5: {  	v60 =	vadd.f32 v55, v51;
	v26 =	vld [tilespmem:s9+$0x1D0]  }
0x5d6: {  	v43 =	vld [tilespmem:s3+$0x12480];
	v21 =	vadd.f32 v58, v47  }
0x5d7: {  	v62 =	vld [tilespmem:s3+$0x12680];
	v13 =	vadd.f32 v60, v5  }
0x5d8: {  	v54 =	vld [tilespmem:s3+$0x12490];
	v38 =	vadd.f32 v31, v30;
	v14 =	vadd.f32 v21, v3  }
0x5d9: {  	v52 =	vld [tilespmem:s3+$0x122F0];
	v12 =	vadd.f32 v23, v22;
	[tilespmem:s3+$0x160D0] =	vst v13  }
0x5da: {  	v17 =	vadd.f32 v38, v4;
	v24 =	vld [tilespmem:s9+$0xE0];
	[tilespmem:s3+$0x16440] =	vst v14;
	v10 =	vadd.f32 v26, v25  }
0x5db: {  	v12 =	vadd.f32 v12, v7;
	v27 =	vld [tilespmem:s9+$0x450]  }
0x5dc: {  	v51 =	vld [tilespmem:s3+$0x12270];
	[tilespmem:s3+$0x162D0] =	vst v17;
	v10 =	vadd.f32 v10, v6  }
0x5dd: {  	[tilespmem:s3+$0x16150] =	vst v12;
	v17 =	vld [tilespmem:s9+$0x2E0]  }
0x5de: {  	v35 =	vld [tilespmem:s9+$0x160];
	[tilespmem:s3+$0x161D0] =	vst v10  }
0x5df: {  	v29 =	vadd.f32 v24, v63;
	v39 =	vld [tilespmem:s9+$0x1E0]  }
0x5e0: {  	v55 =	vld [tilespmem:s3+$0x12500];
	v33 =	vadd.f32 v27, v59  }
0x5e1: {  	v60 =	vld [tilespmem:s3+$0x12600];
	v13 =	vadd.f32 v29, v5  }
0x5e2: {  	v30 =	vld [tilespmem:s3+$0x12610];
	v16 =	vadd.f32 v17, v42;
	v14 =	vadd.f32 v33, v3  }
0x5e3: {  	v58 =	vld [tilespmem:s3+$0x12580];
	v12 =	vadd.f32 v35, v34;
	[tilespmem:s3+$0x160E0] =	vst v13  }
0x5e4: {  	v16 =	vadd.f32 v16, v4;
	v36 =	vld [tilespmem:s9+$0xF0];
	[tilespmem:s3+$0x16450] =	vst v14;
	v14 =	vadd.f32 v39, v37  }
0x5e5: {  	v38 =	vld [tilespmem:s3+$0x125A0];
	v12 =	vadd.f32 v12, v7  }
0x5e6: {  	v11 =	vadd.f32 v11, v51;
	v21 =	vld [tilespmem:s3+$0x12570];
	[tilespmem:s3+$0x162E0] =	vst v16;
	v46 =	vadd.f32 v14, v6  }
0x5e7: {  	[tilespmem:s3+$0x16160] =	vst v12;
	v53 =	vld [tilespmem:s9+$0x2F0]  }
0x5e8: {  	v11 =	vadd.f32 v11, v2;
	v45 =	vld [tilespmem:s9+$0x170];
	[tilespmem:s3+$0x161E0] =	vst v46  }
0x5e9: {  	v41 =	vadd.f32 v36, v32;
	v50 =	vld [tilespmem:s9+$0x1F0]  }
0x5ea: {  	v25 =	vld [tilespmem:s3+$0x12510];
	[tilespmem:s3+$0x16270] =	vst v11  }
0x5eb: {  	v61 =	vld [tilespmem:s8+$0x200];
	v13 =	vadd.f32 v41, v5  }
0x5ec: {  	v24 =	vld [tilespmem:s3+$0x124A0];
	v16 =	vadd.f32 v53, v52  }
0x5ed: {  	v10 =	vld [tilespmem:s3+$0x12470];
	[tilespmem:s3+$0x160F0] =	vst v13;
	v13 =	vadd.f32 v45, v44  }
0x5ee: {  	v40 =	vld [tilespmem:s9+$0x460];
	v16 =	vadd.f32 v16, v4;
	v14 =	vadd.f32 v50, v49  }
0x5ef: {  	v42 =	vld [tilespmem:s3+$0x126A0];
	v13 =	vadd.f32 v13, v7  }
0x5f0: {  	v48 =	vld [tilespmem:s9+$0x480];
	[tilespmem:s3+$0x162F0] =	vst v16;
	v14 =	vadd.f32 v14, v6  }
0x5f1: {  	v63 =	vld [tilespmem:s9+$0x680];
	[tilespmem:s3+$0x16170] =	vst v13  }
0x5f2: {  	v11 =	vadd.f32 v61, v60;
	v56 =	vld [tilespmem:s9+$0x500];
	[tilespmem:s3+$0x161F0] =	vst v14  }
0x5f3: {  	v15 =	vadd.f32 v40, v28;
	v59 =	vld [tilespmem:s9+$0x580]  }
0x5f4: {  	v34 =	vld [tilespmem:s3+$0x124B0];
	v11 =	vadd.f32 v11, v2  }
0x5f5: {  	v35 =	vld [tilespmem:s3+$0x12520];
	v47 =	vadd.f32 v15, v3;
	v15 =	vadd.f32 v48, v43  }
0x5f6: {  	v60 =	vld [tilespmem:s3+$0x12640];
	[tilespmem:s3+$0x16600] =	vst v11;
	v16 =	vadd.f32 v63, v62  }
0x5f7: {  	v31 =	vld [tilespmem:s8+$0x210];
	v15 =	vadd.f32 v15, v5;
	v13 =	vadd.f32 v56, v55  }
0x5f8: {  	v32 =	vld [tilespmem:s3+$0x12690];
	v16 =	vadd.f32 v16, v4;
	v14 =	vadd.f32 v59, v58  }
0x5f9: {  	v28 =	vld [tilespmem:s3+$0x12590];
	[tilespmem:s3+$0x16480] =	vst v15;
	v13 =	vadd.f32 v13, v7  }
0x5fa: {  	v57 =	vld [tilespmem:s9+$0x490];
	[tilespmem:s3+$0x16680] =	vst v16;
	v14 =	vadd.f32 v14, v6  }
0x5fb: {  	v33 =	vld [tilespmem:s9+$0x690];
	[tilespmem:s3+$0x16500] =	vst v13  }
0x5fc: {  	v11 =	vadd.f32 v31, v30;
	v26 =	vld [tilespmem:s9+$0x510];
	[tilespmem:s3+$0x16580] =	vst v14  }
0x5fd: {  	v29 =	vld [tilespmem:s9+$0x590]  }
0x5fe: {  	v52 =	vld [tilespmem:s3+$0x126B0];
	v11 =	vadd.f32 v11, v2  }
0x5ff: {  	v40 =	vld [tilespmem:s3+$0x12620];
	v17 =	vadd.f32 v57, v54  }
0x600: {  	v44 =	vld [tilespmem:s3+$0x124C0];
	[tilespmem:s3+$0x16610] =	vst v11;
	v16 =	vadd.f32 v33, v32  }
0x601: {  	v41 =	vld [tilespmem:s8+$0x220];
	v17 =	vadd.f32 v17, v5;
	v13 =	vadd.f32 v26, v25  }
0x602: {  	v45 =	vld [tilespmem:s3+$0x12530];
	v16 =	vadd.f32 v16, v4;
	v14 =	vadd.f32 v29, v28  }
0x603: {  	v30 =	vld [tilespmem:s3+$0x12650];
	[tilespmem:s3+$0x16490] =	vst v17;
	v13 =	vadd.f32 v13, v7  }
0x604: {  	v27 =	vld [tilespmem:s9+$0x4A0];
	[tilespmem:s3+$0x16690] =	vst v16;
	v14 =	vadd.f32 v14, v6  }
0x605: {  	v43 =	vld [tilespmem:s9+$0x6A0];
	[tilespmem:s3+$0x16510] =	vst v13  }
0x606: {  	v11 =	vadd.f32 v41, v40;
	v36 =	vld [tilespmem:s9+$0x520];
	[tilespmem:s3+$0x16590] =	vst v14  }
0x607: {  	v39 =	vld [tilespmem:s9+$0x5A0]  }
0x608: {  	[tilespmem:s3+$0x16460] =	vst v47;
	v50 =	vld [tilespmem:s3+$0x12630];
	v11 =	vadd.f32 v11, v2  }
0x609: {  	v12 =	vld [tilespmem:s9+$0x470];
	v15 =	vadd.f32 v27, v24  }
0x60a: {  	v48 =	vld [tilespmem:s3+$0x125B0];
	[tilespmem:s3+$0x16620] =	vst v11;
	v16 =	vadd.f32 v43, v42  }
0x60b: {  	v51 =	vld [tilespmem:s8+$0x230];
	v15 =	vadd.f32 v15, v5;
	v13 =	vadd.f32 v36, v35  }
0x60c: {  	v62 =	vld [tilespmem:s3+$0x126C0];
	v16 =	vadd.f32 v16, v4;
	v14 =	vadd.f32 v39, v38  }
0x60d: {  	v55 =	vld [tilespmem:s3+$0x12540];
	[tilespmem:s3+$0x164A0] =	vst v15;
	v13 =	vadd.f32 v13, v7  }
0x60e: {  	v37 =	vld [tilespmem:s9+$0x4B0];
	[tilespmem:s3+$0x166A0] =	vst v16;
	v14 =	vadd.f32 v14, v6  }
0x60f: {  	v53 =	vld [tilespmem:s9+$0x6B0];
	[tilespmem:s3+$0x16520] =	vst v13  }
0x610: {  	v11 =	vadd.f32 v51, v50;
	v46 =	vld [tilespmem:s9+$0x530];
	[tilespmem:s3+$0x165A0] =	vst v14  }
0x611: {  	v49 =	vld [tilespmem:s9+$0x5B0]  }
0x612: {  	v40 =	vld [tilespmem:s3+$0x12660];
	v11 =	vadd.f32 v11, v2  }
0x613: {  	v58 =	vld [tilespmem:s3+$0x125C0];
	v17 =	vadd.f32 v37, v34  }
0x614: {  	v54 =	vld [tilespmem:s3+$0x124D0];
	[tilespmem:s3+$0x16630] =	vst v11;
	v16 =	vadd.f32 v53, v52  }
0x615: {  	v61 =	vld [tilespmem:s8+$0x240];
	v17 =	vadd.f32 v17, v5;
	v13 =	vadd.f32 v46, v45  }
0x616: {  	v32 =	vld [tilespmem:s3+$0x126D0];
	v16 =	vadd.f32 v16, v4;
	v14 =	vadd.f32 v49, v48  }
0x617: {  	v25 =	vld [tilespmem:s3+$0x12550];
	[tilespmem:s3+$0x164B0] =	vst v17;
	v13 =	vadd.f32 v13, v7  }
0x618: {  	v47 =	vld [tilespmem:s9+$0x4C0];
	[tilespmem:s3+$0x166B0] =	vst v16;
	v14 =	vadd.f32 v14, v6  }
0x619: {  	v63 =	vld [tilespmem:s9+$0x6C0];
	[tilespmem:s3+$0x16530] =	vst v13  }
0x61a: {  	v11 =	vadd.f32 v61, v60;
	v56 =	vld [tilespmem:s9+$0x540];
	[tilespmem:s3+$0x165B0] =	vst v14  }
0x61b: {  	v59 =	vld [tilespmem:s9+$0x5C0]  }
0x61c: {  	v51 =	vld [tilespmem:s3+$0x126F0];
	v11 =	vadd.f32 v11, v2  }
0x61d: {  	v28 =	vld [tilespmem:s3+$0x125D0];
	v15 =	vadd.f32 v47, v44  }
0x61e: {  	v24 =	vld [tilespmem:s3+$0x124E0];
	[tilespmem:s3+$0x16640] =	vst v11;
	v16 =	vadd.f32 v63, v62  }
0x61f: {  	v31 =	vld [tilespmem:s8+$0x250];
	v15 =	vadd.f32 v15, v5;
	v13 =	vadd.f32 v56, v55  }
0x620: {  	v42 =	vld [tilespmem:s3+$0x126E0];
	v16 =	vadd.f32 v16, v4;
	v14 =	vadd.f32 v59, v58  }
0x621: {  	v35 =	vld [tilespmem:s3+$0x12560];
	[tilespmem:s3+$0x164C0] =	vst v15;
	v13 =	vadd.f32 v13, v7  }
0x622: {  	v57 =	vld [tilespmem:s9+$0x4D0];
	[tilespmem:s3+$0x166C0] =	vst v16;
	v14 =	vadd.f32 v14, v6  }
0x623: {  	v33 =	vld [tilespmem:s9+$0x6D0];
	[tilespmem:s3+$0x16540] =	vst v13  }
0x624: {  	v11 =	vadd.f32 v31, v30;
	v26 =	vld [tilespmem:s9+$0x550];
	[tilespmem:s3+$0x165C0] =	vst v14  }
0x625: {  	v29 =	vld [tilespmem:s9+$0x5D0]  }
0x626: {  	v38 =	vld [tilespmem:s3+$0x125E0];
	v11 =	vadd.f32 v11, v2  }
0x627: {  	v34 =	vld [tilespmem:s3+$0x124F0];
	v17 =	vadd.f32 v57, v54  }
0x628: {  	v53 =	vld [tilespmem:s3+$0x12770];
	[tilespmem:s3+$0x16650] =	vst v11;
	v16 =	vadd.f32 v33, v32  }
0x629: {  	v41 =	vld [tilespmem:s8+$0x260];
	v17 =	vadd.f32 v17, v5;
	v13 =	vadd.f32 v26, v25  }
0x62a: {  	v44 =	vld [tilespmem:s3+$0x12760];
	v16 =	vadd.f32 v16, v4;
	v14 =	vadd.f32 v29, v28  }
0x62b: {  	v46 =	vld [tilespmem:s3+$0x127E0];
	[tilespmem:s3+$0x164D0] =	vst v17;
	v13 =	vadd.f32 v13, v7  }
0x62c: {  	v27 =	vld [tilespmem:s9+$0x4E0];
	[tilespmem:s3+$0x166D0] =	vst v16;
	v14 =	vadd.f32 v14, v6  }
0x62d: {  	v43 =	vld [tilespmem:s9+$0x6E0];
	[tilespmem:s3+$0x16550] =	vst v13  }
0x62e: {  	v11 =	vadd.f32 v41, v40;
	v36 =	vld [tilespmem:s9+$0x560];
	[tilespmem:s3+$0x165D0] =	vst v14  }
0x62f: {  	v9 =	vadd.f32 v9, v44;
	v39 =	vld [tilespmem:s9+$0x5E0]  }
0x630: {  	v49 =	vld [tilespmem:s3+$0x12670];
	v8 =	vadd.f32 v8, v46;
	v11 =	vadd.f32 v11, v2  }
0x631: {  	v47 =	vld [tilespmem:s3+$0x125F0];
	v9 =	vadd.f32 v9, v0;
	v15 =	vadd.f32 v27, v24  }
0x632: {  	v8 =	vadd.f32 v8, v1;
	v55 =	vld [tilespmem:s3+$0x127F0];
	[tilespmem:s3+$0x16660] =	vst v11;
	v16 =	vadd.f32 v43, v42  }
0x633: {  	s4 =	sor.u32 $0x770, s4;
	[tilespmem:s3+$0x16760] =	vst v9;
	v50 =	vld [tilespmem:s8+$0x270];
	v15 =	vadd.f32 v15, v5;
	v13 =	vadd.f32 v36, v35  }
0x634: {  	s13 =	sor.u32 $0x7F0, s5;
	[tilespmem:s3+$0x167E0] =	vst v8;
	v54 =	vld [tilespmem:s4+$0x0];
	v16 =	vadd.f32 v16, v4;
	v14 =	vadd.f32 v39, v38  }
0x635: {  	v57 =	vld [tilespmem:s13+$0x0];
	[tilespmem:s3+$0x164E0] =	vst v15;
	v13 =	vadd.f32 v13, v7  }
0x636: {  	v37 =	vld [tilespmem:s9+$0x4F0];
	[tilespmem:s3+$0x166E0] =	vst v16;
	v14 =	vadd.f32 v14, v6  }
0x637: {  	v10 =	vadd.f32 v12, v10;
	v52 =	vld [tilespmem:s9+$0x6F0];
	[tilespmem:s3+$0x16560] =	vst v13  }
0x638: {  	v59 =	vadd.f32 v50, v49;
	v45 =	vld [tilespmem:s9+$0x570];
	[tilespmem:s3+$0x165E0] =	vst v14  }
0x639: {  	v3 =	vadd.f32 v10, v3;
	v62 =	vadd.f32 v54, v53;
	v48 =	vld [tilespmem:s9+$0x5F0]  }
0x63a: {  	v63 =	vadd.f32 v57, v55;
	v2 =	vadd.f32 v59, v2  }
0x63b: {  	[tilespmem:s3+$0x16470] =	vst v3;
	v0 =	vadd.f32 v62, v0;
	v17 =	vadd.f32 v37, v34  }
0x63c: {  	v1 =	vadd.f32 v63, v1;
	[tilespmem:s3+$0x16670] =	vst v2;
	v61 =	vadd.f32 v52, v51  }
0x63d: {  	p0 =	slt.u32 s2, $0x18;
	[tilespmem:s3+$0x16770] =	vst v0;
	v5 =	vadd.f32 v17, v5;
	v56 =	vadd.f32 v45, v21  }
.Ltmp3:
0x63e: {  	[tilespmem:s3+$0x167F0] =	vst v1;
	v4 =	vadd.f32 v61, v4;
	v14 =	vadd.f32 v48, v47;
	(pc) =	sbr.rel @p0 .LBB2_9-.Ltmp3, $4  }
0x63f: {  	[tilespmem:s3+$0x164F0] =	vst v5;
	v58 =	vadd.f32 v56, v7  }
0x640: {  	[tilespmem:s3+$0x166F0] =	vst v4;
	v60 =	vadd.f32 v14, v6  }
0x641: {  	s31 =	sadd.s32 $0x8, s2;
	[tilespmem:s3+$0x16570] =	vst v58  }
0x642: {  	s2 =	smov.u32 s31;
	[tilespmem:s3+$0x165F0] =	vst v60  }
0x643: {  	s0 =	sshll.u32 s7, $0xA;
	s1 =	sadd.s32 $0x1, s1  }
0x644: {  	s31 =	sadd.s32 s6, s19;
	s0 =	sadd.s32 s0, s17;
	p0 =	sne.s32 s1, $0x1F  }
0x645: {  	[hbm4b:s0+s14] =	stream.linear.scatter [tilespmem:s28], [sflag:$0x4], $0x2000, $0x38;
	[tilespmem:$0x1A000] =	vst v63  }
.Ltmp4:
0x646: {  	s2 =	sshll.u32 s31, $0x5;
	(pc) =	sbr.rel @p0 .LBB2_6-.Ltmp4, $4  }
0x647: {  	s2 =	sadd.s32 s15, s2;
	s0 =	sshll.u32 s31, $0x4  }
0x648: {  	[tilespmem:s22], [sflag:$0x2] =	stream.linear.gather [hbm4b:s2+s14], $0x2000, $0x38;
	[tilespmem:$0x1A000] =	vst v63  }
0x649: {  	s0 =	sadd.s32 s16, s0  }
0x64a: {  	[tilespmem:s23], [sflag:$0x2] =	stream.linear.gather [hbm4b:s0+s14], $0x1000, $0x38;
	[tilespmem:$0x1A000] =	vst v63  }
0x64b: {  	_ =	swait.ge [sflag:s24], $0x2000  }
0x64c: {  	[sflag:s24] =	ssyncset.done $0x0  }
0x64d: {  	[sflag:s24] =	ssyncadd.s32 $0xFFFFE000  }
0x64e: {  	_ =	swait.ge [sflag:s24], $0x1000  }
0x64f: {  	[sflag:s24] =	ssyncset.done $0x0  }
0x650: {  	[sflag:s24] =	ssyncadd.s32 $0xFFFFF000  }
0x651: {  	_ =	swait.ge [sflag:s29], $0x2000  }
0x652: {  	[sflag:s29] =	ssyncset.done $0x0  }
0x653: {  	s0 =	simm.s32 $0x0;
	[sflag:s29] =	ssyncadd.s32 $0xFFFFE000  }
.LBB2_12:
0x654: {  	s19 =	sshll.u32 s0, $0x8  }
0x655: {  	v8 =	vld [tilespmem:s19+$0x10000]  }
0x656: {  	v4 =	vld [tilespmem:s19+$0xC000]  }
0x657: {  	v9 =	vld [tilespmem:s19+$0x10010]  }
0x658: {  	v5 =	vld [tilespmem:s19+$0xC010]  }
0x659: {  	v10 =	vld [tilespmem:s19+$0x10020]  }
0x65a: {  	v6 =	vld [tilespmem:s19+$0xC020]  }
0x65b: {  	v11 =	vld [tilespmem:s19+$0x10030]  }
0x65c: {  	v7 =	vld [tilespmem:s19+$0xC030]  }
0x65d: {  	v13 =	vld [tilespmem:s19+$0x10040]  }
0x65e: {  	v12 =	vld [tilespmem:s19+$0xC040]  }
0x65f: {  	v15 =	vld [tilespmem:s19+$0x10050]  }
0x660: {  	v14 =	vld [tilespmem:s19+$0xC050]  }
0x661: {  	v17 =	vld [tilespmem:s19+$0x10060]  }
0x662: {  	v63 =	vld [tilespmem:s19+$0xC4D0]  }
0x663: {  	v16 =	vld [tilespmem:s19+$0xC060]  }
0x664: {  	v19 =	vld [tilespmem:s19+$0x10070]  }
0x665: {  	v18 =	vld [tilespmem:s19+$0xC070]  }
0x666: {  	v21 =	vld [tilespmem:s19+$0x10400]  }
0x667: {  	[tilespmem:$0x1F3F0] =	vst v63;
	v63 =	vld [tilespmem:s19+$0x104E0]  }
0x668: {  	v20 =	vld [tilespmem:s19+$0xC400]  }
0x669: {  	v23 =	vld [tilespmem:s19+$0x10410]  }
0x66a: {  	v22 =	vld [tilespmem:s19+$0xC410]  }
0x66b: {  	v25 =	vld [tilespmem:s19+$0x10420]  }
0x66c: {  	[tilespmem:$0x1F400] =	vst v63;
	v63 =	vld [tilespmem:s19+$0xC4E0]  }
0x66d: {  	v24 =	vld [tilespmem:s19+$0xC420]  }
0x66e: {  	v27 =	vld [tilespmem:s19+$0x10430]  }
0x66f: {  	v26 =	vld [tilespmem:s19+$0xC430]  }
0x670: {  	v29 =	vld [tilespmem:s19+$0x10440]  }
0x671: {  	[tilespmem:$0x1F410] =	vst v63;
	v63 =	vld [tilespmem:s19+$0x104F0]  }
0x672: {  	v28 =	vld [tilespmem:s19+$0xC440]  }
0x673: {  	v31 =	vld [tilespmem:s19+$0x10450]  }
0x674: {  	v30 =	vld [tilespmem:s19+$0xC450]  }
0x675: {  	v33 =	vld [tilespmem:s19+$0x10460]  }
0x676: {  	[tilespmem:$0x1F420] =	vst v63;
	v63 =	vld [tilespmem:s19+$0xC4F0]  }
0x677: {  	v32 =	vld [tilespmem:s19+$0xC460]  }
0x678: {  	v36 =	vld [tilespmem:s19+$0x10470]  }
0x679: {  	v34 =	vld [tilespmem:s19+$0xC470]  }
0x67a: {  	v37 =	vld [tilespmem:s19+$0x10080]  }
0x67b: {  	[tilespmem:$0x1F430] =	vst v63;
	v63 =	vld [tilespmem:s19+$0x10100]  }
0x67c: {  	v35 =	vld [tilespmem:s19+$0xC080]  }
0x67d: {  	v40 =	vld [tilespmem:s19+$0x10090]  }
0x67e: {  	v38 =	vld [tilespmem:s19+$0xC090]  }
0x67f: {  	v41 =	vld [tilespmem:s19+$0x100A0]  }
0x680: {  	[tilespmem:$0x1F440] =	vst v63;
	v63 =	vld [tilespmem:s19+$0xC100]  }
0x681: {  	v39 =	vld [tilespmem:s19+$0xC0A0]  }
0x682: {  	v43 =	vld [tilespmem:s19+$0x100B0]  }
0x683: {  	v42 =	vld [tilespmem:s19+$0xC0B0]  }
0x684: {  	v62 =	vld [tilespmem:s19+$0x100C0]  }
0x685: {  	[tilespmem:$0x1F450] =	vst v63;
	v63 =	vld [tilespmem:s19+$0x10110]  }
0x686: {  	v44 =	vld [tilespmem:s19+$0xC0C0]  }
0x687: {  	v55 =	vld [tilespmem:s19+$0x100D0]  }
0x688: {  	v45 =	vld [tilespmem:s19+$0xC0D0]  }
0x689: {  	v56 =	vld [tilespmem:s19+$0x100E0]  }
0x68a: {  	[tilespmem:$0x1F460] =	vst v63;
	v63 =	vld [tilespmem:s19+$0xC110]  }
0x68b: {  	v46 =	vld [tilespmem:s19+$0xC0E0]  }
0x68c: {  	v48 =	vld [tilespmem:s19+$0x100F0]  }
0x68d: {  	v47 =	vld [tilespmem:s19+$0xC0F0]  }
0x68e: {  	v50 =	vld [tilespmem:s19+$0x10480]  }
0x68f: {  	[tilespmem:$0x1F470] =	vst v63;
	v63 =	vld [tilespmem:s19+$0x10120]  }
0x690: {  	v49 =	vld [tilespmem:s19+$0xC480]  }
0x691: {  	v53 =	vld [tilespmem:s19+$0x10490]  }
0x692: {  	v51 =	vld [tilespmem:s19+$0xC490]  }
0x693: {  	v57 =	vld [tilespmem:s19+$0x104A0]  }
0x694: {  	[tilespmem:$0x1F480] =	vst v63;
	v63 =	vld [tilespmem:s19+$0xC120]  }
0x695: {  	v54 =	vld [tilespmem:s19+$0xC4A0]  }
0x696: {  	v59 =	vld [tilespmem:s19+$0x104B0]  }
0x697: {  	v58 =	vld [tilespmem:s19+$0xC4B0]  }
0x698: {  	v0 =	vld [tilespmem:s19+$0x104D0]  }
0x699: {  	[tilespmem:$0x1F490] =	vst v63;
	v63 =	vld [tilespmem:s19+$0x10130]  }
0x69a: {  	s1 =	sshll.u32 s0, $0x7;
	v61 =	vld [tilespmem:s19+$0x104C0]  }
0x69b: {  	s2 =	sand.u32 $0x3FFFFF80, s1;
	v60 =	vld [tilespmem:s19+$0xC4C0]  }
0x69c: {  	v2 =	vld [tilespmem:s2+$0x18000]  }
0x69d: {  	v52 =	vld [tilespmem:s2+$0x18080];
	[tilespmem:$0x1F3E0] =	vst v0  }
0x69e: {  	v3 =	vld [tilespmem:s2+$0x18100];
	[tilespmem:$0x1F4A0] =	vst v63  }
0x69f: {  	v63 =	vld [tilespmem:s19+$0x10140];
	_ =	sdelay $0x4  }
0x6a0: {  	[tilespmem:$0x1F4C0] =	vst v63;
	v63 =	vld [tilespmem:s19+$0xC140];
	_ =	sdelay $0x4  }
0x6a1: {  	[tilespmem:$0x1F4D0] =	vst v63;
	v63 =	vld [tilespmem:s19+$0x10150];
	_ =	sdelay $0x4  }
0x6a2: {  	[tilespmem:$0x1F4E0] =	vst v63;
	v63 =	vld [tilespmem:s19+$0xC150];
	_ =	sdelay $0x4  }
0x6a3: {  	[tilespmem:$0x1F4F0] =	vst v63;
	v63 =	vld [tilespmem:s19+$0x10160];
	_ =	sdelay $0x4  }
0x6a4: {  	[tilespmem:$0x1F500] =	vst v63;
	v63 =	vld [tilespmem:s19+$0xC160];
	_ =	sdelay $0x4  }
0x6a5: {  	[tilespmem:$0x1F510] =	vst v63;
	v63 =	vld [tilespmem:s19+$0x10170];
	_ =	sdelay $0x4  }
0x6a6: {  	[tilespmem:$0x1F520] =	vst v63;
	v63 =	vld [tilespmem:s19+$0xC170];
	_ =	sdelay $0x4  }
0x6a7: {  	[tilespmem:$0x1F530] =	vst v63;
	v63 =	vld [tilespmem:s19+$0x10500];
	_ =	sdelay $0x4  }
0x6a8: {  	[tilespmem:$0x1F540] =	vst v63;
	v63 =	vld [tilespmem:s19+$0xC500];
	_ =	sdelay $0x4  }
0x6a9: {  	[tilespmem:$0x1F550] =	vst v63;
	v63 =	vld [tilespmem:s19+$0x10510];
	_ =	sdelay $0x4  }
0x6aa: {  	[tilespmem:$0x1F560] =	vst v63;
	v63 =	vld [tilespmem:s19+$0xC510];
	_ =	sdelay $0x4  }
0x6ab: {  	[tilespmem:$0x1F570] =	vst v63;
	v63 =	vld [tilespmem:s19+$0x10520];
	_ =	sdelay $0x4  }
0x6ac: {  	[tilespmem:$0x1F580] =	vst v63;
	v63 =	vld [tilespmem:s19+$0xC520];
	_ =	sdelay $0x4  }
0x6ad: {  	[tilespmem:$0x1F590] =	vst v63;
	v63 =	vld [tilespmem:s19+$0x10530];
	_ =	sdelay $0x4  }
0x6ae: {  	[tilespmem:$0x1F5A0] =	vst v63;
	v63 =	vld [tilespmem:s19+$0xC530];
	_ =	sdelay $0x4  }
0x6af: {  	[tilespmem:$0x1F5B0] =	vst v63;
	v63 =	vld [tilespmem:s19+$0x10540];
	_ =	sdelay $0x4  }
0x6b0: {  	[tilespmem:$0x1F5C0] =	vst v63;
	v63 =	vld [tilespmem:s19+$0xC540];
	_ =	sdelay $0x4  }
0x6b1: {  	[tilespmem:$0x1F5D0] =	vst v63;
	v63 =	vld [tilespmem:s19+$0x10550];
	_ =	sdelay $0x4  }
0x6b2: {  	[tilespmem:$0x1F5E0] =	vst v63;
	v63 =	vld [tilespmem:s19+$0xC550];
	_ =	sdelay $0x4  }
0x6b3: {  	[tilespmem:$0x1F5F0] =	vst v63;
	v63 =	vld [tilespmem:s19+$0x10560];
	_ =	sdelay $0x4  }
0x6b4: {  	[tilespmem:$0x1F600] =	vst v63;
	v63 =	vld [tilespmem:s19+$0xC560];
	_ =	sdelay $0x4  }
0x6b5: {  	[tilespmem:$0x1F610] =	vst v63;
	v63 =	vld [tilespmem:s19+$0x10570];
	_ =	sdelay $0x4  }
0x6b6: {  	[tilespmem:$0x1F620] =	vst v63;
	v63 =	vld [tilespmem:s19+$0xC570];
	_ =	sdelay $0x4  }
0x6b7: {  	[tilespmem:$0x1F630] =	vst v63;
	v63 =	vld [tilespmem:s19+$0x10180];
	_ =	sdelay $0x4  }
0x6b8: {  	[tilespmem:$0x1F640] =	vst v63;
	v63 =	vld [tilespmem:s19+$0xC180];
	_ =	sdelay $0x4  }
0x6b9: {  	[tilespmem:$0x1F650] =	vst v63;
	v63 =	vld [tilespmem:s19+$0x10190];
	_ =	sdelay $0x4  }
0x6ba: {  	[tilespmem:$0x1F660] =	vst v63;
	v63 =	vld [tilespmem:s19+$0xC190]  }
0x6bb: {  	v0 =	vld [tilespmem:s19+$0xC130]  }
0x6bc: {  	v1 =	vld [tilespmem:s2+$0x18180]  }
0x6bd: {  	v4 =	vadd.f32 v4, v8;
	v8 =	vld [tilespmem:s19+$0xC250]  }
0x6be: {  	v12 =	vadd.f32 v12, v13;
	v13 =	vld [tilespmem:s19+$0x10260]  }
0x6bf: {  	[tilespmem:$0x1F670] =	vst v63;
	v63 =	vld [tilespmem:s19+$0x101A0]  }
0x6c0: {  	v14 =	vadd.f32 v14, v15;
	v15 =	vld [tilespmem:s19+$0xC260]  }
0x6c1: {  	v16 =	vadd.f32 v16, v17;
	v17 =	vld [tilespmem:s19+$0x10270]  }
0x6c2: {  	v5 =	vadd.f32 v5, v9;
	v18 =	vadd.f32 v18, v19;
	v19 =	vld [tilespmem:s19+$0xC270]  }
0x6c3: {  	v6 =	vadd.f32 v6, v10;
	v20 =	vadd.f32 v20, v21;
	v21 =	vld [tilespmem:s19+$0x10600]  }
0x6c4: {  	v7 =	vadd.f32 v7, v11;
	v4 =	vadd.f32 v4, v2;
	[tilespmem:$0x1F680] =	vst v63;
	v63 =	vld [tilespmem:s19+$0xC1A0]  }
0x6c5: {  	v22 =	vadd.f32 v22, v23;
	v5 =	vadd.f32 v5, v2;
	v23 =	vld [tilespmem:s19+$0xC600]  }
0x6c6: {  	v24 =	vadd.f32 v24, v25;
	v6 =	vadd.f32 v6, v2;
	[tilespmem:s19+$0x14000] =	vst v4;
	v25 =	vld [tilespmem:s19+$0x10610]  }
0x6c7: {  	v26 =	vadd.f32 v26, v27;
	[tilespmem:s19+$0x14010] =	vst v5;
	v27 =	vld [tilespmem:s19+$0xC610]  }
0x6c8: {  	v28 =	vadd.f32 v28, v29;
	v7 =	vadd.f32 v7, v2;
	[tilespmem:s19+$0x14020] =	vst v6;
	v29 =	vld [tilespmem:s19+$0x10620]  }
0x6c9: {  	v4 =	vadd.f32 v12, v2;
	[tilespmem:$0x1F690] =	vst v63;
	v63 =	vld [tilespmem:s19+$0x101B0]  }
0x6ca: {  	v30 =	vadd.f32 v30, v31;
	[tilespmem:s19+$0x14030] =	vst v7;
	v5 =	vadd.f32 v14, v2;
	v31 =	vld [tilespmem:s19+$0xC620]  }
0x6cb: {  	v6 =	vadd.f32 v16, v2;
	v12 =	vadd.f32 v32, v33;
	v32 =	vld [tilespmem:s19+$0xC280];
	[tilespmem:s19+$0x14040] =	vst v4  }
0x6cc: {  	v33 =	vld [tilespmem:s19+$0x10290];
	[tilespmem:s19+$0x14050] =	vst v5  }
0x6cd: {  	v7 =	vadd.f32 v18, v2;
	v9 =	vld [tilespmem:s19+$0xC2B0];
	[tilespmem:s19+$0x14060] =	vst v6  }
0x6ce: {  	v16 =	vadd.f32 v35, v37;
	v4 =	vadd.f32 v20, v2;
	[tilespmem:$0x1F6A0] =	vst v63;
	v63 =	vld [tilespmem:s19+$0xC1B0]  }
0x6cf: {  	v37 =	vadd.f32 v54, v57;
	v54 =	vld [tilespmem:$0x1F460];
	[tilespmem:s19+$0x14070] =	vst v7;
	v5 =	vadd.f32 v22, v2  }
0x6d0: {  	v57 =	vld [tilespmem:$0x1F470];
	v6 =	vadd.f32 v24, v2;
	[tilespmem:s19+$0x14400] =	vst v4  }
0x6d1: {  	v18 =	vadd.f32 v38, v40;
	v38 =	vadd.f32 v58, v59;
	v58 =	vld [tilespmem:$0x1F480];
	[tilespmem:s19+$0x14410] =	vst v5  }
0x6d2: {  	v59 =	vld [tilespmem:$0x1F490];
	v7 =	vadd.f32 v26, v2;
	[tilespmem:s19+$0x14420] =	vst v6  }
0x6d3: {  	[tilespmem:$0x1F6B0] =	vst v63;
	v63 =	vld [tilespmem:s19+$0x101C0]  }
0x6d4: {  	v40 =	vadd.f32 v60, v61;
	v61 =	vld [tilespmem:$0x1F4A0];
	[tilespmem:s19+$0x14430] =	vst v7  }
0x6d5: {  	v24 =	vadd.f32 v44, v62;
	v62 =	vld [tilespmem:s19+$0x10660];
	[tilespmem:$0x1F4B0] =	vst v0  }
0x6d6: {  	v26 =	vadd.f32 v46, v56;
	v56 =	vld [tilespmem:s19+$0x10670];
	[tilespmem:$0x1F8F0] =	vst v13  }
0x6d7: {  	v20 =	vadd.f32 v39, v41;
	v39 =	vld [tilespmem:s19+$0x10280];
	[tilespmem:$0x1F900] =	vst v15  }
0x6d8: {  	[tilespmem:$0x1F6C0] =	vst v63;
	v63 =	vld [tilespmem:s19+$0xC1C0]  }
0x6d9: {  	v41 =	vld [tilespmem:$0x1F3E0];
	[tilespmem:$0x1F910] =	vst v17  }
0x6da: {  	v22 =	vadd.f32 v42, v43;
	v42 =	vld [tilespmem:$0x1F3F0];
	[tilespmem:$0x1F920] =	vst v19  }
0x6db: {  	v43 =	vld [tilespmem:$0x1F400];
	[tilespmem:$0x1F930] =	vst v21  }
0x6dc: {  	v44 =	vld [tilespmem:$0x1F410];
	[tilespmem:$0x1F940] =	vst v23  }
0x6dd: {  	[tilespmem:$0x1F6D0] =	vst v63;
	v63 =	vld [tilespmem:s19+$0x101D0]  }
0x6de: {  	v46 =	vld [tilespmem:$0x1F430];
	[tilespmem:$0x1F950] =	vst v25  }
0x6df: {  	v4 =	vadd.f32 v28, v2;
	v28 =	vadd.f32 v49, v50;
	v49 =	vld [tilespmem:$0x1F450];
	[tilespmem:$0x1F960] =	vst v27  }
0x6e0: {  	v0 =	vld [tilespmem:s2+$0x18200];
	[tilespmem:$0x1F970] =	vst v29  }
0x6e1: {  	v14 =	vadd.f32 v34, v36;
	v5 =	vadd.f32 v30, v2;
	v13 =	vld [tilespmem:s19+$0x10630];
	[tilespmem:s19+$0x14440] =	vst v4  }
0x6e2: {  	v6 =	vadd.f32 v12, v2;
	[tilespmem:$0x1F6E0] =	vst v63;
	v63 =	vld [tilespmem:s19+$0xC1D0]  }
0x6e3: {  	v2 =	vadd.f32 v14, v2;
	v15 =	vld [tilespmem:s19+$0xC630];
	[tilespmem:s19+$0x14450] =	vst v5  }
0x6e4: {  	v17 =	vld [tilespmem:s19+$0x10640];
	[tilespmem:s19+$0x14460] =	vst v6;
	v4 =	vadd.f32 v16, v52  }
0x6e5: {  	v19 =	vld [tilespmem:s19+$0xC640];
	[tilespmem:s19+$0x14470] =	vst v2  }
0x6e6: {  	v21 =	vld [tilespmem:s19+$0x10650];
	v5 =	vadd.f32 v18, v52;
	[tilespmem:s19+$0x14080] =	vst v4  }
0x6e7: {  	v6 =	vadd.f32 v20, v52;
	[tilespmem:$0x1F6F0] =	vst v63;
	v63 =	vld [tilespmem:s19+$0x101E0]  }
0x6e8: {  	v23 =	vld [tilespmem:s19+$0xC650];
	v2 =	vadd.f32 v22, v52;
	[tilespmem:s19+$0x14090] =	vst v5  }
0x6e9: {  	v25 =	vadd.f32 v45, v55;
	v55 =	vld [tilespmem:s19+$0xC660];
	[tilespmem:s19+$0x140A0] =	vst v6;
	v4 =	vadd.f32 v24, v52  }
0x6ea: {  	v27 =	vadd.f32 v47, v48;
	v47 =	vld [tilespmem:s19+$0xC670];
	[tilespmem:s19+$0x140B0] =	vst v2  }
0x6eb: {  	v45 =	vld [tilespmem:$0x1F420];
	v5 =	vadd.f32 v25, v52;
	[tilespmem:s19+$0x140C0] =	vst v4  }
0x6ec: {  	v6 =	vadd.f32 v26, v52;
	[tilespmem:$0x1F700] =	vst v63;
	v63 =	vld [tilespmem:s19+$0xC1E0]  }
0x6ed: {  	v48 =	vld [tilespmem:$0x1F440];
	v7 =	vadd.f32 v27, v52;
	[tilespmem:s19+$0x140D0] =	vst v5  }
0x6ee: {  	v12 =	vld [tilespmem:$0x1F4B0];
	[tilespmem:s19+$0x140E0] =	vst v6  }
0x6ef: {  	v32 =	vadd.f32 v32, v39;
	v39 =	vld [tilespmem:s19+$0x10730];
	[tilespmem:s19+$0x140F0] =	vst v7  }
0x6f0: {  	v2 =	vld [tilespmem:s2+$0x18280];
	[tilespmem:$0x1F990] =	vst v13  }
0x6f1: {  	v29 =	vadd.f32 v51, v53;
	[tilespmem:$0x1F710] =	vst v63;
	v63 =	vld [tilespmem:s19+$0x101F0]  }
0x6f2: {  	v26 =	vld [tilespmem:s19+$0xC290];
	v4 =	vadd.f32 v28, v52;
	[tilespmem:$0x1F9A0] =	vst v15  }
0x6f3: {  	v24 =	vld [tilespmem:s19+$0x102A0];
	v5 =	vadd.f32 v29, v52;
	[tilespmem:$0x1F9B0] =	vst v17  }
0x6f4: {  	v17 =	vld [tilespmem:s19+$0xC2A0];
	[tilespmem:s19+$0x14480] =	vst v4  }
0x6f5: {  	v6 =	vadd.f32 v37, v52;
	v15 =	vld [tilespmem:s19+$0x102B0];
	[tilespmem:s19+$0x14490] =	vst v5  }
0x6f6: {  	v7 =	vadd.f32 v38, v52;
	v5 =	vadd.f32 v42, v41;
	[tilespmem:$0x1F720] =	vst v63;
	v63 =	vld [tilespmem:s19+$0xC1F0]  }
0x6f7: {  	v13 =	vld [tilespmem:$0x1F4C0];
	[tilespmem:s19+$0x144A0] =	vst v6;
	v6 =	vadd.f32 v44, v43;
	v4 =	vadd.f32 v40, v52  }
0x6f8: {  	[tilespmem:s19+$0x144B0] =	vst v7;
	v7 =	vadd.f32 v46, v45;
	v14 =	vld [tilespmem:$0x1F4D0];
	v26 =	vadd.f32 v26, v33  }
0x6f9: {  	v33 =	vld [tilespmem:s19+$0xC730];
	v5 =	vadd.f32 v5, v52;
	[tilespmem:s19+$0x144C0] =	vst v4;
	v4 =	vadd.f32 v49, v48  }
0x6fa: {  	v6 =	vadd.f32 v6, v52;
	v50 =	vadd.f32 v7, v52;
	v52 =	vld [tilespmem:s19+$0x102C0]  }
0x6fb: {  	[tilespmem:$0x1F730] =	vst v63;
	v63 =	vld [tilespmem:s19+$0x10580]  }
0x6fc: {  	v60 =	vadd.f32 v4, v3;
	v4 =	vld [tilespmem:s19+$0xC2C0]  }
0x6fd: {  	[tilespmem:s19+$0x144D0] =	vst v5;
	v5 =	vld [tilespmem:s19+$0x102D0]  }
0x6fe: {  	v17 =	vadd.f32 v17, v24;
	v24 =	vld [tilespmem:s19+$0x10740]  }
0x6ff: {  	[tilespmem:s19+$0x144E0] =	vst v6;
	v9 =	vadd.f32 v9, v15;
	v15 =	vld [tilespmem:s19+$0xC740]  }
0x700: {  	v6 =	vadd.f32 v59, v58;
	[tilespmem:$0x1F740] =	vst v63;
	v63 =	vld [tilespmem:s19+$0xC580]  }
0x701: {  	[tilespmem:$0x1F8E0] =	vst v8;
	v8 =	vadd.f32 v14, v13;
	v18 =	vld [tilespmem:$0x1F4E0]  }
0x702: {  	v16 =	vadd.f32 v6, v3;
	v6 =	vld [tilespmem:s19+$0xC2D0]  }
0x703: {  	v22 =	vadd.f32 v8, v3;
	v8 =	vld [tilespmem:s19+$0xC2E0]  }
0x704: {  	v20 =	vld [tilespmem:$0x1F500]  }
0x705: {  	[tilespmem:$0x1F750] =	vst v63;
	v63 =	vld [tilespmem:s19+$0x10590]  }
0x706: {  	[tilespmem:$0x1F9D0] =	vst v21;
	v21 =	vld [tilespmem:$0x1F510]  }
0x707: {  	[tilespmem:$0x1F9C0] =	vst v19;
	v19 =	vld [tilespmem:$0x1F4F0]  }
0x708: {  	v5 =	vadd.f32 v6, v5;
	v6 =	vld [tilespmem:s19+$0xC750]  }
0x709: {  	v27 =	vld [tilespmem:$0x1F540]  }
0x70a: {  	[tilespmem:$0x1F760] =	vst v63;
	v63 =	vld [tilespmem:s19+$0xC590]  }
0x70b: {  	v11 =	vadd.f32 v21, v20;
	v28 =	vld [tilespmem:$0x1F550]  }
0x70c: {  	[tilespmem:$0x1F9E0] =	vst v23;
	v23 =	vld [tilespmem:$0x1F520]  }
0x70d: {  	v29 =	vadd.f32 v11, v3;
	v11 =	vld [tilespmem:s19+$0xC2F0]  }
0x70e: {  	v25 =	vld [tilespmem:$0x1F530]  }
0x70f: {  	[tilespmem:$0x1F770] =	vst v63;
	v63 =	vld [tilespmem:s19+$0x105A0]  }
0x710: {  	v13 =	vadd.f32 v28, v27;
	v30 =	vld [tilespmem:$0x1F560]  }
0x711: {  	v28 =	vld [tilespmem:s19+$0x106E0]  }
0x712: {  	v36 =	vadd.f32 v13, v3;
	v13 =	vld [tilespmem:s19+$0xC680]  }
0x713: {  	[tilespmem:$0x1F980] =	vst v31;
	v31 =	vld [tilespmem:$0x1F570]  }
0x714: {  	[tilespmem:$0x1F780] =	vst v63;
	v63 =	vld [tilespmem:s19+$0xC5A0]  }
0x715: {  	v40 =	vld [tilespmem:$0x1F5C0]  }
0x716: {  	v41 =	vld [tilespmem:$0x1F5D0]  }
0x717: {  	v34 =	vld [tilespmem:$0x1F580]  }
0x718: {  	v35 =	vld [tilespmem:$0x1F590]  }
0x719: {  	[tilespmem:$0x1F790] =	vst v63;
	v63 =	vld [tilespmem:s19+$0x105B0]  }
0x71a: {  	v10 =	vadd.f32 v12, v61;
	v37 =	vld [tilespmem:$0x1F5A0]  }
0x71b: {  	v12 =	vadd.f32 v19, v18;
	v38 =	vld [tilespmem:$0x1F5B0];
	v19 =	vadd.f32 v41, v40  }
0x71c: {  	v43 =	vld [tilespmem:$0x1F5E0]  }
0x71d: {  	v7 =	vadd.f32 v57, v54;
	v48 =	vadd.f32 v19, v3;
	v19 =	vld [tilespmem:s19+$0xC6A0]  }
0x71e: {  	[tilespmem:$0x1F7A0] =	vst v63;
	v63 =	vld [tilespmem:s19+$0xC5B0]  }
0x71f: {  	v7 =	vadd.f32 v7, v3;
	v44 =	vld [tilespmem:$0x1F5F0]  }
0x720: {  	v45 =	vld [tilespmem:$0x1F600]  }
0x721: {  	v46 =	vld [tilespmem:$0x1F610];
	[tilespmem:s19+$0x14110] =	vst v7  }
0x722: {  	v10 =	vadd.f32 v10, v3;
	v14 =	vadd.f32 v25, v23;
	v7 =	vld [tilespmem:s19+$0x102E0];
	[tilespmem:s19+$0x14120] =	vst v16  }
0x723: {  	v12 =	vadd.f32 v12, v3;
	v18 =	vadd.f32 v31, v30;
	[tilespmem:$0x1F7B0] =	vst v63;
	v63 =	vld [tilespmem:s19+$0x105C0]  }
0x724: {  	v14 =	vadd.f32 v14, v3;
	[tilespmem:s19+$0x14130] =	vst v10;
	v10 =	vld [tilespmem:s19+$0x102F0]  }
0x725: {  	v18 =	vadd.f32 v18, v3;
	v20 =	vadd.f32 v38, v37;
	[tilespmem:s19+$0x14150] =	vst v12;
	v12 =	vld [tilespmem:s19+$0x10680]  }
0x726: {  	[tilespmem:s19+$0x14170] =	vst v14;
	v14 =	vld [tilespmem:s19+$0x10690]  }
0x727: {  	v20 =	vadd.f32 v20, v3;
	[tilespmem:s19+$0x14510] =	vst v18;
	v18 =	vld [tilespmem:s19+$0x106A0]  }
0x728: {  	[tilespmem:$0x1F7C0] =	vst v63;
	v63 =	vld [tilespmem:s19+$0xC5C0]  }
0x729: {  	[tilespmem:s19+$0x14530] =	vst v20;
	v20 =	vld [tilespmem:s19+$0x106B0]  }
0x72a: {  	[tilespmem:s19+$0x14160] =	vst v29;
	v16 =	vadd.f32 v35, v34;
	v29 =	vld [tilespmem:s19+$0xC6E0]  }
0x72b: {  	[tilespmem:s19+$0x14140] =	vst v22;
	v22 =	vadd.f32 v44, v43;
	v49 =	vld [tilespmem:$0x1F620]  }
0x72c: {  	v21 =	vadd.f32 v46, v45;
	v42 =	vadd.f32 v16, v3;
	v16 =	vld [tilespmem:s19+$0xC690]  }
0x72d: {  	v22 =	vadd.f32 v22, v3;
	[tilespmem:$0x1F7D0] =	vst v63;
	v63 =	vld [tilespmem:s19+$0x105D0]  }
0x72e: {  	v54 =	vadd.f32 v21, v3;
	v21 =	vld [tilespmem:s19+$0xC6B0]  }
0x72f: {  	[tilespmem:s19+$0x14550] =	vst v22;
	v22 =	vld [tilespmem:s19+$0x106C0]  }
0x730: {  	v47 =	vadd.f32 v47, v56;
	v7 =	vadd.f32 v8, v7;
	v8 =	vld [tilespmem:s19+$0x10760]  }
0x731: {  	v32 =	vadd.f32 v32, v2;
	v56 =	vadd.f32 v11, v10;
	v10 =	vld [tilespmem:s19+$0x10770]  }
0x732: {  	[tilespmem:$0x1F7E0] =	vst v63;
	v63 =	vld [tilespmem:s19+$0xC5D0]  }
0x733: {  	[tilespmem:s19+$0x14280] =	vst v32;
	v32 =	vadd.f32 v19, v18;
	v18 =	vld [tilespmem:s19+$0x103A0]  }
0x734: {  	v19 =	vld [tilespmem:s19+$0xC3A0]  }
0x735: {  	v11 =	vld [tilespmem:s19+$0x103B0]  }
0x736: {  	[tilespmem:s19+$0x144F0] =	vst v50;
	v50 =	vld [tilespmem:$0x1F630]  }
0x737: {  	[tilespmem:$0x1F7F0] =	vst v63;
	v63 =	vld [tilespmem:s19+$0x105E0]  }
0x738: {  	v51 =	vld [tilespmem:$0x1F640]  }
0x739: {  	v53 =	vld [tilespmem:$0x1F650]  }
0x73a: {  	v57 =	vld [tilespmem:$0x1F660]  }
0x73b: {  	v4 =	vadd.f32 v4, v52;
	v58 =	vld [tilespmem:$0x1F670]  }
0x73c: {  	v52 =	vadd.f32 v5, v2;
	v5 =	vadd.f32 v56, v2;
	[tilespmem:$0x1F800] =	vst v63;
	v63 =	vld [tilespmem:s19+$0xC5E0]  }
0x73d: {  	v16 =	vadd.f32 v16, v14;
	v14 =	vld [tilespmem:s19+$0xC380]  }
0x73e: {  	[tilespmem:s19+$0x142F0] =	vst v5;
	v5 =	vld [tilespmem:s19+$0x103C0]  }
0x73f: {  	v25 =	vadd.f32 v50, v49;
	v59 =	vld [tilespmem:$0x1F680]  }
0x740: {  	[tilespmem:s19+$0x14100] =	vst v60;
	v23 =	vadd.f32 v53, v51;
	v60 =	vld [tilespmem:$0x1F690]  }
0x741: {  	v3 =	vadd.f32 v25, v3;
	v25 =	vadd.f32 v58, v57;
	[tilespmem:$0x1F810] =	vst v63;
	v63 =	vld [tilespmem:s19+$0x105F0]  }
0x742: {  	v61 =	vadd.f32 v23, v1;
	v23 =	vld [tilespmem:s19+$0xC6C0]  }
0x743: {  	[tilespmem:s19+$0x14500] =	vst v36;
	v36 =	vadd.f32 v25, v1;
	v25 =	vld [tilespmem:s19+$0x106D0]  }
0x744: {  	v34 =	vld [tilespmem:$0x1F6A0]  }
0x745: {  	v37 =	vld [tilespmem:$0x1F6C0]  }
0x746: {  	v27 =	vadd.f32 v60, v59;
	[tilespmem:$0x1F820] =	vst v63;
	v63 =	vld [tilespmem:s19+$0xC5F0]  }
0x747: {  	v38 =	vld [tilespmem:$0x1F6D0]  }
0x748: {  	v40 =	vadd.f32 v27, v1;
	v27 =	vld [tilespmem:s19+$0xC6D0]  }
0x749: {  	v44 =	vld [tilespmem:$0x1F700]  }
0x74a: {  	v45 =	vld [tilespmem:$0x1F710]  }
0x74b: {  	[tilespmem:$0x1F830] =	vst v63;
	v63 =	vld [tilespmem:s19+$0x10200]  }
0x74c: {  	v35 =	vld [tilespmem:$0x1F6B0];
	v30 =	vadd.f32 v38, v37  }
0x74d: {  	v41 =	vld [tilespmem:$0x1F6E0]  }
0x74e: {  	v46 =	vadd.f32 v30, v1;
	v30 =	vld [tilespmem:s19+$0x106F0]  }
0x74f: {  	[tilespmem:s19+$0x14520] =	vst v42;
	v42 =	vld [tilespmem:$0x1F6F0]  }
0x750: {  	v31 =	vadd.f32 v45, v44;
	[tilespmem:$0x1F840] =	vst v63;
	v63 =	vld [tilespmem:s19+$0xC200]  }
0x751: {  	[tilespmem:s19+$0x14540] =	vst v48;
	v48 =	vld [tilespmem:$0x1F720]  }
0x752: {  	v53 =	vadd.f32 v31, v1;
	v31 =	vld [tilespmem:s19+$0xC6F0]  }
0x753: {  	v49 =	vld [tilespmem:$0x1F730]  }
0x754: {  	v50 =	vld [tilespmem:$0x1F740]  }
0x755: {  	[tilespmem:$0x1F850] =	vst v63;
	v63 =	vld [tilespmem:s19+$0x10210]  }
0x756: {  	v51 =	vld [tilespmem:$0x1F750]  }
0x757: {  	[tilespmem:s19+$0x14560] =	vst v54;
	v54 =	vld [tilespmem:$0x1F760]  }
0x758: {  	v57 =	vld [tilespmem:$0x1F770]  }
0x759: {  	v59 =	vld [tilespmem:$0x1F780]  }
0x75a: {  	[tilespmem:$0x1F860] =	vst v63;
	v63 =	vld [tilespmem:s19+$0xC210]  }
0x75b: {  	v60 =	vld [tilespmem:$0x1F790]  }
0x75c: {  	v44 =	vld [tilespmem:$0x1F7A0]  }
0x75d: {  	v45 =	vld [tilespmem:$0x1F7B0]  }
0x75e: {  	[tilespmem:s19+$0x14570] =	vst v3;
	v3 =	vadd.f32 v35, v34;
	v35 =	vadd.f32 v51, v50;
	v50 =	vld [tilespmem:$0x1F7E0]  }
0x75f: {  	v43 =	vadd.f32 v42, v41;
	[tilespmem:$0x1F870] =	vst v63;
	v63 =	vld [tilespmem:s19+$0x10220]  }
0x760: {  	v51 =	vld [tilespmem:$0x1F7F0]  }
0x761: {  	v34 =	vadd.f32 v43, v1;
	v37 =	vadd.f32 v57, v54;
	v54 =	vld [tilespmem:$0x1F800]  }
0x762: {  	v57 =	vld [tilespmem:$0x1F810]  }
0x763: {  	[tilespmem:s19+$0x141D0] =	vst v34;
	v34 =	vld [tilespmem:s19+$0x10300]  }
0x764: {  	[tilespmem:$0x1F880] =	vst v63;
	v63 =	vld [tilespmem:s19+$0xC220]  }
0x765: {  	v3 =	vadd.f32 v3, v1;
	[tilespmem:s19+$0x14180] =	vst v61;
	v61 =	vadd.f32 v35, v1;
	v35 =	vld [tilespmem:s19+$0xC300]  }
0x766: {  	v37 =	vadd.f32 v37, v1;
	[tilespmem:s19+$0x141C0] =	vst v46;
	v46 =	vld [tilespmem:$0x1F7C0]  }
0x767: {  	v42 =	vadd.f32 v51, v50;
	[tilespmem:s19+$0x141B0] =	vst v3;
	v3 =	vadd.f32 v49, v48;
	v48 =	vld [tilespmem:$0x1F7D0]  }
0x768: {  	v38 =	vadd.f32 v45, v44;
	[tilespmem:s19+$0x14590] =	vst v37;
	v37 =	vld [tilespmem:s19+$0xC310]  }
0x769: {  	v42 =	vadd.f32 v42, v1;
	[tilespmem:$0x1F890] =	vst v63;
	v63 =	vld [tilespmem:s19+$0x10230]  }
0x76a: {  	[tilespmem:s19+$0x141E0] =	vst v53;
	v53 =	vadd.f32 v38, v1;
	v38 =	vld [tilespmem:s19+$0x10320]  }
0x76b: {  	[tilespmem:s19+$0x145D0] =	vst v42;
	v42 =	vld [tilespmem:s19+$0x10340]  }
0x76c: {  	[tilespmem:s19+$0x14190] =	vst v36;
	v36 =	vadd.f32 v60, v59;
	v59 =	vld [tilespmem:$0x1F820]  }
0x76d: {  	v58 =	vadd.f32 v3, v1;
	v3 =	vld [tilespmem:s2+$0x18300]  }
0x76e: {  	[tilespmem:$0x1F8A0] =	vst v63;
	v63 =	vld [tilespmem:s19+$0xC230]  }
0x76f: {  	v41 =	vadd.f32 v57, v54;
	v49 =	vadd.f32 v36, v1;
	v36 =	vld [tilespmem:s19+$0x10310]  }
0x770: {  	[tilespmem:s19+$0x141A0] =	vst v40;
	v40 =	vadd.f32 v48, v46;
	v60 =	vld [tilespmem:$0x1F830]  }
0x771: {  	[tilespmem:s19+$0x145A0] =	vst v49;
	v49 =	vadd.f32 v41, v1;
	v41 =	vld [tilespmem:s19+$0x10330]  }
0x772: {  	[tilespmem:s19+$0x141F0] =	vst v58;
	v58 =	vadd.f32 v40, v1;
	v40 =	vld [tilespmem:s19+$0xC320]  }
0x773: {  	[tilespmem:$0x1F8B0] =	vst v63;
	v63 =	vld [tilespmem:s19+$0x10240]  }
0x774: {  	v50 =	vld [tilespmem:$0x1F860]  }
0x775: {  	v43 =	vadd.f32 v60, v59;
	v51 =	vld [tilespmem:$0x1F870]  }
0x776: {  	[tilespmem:s19+$0x14580] =	vst v61;
	v61 =	vld [tilespmem:$0x1F840]  }
0x777: {  	v43 =	vadd.f32 v43, v1;
	v1 =	vld [tilespmem:s19+$0xC330]  }
0x778: {  	[tilespmem:$0x1F8C0] =	vst v63;
	v63 =	vld [tilespmem:s19+$0xC240]  }
0x779: {  	v48 =	vld [tilespmem:$0x1F850]  }
0x77a: {  	[tilespmem:s19+$0x145B0] =	vst v53;
	v53 =	vadd.f32 v51, v50;
	v54 =	vld [tilespmem:$0x1F880]  }
0x77b: {  	v50 =	vld [tilespmem:s19+$0xC350]  }
0x77c: {  	v46 =	vadd.f32 v53, v0;
	v53 =	vld [tilespmem:$0x1F8E0]  }
0x77d: {  	v60 =	vld [tilespmem:$0x1F8C0];
	[tilespmem:$0x1F8D0] =	vst v63  }
0x77e: {  	v44 =	vadd.f32 v48, v61;
	v61 =	vld [tilespmem:$0x1F8D0]  }
0x77f: {  	v57 =	vld [tilespmem:$0x1F890]  }
0x780: {  	[tilespmem:s19+$0x145C0] =	vst v58;
	v58 =	vld [tilespmem:$0x1F8A0]  }
0x781: {  	v59 =	vld [tilespmem:$0x1F8B0]  }
0x782: {  	v63 =	vld [tilespmem:s19+$0x10250]  }
0x783: {  	[tilespmem:s19+$0x145E0] =	vst v49;
	v49 =	vadd.f32 v61, v60;
	v60 =	vld [tilespmem:$0x1F930]  }
0x784: {  	v61 =	vld [tilespmem:$0x1F940]  }
0x785: {  	v45 =	vadd.f32 v57, v54;
	v54 =	vld [tilespmem:$0x1F8F0]  }
0x786: {  	v48 =	vadd.f32 v59, v58;
	v58 =	vld [tilespmem:$0x1F910]  }
0x787: {  	v59 =	vld [tilespmem:$0x1F920];
	v49 =	vadd.f32 v49, v0  }
0x788: {  	v17 =	vadd.f32 v17, v2;
	[tilespmem:s19+$0x14210] =	vst v46;
	v46 =	vadd.f32 v53, v63;
	v63 =	vld [tilespmem:$0x1F950]  }
0x789: {  	v44 =	vadd.f32 v44, v0;
	[tilespmem:s19+$0x14240] =	vst v49;
	v49 =	vadd.f32 v61, v60;
	v60 =	vld [tilespmem:$0x1F960]  }
0x78a: {  	[tilespmem:s19+$0x142A0] =	vst v17;
	v57 =	vld [tilespmem:$0x1F900];
	v48 =	vadd.f32 v48, v0  }
0x78b: {  	v4 =	vadd.f32 v4, v2;
	[tilespmem:s19+$0x14200] =	vst v44;
	v44 =	vld [tilespmem:s19+$0x10350]  }
0x78c: {  	[tilespmem:s19+$0x14230] =	vst v48;
	v48 =	vadd.f32 v59, v58;
	v58 =	vld [tilespmem:s19+$0x10700];
	v46 =	vadd.f32 v46, v0  }
0x78d: {  	[tilespmem:s19+$0x142C0] =	vst v4;
	v56 =	vadd.f32 v27, v25;
	v45 =	vadd.f32 v45, v0;
	v61 =	vld [tilespmem:$0x1F970]  }
0x78e: {  	v1 =	vadd.f32 v1, v41;
	[tilespmem:s19+$0x14250] =	vst v46;
	v46 =	vadd.f32 v60, v63;
	v63 =	vld [tilespmem:$0x1F980]  }
0x78f: {  	v25 =	vadd.f32 v35, v34;
	[tilespmem:s19+$0x14220] =	vst v45;
	v45 =	vadd.f32 v57, v54;
	v59 =	vld [tilespmem:s19+$0xC700]  }
0x790: {  	[tilespmem:s19+$0x145F0] =	vst v43;
	v43 =	vld [tilespmem:s19+$0xC340];
	v1 =	vadd.f32 v1, v3;
	v34 =	vadd.f32 v50, v44  }
0x791: {  	[tilespmem:s19+$0x142D0] =	vst v52;
	v27 =	vadd.f32 v37, v36;
	v51 =	vld [tilespmem:s19+$0x10360];
	v45 =	vadd.f32 v45, v0  }
0x792: {  	[tilespmem:s19+$0x14330] =	vst v1;
	v48 =	vadd.f32 v48, v0;
	v37 =	vadd.f32 v34, v3;
	v60 =	vld [tilespmem:$0x1F990]  }
0x793: {  	[tilespmem:s19+$0x14260] =	vst v45;
	v45 =	vadd.f32 v63, v61;
	v61 =	vld [tilespmem:$0x1F9A0];
	v63 =	vadd.f32 v55, v62  }
0x794: {  	v53 =	vld [tilespmem:s19+$0xC360];
	[tilespmem:s19+$0x14270] =	vst v48;
	v41 =	vadd.f32 v59, v58;
	v49 =	vadd.f32 v49, v0  }
0x795: {  	v54 =	vld [tilespmem:s19+$0x10370];
	[tilespmem:s19+$0x14350] =	vst v37;
	v63 =	vadd.f32 v63, v0  }
0x796: {  	v57 =	vld [tilespmem:s19+$0xC370];
	v44 =	vadd.f32 v41, v3;
	[tilespmem:s19+$0x14600] =	vst v49  }
0x797: {  	v49 =	vld [tilespmem:$0x1F9B0];
	v46 =	vadd.f32 v46, v0;
	[tilespmem:s19+$0x14660] =	vst v63;
	v63 =	vadd.f32 v13, v12  }
0x798: {  	[tilespmem:s19+$0x14700] =	vst v44;
	v45 =	vadd.f32 v45, v0;
	v48 =	vadd.f32 v61, v60;
	v60 =	vld [tilespmem:$0x1F9C0]  }
0x799: {  	v36 =	vadd.f32 v53, v51;
	[tilespmem:s19+$0x14610] =	vst v46;
	v61 =	vld [tilespmem:$0x1F9E0];
	v17 =	vadd.f32 v63, v2  }
0x79a: {  	[tilespmem:s19+$0x14620] =	vst v45;
	v63 =	vadd.f32 v29, v28;
	v46 =	vadd.f32 v48, v0;
	v48 =	vld [tilespmem:$0x1F9D0]  }
0x79b: {  	v50 =	vld [tilespmem:s19+$0xC780];
	v28 =	vadd.f32 v25, v3;
	v29 =	vadd.f32 v40, v38;
	[tilespmem:s19+$0x14680] =	vst v17  }
0x79c: {  	v59 =	vld [tilespmem:s19+$0x107A0];
	v40 =	vadd.f32 v36, v3;
	[tilespmem:s19+$0x14630] =	vst v46;
	v46 =	vadd.f32 v21, v20  }
0x79d: {  	v41 =	vld [tilespmem:s19+$0x107D0];
	[tilespmem:s19+$0x14300] =	vst v28;
	v21 =	vadd.f32 v56, v2;
	v49 =	vadd.f32 v60, v49  }
0x79e: {  	v53 =	vld [tilespmem:s19+$0x10790];
	[tilespmem:s19+$0x14360] =	vst v40;
	v52 =	vadd.f32 v46, v2  }
0x79f: {  	v12 =	vld [tilespmem:s19+$0xC770];
	[tilespmem:s19+$0x146D0] =	vst v21;
	v48 =	vadd.f32 v61, v48;
	v45 =	vadd.f32 v49, v0  }
0x7a0: {  	v44 =	vld [tilespmem:s19+$0xC7D0];
	v49 =	vadd.f32 v9, v2;
	[tilespmem:s19+$0x146B0] =	vst v52  }
0x7a1: {  	v55 =	vld [tilespmem:s19+$0x10720];
	v62 =	vadd.f32 v48, v0;
	[tilespmem:s19+$0x14640] =	vst v45  }
0x7a2: {  	v13 =	vld [tilespmem:s19+$0x10380];
	v0 =	vadd.f32 v47, v0;
	[tilespmem:s19+$0x142B0] =	vst v49  }
0x7a3: {  	v25 =	vld [tilespmem:s19+$0x103E0];
	v47 =	vadd.f32 v26, v2;
	[tilespmem:s19+$0x14650] =	vst v62  }
0x7a4: {  	v36 =	vld [tilespmem:s19+$0x107C0];
	v58 =	vadd.f32 v12, v10;
	v45 =	vadd.f32 v16, v2;
	[tilespmem:s19+$0x14670] =	vst v0  }
0x7a5: {  	v17 =	vld [tilespmem:s19+$0xC390];
	v49 =	vadd.f32 v23, v22;
	v23 =	vadd.f32 v63, v2;
	[tilespmem:s19+$0x14290] =	vst v47  }
0x7a6: {  	v28 =	vld [tilespmem:s19+$0x103F0];
	v22 =	vadd.f32 v31, v30;
	v30 =	vadd.f32 v27, v3;
	[tilespmem:s19+$0x14690] =	vst v45  }
0x7a7: {  	v60 =	vld [tilespmem:s19+$0x10710];
	v31 =	vadd.f32 v29, v3;
	[tilespmem:s19+$0x146E0] =	vst v23  }
0x7a8: {  	v61 =	vld [tilespmem:s19+$0xC710];
	v63 =	vadd.f32 v58, v3;
	[tilespmem:s19+$0x14310] =	vst v30  }
0x7a9: {  	v38 =	vadd.f32 v57, v54;
	v20 =	vld [tilespmem:s19+$0xC3B0];
	v62 =	vadd.f32 v7, v2;
	[tilespmem:s19+$0x14320] =	vst v31  }
0x7aa: {  	v56 =	vld [tilespmem:s19+$0xC790];
	v47 =	vadd.f32 v32, v2;
	[tilespmem:s19+$0x14770] =	vst v63  }
0x7ab: {  	v48 =	vld [tilespmem:s19+$0xC720];
	v32 =	vadd.f32 v43, v42;
	v42 =	vadd.f32 v38, v3;
	[tilespmem:s19+$0x142E0] =	vst v62  }
0x7ac: {  	v26 =	vld [tilespmem:s19+$0x10750];
	[tilespmem:s19+$0x146A0] =	vst v47;
	v62 =	vadd.f32 v49, v2  }
0x7ad: {  	v9 =	vld [tilespmem:s19+$0xC760];
	v43 =	vadd.f32 v61, v60;
	v2 =	vadd.f32 v22, v2;
	[tilespmem:s19+$0x14370] =	vst v42  }
0x7ae: {  	v21 =	vld [tilespmem:s19+$0xC3C0];
	v35 =	vadd.f32 v32, v3;
	v47 =	vadd.f32 v33, v39;
	[tilespmem:s19+$0x146C0] =	vst v62  }
0x7af: {  	v16 =	vld [tilespmem:s19+$0x10390];
	v49 =	vadd.f32 v15, v24;
	v46 =	vadd.f32 v43, v3;
	[tilespmem:s19+$0x146F0] =	vst v2  }
0x7b0: {  	v0 =	vld [tilespmem:s2+$0x18380];
	v45 =	vadd.f32 v48, v55;
	[tilespmem:s19+$0x14340] =	vst v35;
	v51 =	vadd.f32 v47, v3  }
0x7b1: {  	v27 =	vld [tilespmem:s19+$0xC3E0];
	v52 =	vadd.f32 v6, v26;
	v54 =	vadd.f32 v49, v3;
	[tilespmem:s19+$0x14710] =	vst v46  }
0x7b2: {  	v29 =	vld [tilespmem:s19+$0xC3F0];
	v55 =	vadd.f32 v9, v8;
	v48 =	vadd.f32 v45, v3;
	[tilespmem:s19+$0x14730] =	vst v51  }
0x7b3: {  	v23 =	vld [tilespmem:s19+$0xC3D0];
	v61 =	vadd.f32 v14, v13;
	v57 =	vadd.f32 v52, v3;
	[tilespmem:s19+$0x14740] =	vst v54  }
0x7b4: {  	v30 =	vld [tilespmem:s19+$0x10780];
	v24 =	vadd.f32 v17, v16;
	v60 =	vadd.f32 v55, v3;
	[tilespmem:s19+$0x14720] =	vst v48  }
0x7b5: {  	v38 =	vld [tilespmem:s19+$0xC7C0];
	v32 =	vadd.f32 v19, v18;
	v31 =	vadd.f32 v61, v0;
	[tilespmem:s19+$0x14750] =	vst v57  }
0x7b6: {  	v5 =	vadd.f32 v21, v5;
	v22 =	vld [tilespmem:s19+$0x103D0];
	v34 =	vadd.f32 v24, v0;
	[tilespmem:s19+$0x14760] =	vst v60  }
0x7b7: {  	v33 =	vld [tilespmem:s19+$0xC7B0];
	v35 =	vadd.f32 v20, v11;
	v37 =	vadd.f32 v32, v0;
	[tilespmem:s19+$0x14380] =	vst v31  }
0x7b8: {  	v26 =	vld [tilespmem:s19+$0x107B0];
	v43 =	vadd.f32 v27, v25;
	v42 =	vadd.f32 v5, v0;
	[tilespmem:s19+$0x14390] =	vst v34  }
0x7b9: {  	v62 =	vld [tilespmem:s19+$0xC7A0];
	v46 =	vadd.f32 v29, v28;
	v39 =	vadd.f32 v35, v0;
	[tilespmem:s19+$0x143A0] =	vst v37  }
0x7ba: {  	v47 =	vld [tilespmem:s19+$0x107E0];
	v49 =	vadd.f32 v50, v30;
	[tilespmem:s19+$0x143C0] =	vst v42;
	v48 =	vadd.f32 v43, v0  }
0x7bb: {  	v50 =	vld [tilespmem:s19+$0xC7E0];
	v52 =	vadd.f32 v56, v53;
	v51 =	vadd.f32 v46, v0;
	[tilespmem:s19+$0x143B0] =	vst v39  }
0x7bc: {  	v53 =	vld [tilespmem:s19+$0x107F0];
	v58 =	vadd.f32 v38, v36;
	v54 =	vadd.f32 v49, v0;
	[tilespmem:s19+$0x143E0] =	vst v48  }
0x7bd: {  	v56 =	vld [tilespmem:s19+$0xC7F0];
	v40 =	vadd.f32 v23, v22;
	v2 =	vadd.f32 v52, v0;
	[tilespmem:s19+$0x143F0] =	vst v51  }
0x7be: {  	v60 =	vadd.f32 v44, v41;
	v3 =	vadd.f32 v58, v0;
	[tilespmem:s19+$0x14780] =	vst v54  }
0x7bf: {  	v57 =	vadd.f32 v33, v26;
	v45 =	vadd.f32 v40, v0;
	[tilespmem:s19+$0x14790] =	vst v2  }
0x7c0: {  	v55 =	vadd.f32 v62, v59;
	v2 =	vadd.f32 v60, v0;
	[tilespmem:s19+$0x147C0] =	vst v3  }
0x7c1: {  	p0 =	slt.u32 s0, $0x18;
	v1 =	vadd.f32 v57, v0;
	v61 =	vadd.f32 v50, v47;
	[tilespmem:s19+$0x143D0] =	vst v45  }
.Ltmp5:
0x7c2: {  	v62 =	vadd.f32 v56, v53;
	v59 =	vadd.f32 v55, v0;
	[tilespmem:s19+$0x147D0] =	vst v2;
	(pc) =	sbr.rel @p0 .LBB2_12-.Ltmp5, $4  }
0x7c3: {  	[tilespmem:s19+$0x147B0] =	vst v1;
	v63 =	vadd.f32 v61, v0  }
0x7c4: {  	v0 =	vadd.f32 v62, v0;
	[tilespmem:s19+$0x147A0] =	vst v59  }
0x7c5: {  	s31 =	sadd.s32 $0x8, s0;
	[tilespmem:s19+$0x147E0] =	vst v63  }
0x7c6: {  	s0 =	smov.u32 s31;
	[tilespmem:s19+$0x147F0] =	vst v0  }
0x7c7: {  	s1 =	sld [smem:$0x7F6];
	_ =	sdelay $0x1  }
0x7c8: {  	s0 =	simm.s32 $0x0  }
0x7c9: {  	[hbm4b:s1+s0] =	stream.linear.scatter [tilespmem:s25], [sflag:$0x3], $0x2000, $0x38;
	[tilespmem:$0x1A000] =	vst v63  }
0x7ca: {  	_ =	swait.ge [sflag:s26], $0x2000  }
0x7cb: {  	[sflag:s26] =	ssyncset.done $0x0  }
0x7cc: {  	[sflag:s26] =	ssyncadd.s32 $0xFFFFE000  }
0x7cd: {  	_ =	swait.ge [sflag:s26], $0x1000  }
0x7ce: {  	[sflag:s26] =	ssyncset.done $0x0  }
0x7cf: {  	[sflag:s26] =	ssyncadd.s32 $0xFFFFF000  }
0x7d0: {  	_ =	swait.ge [sflag:s30], $0x2000  }
0x7d1: {  	[sflag:s30] =	ssyncset.done $0x0  }
0x7d2: {  	[sflag:s30] =	ssyncadd.s32 $0xFFFFE000  }
.LBB2_14:
0x7d3: {  	s26 =	sshll.u32 s0, $0x8  }
0x7d4: {  	v8 =	vld [tilespmem:s26+$0x12000]  }
0x7d5: {  	v4 =	vld [tilespmem:s26+$0xE000]  }
0x7d6: {  	v9 =	vld [tilespmem:s26+$0x12010]  }
0x7d7: {  	v5 =	vld [tilespmem:s26+$0xE010]  }
0x7d8: {  	v10 =	vld [tilespmem:s26+$0x12020]  }
0x7d9: {  	v6 =	vld [tilespmem:s26+$0xE020]  }
0x7da: {  	v11 =	vld [tilespmem:s26+$0x12030]  }
0x7db: {  	v7 =	vld [tilespmem:s26+$0xE030]  }
0x7dc: {  	v13 =	vld [tilespmem:s26+$0x12040]  }
0x7dd: {  	v12 =	vld [tilespmem:s26+$0xE040]  }
0x7de: {  	v15 =	vld [tilespmem:s26+$0x12050]  }
0x7df: {  	v14 =	vld [tilespmem:s26+$0xE050]  }
0x7e0: {  	v17 =	vld [tilespmem:s26+$0x12060]  }
0x7e1: {  	v63 =	vld [tilespmem:s26+$0xE4D0]  }
0x7e2: {  	v16 =	vld [tilespmem:s26+$0xE060]  }
0x7e3: {  	v19 =	vld [tilespmem:s26+$0x12070]  }
0x7e4: {  	v18 =	vld [tilespmem:s26+$0xE070]  }
0x7e5: {  	v21 =	vld [tilespmem:s26+$0x12400]  }
0x7e6: {  	[tilespmem:$0x1EDE0] =	vst v63;
	v63 =	vld [tilespmem:s26+$0x124E0]  }
0x7e7: {  	v20 =	vld [tilespmem:s26+$0xE400]  }
0x7e8: {  	v23 =	vld [tilespmem:s26+$0x12410]  }
0x7e9: {  	v22 =	vld [tilespmem:s26+$0xE410]  }
0x7ea: {  	v25 =	vld [tilespmem:s26+$0x12420]  }
0x7eb: {  	[tilespmem:$0x1EDF0] =	vst v63;
	v63 =	vld [tilespmem:s26+$0xE4E0]  }
0x7ec: {  	v24 =	vld [tilespmem:s26+$0xE420]  }
0x7ed: {  	v27 =	vld [tilespmem:s26+$0x12430]  }
0x7ee: {  	v26 =	vld [tilespmem:s26+$0xE430]  }
0x7ef: {  	v29 =	vld [tilespmem:s26+$0x12440]  }
0x7f0: {  	[tilespmem:$0x1EE00] =	vst v63;
	v63 =	vld [tilespmem:s26+$0x124F0]  }
0x7f1: {  	v28 =	vld [tilespmem:s26+$0xE440]  }
0x7f2: {  	v31 =	vld [tilespmem:s26+$0x12450]  }
0x7f3: {  	v30 =	vld [tilespmem:s26+$0xE450]  }
0x7f4: {  	v33 =	vld [tilespmem:s26+$0x12460]  }
0x7f5: {  	[tilespmem:$0x1EE10] =	vst v63;
	v63 =	vld [tilespmem:s26+$0xE4F0]  }
0x7f6: {  	v32 =	vld [tilespmem:s26+$0xE460]  }
0x7f7: {  	v36 =	vld [tilespmem:s26+$0x12470]  }
0x7f8: {  	v34 =	vld [tilespmem:s26+$0xE470]  }
0x7f9: {  	v37 =	vld [tilespmem:s26+$0x12080]  }
0x7fa: {  	[tilespmem:$0x1EE20] =	vst v63;
	v63 =	vld [tilespmem:s26+$0x12100]  }
0x7fb: {  	v35 =	vld [tilespmem:s26+$0xE080]  }
0x7fc: {  	v40 =	vld [tilespmem:s26+$0x12090]  }
0x7fd: {  	v38 =	vld [tilespmem:s26+$0xE090]  }
0x7fe: {  	v41 =	vld [tilespmem:s26+$0x120A0]  }
0x7ff: {  	[tilespmem:$0x1EE30] =	vst v63;
	v63 =	vld [tilespmem:s26+$0xE100]  }
0x800: {  	v39 =	vld [tilespmem:s26+$0xE0A0]  }
0x801: {  	v43 =	vld [tilespmem:s26+$0x120B0]  }
0x802: {  	v42 =	vld [tilespmem:s26+$0xE0B0]  }
0x803: {  	v62 =	vld [tilespmem:s26+$0x120C0]  }
0x804: {  	[tilespmem:$0x1EE40] =	vst v63;
	v63 =	vld [tilespmem:s26+$0x12110]  }
0x805: {  	v44 =	vld [tilespmem:s26+$0xE0C0]  }
0x806: {  	v55 =	vld [tilespmem:s26+$0x120D0]  }
0x807: {  	v45 =	vld [tilespmem:s26+$0xE0D0]  }
0x808: {  	v56 =	vld [tilespmem:s26+$0x120E0]  }
0x809: {  	[tilespmem:$0x1EE50] =	vst v63;
	v63 =	vld [tilespmem:s26+$0xE110]  }
0x80a: {  	v46 =	vld [tilespmem:s26+$0xE0E0]  }
0x80b: {  	v48 =	vld [tilespmem:s26+$0x120F0]  }
0x80c: {  	v47 =	vld [tilespmem:s26+$0xE0F0]  }
0x80d: {  	v50 =	vld [tilespmem:s26+$0x12480]  }
0x80e: {  	[tilespmem:$0x1EE60] =	vst v63;
	v63 =	vld [tilespmem:s26+$0x12120]  }
0x80f: {  	v49 =	vld [tilespmem:s26+$0xE480]  }
0x810: {  	v53 =	vld [tilespmem:s26+$0x12490]  }
0x811: {  	v51 =	vld [tilespmem:s26+$0xE490]  }
0x812: {  	v57 =	vld [tilespmem:s26+$0x124A0]  }
0x813: {  	[tilespmem:$0x1EE70] =	vst v63;
	v63 =	vld [tilespmem:s26+$0xE120]  }
0x814: {  	v54 =	vld [tilespmem:s26+$0xE4A0]  }
0x815: {  	v59 =	vld [tilespmem:s26+$0x124B0]  }
0x816: {  	v58 =	vld [tilespmem:s26+$0xE4B0]  }
0x817: {  	v0 =	vld [tilespmem:s26+$0x124D0]  }
0x818: {  	[tilespmem:$0x1EE80] =	vst v63;
	v63 =	vld [tilespmem:s26+$0x12130]  }
0x819: {  	s1 =	sshll.u32 s0, $0x7;
	v61 =	vld [tilespmem:s26+$0x124C0]  }
0x81a: {  	s2 =	sand.u32 $0x3FFFFF80, s1;
	v60 =	vld [tilespmem:s26+$0xE4C0]  }
0x81b: {  	v2 =	vld [tilespmem:s2+$0x19000]  }
0x81c: {  	v52 =	vld [tilespmem:s2+$0x19080];
	[tilespmem:$0x1EDD0] =	vst v0  }
0x81d: {  	v3 =	vld [tilespmem:s2+$0x19100];
	[tilespmem:$0x1EE90] =	vst v63  }
0x81e: {  	v63 =	vld [tilespmem:s26+$0x12140];
	_ =	sdelay $0x4  }
0x81f: {  	[tilespmem:$0x1EEB0] =	vst v63;
	v63 =	vld [tilespmem:s26+$0xE140];
	_ =	sdelay $0x4  }
0x820: {  	[tilespmem:$0x1EEC0] =	vst v63;
	v63 =	vld [tilespmem:s26+$0x12150];
	_ =	sdelay $0x4  }
0x821: {  	[tilespmem:$0x1EED0] =	vst v63;
	v63 =	vld [tilespmem:s26+$0xE150];
	_ =	sdelay $0x4  }
0x822: {  	[tilespmem:$0x1EEE0] =	vst v63;
	v63 =	vld [tilespmem:s26+$0x12160];
	_ =	sdelay $0x4  }
0x823: {  	[tilespmem:$0x1EEF0] =	vst v63;
	v63 =	vld [tilespmem:s26+$0xE160];
	_ =	sdelay $0x4  }
0x824: {  	[tilespmem:$0x1EF00] =	vst v63;
	v63 =	vld [tilespmem:s26+$0x12170];
	_ =	sdelay $0x4  }
0x825: {  	[tilespmem:$0x1EF10] =	vst v63;
	v63 =	vld [tilespmem:s26+$0xE170];
	_ =	sdelay $0x4  }
0x826: {  	[tilespmem:$0x1EF20] =	vst v63;
	v63 =	vld [tilespmem:s26+$0x12500];
	_ =	sdelay $0x4  }
0x827: {  	[tilespmem:$0x1EF30] =	vst v63;
	v63 =	vld [tilespmem:s26+$0xE500];
	_ =	sdelay $0x4  }
0x828: {  	[tilespmem:$0x1EF40] =	vst v63;
	v63 =	vld [tilespmem:s26+$0x12510];
	_ =	sdelay $0x4  }
0x829: {  	[tilespmem:$0x1EF50] =	vst v63;
	v63 =	vld [tilespmem:s26+$0xE510];
	_ =	sdelay $0x4  }
0x82a: {  	[tilespmem:$0x1EF60] =	vst v63;
	v63 =	vld [tilespmem:s26+$0x12520];
	_ =	sdelay $0x4  }
0x82b: {  	[tilespmem:$0x1EF70] =	vst v63;
	v63 =	vld [tilespmem:s26+$0xE520];
	_ =	sdelay $0x4  }
0x82c: {  	[tilespmem:$0x1EF80] =	vst v63;
	v63 =	vld [tilespmem:s26+$0x12530];
	_ =	sdelay $0x4  }
0x82d: {  	[tilespmem:$0x1EF90] =	vst v63;
	v63 =	vld [tilespmem:s26+$0xE530];
	_ =	sdelay $0x4  }
0x82e: {  	[tilespmem:$0x1EFA0] =	vst v63;
	v63 =	vld [tilespmem:s26+$0x12540];
	_ =	sdelay $0x4  }
0x82f: {  	[tilespmem:$0x1EFB0] =	vst v63;
	v63 =	vld [tilespmem:s26+$0xE540];
	_ =	sdelay $0x4  }
0x830: {  	[tilespmem:$0x1EFC0] =	vst v63;
	v63 =	vld [tilespmem:s26+$0x12550];
	_ =	sdelay $0x4  }
0x831: {  	[tilespmem:$0x1EFD0] =	vst v63;
	v63 =	vld [tilespmem:s26+$0xE550];
	_ =	sdelay $0x4  }
0x832: {  	[tilespmem:$0x1EFE0] =	vst v63;
	v63 =	vld [tilespmem:s26+$0x12560];
	_ =	sdelay $0x4  }
0x833: {  	[tilespmem:$0x1EFF0] =	vst v63;
	v63 =	vld [tilespmem:s26+$0xE560];
	_ =	sdelay $0x4  }
0x834: {  	[tilespmem:$0x1F000] =	vst v63;
	v63 =	vld [tilespmem:s26+$0x12570];
	_ =	sdelay $0x4  }
0x835: {  	[tilespmem:$0x1F010] =	vst v63;
	v63 =	vld [tilespmem:s26+$0xE570];
	_ =	sdelay $0x4  }
0x836: {  	[tilespmem:$0x1F020] =	vst v63;
	v63 =	vld [tilespmem:s26+$0x12180];
	_ =	sdelay $0x4  }
0x837: {  	[tilespmem:$0x1F030] =	vst v63;
	v63 =	vld [tilespmem:s26+$0xE180];
	_ =	sdelay $0x4  }
0x838: {  	[tilespmem:$0x1F040] =	vst v63;
	v63 =	vld [tilespmem:s26+$0x12190];
	_ =	sdelay $0x4  }
0x839: {  	[tilespmem:$0x1F050] =	vst v63;
	v63 =	vld [tilespmem:s26+$0xE190]  }
0x83a: {  	v0 =	vld [tilespmem:s26+$0xE130]  }
0x83b: {  	v1 =	vld [tilespmem:s2+$0x19180]  }
0x83c: {  	v4 =	vadd.f32 v4, v8;
	v8 =	vld [tilespmem:s26+$0xE250]  }
0x83d: {  	v12 =	vadd.f32 v12, v13;
	v13 =	vld [tilespmem:s26+$0x12260]  }
0x83e: {  	[tilespmem:$0x1F060] =	vst v63;
	v63 =	vld [tilespmem:s26+$0x121A0]  }
0x83f: {  	v14 =	vadd.f32 v14, v15;
	v15 =	vld [tilespmem:s26+$0xE260]  }
0x840: {  	v16 =	vadd.f32 v16, v17;
	v17 =	vld [tilespmem:s26+$0x12270]  }
0x841: {  	v5 =	vadd.f32 v5, v9;
	v18 =	vadd.f32 v18, v19;
	v19 =	vld [tilespmem:s26+$0xE270]  }
0x842: {  	v6 =	vadd.f32 v6, v10;
	v20 =	vadd.f32 v20, v21;
	v21 =	vld [tilespmem:s26+$0x12600]  }
0x843: {  	v7 =	vadd.f32 v7, v11;
	v4 =	vadd.f32 v4, v2;
	[tilespmem:$0x1F070] =	vst v63;
	v63 =	vld [tilespmem:s26+$0xE1A0]  }
0x844: {  	v22 =	vadd.f32 v22, v23;
	v5 =	vadd.f32 v5, v2;
	v23 =	vld [tilespmem:s26+$0xE600]  }
0x845: {  	v24 =	vadd.f32 v24, v25;
	v6 =	vadd.f32 v6, v2;
	[tilespmem:s26+$0x16000] =	vst v4;
	v25 =	vld [tilespmem:s26+$0x12610]  }
0x846: {  	v26 =	vadd.f32 v26, v27;
	[tilespmem:s26+$0x16010] =	vst v5;
	v27 =	vld [tilespmem:s26+$0xE610]  }
0x847: {  	v28 =	vadd.f32 v28, v29;
	v7 =	vadd.f32 v7, v2;
	[tilespmem:s26+$0x16020] =	vst v6;
	v29 =	vld [tilespmem:s26+$0x12620]  }
0x848: {  	v4 =	vadd.f32 v12, v2;
	[tilespmem:$0x1F080] =	vst v63;
	v63 =	vld [tilespmem:s26+$0x121B0]  }
0x849: {  	v30 =	vadd.f32 v30, v31;
	[tilespmem:s26+$0x16030] =	vst v7;
	v5 =	vadd.f32 v14, v2;
	v31 =	vld [tilespmem:s26+$0xE620]  }
0x84a: {  	v6 =	vadd.f32 v16, v2;
	v12 =	vadd.f32 v32, v33;
	v32 =	vld [tilespmem:s26+$0xE280];
	[tilespmem:s26+$0x16040] =	vst v4  }
0x84b: {  	v33 =	vld [tilespmem:s26+$0x12290];
	[tilespmem:s26+$0x16050] =	vst v5  }
0x84c: {  	v7 =	vadd.f32 v18, v2;
	v9 =	vld [tilespmem:s26+$0xE2B0];
	[tilespmem:s26+$0x16060] =	vst v6  }
0x84d: {  	v16 =	vadd.f32 v35, v37;
	v4 =	vadd.f32 v20, v2;
	[tilespmem:$0x1F090] =	vst v63;
	v63 =	vld [tilespmem:s26+$0xE1B0]  }
0x84e: {  	v37 =	vadd.f32 v54, v57;
	v54 =	vld [tilespmem:$0x1EE50];
	[tilespmem:s26+$0x16070] =	vst v7;
	v5 =	vadd.f32 v22, v2  }
0x84f: {  	v57 =	vld [tilespmem:$0x1EE60];
	v6 =	vadd.f32 v24, v2;
	[tilespmem:s26+$0x16400] =	vst v4  }
0x850: {  	v18 =	vadd.f32 v38, v40;
	v38 =	vadd.f32 v58, v59;
	v58 =	vld [tilespmem:$0x1EE70];
	[tilespmem:s26+$0x16410] =	vst v5  }
0x851: {  	v59 =	vld [tilespmem:$0x1EE80];
	v7 =	vadd.f32 v26, v2;
	[tilespmem:s26+$0x16420] =	vst v6  }
0x852: {  	[tilespmem:$0x1F0A0] =	vst v63;
	v63 =	vld [tilespmem:s26+$0x121C0]  }
0x853: {  	v40 =	vadd.f32 v60, v61;
	v61 =	vld [tilespmem:$0x1EE90];
	[tilespmem:s26+$0x16430] =	vst v7  }
0x854: {  	v24 =	vadd.f32 v44, v62;
	v62 =	vld [tilespmem:s26+$0x12660];
	[tilespmem:$0x1EEA0] =	vst v0  }
0x855: {  	v26 =	vadd.f32 v46, v56;
	v56 =	vld [tilespmem:s26+$0x12670];
	[tilespmem:$0x1F2E0] =	vst v13  }
0x856: {  	v20 =	vadd.f32 v39, v41;
	v39 =	vld [tilespmem:s26+$0x12280];
	[tilespmem:$0x1F2F0] =	vst v15  }
0x857: {  	[tilespmem:$0x1F0B0] =	vst v63;
	v63 =	vld [tilespmem:s26+$0xE1C0]  }
0x858: {  	v41 =	vld [tilespmem:$0x1EDD0];
	[tilespmem:$0x1F300] =	vst v17  }
0x859: {  	v22 =	vadd.f32 v42, v43;
	v42 =	vld [tilespmem:$0x1EDE0];
	[tilespmem:$0x1F310] =	vst v19  }
0x85a: {  	v43 =	vld [tilespmem:$0x1EDF0];
	[tilespmem:$0x1F320] =	vst v21  }
0x85b: {  	v44 =	vld [tilespmem:$0x1EE00];
	[tilespmem:$0x1F330] =	vst v23  }
0x85c: {  	[tilespmem:$0x1F0C0] =	vst v63;
	v63 =	vld [tilespmem:s26+$0x121D0]  }
0x85d: {  	v46 =	vld [tilespmem:$0x1EE20];
	[tilespmem:$0x1F340] =	vst v25  }
0x85e: {  	v4 =	vadd.f32 v28, v2;
	v28 =	vadd.f32 v49, v50;
	v49 =	vld [tilespmem:$0x1EE40];
	[tilespmem:$0x1F350] =	vst v27  }
0x85f: {  	v0 =	vld [tilespmem:s2+$0x19200];
	[tilespmem:$0x1F360] =	vst v29  }
0x860: {  	v14 =	vadd.f32 v34, v36;
	v5 =	vadd.f32 v30, v2;
	v13 =	vld [tilespmem:s26+$0x12630];
	[tilespmem:s26+$0x16440] =	vst v4  }
0x861: {  	v6 =	vadd.f32 v12, v2;
	[tilespmem:$0x1F0D0] =	vst v63;
	v63 =	vld [tilespmem:s26+$0xE1D0]  }
0x862: {  	v2 =	vadd.f32 v14, v2;
	v15 =	vld [tilespmem:s26+$0xE630];
	[tilespmem:s26+$0x16450] =	vst v5  }
0x863: {  	v17 =	vld [tilespmem:s26+$0x12640];
	[tilespmem:s26+$0x16460] =	vst v6;
	v4 =	vadd.f32 v16, v52  }
0x864: {  	v19 =	vld [tilespmem:s26+$0xE640];
	[tilespmem:s26+$0x16470] =	vst v2  }
0x865: {  	v21 =	vld [tilespmem:s26+$0x12650];
	v5 =	vadd.f32 v18, v52;
	[tilespmem:s26+$0x16080] =	vst v4  }
0x866: {  	v6 =	vadd.f32 v20, v52;
	[tilespmem:$0x1F0E0] =	vst v63;
	v63 =	vld [tilespmem:s26+$0x121E0]  }
0x867: {  	v23 =	vld [tilespmem:s26+$0xE650];
	v2 =	vadd.f32 v22, v52;
	[tilespmem:s26+$0x16090] =	vst v5  }
0x868: {  	v25 =	vadd.f32 v45, v55;
	v55 =	vld [tilespmem:s26+$0xE660];
	[tilespmem:s26+$0x160A0] =	vst v6;
	v4 =	vadd.f32 v24, v52  }
0x869: {  	v27 =	vadd.f32 v47, v48;
	v47 =	vld [tilespmem:s26+$0xE670];
	[tilespmem:s26+$0x160B0] =	vst v2  }
0x86a: {  	v45 =	vld [tilespmem:$0x1EE10];
	v5 =	vadd.f32 v25, v52;
	[tilespmem:s26+$0x160C0] =	vst v4  }
0x86b: {  	v6 =	vadd.f32 v26, v52;
	[tilespmem:$0x1F0F0] =	vst v63;
	v63 =	vld [tilespmem:s26+$0xE1E0]  }
0x86c: {  	v48 =	vld [tilespmem:$0x1EE30];
	v7 =	vadd.f32 v27, v52;
	[tilespmem:s26+$0x160D0] =	vst v5  }
0x86d: {  	v12 =	vld [tilespmem:$0x1EEA0];
	[tilespmem:s26+$0x160E0] =	vst v6  }
0x86e: {  	v32 =	vadd.f32 v32, v39;
	v39 =	vld [tilespmem:s26+$0x12730];
	[tilespmem:s26+$0x160F0] =	vst v7  }
0x86f: {  	v2 =	vld [tilespmem:s2+$0x19280];
	[tilespmem:$0x1F380] =	vst v13  }
0x870: {  	v29 =	vadd.f32 v51, v53;
	[tilespmem:$0x1F100] =	vst v63;
	v63 =	vld [tilespmem:s26+$0x121F0]  }
0x871: {  	v26 =	vld [tilespmem:s26+$0xE290];
	v4 =	vadd.f32 v28, v52;
	[tilespmem:$0x1F390] =	vst v15  }
0x872: {  	v24 =	vld [tilespmem:s26+$0x122A0];
	v5 =	vadd.f32 v29, v52;
	[tilespmem:$0x1F3A0] =	vst v17  }
0x873: {  	v17 =	vld [tilespmem:s26+$0xE2A0];
	[tilespmem:s26+$0x16480] =	vst v4  }
0x874: {  	v6 =	vadd.f32 v37, v52;
	v15 =	vld [tilespmem:s26+$0x122B0];
	[tilespmem:s26+$0x16490] =	vst v5  }
0x875: {  	v7 =	vadd.f32 v38, v52;
	v5 =	vadd.f32 v42, v41;
	[tilespmem:$0x1F110] =	vst v63;
	v63 =	vld [tilespmem:s26+$0xE1F0]  }
0x876: {  	v13 =	vld [tilespmem:$0x1EEB0];
	[tilespmem:s26+$0x164A0] =	vst v6;
	v6 =	vadd.f32 v44, v43;
	v4 =	vadd.f32 v40, v52  }
0x877: {  	[tilespmem:s26+$0x164B0] =	vst v7;
	v7 =	vadd.f32 v46, v45;
	v14 =	vld [tilespmem:$0x1EEC0];
	v26 =	vadd.f32 v26, v33  }
0x878: {  	v33 =	vld [tilespmem:s26+$0xE730];
	v5 =	vadd.f32 v5, v52;
	[tilespmem:s26+$0x164C0] =	vst v4;
	v4 =	vadd.f32 v49, v48  }
0x879: {  	v6 =	vadd.f32 v6, v52;
	v50 =	vadd.f32 v7, v52;
	v52 =	vld [tilespmem:s26+$0x122C0]  }
0x87a: {  	[tilespmem:$0x1F120] =	vst v63;
	v63 =	vld [tilespmem:s26+$0x12580]  }
0x87b: {  	v60 =	vadd.f32 v4, v3;
	v4 =	vld [tilespmem:s26+$0xE2C0]  }
0x87c: {  	[tilespmem:s26+$0x164D0] =	vst v5;
	v5 =	vld [tilespmem:s26+$0x122D0]  }
0x87d: {  	v17 =	vadd.f32 v17, v24;
	v24 =	vld [tilespmem:s26+$0x12740]  }
0x87e: {  	[tilespmem:s26+$0x164E0] =	vst v6;
	v9 =	vadd.f32 v9, v15;
	v15 =	vld [tilespmem:s26+$0xE740]  }
0x87f: {  	v6 =	vadd.f32 v59, v58;
	[tilespmem:$0x1F130] =	vst v63;
	v63 =	vld [tilespmem:s26+$0xE580]  }
0x880: {  	[tilespmem:$0x1F2D0] =	vst v8;
	v8 =	vadd.f32 v14, v13;
	v18 =	vld [tilespmem:$0x1EED0]  }
0x881: {  	v16 =	vadd.f32 v6, v3;
	v6 =	vld [tilespmem:s26+$0xE2D0]  }
0x882: {  	v22 =	vadd.f32 v8, v3;
	v8 =	vld [tilespmem:s26+$0xE2E0]  }
0x883: {  	v20 =	vld [tilespmem:$0x1EEF0]  }
0x884: {  	[tilespmem:$0x1F140] =	vst v63;
	v63 =	vld [tilespmem:s26+$0x12590]  }
0x885: {  	[tilespmem:$0x1F3C0] =	vst v21;
	v21 =	vld [tilespmem:$0x1EF00]  }
0x886: {  	[tilespmem:$0x1F3B0] =	vst v19;
	v19 =	vld [tilespmem:$0x1EEE0]  }
0x887: {  	v5 =	vadd.f32 v6, v5;
	v6 =	vld [tilespmem:s26+$0xE750]  }
0x888: {  	v27 =	vld [tilespmem:$0x1EF30]  }
0x889: {  	[tilespmem:$0x1F150] =	vst v63;
	v63 =	vld [tilespmem:s26+$0xE590]  }
0x88a: {  	v11 =	vadd.f32 v21, v20;
	v28 =	vld [tilespmem:$0x1EF40]  }
0x88b: {  	[tilespmem:$0x1F3D0] =	vst v23;
	v23 =	vld [tilespmem:$0x1EF10]  }
0x88c: {  	v29 =	vadd.f32 v11, v3;
	v11 =	vld [tilespmem:s26+$0xE2F0]  }
0x88d: {  	v25 =	vld [tilespmem:$0x1EF20]  }
0x88e: {  	[tilespmem:$0x1F160] =	vst v63;
	v63 =	vld [tilespmem:s26+$0x125A0]  }
0x88f: {  	v13 =	vadd.f32 v28, v27;
	v30 =	vld [tilespmem:$0x1EF50]  }
0x890: {  	v28 =	vld [tilespmem:s26+$0x126E0]  }
0x891: {  	v36 =	vadd.f32 v13, v3;
	v13 =	vld [tilespmem:s26+$0xE680]  }
0x892: {  	[tilespmem:$0x1F370] =	vst v31;
	v31 =	vld [tilespmem:$0x1EF60]  }
0x893: {  	[tilespmem:$0x1F170] =	vst v63;
	v63 =	vld [tilespmem:s26+$0xE5A0]  }
0x894: {  	v40 =	vld [tilespmem:$0x1EFB0]  }
0x895: {  	v41 =	vld [tilespmem:$0x1EFC0]  }
0x896: {  	v34 =	vld [tilespmem:$0x1EF70]  }
0x897: {  	v35 =	vld [tilespmem:$0x1EF80]  }
0x898: {  	[tilespmem:$0x1F180] =	vst v63;
	v63 =	vld [tilespmem:s26+$0x125B0]  }
0x899: {  	v10 =	vadd.f32 v12, v61;
	v37 =	vld [tilespmem:$0x1EF90]  }
0x89a: {  	v12 =	vadd.f32 v19, v18;
	v38 =	vld [tilespmem:$0x1EFA0];
	v19 =	vadd.f32 v41, v40  }
0x89b: {  	v43 =	vld [tilespmem:$0x1EFD0]  }
0x89c: {  	v7 =	vadd.f32 v57, v54;
	v48 =	vadd.f32 v19, v3;
	v19 =	vld [tilespmem:s26+$0xE6A0]  }
0x89d: {  	[tilespmem:$0x1F190] =	vst v63;
	v63 =	vld [tilespmem:s26+$0xE5B0]  }
0x89e: {  	v7 =	vadd.f32 v7, v3;
	v44 =	vld [tilespmem:$0x1EFE0]  }
0x89f: {  	v45 =	vld [tilespmem:$0x1EFF0]  }
0x8a0: {  	v46 =	vld [tilespmem:$0x1F000];
	[tilespmem:s26+$0x16110] =	vst v7  }
0x8a1: {  	v10 =	vadd.f32 v10, v3;
	v14 =	vadd.f32 v25, v23;
	v7 =	vld [tilespmem:s26+$0x122E0];
	[tilespmem:s26+$0x16120] =	vst v16  }
0x8a2: {  	v12 =	vadd.f32 v12, v3;
	v18 =	vadd.f32 v31, v30;
	[tilespmem:$0x1F1A0] =	vst v63;
	v63 =	vld [tilespmem:s26+$0x125C0]  }
0x8a3: {  	v14 =	vadd.f32 v14, v3;
	[tilespmem:s26+$0x16130] =	vst v10;
	v10 =	vld [tilespmem:s26+$0x122F0]  }
0x8a4: {  	v18 =	vadd.f32 v18, v3;
	v20 =	vadd.f32 v38, v37;
	[tilespmem:s26+$0x16150] =	vst v12;
	v12 =	vld [tilespmem:s26+$0x12680]  }
0x8a5: {  	[tilespmem:s26+$0x16170] =	vst v14;
	v14 =	vld [tilespmem:s26+$0x12690]  }
0x8a6: {  	v20 =	vadd.f32 v20, v3;
	[tilespmem:s26+$0x16510] =	vst v18;
	v18 =	vld [tilespmem:s26+$0x126A0]  }
0x8a7: {  	[tilespmem:$0x1F1B0] =	vst v63;
	v63 =	vld [tilespmem:s26+$0xE5C0]  }
0x8a8: {  	[tilespmem:s26+$0x16530] =	vst v20;
	v20 =	vld [tilespmem:s26+$0x126B0]  }
0x8a9: {  	[tilespmem:s26+$0x16160] =	vst v29;
	v16 =	vadd.f32 v35, v34;
	v29 =	vld [tilespmem:s26+$0xE6E0]  }
0x8aa: {  	[tilespmem:s26+$0x16140] =	vst v22;
	v22 =	vadd.f32 v44, v43;
	v49 =	vld [tilespmem:$0x1F010]  }
0x8ab: {  	v21 =	vadd.f32 v46, v45;
	v42 =	vadd.f32 v16, v3;
	v16 =	vld [tilespmem:s26+$0xE690]  }
0x8ac: {  	v22 =	vadd.f32 v22, v3;
	[tilespmem:$0x1F1C0] =	vst v63;
	v63 =	vld [tilespmem:s26+$0x125D0]  }
0x8ad: {  	v54 =	vadd.f32 v21, v3;
	v21 =	vld [tilespmem:s26+$0xE6B0]  }
0x8ae: {  	[tilespmem:s26+$0x16550] =	vst v22;
	v22 =	vld [tilespmem:s26+$0x126C0]  }
0x8af: {  	v47 =	vadd.f32 v47, v56;
	v7 =	vadd.f32 v8, v7;
	v8 =	vld [tilespmem:s26+$0x12760]  }
0x8b0: {  	v32 =	vadd.f32 v32, v2;
	v56 =	vadd.f32 v11, v10;
	v10 =	vld [tilespmem:s26+$0x12770]  }
0x8b1: {  	[tilespmem:$0x1F1D0] =	vst v63;
	v63 =	vld [tilespmem:s26+$0xE5D0]  }
0x8b2: {  	[tilespmem:s26+$0x16280] =	vst v32;
	v32 =	vadd.f32 v19, v18;
	v18 =	vld [tilespmem:s26+$0x123A0]  }
0x8b3: {  	v19 =	vld [tilespmem:s26+$0xE3A0]  }
0x8b4: {  	v11 =	vld [tilespmem:s26+$0x123B0]  }
0x8b5: {  	[tilespmem:s26+$0x164F0] =	vst v50;
	v50 =	vld [tilespmem:$0x1F020]  }
0x8b6: {  	[tilespmem:$0x1F1E0] =	vst v63;
	v63 =	vld [tilespmem:s26+$0x125E0]  }
0x8b7: {  	v51 =	vld [tilespmem:$0x1F030]  }
0x8b8: {  	v53 =	vld [tilespmem:$0x1F040]  }
0x8b9: {  	v57 =	vld [tilespmem:$0x1F050]  }
0x8ba: {  	v4 =	vadd.f32 v4, v52;
	v58 =	vld [tilespmem:$0x1F060]  }
0x8bb: {  	v52 =	vadd.f32 v5, v2;
	v5 =	vadd.f32 v56, v2;
	[tilespmem:$0x1F1F0] =	vst v63;
	v63 =	vld [tilespmem:s26+$0xE5E0]  }
0x8bc: {  	v16 =	vadd.f32 v16, v14;
	v14 =	vld [tilespmem:s26+$0xE380]  }
0x8bd: {  	[tilespmem:s26+$0x162F0] =	vst v5;
	v5 =	vld [tilespmem:s26+$0x123C0]  }
0x8be: {  	v25 =	vadd.f32 v50, v49;
	v59 =	vld [tilespmem:$0x1F070]  }
0x8bf: {  	[tilespmem:s26+$0x16100] =	vst v60;
	v23 =	vadd.f32 v53, v51;
	v60 =	vld [tilespmem:$0x1F080]  }
0x8c0: {  	v3 =	vadd.f32 v25, v3;
	v25 =	vadd.f32 v58, v57;
	[tilespmem:$0x1F200] =	vst v63;
	v63 =	vld [tilespmem:s26+$0x125F0]  }
0x8c1: {  	v61 =	vadd.f32 v23, v1;
	v23 =	vld [tilespmem:s26+$0xE6C0]  }
0x8c2: {  	[tilespmem:s26+$0x16500] =	vst v36;
	v36 =	vadd.f32 v25, v1;
	v25 =	vld [tilespmem:s26+$0x126D0]  }
0x8c3: {  	v34 =	vld [tilespmem:$0x1F090]  }
0x8c4: {  	v37 =	vld [tilespmem:$0x1F0B0]  }
0x8c5: {  	v27 =	vadd.f32 v60, v59;
	[tilespmem:$0x1F210] =	vst v63;
	v63 =	vld [tilespmem:s26+$0xE5F0]  }
0x8c6: {  	v38 =	vld [tilespmem:$0x1F0C0]  }
0x8c7: {  	v40 =	vadd.f32 v27, v1;
	v27 =	vld [tilespmem:s26+$0xE6D0]  }
0x8c8: {  	v44 =	vld [tilespmem:$0x1F0F0]  }
0x8c9: {  	v45 =	vld [tilespmem:$0x1F100]  }
0x8ca: {  	[tilespmem:$0x1F220] =	vst v63;
	v63 =	vld [tilespmem:s26+$0x12200]  }
0x8cb: {  	v35 =	vld [tilespmem:$0x1F0A0];
	v30 =	vadd.f32 v38, v37  }
0x8cc: {  	v41 =	vld [tilespmem:$0x1F0D0]  }
0x8cd: {  	v46 =	vadd.f32 v30, v1;
	v30 =	vld [tilespmem:s26+$0x126F0]  }
0x8ce: {  	[tilespmem:s26+$0x16520] =	vst v42;
	v42 =	vld [tilespmem:$0x1F0E0]  }
0x8cf: {  	v31 =	vadd.f32 v45, v44;
	[tilespmem:$0x1F230] =	vst v63;
	v63 =	vld [tilespmem:s26+$0xE200]  }
0x8d0: {  	[tilespmem:s26+$0x16540] =	vst v48;
	v48 =	vld [tilespmem:$0x1F110]  }
0x8d1: {  	v53 =	vadd.f32 v31, v1;
	v31 =	vld [tilespmem:s26+$0xE6F0]  }
0x8d2: {  	v49 =	vld [tilespmem:$0x1F120]  }
0x8d3: {  	v50 =	vld [tilespmem:$0x1F130]  }
0x8d4: {  	[tilespmem:$0x1F240] =	vst v63;
	v63 =	vld [tilespmem:s26+$0x12210]  }
0x8d5: {  	v51 =	vld [tilespmem:$0x1F140]  }
0x8d6: {  	[tilespmem:s26+$0x16560] =	vst v54;
	v54 =	vld [tilespmem:$0x1F150]  }
0x8d7: {  	v57 =	vld [tilespmem:$0x1F160]  }
0x8d8: {  	v59 =	vld [tilespmem:$0x1F170]  }
0x8d9: {  	[tilespmem:$0x1F250] =	vst v63;
	v63 =	vld [tilespmem:s26+$0xE210]  }
0x8da: {  	v60 =	vld [tilespmem:$0x1F180]  }
0x8db: {  	v44 =	vld [tilespmem:$0x1F190]  }
0x8dc: {  	v45 =	vld [tilespmem:$0x1F1A0]  }
0x8dd: {  	[tilespmem:s26+$0x16570] =	vst v3;
	v3 =	vadd.f32 v35, v34;
	v35 =	vadd.f32 v51, v50;
	v50 =	vld [tilespmem:$0x1F1D0]  }
0x8de: {  	v43 =	vadd.f32 v42, v41;
	[tilespmem:$0x1F260] =	vst v63;
	v63 =	vld [tilespmem:s26+$0x12220]  }
0x8df: {  	v51 =	vld [tilespmem:$0x1F1E0]  }
0x8e0: {  	v34 =	vadd.f32 v43, v1;
	v37 =	vadd.f32 v57, v54;
	v54 =	vld [tilespmem:$0x1F1F0]  }
0x8e1: {  	v57 =	vld [tilespmem:$0x1F200]  }
0x8e2: {  	[tilespmem:s26+$0x161D0] =	vst v34;
	v34 =	vld [tilespmem:s26+$0x12300]  }
0x8e3: {  	[tilespmem:$0x1F270] =	vst v63;
	v63 =	vld [tilespmem:s26+$0xE220]  }
0x8e4: {  	v3 =	vadd.f32 v3, v1;
	[tilespmem:s26+$0x16180] =	vst v61;
	v61 =	vadd.f32 v35, v1;
	v35 =	vld [tilespmem:s26+$0xE300]  }
0x8e5: {  	v37 =	vadd.f32 v37, v1;
	[tilespmem:s26+$0x161C0] =	vst v46;
	v46 =	vld [tilespmem:$0x1F1B0]  }
0x8e6: {  	v42 =	vadd.f32 v51, v50;
	[tilespmem:s26+$0x161B0] =	vst v3;
	v3 =	vadd.f32 v49, v48;
	v48 =	vld [tilespmem:$0x1F1C0]  }
0x8e7: {  	v38 =	vadd.f32 v45, v44;
	[tilespmem:s26+$0x16590] =	vst v37;
	v37 =	vld [tilespmem:s26+$0xE310]  }
0x8e8: {  	v42 =	vadd.f32 v42, v1;
	[tilespmem:$0x1F280] =	vst v63;
	v63 =	vld [tilespmem:s26+$0x12230]  }
0x8e9: {  	[tilespmem:s26+$0x161E0] =	vst v53;
	v53 =	vadd.f32 v38, v1;
	v38 =	vld [tilespmem:s26+$0x12320]  }
0x8ea: {  	[tilespmem:s26+$0x165D0] =	vst v42;
	v42 =	vld [tilespmem:s26+$0x12340]  }
0x8eb: {  	[tilespmem:s26+$0x16190] =	vst v36;
	v36 =	vadd.f32 v60, v59;
	v59 =	vld [tilespmem:$0x1F210]  }
0x8ec: {  	v58 =	vadd.f32 v3, v1;
	v3 =	vld [tilespmem:s2+$0x19300]  }
0x8ed: {  	[tilespmem:$0x1F290] =	vst v63;
	v63 =	vld [tilespmem:s26+$0xE230]  }
0x8ee: {  	v41 =	vadd.f32 v57, v54;
	v49 =	vadd.f32 v36, v1;
	v36 =	vld [tilespmem:s26+$0x12310]  }
0x8ef: {  	[tilespmem:s26+$0x161A0] =	vst v40;
	v40 =	vadd.f32 v48, v46;
	v60 =	vld [tilespmem:$0x1F220]  }
0x8f0: {  	[tilespmem:s26+$0x165A0] =	vst v49;
	v49 =	vadd.f32 v41, v1;
	v41 =	vld [tilespmem:s26+$0x12330]  }
0x8f1: {  	[tilespmem:s26+$0x161F0] =	vst v58;
	v58 =	vadd.f32 v40, v1;
	v40 =	vld [tilespmem:s26+$0xE320]  }
0x8f2: {  	[tilespmem:$0x1F2A0] =	vst v63;
	v63 =	vld [tilespmem:s26+$0x12240]  }
0x8f3: {  	v50 =	vld [tilespmem:$0x1F250]  }
0x8f4: {  	v43 =	vadd.f32 v60, v59;
	v51 =	vld [tilespmem:$0x1F260]  }
0x8f5: {  	[tilespmem:s26+$0x16580] =	vst v61;
	v61 =	vld [tilespmem:$0x1F230]  }
0x8f6: {  	v43 =	vadd.f32 v43, v1;
	v1 =	vld [tilespmem:s26+$0xE330]  }
0x8f7: {  	[tilespmem:$0x1F2B0] =	vst v63;
	v63 =	vld [tilespmem:s26+$0xE240]  }
0x8f8: {  	v48 =	vld [tilespmem:$0x1F240]  }
0x8f9: {  	[tilespmem:s26+$0x165B0] =	vst v53;
	v53 =	vadd.f32 v51, v50;
	v54 =	vld [tilespmem:$0x1F270]  }
0x8fa: {  	v50 =	vld [tilespmem:s26+$0xE350]  }
0x8fb: {  	v46 =	vadd.f32 v53, v0;
	v53 =	vld [tilespmem:$0x1F2D0]  }
0x8fc: {  	v60 =	vld [tilespmem:$0x1F2B0];
	[tilespmem:$0x1F2C0] =	vst v63  }
0x8fd: {  	v44 =	vadd.f32 v48, v61;
	v61 =	vld [tilespmem:$0x1F2C0]  }
0x8fe: {  	v57 =	vld [tilespmem:$0x1F280]  }
0x8ff: {  	[tilespmem:s26+$0x165C0] =	vst v58;
	v58 =	vld [tilespmem:$0x1F290]  }
0x900: {  	v59 =	vld [tilespmem:$0x1F2A0]  }
0x901: {  	v63 =	vld [tilespmem:s26+$0x12250]  }
0x902: {  	[tilespmem:s26+$0x165E0] =	vst v49;
	v49 =	vadd.f32 v61, v60;
	v60 =	vld [tilespmem:$0x1F320]  }
0x903: {  	v61 =	vld [tilespmem:$0x1F330]  }
0x904: {  	v45 =	vadd.f32 v57, v54;
	v54 =	vld [tilespmem:$0x1F2E0]  }
0x905: {  	v48 =	vadd.f32 v59, v58;
	v58 =	vld [tilespmem:$0x1F300]  }
0x906: {  	v59 =	vld [tilespmem:$0x1F310];
	v49 =	vadd.f32 v49, v0  }
0x907: {  	v17 =	vadd.f32 v17, v2;
	[tilespmem:s26+$0x16210] =	vst v46;
	v46 =	vadd.f32 v53, v63;
	v63 =	vld [tilespmem:$0x1F340]  }
0x908: {  	v44 =	vadd.f32 v44, v0;
	[tilespmem:s26+$0x16240] =	vst v49;
	v49 =	vadd.f32 v61, v60;
	v60 =	vld [tilespmem:$0x1F350]  }
0x909: {  	[tilespmem:s26+$0x162A0] =	vst v17;
	v57 =	vld [tilespmem:$0x1F2F0];
	v48 =	vadd.f32 v48, v0  }
0x90a: {  	v4 =	vadd.f32 v4, v2;
	[tilespmem:s26+$0x16200] =	vst v44;
	v44 =	vld [tilespmem:s26+$0x12350]  }
0x90b: {  	[tilespmem:s26+$0x16230] =	vst v48;
	v48 =	vadd.f32 v59, v58;
	v58 =	vld [tilespmem:s26+$0x12700];
	v46 =	vadd.f32 v46, v0  }
0x90c: {  	[tilespmem:s26+$0x162C0] =	vst v4;
	v56 =	vadd.f32 v27, v25;
	v45 =	vadd.f32 v45, v0;
	v61 =	vld [tilespmem:$0x1F360]  }
0x90d: {  	v1 =	vadd.f32 v1, v41;
	[tilespmem:s26+$0x16250] =	vst v46;
	v46 =	vadd.f32 v60, v63;
	v63 =	vld [tilespmem:$0x1F370]  }
0x90e: {  	v25 =	vadd.f32 v35, v34;
	[tilespmem:s26+$0x16220] =	vst v45;
	v45 =	vadd.f32 v57, v54;
	v59 =	vld [tilespmem:s26+$0xE700]  }
0x90f: {  	[tilespmem:s26+$0x165F0] =	vst v43;
	v43 =	vld [tilespmem:s26+$0xE340];
	v1 =	vadd.f32 v1, v3;
	v34 =	vadd.f32 v50, v44  }
0x910: {  	[tilespmem:s26+$0x162D0] =	vst v52;
	v27 =	vadd.f32 v37, v36;
	v51 =	vld [tilespmem:s26+$0x12360];
	v45 =	vadd.f32 v45, v0  }
0x911: {  	[tilespmem:s26+$0x16330] =	vst v1;
	v48 =	vadd.f32 v48, v0;
	v37 =	vadd.f32 v34, v3;
	v60 =	vld [tilespmem:$0x1F380]  }
0x912: {  	[tilespmem:s26+$0x16260] =	vst v45;
	v45 =	vadd.f32 v63, v61;
	v61 =	vld [tilespmem:$0x1F390];
	v63 =	vadd.f32 v55, v62  }
0x913: {  	v53 =	vld [tilespmem:s26+$0xE360];
	[tilespmem:s26+$0x16270] =	vst v48;
	v41 =	vadd.f32 v59, v58;
	v49 =	vadd.f32 v49, v0  }
0x914: {  	v54 =	vld [tilespmem:s26+$0x12370];
	[tilespmem:s26+$0x16350] =	vst v37;
	v63 =	vadd.f32 v63, v0  }
0x915: {  	v57 =	vld [tilespmem:s26+$0xE370];
	v44 =	vadd.f32 v41, v3;
	[tilespmem:s26+$0x16600] =	vst v49  }
0x916: {  	v49 =	vld [tilespmem:$0x1F3A0];
	v46 =	vadd.f32 v46, v0;
	[tilespmem:s26+$0x16660] =	vst v63;
	v63 =	vadd.f32 v13, v12  }
0x917: {  	[tilespmem:s26+$0x16700] =	vst v44;
	v45 =	vadd.f32 v45, v0;
	v48 =	vadd.f32 v61, v60;
	v60 =	vld [tilespmem:$0x1F3B0]  }
0x918: {  	v36 =	vadd.f32 v53, v51;
	[tilespmem:s26+$0x16610] =	vst v46;
	v61 =	vld [tilespmem:$0x1F3D0];
	v17 =	vadd.f32 v63, v2  }
0x919: {  	[tilespmem:s26+$0x16620] =	vst v45;
	v63 =	vadd.f32 v29, v28;
	v46 =	vadd.f32 v48, v0;
	v48 =	vld [tilespmem:$0x1F3C0]  }
0x91a: {  	v50 =	vld [tilespmem:s26+$0xE780];
	v28 =	vadd.f32 v25, v3;
	v29 =	vadd.f32 v40, v38;
	[tilespmem:s26+$0x16680] =	vst v17  }
0x91b: {  	v59 =	vld [tilespmem:s26+$0x127A0];
	v40 =	vadd.f32 v36, v3;
	[tilespmem:s26+$0x16630] =	vst v46;
	v46 =	vadd.f32 v21, v20  }
0x91c: {  	v41 =	vld [tilespmem:s26+$0x127D0];
	[tilespmem:s26+$0x16300] =	vst v28;
	v21 =	vadd.f32 v56, v2;
	v49 =	vadd.f32 v60, v49  }
0x91d: {  	v53 =	vld [tilespmem:s26+$0x12790];
	[tilespmem:s26+$0x16360] =	vst v40;
	v52 =	vadd.f32 v46, v2  }
0x91e: {  	v12 =	vld [tilespmem:s26+$0xE770];
	[tilespmem:s26+$0x166D0] =	vst v21;
	v48 =	vadd.f32 v61, v48;
	v45 =	vadd.f32 v49, v0  }
0x91f: {  	v44 =	vld [tilespmem:s26+$0xE7D0];
	v49 =	vadd.f32 v9, v2;
	[tilespmem:s26+$0x166B0] =	vst v52  }
0x920: {  	v55 =	vld [tilespmem:s26+$0x12720];
	v62 =	vadd.f32 v48, v0;
	[tilespmem:s26+$0x16640] =	vst v45  }
0x921: {  	v13 =	vld [tilespmem:s26+$0x12380];
	v0 =	vadd.f32 v47, v0;
	[tilespmem:s26+$0x162B0] =	vst v49  }
0x922: {  	v25 =	vld [tilespmem:s26+$0x123E0];
	v47 =	vadd.f32 v26, v2;
	[tilespmem:s26+$0x16650] =	vst v62  }
0x923: {  	v36 =	vld [tilespmem:s26+$0x127C0];
	v58 =	vadd.f32 v12, v10;
	v45 =	vadd.f32 v16, v2;
	[tilespmem:s26+$0x16670] =	vst v0  }
0x924: {  	v17 =	vld [tilespmem:s26+$0xE390];
	v49 =	vadd.f32 v23, v22;
	v23 =	vadd.f32 v63, v2;
	[tilespmem:s26+$0x16290] =	vst v47  }
0x925: {  	v28 =	vld [tilespmem:s26+$0x123F0];
	v22 =	vadd.f32 v31, v30;
	v30 =	vadd.f32 v27, v3;
	[tilespmem:s26+$0x16690] =	vst v45  }
0x926: {  	v60 =	vld [tilespmem:s26+$0x12710];
	v31 =	vadd.f32 v29, v3;
	[tilespmem:s26+$0x166E0] =	vst v23  }
0x927: {  	v61 =	vld [tilespmem:s26+$0xE710];
	v63 =	vadd.f32 v58, v3;
	[tilespmem:s26+$0x16310] =	vst v30  }
0x928: {  	v38 =	vadd.f32 v57, v54;
	v20 =	vld [tilespmem:s26+$0xE3B0];
	v62 =	vadd.f32 v7, v2;
	[tilespmem:s26+$0x16320] =	vst v31  }
0x929: {  	v56 =	vld [tilespmem:s26+$0xE790];
	v47 =	vadd.f32 v32, v2;
	[tilespmem:s26+$0x16770] =	vst v63  }
0x92a: {  	v48 =	vld [tilespmem:s26+$0xE720];
	v32 =	vadd.f32 v43, v42;
	v42 =	vadd.f32 v38, v3;
	[tilespmem:s26+$0x162E0] =	vst v62  }
0x92b: {  	v26 =	vld [tilespmem:s26+$0x12750];
	[tilespmem:s26+$0x166A0] =	vst v47;
	v62 =	vadd.f32 v49, v2  }
0x92c: {  	v9 =	vld [tilespmem:s26+$0xE760];
	v43 =	vadd.f32 v61, v60;
	v2 =	vadd.f32 v22, v2;
	[tilespmem:s26+$0x16370] =	vst v42  }
0x92d: {  	v21 =	vld [tilespmem:s26+$0xE3C0];
	v35 =	vadd.f32 v32, v3;
	v47 =	vadd.f32 v33, v39;
	[tilespmem:s26+$0x166C0] =	vst v62  }
0x92e: {  	v16 =	vld [tilespmem:s26+$0x12390];
	v49 =	vadd.f32 v15, v24;
	v46 =	vadd.f32 v43, v3;
	[tilespmem:s26+$0x166F0] =	vst v2  }
0x92f: {  	v0 =	vld [tilespmem:s2+$0x19380];
	v45 =	vadd.f32 v48, v55;
	[tilespmem:s26+$0x16340] =	vst v35;
	v51 =	vadd.f32 v47, v3  }
0x930: {  	v27 =	vld [tilespmem:s26+$0xE3E0];
	v52 =	vadd.f32 v6, v26;
	v54 =	vadd.f32 v49, v3;
	[tilespmem:s26+$0x16710] =	vst v46  }
0x931: {  	v29 =	vld [tilespmem:s26+$0xE3F0];
	v55 =	vadd.f32 v9, v8;
	v48 =	vadd.f32 v45, v3;
	[tilespmem:s26+$0x16730] =	vst v51  }
0x932: {  	v23 =	vld [tilespmem:s26+$0xE3D0];
	v61 =	vadd.f32 v14, v13;
	v57 =	vadd.f32 v52, v3;
	[tilespmem:s26+$0x16740] =	vst v54  }
0x933: {  	v30 =	vld [tilespmem:s26+$0x12780];
	v24 =	vadd.f32 v17, v16;
	v60 =	vadd.f32 v55, v3;
	[tilespmem:s26+$0x16720] =	vst v48  }
0x934: {  	v38 =	vld [tilespmem:s26+$0xE7C0];
	v32 =	vadd.f32 v19, v18;
	v31 =	vadd.f32 v61, v0;
	[tilespmem:s26+$0x16750] =	vst v57  }
0x935: {  	v5 =	vadd.f32 v21, v5;
	v22 =	vld [tilespmem:s26+$0x123D0];
	v34 =	vadd.f32 v24, v0;
	[tilespmem:s26+$0x16760] =	vst v60  }
0x936: {  	v33 =	vld [tilespmem:s26+$0xE7B0];
	v35 =	vadd.f32 v20, v11;
	v37 =	vadd.f32 v32, v0;
	[tilespmem:s26+$0x16380] =	vst v31  }
0x937: {  	v26 =	vld [tilespmem:s26+$0x127B0];
	v43 =	vadd.f32 v27, v25;
	v42 =	vadd.f32 v5, v0;
	[tilespmem:s26+$0x16390] =	vst v34  }
0x938: {  	v62 =	vld [tilespmem:s26+$0xE7A0];
	v46 =	vadd.f32 v29, v28;
	v39 =	vadd.f32 v35, v0;
	[tilespmem:s26+$0x163A0] =	vst v37  }
0x939: {  	v47 =	vld [tilespmem:s26+$0x127E0];
	v49 =	vadd.f32 v50, v30;
	[tilespmem:s26+$0x163C0] =	vst v42;
	v48 =	vadd.f32 v43, v0  }
0x93a: {  	v50 =	vld [tilespmem:s26+$0xE7E0];
	v52 =	vadd.f32 v56, v53;
	v51 =	vadd.f32 v46, v0;
	[tilespmem:s26+$0x163B0] =	vst v39  }
0x93b: {  	v53 =	vld [tilespmem:s26+$0x127F0];
	v58 =	vadd.f32 v38, v36;
	v54 =	vadd.f32 v49, v0;
	[tilespmem:s26+$0x163E0] =	vst v48  }
0x93c: {  	v56 =	vld [tilespmem:s26+$0xE7F0];
	v40 =	vadd.f32 v23, v22;
	v2 =	vadd.f32 v52, v0;
	[tilespmem:s26+$0x163F0] =	vst v51  }
0x93d: {  	v60 =	vadd.f32 v44, v41;
	v3 =	vadd.f32 v58, v0;
	[tilespmem:s26+$0x16780] =	vst v54  }
0x93e: {  	v57 =	vadd.f32 v33, v26;
	v45 =	vadd.f32 v40, v0;
	[tilespmem:s26+$0x16790] =	vst v2  }
0x93f: {  	v55 =	vadd.f32 v62, v59;
	v2 =	vadd.f32 v60, v0;
	[tilespmem:s26+$0x167C0] =	vst v3  }
0x940: {  	p0 =	slt.u32 s0, $0x18;
	v1 =	vadd.f32 v57, v0;
	v61 =	vadd.f32 v50, v47;
	[tilespmem:s26+$0x163D0] =	vst v45  }
.Ltmp6:
0x941: {  	v62 =	vadd.f32 v56, v53;
	v59 =	vadd.f32 v55, v0;
	[tilespmem:s26+$0x167D0] =	vst v2;
	(pc) =	sbr.rel @p0 .LBB2_14-.Ltmp6, $4  }
0x942: {  	[tilespmem:s26+$0x167B0] =	vst v1;
	v63 =	vadd.f32 v61, v0  }
0x943: {  	v0 =	vadd.f32 v62, v0;
	[tilespmem:s26+$0x167A0] =	vst v59  }
0x944: {  	s31 =	sadd.s32 $0x8, s0;
	[tilespmem:s26+$0x167E0] =	vst v63  }
0x945: {  	s0 =	smov.u32 s31;
	[tilespmem:s26+$0x167F0] =	vst v0  }
0x946: {  	s0 =	sld [smem:$0x7F7];
	_ =	sdelay $0x2  }
0x947: {  	[hbm4b:s0+s14] =	stream.linear.scatter [tilespmem:s28], [sflag:$0x4], $0x2000, $0x38;
	[tilespmem:$0x1A000] =	vst v63  }
0x948: {  	_ =	swait.ge [sflag:s29], $0x2000  }
0x949: {  	[sflag:s29] =	ssyncset.done $0x0  }
0x94a: {  	[sflag:s29] =	ssyncadd.s32 $0xFFFFE000  }
0x94b: {  	_ =	swait.ge [sflag:s30], $0x2000  }
0x94c: {  	s1 =	sld [smem:$0x7EC]  }
0x94d: {  	s31 =	sld [smem:$0x7F8];
	_ =	sdelay $0x1  }
0x94e: {  	s1 =	sadd.s32 $0x1, s1  }
0x94f: {  	p0 =	sne.s32 s1, s31  }
.Ltmp7:
0x950: {  	_ = 	snop;
	(pc) =	sbr.rel @p0 .LBB2_1-.Ltmp7, $3  }
0x951: {  	_ =	sdelay $0x1  }
0x952: {  	[sflag:s30] =	ssyncset.done $0x0  }
0x953: {  	[sflag:s30] =	ssyncadd.s32 $0xFFFFE000  }
0x954: {  	_ =	sfence.sel $0x180000  }
0x955: {  	[bflag:$0x0] =	sbarrier.arrive $0xFFFF  }
0x956: {  	_ =	strace $0x90000047  }
0x957: {  	s0 =	stileid.u32;
	[bflag:$0x2] =	sbarrier.arrive $0xFFFF  }
0x958: {  	p0 =	sne.s32 s0, $0x0;
	s0 =	rddreg [dreg:$0x3]  }
0x959: {  	s0 =	sadd.s32 @!p0 $0x100000, s0  }
0x95a: {  	[sflag:s0] =	ssyncadd.tile.s32 @!p0 $0x1;
	_ =	shalt  }
.Lfunc_end2:
_tile_overlayer_lowered:
.L_overlay_start_2:
0x95b: {  	(tag) =	ssettag $0x2  }
0x95c: {  	s0 =	rddreg [dreg:$0x0];
	s2 =	stileid.u32  }
0x95d: {  	s1 =	rddreg [dreg:$0x1];
	p0 =	sne.s32 s2, $0x0  }
0x95e: {  	s3 =	rddreg [dreg:$0x2];
	[bflag:$0x3] =	sbarrier.arrive $0xFFFF;
	s2 =	simm.s32 @!p0 $0x1C05  }
0x95f: {  	[timem:s3], [sflag:s2] =	dma.local @!p0 [hbm:s0], s1  }
0x960: {  	s0 =	simm.s32 @!p0 $0x5  }
0x961: {  	_ =	swait.ge @!p0 [sflag:s0], s1  }
0x962: {  	s1 =	ssub.s32 @!p0 $0x0, s1;
	[sflag:s0] =	ssyncset.done @!p0 $0x0  }
0x963: {  	[sflag:s0] =	ssyncadd.s32 @!p0 s1  }
0x964: {  	[bflag:$0x3] =	sbarrier.arrive $0xFFFF  }
0x965: {  	_ =	shalt  }

</sc_bundles>
